<compile_context>
chip_gen: v7x
topology: tpu7x:2x2x1
jax: 0.10.2.dev20260603
libtpu: 0.0.44.dev20260713+nightly
codegen_flags: <defaults>
</compile_context>

<pallas_src>
import functools

import jax
import jax.numpy as jnp
from jax import lax
from jax.experimental import pallas as pl
from jax.experimental.pallas import tpu as pltpu
from jax.experimental.pallas import tpu_sc as plsc

N = 10000
E = 320000
D_IN = 128
HID = 96

NC = 2
NS = 16
NW = NC * NS
EW = E // NW
CHUNK = 80
NCHUNK = EW // CHUNK
NTRIPLE = NCHUNK // 3
ACC_N = 10240
ROWS_PER_TILE = ACC_N // NS

HROW = HID
AUXW = 16


def _dense_body(x_ref, w_ref, as_ref, ad_ref, h_ref, asd_ref):
    h = jnp.dot(x_ref[...], w_ref[...],
                preferred_element_type=jnp.float32,
                precision=lax.Precision.HIGHEST)
    h_ref[...] = h
    att2 = jnp.concatenate([as_ref[...], ad_ref[...]], axis=1)
    asd_ref[...] = jnp.dot(h, att2,
                           preferred_element_type=jnp.float32,
                           precision=lax.Precision.HIGHEST)


def _dense(x, W_gat, att_src, att_dst):
    bn = 2000
    return pl.pallas_call(
        _dense_body,
        grid=(N // bn,),
        in_specs=[
            pl.BlockSpec((bn, D_IN), lambda i: (i, 0)),
            pl.BlockSpec((D_IN, HID), lambda i: (0, 0)),
            pl.BlockSpec((HID, 1), lambda i: (0, 0)),
            pl.BlockSpec((HID, 1), lambda i: (0, 0)),
        ],
        out_specs=[
            pl.BlockSpec((bn, HID), lambda i: (i, 0)),
            pl.BlockSpec((bn, 2), lambda i: (i, 0)),
        ],
        out_shape=[
            jax.ShapeDtypeStruct((N, HID), jnp.float32),
            jax.ShapeDtypeStruct((N, 2), jnp.float32),
        ],
    )(x, W_gat, att_src.reshape(HID, 1), att_dst.reshape(HID, 1))


def _edge_body(src_hbm, dst_hbm, as_hbm, ad_hbm, h_hbm,
               s_out, aux_out,
               as_v, ad_v, src_all,
               dst_b0, dst_b1, dst_b2, sdst_v0, sdst_v1, sdst_v2,
               rows_v0, rows_v1, rows_v2, aux_v0, aux_v1, aux_v2,
               w_v0, w_v1, w_v2,
               s_acc, aux_acc, semg0, semg1, semg2, semd0, semd1, semd2,
               sems0r, sems0a, sems1r, sems1a, sems2r, sems2a):
    c = lax.axis_index("c")
    s = lax.axis_index("s")
    wid = s * NC + c

    lane = lax.iota(jnp.int32, 16)
    zero16 = jnp.zeros((16,), jnp.float32)
    unit0 = (lane == 0).astype(jnp.float32)
    unit1 = (lane == 1).astype(jnp.float32)
    col0 = jnp.zeros((16,), jnp.int32)

    def zrow(i, _):
        for j in range(HROW // 16):
            rows_v0[i, pl.ds(j * 16, 16)] = zero16
        aux_v0[i, :] = zero16
        return 0
    lax.fori_loop(0, CHUNK, zrow, 0)
    base_row = s * ROWS_PER_TILE
    for t in range(ROWS_PER_TILE // CHUNK):
        pltpu.sync_copy(rows_v0, s_acc.at[pl.ds(base_row + t * CHUNK, CHUNK)])
        pltpu.sync_copy(aux_v0, aux_acc.at[pl.ds(base_row + t * CHUNK, CHUNK)])

    ebase = wid * EW
    pltpu.sync_copy(as_hbm, as_v)
    pltpu.sync_copy(ad_hbm, ad_v)
    pltpu.sync_copy(src_hbm.at[pl.ds(ebase, EW)], src_all)
    plsc.subcore_barrier()

    bufs0 = (dst_b0, sdst_v0, rows_v0, aux_v0, w_v0, semg0, semd0,
             sems0r, sems0a)
    bufs1 = (dst_b1, sdst_v1, rows_v1, aux_v1, w_v1, semg1, semd1,
             sems1r, sems1a)
    bufs2 = (dst_b2, sdst_v2, rows_v2, aux_v2, w_v2, semg2, semd2,
             sems2r, sems2a)

    def issue_fetch(ci, bufs):
        dst_b, _, rows_v, _, _, semg, semd, _, _ = bufs
        pltpu.async_copy(h_hbm.at[src_all.at[pl.ds(ci * CHUNK, CHUNK)]],
                         rows_v, semg)
        pltpu.async_copy(dst_hbm.at[pl.ds(ebase + ci * CHUNK, CHUNK)],
                         dst_b, semd)

    def wait_fetch(ci, bufs):
        dst_b, _, rows_v, _, _, semg, semd, _, _ = bufs
        pltpu.make_async_copy(h_hbm.at[src_all.at[pl.ds(ci * CHUNK, CHUNK)]],
                              rows_v, semg).wait()
        pltpu.make_async_copy(dst_hbm.at[pl.ds(ebase + ci * CHUNK, CHUNK)],
                              dst_b, semd).wait()

    def compute_chunk(ci, bufs):
        dst_b, sdst_v, rows_v, aux_v, w_v, _, _, _, _ = bufs
        ebase_c = ci * CHUNK
        for g in range(CHUNK // 16):
            s16 = src_all[pl.ds(ebase_c + g * 16, 16)]
            d16 = dst_b[pl.ds(g * 16, 16)]
            av = plsc.load_gather(as_v, [s16])
            dv = plsc.load_gather(ad_v, [d16])
            e = av + dv
            e = jnp.where(e >= 0.0, e, e * 0.2)
            w_v[pl.ds(g * 16, 16)] = jnp.exp(e)
            sdst_v[pl.ds(g * 16, 16)] = d16

        def edge_body(k, _):
            ks = [4 * k, 4 * k + 1, 4 * k + 2, 4 * k + 3]
            wks = [plsc.load_gather(w_v, [col0 + kk]) for kk in ks]
            for j in range(HROW // 16):
                for kk, wkk in zip(ks, wks):
                    rows_v[kk, pl.ds(j * 16, 16)] = (
                        rows_v[kk, pl.ds(j * 16, 16)] * wkk)
            for kk, wkk in zip(ks, wks):
                aux_v[kk, :] = wkk * unit0 + unit1
            return 0
        lax.fori_loop(0, CHUNK // 4, edge_body, 0)

    def issue_scatter(bufs):
        _, sdst_v, rows_v, aux_v, _, _, _, semr, sema = bufs
        d1 = pltpu.async_copy(rows_v, s_acc.at[sdst_v], semr, add=True)
        d2 = pltpu.async_copy(aux_v, aux_acc.at[sdst_v], sema, add=True)
        return d1, d2

    issue_fetch(0, bufs0)
    issue_fetch(1, bufs1)
    issue_fetch(2, bufs2)

    def triple_body(u, _):
        ca = 3 * u
        cb = ca + 1
        cc = ca + 2
        wait_fetch(ca, bufs0)
        compute_chunk(ca, bufs0)
        sa = issue_scatter(bufs0)
        wait_fetch(cb, bufs1)
        compute_chunk(cb, bufs1)
        sb = issue_scatter(bufs1)
        sa[0].wait()
        sa[1].wait()

        @pl.when(ca + 3 < NCHUNK)
        def _():
            issue_fetch(ca + 3, bufs0)
        wait_fetch(cc, bufs2)
        compute_chunk(cc, bufs2)
        sc_ = issue_scatter(bufs2)
        sb[0].wait()
        sb[1].wait()

        @pl.when(cb + 3 < NCHUNK)
        def _():
            issue_fetch(cb + 3, bufs1)
        sc_[0].wait()
        sc_[1].wait()

        @pl.when(cc + 3 < NCHUNK)
        def _():
            issue_fetch(cc + 3, bufs2)
        return 0

    lax.fori_loop(0, NTRIPLE, triple_body, 0)

    for ci, bufs in ((NTRIPLE * 3, bufs0), (NTRIPLE * 3 + 1, bufs1)):
        wait_fetch(ci, bufs)
        compute_chunk(ci, bufs)
        st = issue_scatter(bufs)
        st[0].wait()
        st[1].wait()

    plsc.subcore_barrier()
    pltpu.sync_copy(s_acc.at[pl.ds(base_row, ROWS_PER_TILE)],
                    s_out.at[c, pl.ds(base_row, ROWS_PER_TILE)])
    pltpu.sync_copy(aux_acc.at[pl.ds(base_row, ROWS_PER_TILE)],
                    aux_out.at[c, pl.ds(base_row, ROWS_PER_TILE)])


_edge_kernel = functools.partial(
    pl.kernel,
    out_type=[
        jax.ShapeDtypeStruct((NC, ACC_N, HROW), jnp.float32),
        jax.ShapeDtypeStruct((NC, ACC_N, AUXW), jnp.float32),
    ],
    mesh=plsc.VectorSubcoreMesh(core_axis_name="c", subcore_axis_name="s"),
    compiler_params=pltpu.CompilerParams(use_tc_tiling_on_sc=False,
                                         needs_layout_passes=False),
    scratch_types=[
        pltpu.VMEM((N,), jnp.float32),
        pltpu.VMEM((N,), jnp.float32),
        pltpu.VMEM((EW,), jnp.int32),
        pltpu.VMEM((CHUNK,), jnp.int32),
        pltpu.VMEM((CHUNK,), jnp.int32),
        pltpu.VMEM((CHUNK,), jnp.int32),
        pltpu.VMEM((CHUNK,), jnp.int32),
        pltpu.VMEM((CHUNK,), jnp.int32),
        pltpu.VMEM((CHUNK,), jnp.int32),
        pltpu.VMEM((CHUNK, HROW), jnp.float32),
        pltpu.VMEM((CHUNK, HROW), jnp.float32),
        pltpu.VMEM((CHUNK, HROW), jnp.float32),
        pltpu.VMEM((CHUNK, AUXW), jnp.float32),
        pltpu.VMEM((CHUNK, AUXW), jnp.float32),
        pltpu.VMEM((CHUNK, AUXW), jnp.float32),
        pltpu.VMEM((CHUNK,), jnp.float32),
        pltpu.VMEM((CHUNK,), jnp.float32),
        pltpu.VMEM((CHUNK,), jnp.float32),
        pltpu.VMEM_SHARED((ACC_N, HROW), jnp.float32),
        pltpu.VMEM_SHARED((ACC_N, AUXW), jnp.float32),
        pltpu.SemaphoreType.DMA,
        pltpu.SemaphoreType.DMA,
        pltpu.SemaphoreType.DMA,
        pltpu.SemaphoreType.DMA,
        pltpu.SemaphoreType.DMA,
        pltpu.SemaphoreType.DMA,
        pltpu.SemaphoreType.DMA,
        pltpu.SemaphoreType.DMA,
        pltpu.SemaphoreType.DMA,
        pltpu.SemaphoreType.DMA,
        pltpu.SemaphoreType.DMA,
        pltpu.SemaphoreType.DMA,
    ],
)(_edge_body)


def _norm_body(s_ref, aux_ref, b_ref, o_ref):
    sm = s_ref[0] + s_ref[1]
    aux = aux_ref[0] + aux_ref[1]
    denom = aux[:, 0:1]
    cnt = aux[:, 1:2]
    o_ref[...] = sm / (denom + 1e-16) / jnp.maximum(cnt, 1.0) + b_ref[...]


def _normalize(s_parts, aux_parts, b_gat):
    bn = 2000
    return pl.pallas_call(
        _norm_body,
        grid=(N // bn,),
        in_specs=[
            pl.BlockSpec((NC, bn, HROW), lambda i: (0, i, 0)),
            pl.BlockSpec((NC, bn, AUXW), lambda i: (0, i, 0)),
            pl.BlockSpec((1, HID), lambda i: (0, 0)),
        ],
        out_specs=pl.BlockSpec((bn, HID), lambda i: (i, 0)),
        out_shape=jax.ShapeDtypeStruct((N, HID), jnp.float32),
    )(s_parts, aux_parts, b_gat.reshape(1, HID))


@jax.jit
def kernel(x, edge_index, W_gat, att_src, att_dst, b_gat, W_skip, b_skip):
    h, asd = _dense(x, W_gat, att_src, att_dst)
    src = edge_index[0]
    dst = edge_index[1]
    s_parts, aux_parts = _edge_kernel(src, dst, asd[:, 0], asd[:, 1], h)
    out = _normalize(s_parts, aux_parts, b_gat)
    return out.reshape(3, N, HID // 3).sum(0)

# --- scband reference (transcript-rebuilt; emitter-appended) ---
"""Pipeline reference for scband-gat-23931557773762 (READ-ONLY COPY).

The authoritative reference and input builder live on the scoring server;
editing this copy changes nothing except your own understanding.
"""

import jax, jax.numpy as jnp
import numpy as np

N = 10000
E = 320000
D_IN = 128
HID = 96

def setup_inputs(seed: int = 0) -> dict:
    key = jax.random.key(seed)
    ks = jax.random.split(key, 8)
    x = jax.random.normal(ks[0], (N, D_IN), dtype=jnp.float32)
    edge_index = jax.random.randint(ks[1], (2, E), 0, N, dtype=jnp.int32)
    # GATConv (heads=1) parameters
    W_gat = jax.random.normal(ks[2], (D_IN, HID), dtype=jnp.float32) * 0.05
    att_src = jax.random.normal(ks[3], (HID,), dtype=jnp.float32) * 0.05
    att_dst = jax.random.normal(ks[4], (HID,), dtype=jnp.float32) * 0.05
    b_gat = jnp.zeros((HID,), dtype=jnp.float32)
    # lin_skip parameters (computed in forward but discarded since skip=None)
    W_skip = jax.random.normal(ks[5], (D_IN, HID), dtype=jnp.float32) * 0.05
    b_skip = jnp.zeros((HID,), dtype=jnp.float32)
    return {"x": x, "edge_index": edge_index, "W_gat": W_gat, "att_src": att_src,
            "att_dst": att_dst, "b_gat": b_gat, "W_skip": W_skip, "b_skip": b_skip}

def reference(x, edge_index, W_gat, att_src, att_dst, b_gat, W_skip, b_skip):
    # mask = (x == 1.0).sum(0) != 1  -> with randn inputs this keeps all columns
    mask = (x == 1.0).sum(0) != 1
    # xs = lin_skip(x[:, mask]).relu()  (stored in xi, discarded since skip=None)
    xs = jax.nn.relu((x * mask[None, :].astype(x.dtype)) @ W_skip + b_skip)
    del xs
    # GATConv, heads=1, aggr='mean'
    h = x @ W_gat  # [N, HID]
    a_s = h @ att_src  # [N]
    a_d = h @ att_dst  # [N]
    src = edge_index[0]
    dst = edge_index[1]
    e = jax.nn.leaky_relu(a_s[src] + a_d[dst], negative_slope=0.2)  # [E]
    # softmax over incoming edges per destination node
    m = jax.ops.segment_max(e, dst, num_segments=N)
    m = jnp.where(jnp.isfinite(m), m, 0.0)
    ee = jnp.exp(e - m[dst])
    denom = jax.ops.segment_sum(ee, dst, num_segments=N)
    alpha = ee / (denom[dst] + 1e-16)
    msg = alpha[:, None] * h[src]  # [E, HID]
    s = jax.ops.segment_sum(msg, dst, num_segments=N)
    cnt = jax.ops.segment_sum(jnp.ones_like(e), dst, num_segments=N)
    out = s / jnp.maximum(cnt, 1.0)[:, None] + b_gat  # [N, HID]
    # .view(3, N, -1).sum(0)  (row-major reshape, same as torch view)
    out = out.reshape(3, N, HID // 3).sum(0)  # [N, 32]
    # skip=None -> no combine; dec='lstm' branch is a no-op (pass)
    return out

if __name__ == "__main__":
    import jax
    _d = setup_inputs()
    print(jax.jit(kernel)(*tuple(_d.values())))

</pallas_src>

<mosaic_0001>
#map = affine_map<(d0, d1) -> (0)>
#map1 = affine_map<(d0, d1) -> (0, 0)>
#map2 = affine_map<(d0, d1) -> (0, 0, 0)>
module attributes {stable_mosaic.version = 14 : i64} {
  func.func @_edge_body(%arg0: i32, %arg1: i32, %arg2: memref<320000xi32, #tpu.memory_space<hbm>>, %arg3: memref<320000xi32, #tpu.memory_space<hbm>>, %arg4: memref<10000xf32, #tpu.memory_space<hbm>>, %arg5: memref<10000xf32, #tpu.memory_space<hbm>>, %arg6: memref<10000x96xf32, #tpu.memory_space<hbm>>, %arg7: memref<2x10240x96xf32, #tpu.memory_space<hbm>>, %arg8: memref<2x10240x16xf32, #tpu.memory_space<hbm>>, %arg9: memref<10000xf32, #tpu.memory_space<vmem>>, %arg10: memref<10000xf32, #tpu.memory_space<vmem>>, %arg11: memref<10000xi32, #tpu.memory_space<vmem>>, %arg12: memref<80xi32, #tpu.memory_space<vmem>>, %arg13: memref<80xi32, #tpu.memory_space<vmem>>, %arg14: memref<80xi32, #tpu.memory_space<vmem>>, %arg15: memref<80xi32, #tpu.memory_space<vmem>>, %arg16: memref<80xi32, #tpu.memory_space<vmem>>, %arg17: memref<80xi32, #tpu.memory_space<vmem>>, %arg18: memref<80x96xf32, #tpu.memory_space<vmem>>, %arg19: memref<80x96xf32, #tpu.memory_space<vmem>>, %arg20: memref<80x96xf32, #tpu.memory_space<vmem>>, %arg21: memref<80x16xf32, #tpu.memory_space<vmem>>, %arg22: memref<80x16xf32, #tpu.memory_space<vmem>>, %arg23: memref<80x16xf32, #tpu.memory_space<vmem>>, %arg24: memref<80xf32, #tpu.memory_space<vmem>>, %arg25: memref<80xf32, #tpu.memory_space<vmem>>, %arg26: memref<80xf32, #tpu.memory_space<vmem>>, %arg27: memref<10240x96xf32, #tpu.memory_space<vmem_shared>>, %arg28: memref<10240x16xf32, #tpu.memory_space<vmem_shared>>, %arg29: memref<!tpu.dma_semaphore, #tpu.memory_space<semaphore_mem>>, %arg30: memref<!tpu.dma_semaphore, #tpu.memory_space<semaphore_mem>>, %arg31: memref<!tpu.dma_semaphore, #tpu.memory_space<semaphore_mem>>, %arg32: memref<!tpu.dma_semaphore, #tpu.memory_space<semaphore_mem>>, %arg33: memref<!tpu.dma_semaphore, #tpu.memory_space<semaphore_mem>>, %arg34: memref<!tpu.dma_semaphore, #tpu.memory_space<semaphore_mem>>, %arg35: memref<!tpu.dma_semaphore, #tpu.memory_space<semaphore_mem>>, %arg36: memref<!tpu.dma_semaphore, #tpu.memory_space<semaphore_mem>>, %arg37: memref<!tpu.dma_semaphore, #tpu.memory_space<semaphore_mem>>, %arg38: memref<!tpu.dma_semaphore, #tpu.memory_space<semaphore_mem>>, %arg39: memref<!tpu.dma_semaphore, #tpu.memory_space<semaphore_mem>>, %arg40: memref<!tpu.dma_semaphore, #tpu.memory_space<semaphore_mem>>) attributes {dimension_semantics = [#tpu.dimension_semantics<core_parallel>, #tpu.dimension_semantics<subcore_parallel>], iteration_bounds = array<i64: 2, 16>, scalar_prefetch = 0 : i64, scratch_operands = 32 : i64, tpu.core_type = #tpu.core_type<sc_vector_subcore>, window_params = [{transform_indices = #map}, {transform_indices = #map}, {transform_indices = #map}, {transform_indices = #map}, {transform_indices = #map1}, {transform_indices = #map2}, {transform_indices = #map2}]} {
    %mul3A = arith.constant 2 : i32
    %mul3A_0 = arith.muli %arg1, %mul3A : i32
    %add3A = arith.addi %mul3A_0, %arg0 : i32
    %iota3A = tpu.iota {dimensions = array<i32: 0>} : vector<16xi32>
    %broadcast_in_dim3A = arith.constant 0.000000e+00 : f32
    %broadcast_in_dim3A_1 = vector.broadcast %broadcast_in_dim3A : f32 to vector<16xf32>
    %eq3A = arith.constant 0 : i32
    %eq3A_2 = vector.broadcast %eq3A : i32 to vector<16xi32>
    %eq3A_3 = arith.cmpi eq, %iota3A, %eq3A_2 : vector<16xi32>
    %convert_element_type3A = arith.extui %eq3A_3 : vector<16xi1> to vector<16xi32>
    %convert_element_type3A_4 = arith.sitofp %convert_element_type3A : vector<16xi32> to vector<16xf32>
    %eq3A_5 = arith.constant 1 : i32
    %eq3A_6 = vector.broadcast %eq3A_5 : i32 to vector<16xi32>
    %eq3A_7 = arith.cmpi eq, %iota3A, %eq3A_6 : vector<16xi32>
    %convert_element_type3A_8 = arith.extui %eq3A_7 : vector<16xi1> to vector<16xi32>
    %convert_element_type3A_9 = arith.sitofp %convert_element_type3A_8 : vector<16xi32> to vector<16xf32>
    %broadcast_in_dim3A_10 = arith.constant 0 : i32
    %broadcast_in_dim3A_11 = vector.broadcast %broadcast_in_dim3A_10 : i32 to vector<16xi32>
    %scan3A = arith.constant 0 : i32
    %scan3A_12 = arith.constant 0 : i32
    %scan3A_13 = arith.constant 80 : i32
    %scan3A_14 = arith.addi %scan3A_12, %scan3A_13 : i32
    %scan3A_15 = arith.constant 1 : i32
    %scan3A_16 = scf.for %scan3A_327 = %scan3A_12 to %scan3A_14 step %scan3A_15 iter_args(%scan3A_328 = %scan3A) -> (i32)  : i32 {
      %swap3A_329 = arith.index_cast %scan3A_327 : i32 to index
      %swap3A_330 = arith.constant 0 : index
      %swap3A_331 = tpu.vector_load %arg18[%swap3A_329, %swap3A_330] {strides = array<i32>} : memref<80x96xf32, #tpu.memory_space<vmem>>, vector<16xf32>,
      tpu.vector_store %arg18[%swap3A_329, %swap3A_330], %broadcast_in_dim3A_1 {strides = array<i32>} : memref<80x96xf32, #tpu.memory_space<vmem>>, vector<16xf32>,
      %swap3A_332 = arith.index_cast %scan3A_327 : i32 to index
      %swap3A_333 = arith.constant 16 : index
      %swap3A_334 = tpu.vector_load %arg18[%swap3A_332, %swap3A_333] {strides = array<i32>} : memref<80x96xf32, #tpu.memory_space<vmem>>, vector<16xf32>,
      tpu.vector_store %arg18[%swap3A_332, %swap3A_333], %broadcast_in_dim3A_1 {strides = array<i32>} : memref<80x96xf32, #tpu.memory_space<vmem>>, vector<16xf32>,
      %swap3A_335 = arith.index_cast %scan3A_327 : i32 to index
      %swap3A_336 = arith.constant 32 : index
      %swap3A_337 = tpu.vector_load %arg18[%swap3A_335, %swap3A_336] {strides = array<i32>} : memref<80x96xf32, #tpu.memory_space<vmem>>, vector<16xf32>,
      tpu.vector_store %arg18[%swap3A_335, %swap3A_336], %broadcast_in_dim3A_1 {strides = array<i32>} : memref<80x96xf32, #tpu.memory_space<vmem>>, vector<16xf32>,
      %swap3A_338 = arith.index_cast %scan3A_327 : i32 to index
      %swap3A_339 = arith.constant 48 : index
      %swap3A_340 = tpu.vector_load %arg18[%swap3A_338, %swap3A_339] {strides = array<i32>} : memref<80x96xf32, #tpu.memory_space<vmem>>, vector<16xf32>,
      tpu.vector_store %arg18[%swap3A_338, %swap3A_339], %broadcast_in_dim3A_1 {strides = array<i32>} : memref<80x96xf32, #tpu.memory_space<vmem>>, vector<16xf32>,
      %swap3A_341 = arith.index_cast %scan3A_327 : i32 to index
      %swap3A_342 = arith.constant 64 : index
      %swap3A_343 = tpu.vector_load %arg18[%swap3A_341, %swap3A_342] {strides = array<i32>} : memref<80x96xf32, #tpu.memory_space<vmem>>, vector<16xf32>,
      tpu.vector_store %arg18[%swap3A_341, %swap3A_342], %broadcast_in_dim3A_1 {strides = array<i32>} : memref<80x96xf32, #tpu.memory_space<vmem>>, vector<16xf32>,
      %swap3A_344 = arith.index_cast %scan3A_327 : i32 to index
      %swap3A_345 = arith.constant 80 : index
      %swap3A_346 = tpu.vector_load %arg18[%swap3A_344, %swap3A_345] {strides = array<i32>} : memref<80x96xf32, #tpu.memory_space<vmem>>, vector<16xf32>,
      tpu.vector_store %arg18[%swap3A_344, %swap3A_345], %broadcast_in_dim3A_1 {strides = array<i32>} : memref<80x96xf32, #tpu.memory_space<vmem>>, vector<16xf32>,
      %swap3A_347 = arith.index_cast %scan3A_327 : i32 to index
      %swap3A_348 = arith.constant 0 : index
      %swap3A_349 = tpu.vector_load %arg21[%swap3A_347, %swap3A_348] {strides = array<i32>} : memref<80x16xf32, #tpu.memory_space<vmem>>, vector<16xf32>,
      tpu.vector_store %arg21[%swap3A_347, %swap3A_348], %broadcast_in_dim3A_1 {strides = array<i32>} : memref<80x16xf32, #tpu.memory_space<vmem>>, vector<16xf32>,
      %scan3A_350 = arith.constant 0 : i32
      scf.yield %scan3A_350 : i32
    }
    %scan3A_17 = arith.constant 80 : i32
    %mul3A_18 = arith.constant 640 : i32
    %mul3A_19 = arith.muli %arg1, %mul3A_18 : i32
    %add3A_20 = arith.constant 0 : i32
    %add3A_21 = arith.addi %mul3A_19, %add3A_20 : i32
    "tpu.region"() ({
      %run_scoped3A = tpu.sem_alloc : memref<!tpu.dma_semaphore, #tpu.memory_space<semaphore_mem>>
      %dma_start3A_327 = arith.constant 0 : i32
      %dma_start3A_328 = tpu.memref_slice %arg27[%add3A_21, %dma_start3A_327] : memref<10240x96xf32, #tpu.memory_space<vmem_shared>> -> memref<80x96xf32, #tpu.memory_space<vmem_shared>>
      %dma_start3A_329 = arith.constant 0 : i32
      %dma_start3A_330 = tpu.memref_slice %arg27[%add3A_21, %dma_start3A_329] : memref<10240x96xf32, #tpu.memory_space<vmem_shared>> -> memref<80x96xf32, #tpu.memory_space<vmem_shared>>
      tpu.enqueue_dma source(%arg18 : memref<80x96xf32, #tpu.memory_space<vmem>>) target(%dma_start3A_330 : memref<80x96xf32, #tpu.memory_space<vmem_shared>>) target_semaphore(%run_scoped3A : memref<!tpu.dma_semaphore, #tpu.memory_space<semaphore_mem>>)
      %dma_wait3A_331 = arith.constant 0 : i32
      %dma_wait3A_332 = tpu.memref_slice %arg27[%add3A_21, %dma_wait3A_331] : memref<10240x96xf32, #tpu.memory_space<vmem_shared>> -> memref<80x96xf32, #tpu.memory_space<vmem_shared>>
      %dma_wait3A_333 = arith.constant 0 : i32
      %dma_wait3A_334 = tpu.memref_slice %arg27[%add3A_21, %dma_wait3A_333] : memref<10240x96xf32, #tpu.memory_space<vmem_shared>> -> memref<80x96xf32, #tpu.memory_space<vmem_shared>>
      tpu.wait_dma2 semaphore(%run_scoped3A : memref<!tpu.dma_semaphore, #tpu.memory_space<semaphore_mem>>) src(%arg18 : memref<80x96xf32, #tpu.memory_space<vmem>>) dst(%dma_wait3A_334 : memref<80x96xf32, #tpu.memory_space<vmem_shared>>)
      tpu.yield
    }) : () -> ()
    %add3A_22 = arith.constant 0 : i32
    %add3A_23 = arith.addi %mul3A_19, %add3A_22 : i32
    "tpu.region"() ({
      %run_scoped3A = tpu.sem_alloc : memref<!tpu.dma_semaphore, #tpu.memory_space<semaphore_mem>>
      %dma_start3A_327 = arith.constant 0 : i32
      %dma_start3A_328 = tpu.memref_slice %arg28[%add3A_23, %dma_start3A_327] : memref<10240x16xf32, #tpu.memory_space<vmem_shared>> -> memref<80x16xf32, #tpu.memory_space<vmem_shared>>
      %dma_start3A_329 = arith.constant 0 : i32
      %dma_start3A_330 = tpu.memref_slice %arg28[%add3A_23, %dma_start3A_329] : memref<10240x16xf32, #tpu.memory_space<vmem_shared>> -> memref<80x16xf32, #tpu.memory_space<vmem_shared>>
      tpu.enqueue_dma source(%arg21 : memref<80x16xf32, #tpu.memory_space<vmem>>) target(%dma_start3A_330 : memref<80x16xf32, #tpu.memory_space<vmem_shared>>) target_semaphore(%run_scoped3A : memref<!tpu.dma_semaphore, #tpu.memory_space<semaphore_mem>>)
      %dma_wait3A_331 = arith.constant 0 : i32
      %dma_wait3A_332 = tpu.memref_slice %arg28[%add3A_23, %dma_wait3A_331] : memref<10240x16xf32, #tpu.memory_space<vmem_shared>> -> memref<80x16xf32, #tpu.memory_space<vmem_shared>>
      %dma_wait3A_333 = arith.constant 0 : i32
      %dma_wait3A_334 = tpu.memref_slice %arg28[%add3A_23, %dma_wait3A_333] : memref<10240x16xf32, #tpu.memory_space<vmem_shared>> -> memref<80x16xf32, #tpu.memory_space<vmem_shared>>
      tpu.wait_dma2 semaphore(%run_scoped3A : memref<!tpu.dma_semaphore, #tpu.memory_space<semaphore_mem>>) src(%arg21 : memref<80x16xf32, #tpu.memory_space<vmem>>) dst(%dma_wait3A_334 : memref<80x16xf32, #tpu.memory_space<vmem_shared>>)
      tpu.yield
    }) : () -> ()
    %add3A_24 = arith.constant 80 : i32
    %add3A_25 = arith.addi %mul3A_19, %add3A_24 : i32
    "tpu.region"() ({
      %run_scoped3A = tpu.sem_alloc : memref<!tpu.dma_semaphore, #tpu.memory_space<semaphore_mem>>
      %dma_start3A_327 = arith.constant 0 : i32
      %dma_start3A_328 = tpu.memref_slice %arg27[%add3A_25, %dma_start3A_327] : memref<10240x96xf32, #tpu.memory_space<vmem_shared>> -> memref<80x96xf32, #tpu.memory_space<vmem_shared>>
      %dma_start3A_329 = arith.constant 0 : i32
      %dma_start3A_330 = tpu.memref_slice %arg27[%add3A_25, %dma_start3A_329] : memref<10240x96xf32, #tpu.memory_space<vmem_shared>> -> memref<80x96xf32, #tpu.memory_space<vmem_shared>>
      tpu.enqueue_dma source(%arg18 : memref<80x96xf32, #tpu.memory_space<vmem>>) target(%dma_start3A_330 : memref<80x96xf32, #tpu.memory_space<vmem_shared>>) target_semaphore(%run_scoped3A : memref<!tpu.dma_semaphore, #tpu.memory_space<semaphore_mem>>)
      %dma_wait3A_331 = arith.constant 0 : i32
      %dma_wait3A_332 = tpu.memref_slice %arg27[%add3A_25, %dma_wait3A_331] : memref<10240x96xf32, #tpu.memory_space<vmem_shared>> -> memref<80x96xf32, #tpu.memory_space<vmem_shared>>
      %dma_wait3A_333 = arith.constant 0 : i32
      %dma_wait3A_334 = tpu.memref_slice %arg27[%add3A_25, %dma_wait3A_333] : memref<10240x96xf32, #tpu.memory_space<vmem_shared>> -> memref<80x96xf32, #tpu.memory_space<vmem_shared>>
      tpu.wait_dma2 semaphore(%run_scoped3A : memref<!tpu.dma_semaphore, #tpu.memory_space<semaphore_mem>>) src(%arg18 : memref<80x96xf32, #tpu.memory_space<vmem>>) dst(%dma_wait3A_334 : memref<80x96xf32, #tpu.memory_space<vmem_shared>>)
      tpu.yield
    }) : () -> ()
    %add3A_26 = arith.constant 80 : i32
    %add3A_27 = arith.addi %mul3A_19, %add3A_26 : i32
    "tpu.region"() ({
      %run_scoped3A = tpu.sem_alloc : memref<!tpu.dma_semaphore, #tpu.memory_space<semaphore_mem>>
      %dma_start3A_327 = arith.constant 0 : i32
      %dma_start3A_328 = tpu.memref_slice %arg28[%add3A_27, %dma_start3A_327] : memref<10240x16xf32, #tpu.memory_space<vmem_shared>> -> memref<80x16xf32, #tpu.memory_space<vmem_shared>>
      %dma_start3A_329 = arith.constant 0 : i32
      %dma_start3A_330 = tpu.memref_slice %arg28[%add3A_27, %dma_start3A_329] : memref<10240x16xf32, #tpu.memory_space<vmem_shared>> -> memref<80x16xf32, #tpu.memory_space<vmem_shared>>
      tpu.enqueue_dma source(%arg21 : memref<80x16xf32, #tpu.memory_space<vmem>>) target(%dma_start3A_330 : memref<80x16xf32, #tpu.memory_space<vmem_shared>>) target_semaphore(%run_scoped3A : memref<!tpu.dma_semaphore, #tpu.memory_space<semaphore_mem>>)
      %dma_wait3A_331 = arith.constant 0 : i32
      %dma_wait3A_332 = tpu.memref_slice %arg28[%add3A_27, %dma_wait3A_331] : memref<10240x16xf32, #tpu.memory_space<vmem_shared>> -> memref<80x16xf32, #tpu.memory_space<vmem_shared>>
      %dma_wait3A_333 = arith.constant 0 : i32
      %dma_wait3A_334 = tpu.memref_slice %arg28[%add3A_27, %dma_wait3A_333] : memref<10240x16xf32, #tpu.memory_space<vmem_shared>> -> memref<80x16xf32, #tpu.memory_space<vmem_shared>>
      tpu.wait_dma2 semaphore(%run_scoped3A : memref<!tpu.dma_semaphore, #tpu.memory_space<semaphore_mem>>) src(%arg21 : memref<80x16xf32, #tpu.memory_space<vmem>>) dst(%dma_wait3A_334 : memref<80x16xf32, #tpu.memory_space<vmem_shared>>)
      tpu.yield
    }) : () -> ()
    %add3A_28 = arith.constant 160 : i32
    %add3A_29 = arith.addi %mul3A_19, %add3A_28 : i32
    "tpu.region"() ({
      %run_scoped3A = tpu.sem_alloc : memref<!tpu.dma_semaphore, #tpu.memory_space<semaphore_mem>>
      %dma_start3A_327 = arith.constant 0 : i32
      %dma_start3A_328 = tpu.memref_slice %arg27[%add3A_29, %dma_start3A_327] : memref<10240x96xf32, #tpu.memory_space<vmem_shared>> -> memref<80x96xf32, #tpu.memory_space<vmem_shared>>
      %dma_start3A_329 = arith.constant 0 : i32
      %dma_start3A_330 = tpu.memref_slice %arg27[%add3A_29, %dma_start3A_329] : memref<10240x96xf32, #tpu.memory_space<vmem_shared>> -> memref<80x96xf32, #tpu.memory_space<vmem_shared>>
      tpu.enqueue_dma source(%arg18 : memref<80x96xf32, #tpu.memory_space<vmem>>) target(%dma_start3A_330 : memref<80x96xf32, #tpu.memory_space<vmem_shared>>) target_semaphore(%run_scoped3A : memref<!tpu.dma_semaphore, #tpu.memory_space<semaphore_mem>>)
      %dma_wait3A_331 = arith.constant 0 : i32
      %dma_wait3A_332 = tpu.memref_slice %arg27[%add3A_29, %dma_wait3A_331] : memref<10240x96xf32, #tpu.memory_space<vmem_shared>> -> memref<80x96xf32, #tpu.memory_space<vmem_shared>>
      %dma_wait3A_333 = arith.constant 0 : i32
      %dma_wait3A_334 = tpu.memref_slice %arg27[%add3A_29, %dma_wait3A_333] : memref<10240x96xf32, #tpu.memory_space<vmem_shared>> -> memref<80x96xf32, #tpu.memory_space<vmem_shared>>
      tpu.wait_dma2 semaphore(%run_scoped3A : memref<!tpu.dma_semaphore, #tpu.memory_space<semaphore_mem>>) src(%arg18 : memref<80x96xf32, #tpu.memory_space<vmem>>) dst(%dma_wait3A_334 : memref<80x96xf32, #tpu.memory_space<vmem_shared>>)
      tpu.yield
    }) : () -> ()
    %add3A_30 = arith.constant 160 : i32
    %add3A_31 = arith.addi %mul3A_19, %add3A_30 : i32
    "tpu.region"() ({
      %run_scoped3A = tpu.sem_alloc : memref<!tpu.dma_semaphore, #tpu.memory_space<semaphore_mem>>
      %dma_start3A_327 = arith.constant 0 : i32
      %dma_start3A_328 = tpu.memref_slice %arg28[%add3A_31, %dma_start3A_327] : memref<10240x16xf32, #tpu.memory_space<vmem_shared>> -> memref<80x16xf32, #tpu.memory_space<vmem_shared>>
      %dma_start3A_329 = arith.constant 0 : i32
      %dma_start3A_330 = tpu.memref_slice %arg28[%add3A_31, %dma_start3A_329] : memref<10240x16xf32, #tpu.memory_space<vmem_shared>> -> memref<80x16xf32, #tpu.memory_space<vmem_shared>>
      tpu.enqueue_dma source(%arg21 : memref<80x16xf32, #tpu.memory_space<vmem>>) target(%dma_start3A_330 : memref<80x16xf32, #tpu.memory_space<vmem_shared>>) target_semaphore(%run_scoped3A : memref<!tpu.dma_semaphore, #tpu.memory_space<semaphore_mem>>)
      %dma_wait3A_331 = arith.constant 0 : i32
      %dma_wait3A_332 = tpu.memref_slice %arg28[%add3A_31, %dma_wait3A_331] : memref<10240x16xf32, #tpu.memory_space<vmem_shared>> -> memref<80x16xf32, #tpu.memory_space<vmem_shared>>
      %dma_wait3A_333 = arith.constant 0 : i32
      %dma_wait3A_334 = tpu.memref_slice %arg28[%add3A_31, %dma_wait3A_333] : memref<10240x16xf32, #tpu.memory_space<vmem_shared>> -> memref<80x16xf32, #tpu.memory_space<vmem_shared>>
      tpu.wait_dma2 semaphore(%run_scoped3A : memref<!tpu.dma_semaphore, #tpu.memory_space<semaphore_mem>>) src(%arg21 : memref<80x16xf32, #tpu.memory_space<vmem>>) dst(%dma_wait3A_334 : memref<80x16xf32, #tpu.memory_space<vmem_shared>>)
      tpu.yield
    }) : () -> ()
    %add3A_32 = arith.constant 240 : i32
    %add3A_33 = arith.addi %mul3A_19, %add3A_32 : i32
    "tpu.region"() ({
      %run_scoped3A = tpu.sem_alloc : memref<!tpu.dma_semaphore, #tpu.memory_space<semaphore_mem>>
      %dma_start3A_327 = arith.constant 0 : i32
      %dma_start3A_328 = tpu.memref_slice %arg27[%add3A_33, %dma_start3A_327] : memref<10240x96xf32, #tpu.memory_space<vmem_shared>> -> memref<80x96xf32, #tpu.memory_space<vmem_shared>>
      %dma_start3A_329 = arith.constant 0 : i32
      %dma_start3A_330 = tpu.memref_slice %arg27[%add3A_33, %dma_start3A_329] : memref<10240x96xf32, #tpu.memory_space<vmem_shared>> -> memref<80x96xf32, #tpu.memory_space<vmem_shared>>
      tpu.enqueue_dma source(%arg18 : memref<80x96xf32, #tpu.memory_space<vmem>>) target(%dma_start3A_330 : memref<80x96xf32, #tpu.memory_space<vmem_shared>>) target_semaphore(%run_scoped3A : memref<!tpu.dma_semaphore, #tpu.memory_space<semaphore_mem>>)
      %dma_wait3A_331 = arith.constant 0 : i32
      %dma_wait3A_332 = tpu.memref_slice %arg27[%add3A_33, %dma_wait3A_331] : memref<10240x96xf32, #tpu.memory_space<vmem_shared>> -> memref<80x96xf32, #tpu.memory_space<vmem_shared>>
      %dma_wait3A_333 = arith.constant 0 : i32
      %dma_wait3A_334 = tpu.memref_slice %arg27[%add3A_33, %dma_wait3A_333] : memref<10240x96xf32, #tpu.memory_space<vmem_shared>> -> memref<80x96xf32, #tpu.memory_space<vmem_shared>>
      tpu.wait_dma2 semaphore(%run_scoped3A : memref<!tpu.dma_semaphore, #tpu.memory_space<semaphore_mem>>) src(%arg18 : memref<80x96xf32, #tpu.memory_space<vmem>>) dst(%dma_wait3A_334 : memref<80x96xf32, #tpu.memory_space<vmem_shared>>)
      tpu.yield
    }) : () -> ()
    %add3A_34 = arith.constant 240 : i32
    %add3A_35 = arith.addi %mul3A_19, %add3A_34 : i32
    "tpu.region"() ({
      %run_scoped3A = tpu.sem_alloc : memref<!tpu.dma_semaphore, #tpu.memory_space<semaphore_mem>>
      %dma_start3A_327 = arith.constant 0 : i32
      %dma_start3A_328 = tpu.memref_slice %arg28[%add3A_35, %dma_start3A_327] : memref<10240x16xf32, #tpu.memory_space<vmem_shared>> -> memref<80x16xf32, #tpu.memory_space<vmem_shared>>
      %dma_start3A_329 = arith.constant 0 : i32
      %dma_start3A_330 = tpu.memref_slice %arg28[%add3A_35, %dma_start3A_329] : memref<10240x16xf32, #tpu.memory_space<vmem_shared>> -> memref<80x16xf32, #tpu.memory_space<vmem_shared>>
      tpu.enqueue_dma source(%arg21 : memref<80x16xf32, #tpu.memory_space<vmem>>) target(%dma_start3A_330 : memref<80x16xf32, #tpu.memory_space<vmem_shared>>) target_semaphore(%run_scoped3A : memref<!tpu.dma_semaphore, #tpu.memory_space<semaphore_mem>>)
      %dma_wait3A_331 = arith.constant 0 : i32
      %dma_wait3A_332 = tpu.memref_slice %arg28[%add3A_35, %dma_wait3A_331] : memref<10240x16xf32, #tpu.memory_space<vmem_shared>> -> memref<80x16xf32, #tpu.memory_space<vmem_shared>>
      %dma_wait3A_333 = arith.constant 0 : i32
      %dma_wait3A_334 = tpu.memref_slice %arg28[%add3A_35, %dma_wait3A_333] : memref<10240x16xf32, #tpu.memory_space<vmem_shared>> -> memref<80x16xf32, #tpu.memory_space<vmem_shared>>
      tpu.wait_dma2 semaphore(%run_scoped3A : memref<!tpu.dma_semaphore, #tpu.memory_space<semaphore_mem>>) src(%arg21 : memref<80x16xf32, #tpu.memory_space<vmem>>) dst(%dma_wait3A_334 : memref<80x16xf32, #tpu.memory_space<vmem_shared>>)
      tpu.yield
    }) : () -> ()
    %add3A_36 = arith.constant 320 : i32
    %add3A_37 = arith.addi %mul3A_19, %add3A_36 : i32
    "tpu.region"() ({
      %run_scoped3A = tpu.sem_alloc : memref<!tpu.dma_semaphore, #tpu.memory_space<semaphore_mem>>
      %dma_start3A_327 = arith.constant 0 : i32
      %dma_start3A_328 = tpu.memref_slice %arg27[%add3A_37, %dma_start3A_327] : memref<10240x96xf32, #tpu.memory_space<vmem_shared>> -> memref<80x96xf32, #tpu.memory_space<vmem_shared>>
      %dma_start3A_329 = arith.constant 0 : i32
      %dma_start3A_330 = tpu.memref_slice %arg27[%add3A_37, %dma_start3A_329] : memref<10240x96xf32, #tpu.memory_space<vmem_shared>> -> memref<80x96xf32, #tpu.memory_space<vmem_shared>>
      tpu.enqueue_dma source(%arg18 : memref<80x96xf32, #tpu.memory_space<vmem>>) target(%dma_start3A_330 : memref<80x96xf32, #tpu.memory_space<vmem_shared>>) target_semaphore(%run_scoped3A : memref<!tpu.dma_semaphore, #tpu.memory_space<semaphore_mem>>)
      %dma_wait3A_331 = arith.constant 0 : i32
      %dma_wait3A_332 = tpu.memref_slice %arg27[%add3A_37, %dma_wait3A_331] : memref<10240x96xf32, #tpu.memory_space<vmem_shared>> -> memref<80x96xf32, #tpu.memory_space<vmem_shared>>
      %dma_wait3A_333 = arith.constant 0 : i32
      %dma_wait3A_334 = tpu.memref_slice %arg27[%add3A_37, %dma_wait3A_333] : memref<10240x96xf32, #tpu.memory_space<vmem_shared>> -> memref<80x96xf32, #tpu.memory_space<vmem_shared>>
      tpu.wait_dma2 semaphore(%run_scoped3A : memref<!tpu.dma_semaphore, #tpu.memory_space<semaphore_mem>>) src(%arg18 : memref<80x96xf32, #tpu.memory_space<vmem>>) dst(%dma_wait3A_334 : memref<80x96xf32, #tpu.memory_space<vmem_shared>>)
      tpu.yield
    }) : () -> ()
    %add3A_38 = arith.constant 320 : i32
    %add3A_39 = arith.addi %mul3A_19, %add3A_38 : i32
    "tpu.region"() ({
      %run_scoped3A = tpu.sem_alloc : memref<!tpu.dma_semaphore, #tpu.memory_space<semaphore_mem>>
      %dma_start3A_327 = arith.constant 0 : i32
      %dma_start3A_328 = tpu.memref_slice %arg28[%add3A_39, %dma_start3A_327] : memref<10240x16xf32, #tpu.memory_space<vmem_shared>> -> memref<80x16xf32, #tpu.memory_space<vmem_shared>>
      %dma_start3A_329 = arith.constant 0 : i32
      %dma_start3A_330 = tpu.memref_slice %arg28[%add3A_39, %dma_start3A_329] : memref<10240x16xf32, #tpu.memory_space<vmem_shared>> -> memref<80x16xf32, #tpu.memory_space<vmem_shared>>
      tpu.enqueue_dma source(%arg21 : memref<80x16xf32, #tpu.memory_space<vmem>>) target(%dma_start3A_330 : memref<80x16xf32, #tpu.memory_space<vmem_shared>>) target_semaphore(%run_scoped3A : memref<!tpu.dma_semaphore, #tpu.memory_space<semaphore_mem>>)
      %dma_wait3A_331 = arith.constant 0 : i32
      %dma_wait3A_332 = tpu.memref_slice %arg28[%add3A_39, %dma_wait3A_331] : memref<10240x16xf32, #tpu.memory_space<vmem_shared>> -> memref<80x16xf32, #tpu.memory_space<vmem_shared>>
      %dma_wait3A_333 = arith.constant 0 : i32
      %dma_wait3A_334 = tpu.memref_slice %arg28[%add3A_39, %dma_wait3A_333] : memref<10240x16xf32, #tpu.memory_space<vmem_shared>> -> memref<80x16xf32, #tpu.memory_space<vmem_shared>>
      tpu.wait_dma2 semaphore(%run_scoped3A : memref<!tpu.dma_semaphore, #tpu.memory_space<semaphore_mem>>) src(%arg21 : memref<80x16xf32, #tpu.memory_space<vmem>>) dst(%dma_wait3A_334 : memref<80x16xf32, #tpu.memory_space<vmem_shared>>)
      tpu.yield
    }) : () -> ()
    %add3A_40 = arith.constant 400 : i32
    %add3A_41 = arith.addi %mul3A_19, %add3A_40 : i32
    "tpu.region"() ({
      %run_scoped3A = tpu.sem_alloc : memref<!tpu.dma_semaphore, #tpu.memory_space<semaphore_mem>>
      %dma_start3A_327 = arith.constant 0 : i32
      %dma_start3A_328 = tpu.memref_slice %arg27[%add3A_41, %dma_start3A_327] : memref<10240x96xf32, #tpu.memory_space<vmem_shared>> -> memref<80x96xf32, #tpu.memory_space<vmem_shared>>
      %dma_start3A_329 = arith.constant 0 : i32
      %dma_start3A_330 = tpu.memref_slice %arg27[%add3A_41, %dma_start3A_329] : memref<10240x96xf32, #tpu.memory_space<vmem_shared>> -> memref<80x96xf32, #tpu.memory_space<vmem_shared>>
      tpu.enqueue_dma source(%arg18 : memref<80x96xf32, #tpu.memory_space<vmem>>) target(%dma_start3A_330 : memref<80x96xf32, #tpu.memory_space<vmem_shared>>) target_semaphore(%run_scoped3A : memref<!tpu.dma_semaphore, #tpu.memory_space<semaphore_mem>>)
      %dma_wait3A_331 = arith.constant 0 : i32
      %dma_wait3A_332 = tpu.memref_slice %arg27[%add3A_41, %dma_wait3A_331] : memref<10240x96xf32, #tpu.memory_space<vmem_shared>> -> memref<80x96xf32, #tpu.memory_space<vmem_shared>>
      %dma_wait3A_333 = arith.constant 0 : i32
      %dma_wait3A_334 = tpu.memref_slice %arg27[%add3A_41, %dma_wait3A_333] : memref<10240x96xf32, #tpu.memory_space<vmem_shared>> -> memref<80x96xf32, #tpu.memory_space<vmem_shared>>
      tpu.wait_dma2 semaphore(%run_scoped3A : memref<!tpu.dma_semaphore, #tpu.memory_space<semaphore_mem>>) src(%arg18 : memref<80x96xf32, #tpu.memory_space<vmem>>) dst(%dma_wait3A_334 : memref<80x96xf32, #tpu.memory_space<vmem_shared>>)
      tpu.yield
    }) : () -> ()
    %add3A_42 = arith.constant 400 : i32
    %add3A_43 = arith.addi %mul3A_19, %add3A_42 : i32
    "tpu.region"() ({
      %run_scoped3A = tpu.sem_alloc : memref<!tpu.dma_semaphore, #tpu.memory_space<semaphore_mem>>
      %dma_start3A_327 = arith.constant 0 : i32
      %dma_start3A_328 = tpu.memref_slice %arg28[%add3A_43, %dma_start3A_327] : memref<10240x16xf32, #tpu.memory_space<vmem_shared>> -> memref<80x16xf32, #tpu.memory_space<vmem_shared>>
      %dma_start3A_329 = arith.constant 0 : i32
      %dma_start3A_330 = tpu.memref_slice %arg28[%add3A_43, %dma_start3A_329] : memref<10240x16xf32, #tpu.memory_space<vmem_shared>> -> memref<80x16xf32, #tpu.memory_space<vmem_shared>>
      tpu.enqueue_dma source(%arg21 : memref<80x16xf32, #tpu.memory_space<vmem>>) target(%dma_start3A_330 : memref<80x16xf32, #tpu.memory_space<vmem_shared>>) target_semaphore(%run_scoped3A : memref<!tpu.dma_semaphore, #tpu.memory_space<semaphore_mem>>)
      %dma_wait3A_331 = arith.constant 0 : i32
      %dma_wait3A_332 = tpu.memref_slice %arg28[%add3A_43, %dma_wait3A_331] : memref<10240x16xf32, #tpu.memory_space<vmem_shared>> -> memref<80x16xf32, #tpu.memory_space<vmem_shared>>
      %dma_wait3A_333 = arith.constant 0 : i32
      %dma_wait3A_334 = tpu.memref_slice %arg28[%add3A_43, %dma_wait3A_333] : memref<10240x16xf32, #tpu.memory_space<vmem_shared>> -> memref<80x16xf32, #tpu.memory_space<vmem_shared>>
      tpu.wait_dma2 semaphore(%run_scoped3A : memref<!tpu.dma_semaphore, #tpu.memory_space<semaphore_mem>>) src(%arg21 : memref<80x16xf32, #tpu.memory_space<vmem>>) dst(%dma_wait3A_334 : memref<80x16xf32, #tpu.memory_space<vmem_shared>>)
      tpu.yield
    }) : () -> ()
    %add3A_44 = arith.constant 480 : i32
    %add3A_45 = arith.addi %mul3A_19, %add3A_44 : i32
    "tpu.region"() ({
      %run_scoped3A = tpu.sem_alloc : memref<!tpu.dma_semaphore, #tpu.memory_space<semaphore_mem>>
      %dma_start3A_327 = arith.constant 0 : i32
      %dma_start3A_328 = tpu.memref_slice %arg27[%add3A_45, %dma_start3A_327] : memref<10240x96xf32, #tpu.memory_space<vmem_shared>> -> memref<80x96xf32, #tpu.memory_space<vmem_shared>>
      %dma_start3A_329 = arith.constant 0 : i32
      %dma_start3A_330 = tpu.memref_slice %arg27[%add3A_45, %dma_start3A_329] : memref<10240x96xf32, #tpu.memory_space<vmem_shared>> -> memref<80x96xf32, #tpu.memory_space<vmem_shared>>
      tpu.enqueue_dma source(%arg18 : memref<80x96xf32, #tpu.memory_space<vmem>>) target(%dma_start3A_330 : memref<80x96xf32, #tpu.memory_space<vmem_shared>>) target_semaphore(%run_scoped3A : memref<!tpu.dma_semaphore, #tpu.memory_space<semaphore_mem>>)
      %dma_wait3A_331 = arith.constant 0 : i32
      %dma_wait3A_332 = tpu.memref_slice %arg27[%add3A_45, %dma_wait3A_331] : memref<10240x96xf32, #tpu.memory_space<vmem_shared>> -> memref<80x96xf32, #tpu.memory_space<vmem_shared>>
      %dma_wait3A_333 = arith.constant 0 : i32
      %dma_wait3A_334 = tpu.memref_slice %arg27[%add3A_45, %dma_wait3A_333] : memref<10240x96xf32, #tpu.memory_space<vmem_shared>> -> memref<80x96xf32, #tpu.memory_space<vmem_shared>>
      tpu.wait_dma2 semaphore(%run_scoped3A : memref<!tpu.dma_semaphore, #tpu.memory_space<semaphore_mem>>) src(%arg18 : memref<80x96xf32, #tpu.memory_space<vmem>>) dst(%dma_wait3A_334 : memref<80x96xf32, #tpu.memory_space<vmem_shared>>)
      tpu.yield
    }) : () -> ()
    %add3A_46 = arith.constant 480 : i32
    %add3A_47 = arith.addi %mul3A_19, %add3A_46 : i32
    "tpu.region"() ({
      %run_scoped3A = tpu.sem_alloc : memref<!tpu.dma_semaphore, #tpu.memory_space<semaphore_mem>>
      %dma_start3A_327 = arith.constant 0 : i32
      %dma_start3A_328 = tpu.memref_slice %arg28[%add3A_47, %dma_start3A_327] : memref<10240x16xf32, #tpu.memory_space<vmem_shared>> -> memref<80x16xf32, #tpu.memory_space<vmem_shared>>
      %dma_start3A_329 = arith.constant 0 : i32
      %dma_start3A_330 = tpu.memref_slice %arg28[%add3A_47, %dma_start3A_329] : memref<10240x16xf32, #tpu.memory_space<vmem_shared>> -> memref<80x16xf32, #tpu.memory_space<vmem_shared>>
      tpu.enqueue_dma source(%arg21 : memref<80x16xf32, #tpu.memory_space<vmem>>) target(%dma_start3A_330 : memref<80x16xf32, #tpu.memory_space<vmem_shared>>) target_semaphore(%run_scoped3A : memref<!tpu.dma_semaphore, #tpu.memory_space<semaphore_mem>>)
      %dma_wait3A_331 = arith.constant 0 : i32
      %dma_wait3A_332 = tpu.memref_slice %arg28[%add3A_47, %dma_wait3A_331] : memref<10240x16xf32, #tpu.memory_space<vmem_shared>> -> memref<80x16xf32, #tpu.memory_space<vmem_shared>>
      %dma_wait3A_333 = arith.constant 0 : i32
      %dma_wait3A_334 = tpu.memref_slice %arg28[%add3A_47, %dma_wait3A_333] : memref<10240x16xf32, #tpu.memory_space<vmem_shared>> -> memref<80x16xf32, #tpu.memory_space<vmem_shared>>
      tpu.wait_dma2 semaphore(%run_scoped3A : memref<!tpu.dma_semaphore, #tpu.memory_space<semaphore_mem>>) src(%arg21 : memref<80x16xf32, #tpu.memory_space<vmem>>) dst(%dma_wait3A_334 : memref<80x16xf32, #tpu.memory_space<vmem_shared>>)
      tpu.yield
    }) : () -> ()
    %add3A_48 = arith.constant 560 : i32
    %add3A_49 = arith.addi %mul3A_19, %add3A_48 : i32
    "tpu.region"() ({
      %run_scoped3A = tpu.sem_alloc : memref<!tpu.dma_semaphore, #tpu.memory_space<semaphore_mem>>
      %dma_start3A_327 = arith.constant 0 : i32
      %dma_start3A_328 = tpu.memref_slice %arg27[%add3A_49, %dma_start3A_327] : memref<10240x96xf32, #tpu.memory_space<vmem_shared>> -> memref<80x96xf32, #tpu.memory_space<vmem_shared>>
      %dma_start3A_329 = arith.constant 0 : i32
      %dma_start3A_330 = tpu.memref_slice %arg27[%add3A_49, %dma_start3A_329] : memref<10240x96xf32, #tpu.memory_space<vmem_shared>> -> memref<80x96xf32, #tpu.memory_space<vmem_shared>>
      tpu.enqueue_dma source(%arg18 : memref<80x96xf32, #tpu.memory_space<vmem>>) target(%dma_start3A_330 : memref<80x96xf32, #tpu.memory_space<vmem_shared>>) target_semaphore(%run_scoped3A : memref<!tpu.dma_semaphore, #tpu.memory_space<semaphore_mem>>)
      %dma_wait3A_331 = arith.constant 0 : i32
      %dma_wait3A_332 = tpu.memref_slice %arg27[%add3A_49, %dma_wait3A_331] : memref<10240x96xf32, #tpu.memory_space<vmem_shared>> -> memref<80x96xf32, #tpu.memory_space<vmem_shared>>
      %dma_wait3A_333 = arith.constant 0 : i32
      %dma_wait3A_334 = tpu.memref_slice %arg27[%add3A_49, %dma_wait3A_333] : memref<10240x96xf32, #tpu.memory_space<vmem_shared>> -> memref<80x96xf32, #tpu.memory_space<vmem_shared>>
      tpu.wait_dma2 semaphore(%run_scoped3A : memref<!tpu.dma_semaphore, #tpu.memory_space<semaphore_mem>>) src(%arg18 : memref<80x96xf32, #tpu.memory_space<vmem>>) dst(%dma_wait3A_334 : memref<80x96xf32, #tpu.memory_space<vmem_shared>>)
      tpu.yield
    }) : () -> ()
    %add3A_50 = arith.constant 560 : i32
    %add3A_51 = arith.addi %mul3A_19, %add3A_50 : i32
    "tpu.region"() ({
      %run_scoped3A = tpu.sem_alloc : memref<!tpu.dma_semaphore, #tpu.memory_space<semaphore_mem>>
      %dma_start3A_327 = arith.constant 0 : i32
      %dma_start3A_328 = tpu.memref_slice %arg28[%add3A_51, %dma_start3A_327] : memref<10240x16xf32, #tpu.memory_space<vmem_shared>> -> memref<80x16xf32, #tpu.memory_space<vmem_shared>>
      %dma_start3A_329 = arith.constant 0 : i32
      %dma_start3A_330 = tpu.memref_slice %arg28[%add3A_51, %dma_start3A_329] : memref<10240x16xf32, #tpu.memory_space<vmem_shared>> -> memref<80x16xf32, #tpu.memory_space<vmem_shared>>
      tpu.enqueue_dma source(%arg21 : memref<80x16xf32, #tpu.memory_space<vmem>>) target(%dma_start3A_330 : memref<80x16xf32, #tpu.memory_space<vmem_shared>>) target_semaphore(%run_scoped3A : memref<!tpu.dma_semaphore, #tpu.memory_space<semaphore_mem>>)
      %dma_wait3A_331 = arith.constant 0 : i32
      %dma_wait3A_332 = tpu.memref_slice %arg28[%add3A_51, %dma_wait3A_331] : memref<10240x16xf32, #tpu.memory_space<vmem_shared>> -> memref<80x16xf32, #tpu.memory_space<vmem_shared>>
      %dma_wait3A_333 = arith.constant 0 : i32
      %dma_wait3A_334 = tpu.memref_slice %arg28[%add3A_51, %dma_wait3A_333] : memref<10240x16xf32, #tpu.memory_space<vmem_shared>> -> memref<80x16xf32, #tpu.memory_space<vmem_shared>>
      tpu.wait_dma2 semaphore(%run_scoped3A : memref<!tpu.dma_semaphore, #tpu.memory_space<semaphore_mem>>) src(%arg21 : memref<80x16xf32, #tpu.memory_space<vmem>>) dst(%dma_wait3A_334 : memref<80x16xf32, #tpu.memory_space<vmem_shared>>)
      tpu.yield
    }) : () -> ()
    %mul3A_52 = arith.constant 10000 : i32
    %mul3A_53 = arith.muli %add3A, %mul3A_52 : i32
    "tpu.region"() ({
      %run_scoped3A = tpu.sem_alloc : memref<!tpu.dma_semaphore, #tpu.memory_space<semaphore_mem>>
      tpu.enqueue_dma source(%arg4 : memref<10000xf32, #tpu.memory_space<hbm>>) target(%arg9 : memref<10000xf32, #tpu.memory_space<vmem>>) target_semaphore(%run_scoped3A : memref<!tpu.dma_semaphore, #tpu.memory_space<semaphore_mem>>)
      tpu.wait_dma2 semaphore(%run_scoped3A : memref<!tpu.dma_semaphore, #tpu.memory_space<semaphore_mem>>) src(%arg4 : memref<10000xf32, #tpu.memory_space<hbm>>) dst(%arg9 : memref<10000xf32, #tpu.memory_space<vmem>>)
      tpu.yield
    }) : () -> ()
    "tpu.region"() ({
      %run_scoped3A = tpu.sem_alloc : memref<!tpu.dma_semaphore, #tpu.memory_space<semaphore_mem>>
      tpu.enqueue_dma source(%arg5 : memref<10000xf32, #tpu.memory_space<hbm>>) target(%arg10 : memref<10000xf32, #tpu.memory_space<vmem>>) target_semaphore(%run_scoped3A : memref<!tpu.dma_semaphore, #tpu.memory_space<semaphore_mem>>)
      tpu.wait_dma2 semaphore(%run_scoped3A : memref<!tpu.dma_semaphore, #tpu.memory_space<semaphore_mem>>) src(%arg5 : memref<10000xf32, #tpu.memory_space<hbm>>) dst(%arg10 : memref<10000xf32, #tpu.memory_space<vmem>>)
      tpu.yield
    }) : () -> ()
    "tpu.region"() ({
      %run_scoped3A = tpu.sem_alloc : memref<!tpu.dma_semaphore, #tpu.memory_space<semaphore_mem>>
      %dma_start3A_327 = tpu.memref_slice %arg2[%mul3A_53] : memref<320000xi32, #tpu.memory_space<hbm>> -> memref<10000xi32, #tpu.memory_space<hbm>>
      %dma_start3A_328 = tpu.memref_slice %arg2[%mul3A_53] : memref<320000xi32, #tpu.memory_space<hbm>> -> memref<10000xi32, #tpu.memory_space<hbm>>
      tpu.enqueue_dma source(%dma_start3A_328 : memref<10000xi32, #tpu.memory_space<hbm>>) target(%arg11 : memref<10000xi32, #tpu.memory_space<vmem>>) target_semaphore(%run_scoped3A : memref<!tpu.dma_semaphore, #tpu.memory_space<semaphore_mem>>)
      %dma_wait3A_329 = tpu.memref_slice %arg2[%mul3A_53] : memref<320000xi32, #tpu.memory_space<hbm>> -> memref<10000xi32, #tpu.memory_space<hbm>>
      %dma_wait3A_330 = tpu.memref_slice %arg2[%mul3A_53] : memref<320000xi32, #tpu.memory_space<hbm>> -> memref<10000xi32, #tpu.memory_space<hbm>>
      tpu.wait_dma2 semaphore(%run_scoped3A : memref<!tpu.dma_semaphore, #tpu.memory_space<semaphore_mem>>) src(%dma_wait3A_330 : memref<10000xi32, #tpu.memory_space<hbm>>) dst(%arg11 : memref<10000xi32, #tpu.memory_space<vmem>>)
      tpu.yield
    }) : () -> ()
    %barrier3A = arith.constant 0 : index
    tpu.barrier barrier_id(%barrier3A)
    %dma_start3A = arith.constant 0 : i32
    %dma_start3A_54 = tpu.memref_slice %arg11[%dma_start3A] : memref<10000xi32, #tpu.memory_space<vmem>> -> memref<80xi32, #tpu.memory_space<vmem>>
    %dma_start3A_55 = arith.constant 0 : i32
    %dma_start3A_56 = arith.constant 0 : i32
    %dma_start3A_57 = tpu.memref_slice %arg6[%dma_start3A_55, %dma_start3A_56] : memref<10000x96xf32, #tpu.memory_space<hbm>> -> memref<10000x96xf32, #tpu.memory_space<hbm>>
    tpu.enqueue_indirect_dma source(%dma_start3A_57 : memref<10000x96xf32, #tpu.memory_space<hbm>>) target(%arg18 : memref<80x96xf32, #tpu.memory_space<vmem>>) offsets(%dma_start3A_54 : memref<80xi32, #tpu.memory_space<vmem>>) semaphore(%arg29 : memref<!tpu.dma_semaphore, #tpu.memory_space<semaphore_mem>>)
    %add3A_58 = arith.constant 0 : i32
    %add3A_59 = arith.addi %mul3A_53, %add3A_58 : i32
    %dma_start3A_60 = tpu.memref_slice %arg3[%add3A_59] : memref<320000xi32, #tpu.memory_space<hbm>> -> memref<80xi32, #tpu.memory_space<hbm>>
    %dma_start3A_61 = tpu.memref_slice %arg3[%add3A_59] : memref<320000xi32, #tpu.memory_space<hbm>> -> memref<80xi32, #tpu.memory_space<hbm>>
    tpu.enqueue_dma source(%dma_start3A_61 : memref<80xi32, #tpu.memory_space<hbm>>) target(%arg12 : memref<80xi32, #tpu.memory_space<vmem>>) target_semaphore(%arg32 : memref<!tpu.dma_semaphore, #tpu.memory_space<semaphore_mem>>)
    %dma_start3A_62 = arith.constant 80 : i32
    %dma_start3A_63 = tpu.memref_slice %arg11[%dma_start3A_62] : memref<10000xi32, #tpu.memory_space<vmem>> -> memref<80xi32, #tpu.memory_space<vmem>>
    %dma_start3A_64 = arith.constant 0 : i32
    %dma_start3A_65 = arith.constant 0 : i32
    %dma_start3A_66 = tpu.memref_slice %arg6[%dma_start3A_64, %dma_start3A_65] : memref<10000x96xf32, #tpu.memory_space<hbm>> -> memref<10000x96xf32, #tpu.memory_space<hbm>>
    tpu.enqueue_indirect_dma source(%dma_start3A_66 : memref<10000x96xf32, #tpu.memory_space<hbm>>) target(%arg19 : memref<80x96xf32, #tpu.memory_space<vmem>>) offsets(%dma_start3A_63 : memref<80xi32, #tpu.memory_space<vmem>>) semaphore(%arg30 : memref<!tpu.dma_semaphore, #tpu.memory_space<semaphore_mem>>)
    %add3A_67 = arith.constant 80 : i32
    %add3A_68 = arith.addi %mul3A_53, %add3A_67 : i32
    %dma_start3A_69 = tpu.memref_slice %arg3[%add3A_68] : memref<320000xi32, #tpu.memory_space<hbm>> -> memref<80xi32, #tpu.memory_space<hbm>>
    %dma_start3A_70 = tpu.memref_slice %arg3[%add3A_68] : memref<320000xi32, #tpu.memory_space<hbm>> -> memref<80xi32, #tpu.memory_space<hbm>>
    tpu.enqueue_dma source(%dma_start3A_70 : memref<80xi32, #tpu.memory_space<hbm>>) target(%arg13 : memref<80xi32, #tpu.memory_space<vmem>>) target_semaphore(%arg33 : memref<!tpu.dma_semaphore, #tpu.memory_space<semaphore_mem>>)
    %dma_start3A_71 = arith.constant 160 : i32
    %dma_start3A_72 = tpu.memref_slice %arg11[%dma_start3A_71] : memref<10000xi32, #tpu.memory_space<vmem>> -> memref<80xi32, #tpu.memory_space<vmem>>
    %dma_start3A_73 = arith.constant 0 : i32
    %dma_start3A_74 = arith.constant 0 : i32
    %dma_start3A_75 = tpu.memref_slice %arg6[%dma_start3A_73, %dma_start3A_74] : memref<10000x96xf32, #tpu.memory_space<hbm>> -> memref<10000x96xf32, #tpu.memory_space<hbm>>
    tpu.enqueue_indirect_dma source(%dma_start3A_75 : memref<10000x96xf32, #tpu.memory_space<hbm>>) target(%arg20 : memref<80x96xf32, #tpu.memory_space<vmem>>) offsets(%dma_start3A_72 : memref<80xi32, #tpu.memory_space<vmem>>) semaphore(%arg31 : memref<!tpu.dma_semaphore, #tpu.memory_space<semaphore_mem>>)
    %add3A_76 = arith.constant 160 : i32
    %add3A_77 = arith.addi %mul3A_53, %add3A_76 : i32
    %dma_start3A_78 = tpu.memref_slice %arg3[%add3A_77] : memref<320000xi32, #tpu.memory_space<hbm>> -> memref<80xi32, #tpu.memory_space<hbm>>
    %dma_start3A_79 = tpu.memref_slice %arg3[%add3A_77] : memref<320000xi32, #tpu.memory_space<hbm>> -> memref<80xi32, #tpu.memory_space<hbm>>
    tpu.enqueue_dma source(%dma_start3A_79 : memref<80xi32, #tpu.memory_space<hbm>>) target(%arg14 : memref<80xi32, #tpu.memory_space<vmem>>) target_semaphore(%arg34 : memref<!tpu.dma_semaphore, #tpu.memory_space<semaphore_mem>>)
    %scan3A_80 = arith.constant 0 : i32
    %scan3A_81 = arith.constant 0 : i32
    %scan3A_82 = arith.constant 41 : i32
    %scan3A_83 = arith.addi %scan3A_81, %scan3A_82 : i32
    %scan3A_84 = arith.constant 1 : i32
    %scan3A_85 = scf.for %scan3A_327 = %scan3A_81 to %scan3A_83 step %scan3A_84 iter_args(%scan3A_328 = %scan3A_80) -> (i32)  : i32 {
      %mul3A_329 = arith.constant 3 : i32
      %mul3A_330 = arith.muli %mul3A_329, %scan3A_327 : i32
      %add3A_331 = arith.constant 1 : i32
      %add3A_332 = arith.addi %mul3A_330, %add3A_331 : i32
      %add3A_333 = arith.constant 2 : i32
      %add3A_334 = arith.addi %mul3A_330, %add3A_333 : i32
      %mul3A_335 = arith.constant 80 : i32
      %mul3A_336 = arith.muli %mul3A_330, %mul3A_335 : i32
      %dma_wait3A_337 = tpu.memref_slice %arg11[%mul3A_336] : memref<10000xi32, #tpu.memory_space<vmem>> -> memref<80xi32, #tpu.memory_space<vmem>>
      %dma_wait3A_338 = arith.constant 0 : i32
      %dma_wait3A_339 = arith.constant 0 : i32
      %dma_wait3A_340 = tpu.memref_slice %arg6[%dma_wait3A_338, %dma_wait3A_339] : memref<10000x96xf32, #tpu.memory_space<hbm>> -> memref<10000x96xf32, #tpu.memory_space<hbm>>
      tpu.wait_indirect_dma semaphore(%arg29 : memref<!tpu.dma_semaphore, #tpu.memory_space<semaphore_mem>>) src(%dma_wait3A_340 : memref<10000x96xf32, #tpu.memory_space<hbm>>) dst(%arg18 : memref<80x96xf32, #tpu.memory_space<vmem>>)
      %mul3A_341 = arith.constant 80 : i32
      %mul3A_342 = arith.muli %mul3A_330, %mul3A_341 : i32
      %add3A_343 = arith.addi %mul3A_53, %mul3A_342 : i32
      %dma_wait3A_344 = tpu.memref_slice %arg3[%add3A_343] : memref<320000xi32, #tpu.memory_space<hbm>> -> memref<80xi32, #tpu.memory_space<hbm>>
      %dma_wait3A_345 = tpu.memref_slice %arg3[%add3A_343] : memref<320000xi32, #tpu.memory_space<hbm>> -> memref<80xi32, #tpu.memory_space<hbm>>
      tpu.wait_dma2 semaphore(%arg32 : memref<!tpu.dma_semaphore, #tpu.memory_space<semaphore_mem>>) src(%dma_wait3A_345 : memref<80xi32, #tpu.memory_space<hbm>>) dst(%arg12 : memref<80xi32, #tpu.memory_space<vmem>>)
      %mul3A_346 = arith.constant 80 : i32
      %mul3A_347 = arith.muli %mul3A_330, %mul3A_346 : i32
      %add3A_348 = arith.constant 0 : i32
      %add3A_349 = arith.addi %mul3A_347, %add3A_348 : i32
      %get3A_350 = arith.index_cast %add3A_349 : i32 to index
      %get3A_351 = tpu.vector_load %arg11[%get3A_350] {strides = array<i32>} : memref<10000xi32, #tpu.memory_space<vmem>>, vector<16xi32>,
      %get3A_352 = arith.constant 0 : index
      %get3A_353 = tpu.vector_load %arg12[%get3A_352] {strides = array<i32>} : memref<80xi32, #tpu.memory_space<vmem>>, vector<16xi32>,
      %gather3A_354 = tpu.vector_load_idx %arg9[%get3A_351] : memref<10000xf32, #tpu.memory_space<vmem>>[vector<16xi32>], vector<16xf32>,
      %gather3A_355 = tpu.vector_load_idx %arg10[%get3A_353] : memref<10000xf32, #tpu.memory_space<vmem>>[vector<16xi32>], vector<16xf32>,
      %add3A_356 = arith.addf %gather3A_354, %gather3A_355 : vector<16xf32>
      %ge3A_357 = arith.constant 0.000000e+00 : f32
      %ge3A_358 = vector.broadcast %ge3A_357 : f32 to vector<16xf32>
      %ge3A_359 = arith.cmpf oge, %add3A_356, %ge3A_358 : vector<16xf32>
      %mul3A_360 = arith.constant 2.000000e-01 : f32
      %mul3A_361 = vector.broadcast %mul3A_360 : f32 to vector<16xf32>
      %mul3A_362 = arith.mulf %add3A_356, %mul3A_361 : vector<16xf32>
      %select_n3A_363 = arith.select %ge3A_359, %add3A_356, %mul3A_362 : vector<16xi1>, vector<16xf32>
      %exp3A_364 = math.exp %select_n3A_363 : vector<16xf32>
      %swap3A_365 = arith.constant 0 : index
      %swap3A_366 = tpu.vector_load %arg24[%swap3A_365] {strides = array<i32>} : memref<80xf32, #tpu.memory_space<vmem>>, vector<16xf32>,
      tpu.vector_store %arg24[%swap3A_365], %exp3A_364 {strides = array<i32>} : memref<80xf32, #tpu.memory_space<vmem>>, vector<16xf32>,
      %swap3A_367 = arith.constant 0 : index
      %swap3A_368 = tpu.vector_load %arg15[%swap3A_367] {strides = array<i32>} : memref<80xi32, #tpu.memory_space<vmem>>, vector<16xi32>,
      tpu.vector_store %arg15[%swap3A_367], %get3A_353 {strides = array<i32>} : memref<80xi32, #tpu.memory_space<vmem>>, vector<16xi32>,
      %add3A_369 = arith.constant 16 : i32
      %add3A_370 = arith.addi %mul3A_347, %add3A_369 : i32
      %get3A_371 = arith.index_cast %add3A_370 : i32 to index
      %get3A_372 = tpu.vector_load %arg11[%get3A_371] {strides = array<i32>} : memref<10000xi32, #tpu.memory_space<vmem>>, vector<16xi32>,
      %get3A_373 = arith.constant 16 : index
      %get3A_374 = tpu.vector_load %arg12[%get3A_373] {strides = array<i32>} : memref<80xi32, #tpu.memory_space<vmem>>, vector<16xi32>,
      %gather3A_375 = tpu.vector_load_idx %arg9[%get3A_372] : memref<10000xf32, #tpu.memory_space<vmem>>[vector<16xi32>], vector<16xf32>,
      %gather3A_376 = tpu.vector_load_idx %arg10[%get3A_374] : memref<10000xf32, #tpu.memory_space<vmem>>[vector<16xi32>], vector<16xf32>,
      %add3A_377 = arith.addf %gather3A_375, %gather3A_376 : vector<16xf32>
      %ge3A_378 = arith.constant 0.000000e+00 : f32
      %ge3A_379 = vector.broadcast %ge3A_378 : f32 to vector<16xf32>
      %ge3A_380 = arith.cmpf oge, %add3A_377, %ge3A_379 : vector<16xf32>
      %mul3A_381 = arith.constant 2.000000e-01 : f32
      %mul3A_382 = vector.broadcast %mul3A_381 : f32 to vector<16xf32>
      %mul3A_383 = arith.mulf %add3A_377, %mul3A_382 : vector<16xf32>
      %select_n3A_384 = arith.select %ge3A_380, %add3A_377, %mul3A_383 : vector<16xi1>, vector<16xf32>
      %exp3A_385 = math.exp %select_n3A_384 : vector<16xf32>
      %swap3A_386 = arith.constant 16 : index
      %swap3A_387 = tpu.vector_load %arg24[%swap3A_386] {strides = array<i32>} : memref<80xf32, #tpu.memory_space<vmem>>, vector<16xf32>,
      tpu.vector_store %arg24[%swap3A_386], %exp3A_385 {strides = array<i32>} : memref<80xf32, #tpu.memory_space<vmem>>, vector<16xf32>,
      %swap3A_388 = arith.constant 16 : index
      %swap3A_389 = tpu.vector_load %arg15[%swap3A_388] {strides = array<i32>} : memref<80xi32, #tpu.memory_space<vmem>>, vector<16xi32>,
      tpu.vector_store %arg15[%swap3A_388], %get3A_374 {strides = array<i32>} : memref<80xi32, #tpu.memory_space<vmem>>, vector<16xi32>,
      %add3A_390 = arith.constant 32 : i32
      %add3A_391 = arith.addi %mul3A_347, %add3A_390 : i32
      %get3A_392 = arith.index_cast %add3A_391 : i32 to index
      %get3A_393 = tpu.vector_load %arg11[%get3A_392] {strides = array<i32>} : memref<10000xi32, #tpu.memory_space<vmem>>, vector<16xi32>,
      %get3A_394 = arith.constant 32 : index
      %get3A_395 = tpu.vector_load %arg12[%get3A_394] {strides = array<i32>} : memref<80xi32, #tpu.memory_space<vmem>>, vector<16xi32>,
      %gather3A_396 = tpu.vector_load_idx %arg9[%get3A_393] : memref<10000xf32, #tpu.memory_space<vmem>>[vector<16xi32>], vector<16xf32>,
      %gather3A_397 = tpu.vector_load_idx %arg10[%get3A_395] : memref<10000xf32, #tpu.memory_space<vmem>>[vector<16xi32>], vector<16xf32>,
      %add3A_398 = arith.addf %gather3A_396, %gather3A_397 : vector<16xf32>
      %ge3A_399 = arith.constant 0.000000e+00 : f32
      %ge3A_400 = vector.broadcast %ge3A_399 : f32 to vector<16xf32>
      %ge3A_401 = arith.cmpf oge, %add3A_398, %ge3A_400 : vector<16xf32>
      %mul3A_402 = arith.constant 2.000000e-01 : f32
      %mul3A_403 = vector.broadcast %mul3A_402 : f32 to vector<16xf32>
      %mul3A_404 = arith.mulf %add3A_398, %mul3A_403 : vector<16xf32>
      %select_n3A_405 = arith.select %ge3A_401, %add3A_398, %mul3A_404 : vector<16xi1>, vector<16xf32>
      %exp3A_406 = math.exp %select_n3A_405 : vector<16xf32>
      %swap3A_407 = arith.constant 32 : index
      %swap3A_408 = tpu.vector_load %arg24[%swap3A_407] {strides = array<i32>} : memref<80xf32, #tpu.memory_space<vmem>>, vector<16xf32>,
      tpu.vector_store %arg24[%swap3A_407], %exp3A_406 {strides = array<i32>} : memref<80xf32, #tpu.memory_space<vmem>>, vector<16xf32>,
      %swap3A_409 = arith.constant 32 : index
      %swap3A_410 = tpu.vector_load %arg15[%swap3A_409] {strides = array<i32>} : memref<80xi32, #tpu.memory_space<vmem>>, vector<16xi32>,
      tpu.vector_store %arg15[%swap3A_409], %get3A_395 {strides = array<i32>} : memref<80xi32, #tpu.memory_space<vmem>>, vector<16xi32>,
      %add3A_411 = arith.constant 48 : i32
      %add3A_412 = arith.addi %mul3A_347, %add3A_411 : i32
      %get3A_413 = arith.index_cast %add3A_412 : i32 to index
      %get3A_414 = tpu.vector_load %arg11[%get3A_413] {strides = array<i32>} : memref<10000xi32, #tpu.memory_space<vmem>>, vector<16xi32>,
      %get3A_415 = arith.constant 48 : index
      %get3A_416 = tpu.vector_load %arg12[%get3A_415] {strides = array<i32>} : memref<80xi32, #tpu.memory_space<vmem>>, vector<16xi32>,
      %gather3A_417 = tpu.vector_load_idx %arg9[%get3A_414] : memref<10000xf32, #tpu.memory_space<vmem>>[vector<16xi32>], vector<16xf32>,
      %gather3A_418 = tpu.vector_load_idx %arg10[%get3A_416] : memref<10000xf32, #tpu.memory_space<vmem>>[vector<16xi32>], vector<16xf32>,
      %add3A_419 = arith.addf %gather3A_417, %gather3A_418 : vector<16xf32>
      %ge3A_420 = arith.constant 0.000000e+00 : f32
      %ge3A_421 = vector.broadcast %ge3A_420 : f32 to vector<16xf32>
      %ge3A_422 = arith.cmpf oge, %add3A_419, %ge3A_421 : vector<16xf32>
      %mul3A_423 = arith.constant 2.000000e-01 : f32
      %mul3A_424 = vector.broadcast %mul3A_423 : f32 to vector<16xf32>
      %mul3A_425 = arith.mulf %add3A_419, %mul3A_424 : vector<16xf32>
      %select_n3A_426 = arith.select %ge3A_422, %add3A_419, %mul3A_425 : vector<16xi1>, vector<16xf32>
      %exp3A_427 = math.exp %select_n3A_426 : vector<16xf32>
      %swap3A_428 = arith.constant 48 : index
      %swap3A_429 = tpu.vector_load %arg24[%swap3A_428] {strides = array<i32>} : memref<80xf32, #tpu.memory_space<vmem>>, vector<16xf32>,
      tpu.vector_store %arg24[%swap3A_428], %exp3A_427 {strides = array<i32>} : memref<80xf32, #tpu.memory_space<vmem>>, vector<16xf32>,
      %swap3A_430 = arith.constant 48 : index
      %swap3A_431 = tpu.vector_load %arg15[%swap3A_430] {strides = array<i32>} : memref<80xi32, #tpu.memory_space<vmem>>, vector<16xi32>,
      tpu.vector_store %arg15[%swap3A_430], %get3A_416 {strides = array<i32>} : memref<80xi32, #tpu.memory_space<vmem>>, vector<16xi32>,
      %add3A_432 = arith.constant 64 : i32
      %add3A_433 = arith.addi %mul3A_347, %add3A_432 : i32
      %get3A_434 = arith.index_cast %add3A_433 : i32 to index
      %get3A_435 = tpu.vector_load %arg11[%get3A_434] {strides = array<i32>} : memref<10000xi32, #tpu.memory_space<vmem>>, vector<16xi32>,
      %get3A_436 = arith.constant 64 : index
      %get3A_437 = tpu.vector_load %arg12[%get3A_436] {strides = array<i32>} : memref<80xi32, #tpu.memory_space<vmem>>, vector<16xi32>,
      %gather3A_438 = tpu.vector_load_idx %arg9[%get3A_435] : memref<10000xf32, #tpu.memory_space<vmem>>[vector<16xi32>], vector<16xf32>,
      %gather3A_439 = tpu.vector_load_idx %arg10[%get3A_437] : memref<10000xf32, #tpu.memory_space<vmem>>[vector<16xi32>], vector<16xf32>,
      %add3A_440 = arith.addf %gather3A_438, %gather3A_439 : vector<16xf32>
      %ge3A_441 = arith.constant 0.000000e+00 : f32
      %ge3A_442 = vector.broadcast %ge3A_441 : f32 to vector<16xf32>
      %ge3A_443 = arith.cmpf oge, %add3A_440, %ge3A_442 : vector<16xf32>
      %mul3A_444 = arith.constant 2.000000e-01 : f32
      %mul3A_445 = vector.broadcast %mul3A_444 : f32 to vector<16xf32>
      %mul3A_446 = arith.mulf %add3A_440, %mul3A_445 : vector<16xf32>
      %select_n3A_447 = arith.select %ge3A_443, %add3A_440, %mul3A_446 : vector<16xi1>, vector<16xf32>
      %exp3A_448 = math.exp %select_n3A_447 : vector<16xf32>
      %swap3A_449 = arith.constant 64 : index
      %swap3A_450 = tpu.vector_load %arg24[%swap3A_449] {strides = array<i32>} : memref<80xf32, #tpu.memory_space<vmem>>, vector<16xf32>,
      tpu.vector_store %arg24[%swap3A_449], %exp3A_448 {strides = array<i32>} : memref<80xf32, #tpu.memory_space<vmem>>, vector<16xf32>,
      %swap3A_451 = arith.constant 64 : index
      %swap3A_452 = tpu.vector_load %arg15[%swap3A_451] {strides = array<i32>} : memref<80xi32, #tpu.memory_space<vmem>>, vector<16xi32>,
      tpu.vector_store %arg15[%swap3A_451], %get3A_437 {strides = array<i32>} : memref<80xi32, #tpu.memory_space<vmem>>, vector<16xi32>,
      %scan3A_453 = arith.constant 0 : i32
      %scan3A_454 = arith.constant 0 : i32
      %scan3A_455 = arith.constant 20 : i32
      %scan3A_456 = arith.addi %scan3A_454, %scan3A_455 : i32
      %scan3A_457 = arith.constant 1 : i32
      %scan3A_458 = scf.for %scan3A_766 = %scan3A_454 to %scan3A_456 step %scan3A_457 iter_args(%scan3A_767 = %scan3A_453) -> (i32)  : i32 {
        %mul3A_768 = arith.constant 4 : i32
        %mul3A_769 = arith.muli %mul3A_768, %scan3A_766 : i32
        %mul3A_770 = arith.constant 4 : i32
        %mul3A_771 = arith.muli %mul3A_770, %scan3A_766 : i32
        %add3A_772 = arith.constant 1 : i32
        %add3A_773 = arith.addi %mul3A_771, %add3A_772 : i32
        %mul3A_774 = arith.constant 4 : i32
        %mul3A_775 = arith.muli %mul3A_774, %scan3A_766 : i32
        %add3A_776 = arith.constant 2 : i32
        %add3A_777 = arith.addi %mul3A_775, %add3A_776 : i32
        %mul3A_778 = arith.constant 4 : i32
        %mul3A_779 = arith.muli %mul3A_778, %scan3A_766 : i32
        %add3A_780 = arith.constant 3 : i32
        %add3A_781 = arith.addi %mul3A_779, %add3A_780 : i32
        %add3A_782 = vector.broadcast %mul3A_769 : i32 to vector<16xi32>
        %add3A_783 = arith.addi %broadcast_in_dim3A_11, %add3A_782 : vector<16xi32>
        %gather3A_784 = tpu.vector_load_idx %arg24[%add3A_783] : memref<80xf32, #tpu.memory_space<vmem>>[vector<16xi32>], vector<16xf32>,
        %add3A_785 = vector.broadcast %add3A_773 : i32 to vector<16xi32>
        %add3A_786 = arith.addi %broadcast_in_dim3A_11, %add3A_785 : vector<16xi32>
        %gather3A_787 = tpu.vector_load_idx %arg24[%add3A_786] : memref<80xf32, #tpu.memory_space<vmem>>[vector<16xi32>], vector<16xf32>,
        %add3A_788 = vector.broadcast %add3A_777 : i32 to vector<16xi32>
        %add3A_789 = arith.addi %broadcast_in_dim3A_11, %add3A_788 : vector<16xi32>
        %gather3A_790 = tpu.vector_load_idx %arg24[%add3A_789] : memref<80xf32, #tpu.memory_space<vmem>>[vector<16xi32>], vector<16xf32>,
        %add3A_791 = vector.broadcast %add3A_781 : i32 to vector<16xi32>
        %add3A_792 = arith.addi %broadcast_in_dim3A_11, %add3A_791 : vector<16xi32>
        %gather3A_793 = tpu.vector_load_idx %arg24[%add3A_792] : memref<80xf32, #tpu.memory_space<vmem>>[vector<16xi32>], vector<16xf32>,
        %get3A_794 = arith.index_cast %mul3A_769 : i32 to index
        %get3A_795 = arith.constant 0 : index
        %get3A_796 = tpu.vector_load %arg18[%get3A_794, %get3A_795] {strides = array<i32>} : memref<80x96xf32, #tpu.memory_space<vmem>>, vector<16xf32>,
        %mul3A_797 = arith.mulf %get3A_796, %gather3A_784 : vector<16xf32>
        %swap3A_798 = arith.index_cast %mul3A_769 : i32 to index
        %swap3A_799 = arith.constant 0 : index
        %swap3A_800 = tpu.vector_load %arg18[%swap3A_798, %swap3A_799] {strides = array<i32>} : memref<80x96xf32, #tpu.memory_space<vmem>>, vector<16xf32>,
        tpu.vector_store %arg18[%swap3A_798, %swap3A_799], %mul3A_797 {strides = array<i32>} : memref<80x96xf32, #tpu.memory_space<vmem>>, vector<16xf32>,
        %get3A_801 = arith.index_cast %add3A_773 : i32 to index
        %get3A_802 = arith.constant 0 : index
        %get3A_803 = tpu.vector_load %arg18[%get3A_801, %get3A_802] {strides = array<i32>} : memref<80x96xf32, #tpu.memory_space<vmem>>, vector<16xf32>,
        %mul3A_804 = arith.mulf %get3A_803, %gather3A_787 : vector<16xf32>
        %swap3A_805 = arith.index_cast %add3A_773 : i32 to index
        %swap3A_806 = arith.constant 0 : index
        %swap3A_807 = tpu.vector_load %arg18[%swap3A_805, %swap3A_806] {strides = array<i32>} : memref<80x96xf32, #tpu.memory_space<vmem>>, vector<16xf32>,
        tpu.vector_store %arg18[%swap3A_805, %swap3A_806], %mul3A_804 {strides = array<i32>} : memref<80x96xf32, #tpu.memory_space<vmem>>, vector<16xf32>,
        %get3A_808 = arith.index_cast %add3A_777 : i32 to index
        %get3A_809 = arith.constant 0 : index
        %get3A_810 = tpu.vector_load %arg18[%get3A_808, %get3A_809] {strides = array<i32>} : memref<80x96xf32, #tpu.memory_space<vmem>>, vector<16xf32>,
        %mul3A_811 = arith.mulf %get3A_810, %gather3A_790 : vector<16xf32>
        %swap3A_812 = arith.index_cast %add3A_777 : i32 to index
        %swap3A_813 = arith.constant 0 : index
        %swap3A_814 = tpu.vector_load %arg18[%swap3A_812, %swap3A_813] {strides = array<i32>} : memref<80x96xf32, #tpu.memory_space<vmem>>, vector<16xf32>,
        tpu.vector_store %arg18[%swap3A_812, %swap3A_813], %mul3A_811 {strides = array<i32>} : memref<80x96xf32, #tpu.memory_space<vmem>>, vector<16xf32>,
        %get3A_815 = arith.index_cast %add3A_781 : i32 to index
        %get3A_816 = arith.constant 0 : index
        %get3A_817 = tpu.vector_load %arg18[%get3A_815, %get3A_816] {strides = array<i32>} : memref<80x96xf32, #tpu.memory_space<vmem>>, vector<16xf32>,
        %mul3A_818 = arith.mulf %get3A_817, %gather3A_793 : vector<16xf32>
        %swap3A_819 = arith.index_cast %add3A_781 : i32 to index
        %swap3A_820 = arith.constant 0 : index
        %swap3A_821 = tpu.vector_load %arg18[%swap3A_819, %swap3A_820] {strides = array<i32>} : memref<80x96xf32, #tpu.memory_space<vmem>>, vector<16xf32>,
        tpu.vector_store %arg18[%swap3A_819, %swap3A_820], %mul3A_818 {strides = array<i32>} : memref<80x96xf32, #tpu.memory_space<vmem>>, vector<16xf32>,
        %get3A_822 = arith.index_cast %mul3A_769 : i32 to index
        %get3A_823 = arith.constant 16 : index
        %get3A_824 = tpu.vector_load %arg18[%get3A_822, %get3A_823] {strides = array<i32>} : memref<80x96xf32, #tpu.memory_space<vmem>>, vector<16xf32>,
        %mul3A_825 = arith.mulf %get3A_824, %gather3A_784 : vector<16xf32>
        %swap3A_826 = arith.index_cast %mul3A_769 : i32 to index
        %swap3A_827 = arith.constant 16 : index
        %swap3A_828 = tpu.vector_load %arg18[%swap3A_826, %swap3A_827] {strides = array<i32>} : memref<80x96xf32, #tpu.memory_space<vmem>>, vector<16xf32>,
        tpu.vector_store %arg18[%swap3A_826, %swap3A_827], %mul3A_825 {strides = array<i32>} : memref<80x96xf32, #tpu.memory_space<vmem>>, vector<16xf32>,
        %get3A_829 = arith.index_cast %add3A_773 : i32 to index
        %get3A_830 = arith.constant 16 : index
        %get3A_831 = tpu.vector_load %arg18[%get3A_829, %get3A_830] {strides = array<i32>} : memref<80x96xf32, #tpu.memory_space<vmem>>, vector<16xf32>,
        %mul3A_832 = arith.mulf %get3A_831, %gather3A_787 : vector<16xf32>
        %swap3A_833 = arith.index_cast %add3A_773 : i32 to index
        %swap3A_834 = arith.constant 16 : index
        %swap3A_835 = tpu.vector_load %arg18[%swap3A_833, %swap3A_834] {strides = array<i32>} : memref<80x96xf32, #tpu.memory_space<vmem>>, vector<16xf32>,
        tpu.vector_store %arg18[%swap3A_833, %swap3A_834], %mul3A_832 {strides = array<i32>} : memref<80x96xf32, #tpu.memory_space<vmem>>, vector<16xf32>,
        %get3A_836 = arith.index_cast %add3A_777 : i32 to index
        %get3A_837 = arith.constant 16 : index
        %get3A_838 = tpu.vector_load %arg18[%get3A_836, %get3A_837] {strides = array<i32>} : memref<80x96xf32, #tpu.memory_space<vmem>>, vector<16xf32>,
        %mul3A_839 = arith.mulf %get3A_838, %gather3A_790 : vector<16xf32>
        %swap3A_840 = arith.index_cast %add3A_777 : i32 to index
        %swap3A_841 = arith.constant 16 : index
        %swap3A_842 = tpu.vector_load %arg18[%swap3A_840, %swap3A_841] {strides = array<i32>} : memref<80x96xf32, #tpu.memory_space<vmem>>, vector<16xf32>,
        tpu.vector_store %arg18[%swap3A_840, %swap3A_841], %mul3A_839 {strides = array<i32>} : memref<80x96xf32, #tpu.memory_space<vmem>>, vector<16xf32>,
        %get3A_843 = arith.index_cast %add3A_781 : i32 to index
        %get3A_844 = arith.constant 16 : index
        %get3A_845 = tpu.vector_load %arg18[%get3A_843, %get3A_844] {strides = array<i32>} : memref<80x96xf32, #tpu.memory_space<vmem>>, vector<16xf32>,
        %mul3A_846 = arith.mulf %get3A_845, %gather3A_793 : vector<16xf32>
        %swap3A_847 = arith.index_cast %add3A_781 : i32 to index
        %swap3A_848 = arith.constant 16 : index
        %swap3A_849 = tpu.vector_load %arg18[%swap3A_847, %swap3A_848] {strides = array<i32>} : memref<80x96xf32, #tpu.memory_space<vmem>>, vector<16xf32>,
        tpu.vector_store %arg18[%swap3A_847, %swap3A_848], %mul3A_846 {strides = array<i32>} : memref<80x96xf32, #tpu.memory_space<vmem>>, vector<16xf32>,
        %get3A_850 = arith.index_cast %mul3A_769 : i32 to index
        %get3A_851 = arith.constant 32 : index
        %get3A_852 = tpu.vector_load %arg18[%get3A_850, %get3A_851] {strides = array<i32>} : memref<80x96xf32, #tpu.memory_space<vmem>>, vector<16xf32>,
        %mul3A_853 = arith.mulf %get3A_852, %gather3A_784 : vector<16xf32>
        %swap3A_854 = arith.index_cast %mul3A_769 : i32 to index
        %swap3A_855 = arith.constant 32 : index
        %swap3A_856 = tpu.vector_load %arg18[%swap3A_854, %swap3A_855] {strides = array<i32>} : memref<80x96xf32, #tpu.memory_space<vmem>>, vector<16xf32>,
        tpu.vector_store %arg18[%swap3A_854, %swap3A_855], %mul3A_853 {strides = array<i32>} : memref<80x96xf32, #tpu.memory_space<vmem>>, vector<16xf32>,
        %get3A_857 = arith.index_cast %add3A_773 : i32 to index
        %get3A_858 = arith.constant 32 : index
        %get3A_859 = tpu.vector_load %arg18[%get3A_857, %get3A_858] {strides = array<i32>} : memref<80x96xf32, #tpu.memory_space<vmem>>, vector<16xf32>,
        %mul3A_860 = arith.mulf %get3A_859, %gather3A_787 : vector<16xf32>
        %swap3A_861 = arith.index_cast %add3A_773 : i32 to index
        %swap3A_862 = arith.constant 32 : index
        %swap3A_863 = tpu.vector_load %arg18[%swap3A_861, %swap3A_862] {strides = array<i32>} : memref<80x96xf32, #tpu.memory_space<vmem>>, vector<16xf32>,
        tpu.vector_store %arg18[%swap3A_861, %swap3A_862], %mul3A_860 {strides = array<i32>} : memref<80x96xf32, #tpu.memory_space<vmem>>, vector<16xf32>,
        %get3A_864 = arith.index_cast %add3A_777 : i32 to index
        %get3A_865 = arith.constant 32 : index
        %get3A_866 = tpu.vector_load %arg18[%get3A_864, %get3A_865] {strides = array<i32>} : memref<80x96xf32, #tpu.memory_space<vmem>>, vector<16xf32>,
        %mul3A_867 = arith.mulf %get3A_866, %gather3A_790 : vector<16xf32>
        %swap3A_868 = arith.index_cast %add3A_777 : i32 to index
        %swap3A_869 = arith.constant 32 : index
        %swap3A_870 = tpu.vector_load %arg18[%swap3A_868, %swap3A_869] {strides = array<i32>} : memref<80x96xf32, #tpu.memory_space<vmem>>, vector<16xf32>,
        tpu.vector_store %arg18[%swap3A_868, %swap3A_869], %mul3A_867 {strides = array<i32>} : memref<80x96xf32, #tpu.memory_space<vmem>>, vector<16xf32>,
        %get3A_871 = arith.index_cast %add3A_781 : i32 to index
        %get3A_872 = arith.constant 32 : index
        %get3A_873 = tpu.vector_load %arg18[%get3A_871, %get3A_872] {strides = array<i32>} : memref<80x96xf32, #tpu.memory_space<vmem>>, vector<16xf32>,
        %mul3A_874 = arith.mulf %get3A_873, %gather3A_793 : vector<16xf32>
        %swap3A_875 = arith.index_cast %add3A_781 : i32 to index
        %swap3A_876 = arith.constant 32 : index
        %swap3A_877 = tpu.vector_load %arg18[%swap3A_875, %swap3A_876] {strides = array<i32>} : memref<80x96xf32, #tpu.memory_space<vmem>>, vector<16xf32>,
        tpu.vector_store %arg18[%swap3A_875, %swap3A_876], %mul3A_874 {strides = array<i32>} : memref<80x96xf32, #tpu.memory_space<vmem>>, vector<16xf32>,
        %get3A_878 = arith.index_cast %mul3A_769 : i32 to index
        %get3A_879 = arith.constant 48 : index
        %get3A_880 = tpu.vector_load %arg18[%get3A_878, %get3A_879] {strides = array<i32>} : memref<80x96xf32, #tpu.memory_space<vmem>>, vector<16xf32>,
        %mul3A_881 = arith.mulf %get3A_880, %gather3A_784 : vector<16xf32>
        %swap3A_882 = arith.index_cast %mul3A_769 : i32 to index
        %swap3A_883 = arith.constant 48 : index
        %swap3A_884 = tpu.vector_load %arg18[%swap3A_882, %swap3A_883] {strides = array<i32>} : memref<80x96xf32, #tpu.memory_space<vmem>>, vector<16xf32>,
        tpu.vector_store %arg18[%swap3A_882, %swap3A_883], %mul3A_881 {strides = array<i32>} : memref<80x96xf32, #tpu.memory_space<vmem>>, vector<16xf32>,
        %get3A_885 = arith.index_cast %add3A_773 : i32 to index
        %get3A_886 = arith.constant 48 : index
        %get3A_887 = tpu.vector_load %arg18[%get3A_885, %get3A_886] {strides = array<i32>} : memref<80x96xf32, #tpu.memory_space<vmem>>, vector<16xf32>,
        %mul3A_888 = arith.mulf %get3A_887, %gather3A_787 : vector<16xf32>
        %swap3A_889 = arith.index_cast %add3A_773 : i32 to index
        %swap3A_890 = arith.constant 48 : index
        %swap3A_891 = tpu.vector_load %arg18[%swap3A_889, %swap3A_890] {strides = array<i32>} : memref<80x96xf32, #tpu.memory_space<vmem>>, vector<16xf32>,
        tpu.vector_store %arg18[%swap3A_889, %swap3A_890], %mul3A_888 {strides = array<i32>} : memref<80x96xf32, #tpu.memory_space<vmem>>, vector<16xf32>,
        %get3A_892 = arith.index_cast %add3A_777 : i32 to index
        %get3A_893 = arith.constant 48 : index
        %get3A_894 = tpu.vector_load %arg18[%get3A_892, %get3A_893] {strides = array<i32>} : memref<80x96xf32, #tpu.memory_space<vmem>>, vector<16xf32>,
        %mul3A_895 = arith.mulf %get3A_894, %gather3A_790 : vector<16xf32>
        %swap3A_896 = arith.index_cast %add3A_777 : i32 to index
        %swap3A_897 = arith.constant 48 : index
        %swap3A_898 = tpu.vector_load %arg18[%swap3A_896, %swap3A_897] {strides = array<i32>} : memref<80x96xf32, #tpu.memory_space<vmem>>, vector<16xf32>,
        tpu.vector_store %arg18[%swap3A_896, %swap3A_897], %mul3A_895 {strides = array<i32>} : memref<80x96xf32, #tpu.memory_space<vmem>>, vector<16xf32>,
        %get3A_899 = arith.index_cast %add3A_781 : i32 to index
        %get3A_900 = arith.constant 48 : index
        %get3A_901 = tpu.vector_load %arg18[%get3A_899, %get3A_900] {strides = array<i32>} : memref<80x96xf32, #tpu.memory_space<vmem>>, vector<16xf32>,
        %mul3A_902 = arith.mulf %get3A_901, %gather3A_793 : vector<16xf32>
        %swap3A_903 = arith.index_cast %add3A_781 : i32 to index
        %swap3A_904 = arith.constant 48 : index
        %swap3A_905 = tpu.vector_load %arg18[%swap3A_903, %swap3A_904] {strides = array<i32>} : memref<80x96xf32, #tpu.memory_space<vmem>>, vector<16xf32>,
        tpu.vector_store %arg18[%swap3A_903, %swap3A_904], %mul3A_902 {strides = array<i32>} : memref<80x96xf32, #tpu.memory_space<vmem>>, vector<16xf32>,
        %get3A_906 = arith.index_cast %mul3A_769 : i32 to index
        %get3A_907 = arith.constant 64 : index
        %get3A_908 = tpu.vector_load %arg18[%get3A_906, %get3A_907] {strides = array<i32>} : memref<80x96xf32, #tpu.memory_space<vmem>>, vector<16xf32>,
        %mul3A_909 = arith.mulf %get3A_908, %gather3A_784 : vector<16xf32>
        %swap3A_910 = arith.index_cast %mul3A_769 : i32 to index
        %swap3A_911 = arith.constant 64 : index
        %swap3A_912 = tpu.vector_load %arg18[%swap3A_910, %swap3A_911] {strides = array<i32>} : memref<80x96xf32, #tpu.memory_space<vmem>>, vector<16xf32>,
        tpu.vector_store %arg18[%swap3A_910, %swap3A_911], %mul3A_909 {strides = array<i32>} : memref<80x96xf32, #tpu.memory_space<vmem>>, vector<16xf32>,
        %get3A_913 = arith.index_cast %add3A_773 : i32 to index
        %get3A_914 = arith.constant 64 : index
        %get3A_915 = tpu.vector_load %arg18[%get3A_913, %get3A_914] {strides = array<i32>} : memref<80x96xf32, #tpu.memory_space<vmem>>, vector<16xf32>,
        %mul3A_916 = arith.mulf %get3A_915, %gather3A_787 : vector<16xf32>
        %swap3A_917 = arith.index_cast %add3A_773 : i32 to index
        %swap3A_918 = arith.constant 64 : index
        %swap3A_919 = tpu.vector_load %arg18[%swap3A_917, %swap3A_918] {strides = array<i32>} : memref<80x96xf32, #tpu.memory_space<vmem>>, vector<16xf32>,
        tpu.vector_store %arg18[%swap3A_917, %swap3A_918], %mul3A_916 {strides = array<i32>} : memref<80x96xf32, #tpu.memory_space<vmem>>, vector<16xf32>,
        %get3A_920 = arith.index_cast %add3A_777 : i32 to index
        %get3A_921 = arith.constant 64 : index
        %get3A_922 = tpu.vector_load %arg18[%get3A_920, %get3A_921] {strides = array<i32>} : memref<80x96xf32, #tpu.memory_space<vmem>>, vector<16xf32>,
        %mul3A_923 = arith.mulf %get3A_922, %gather3A_790 : vector<16xf32>
        %swap3A_924 = arith.index_cast %add3A_777 : i32 to index
        %swap3A_925 = arith.constant 64 : index
        %swap3A_926 = tpu.vector_load %arg18[%swap3A_924, %swap3A_925] {strides = array<i32>} : memref<80x96xf32, #tpu.memory_space<vmem>>, vector<16xf32>,
        tpu.vector_store %arg18[%swap3A_924, %swap3A_925], %mul3A_923 {strides = array<i32>} : memref<80x96xf32, #tpu.memory_space<vmem>>, vector<16xf32>,
        %get3A_927 = arith.index_cast %add3A_781 : i32 to index
        %get3A_928 = arith.constant 64 : index
        %get3A_929 = tpu.vector_load %arg18[%get3A_927, %get3A_928] {strides = array<i32>} : memref<80x96xf32, #tpu.memory_space<vmem>>, vector<16xf32>,
        %mul3A_930 = arith.mulf %get3A_929, %gather3A_793 : vector<16xf32>
        %swap3A_931 = arith.index_cast %add3A_781 : i32 to index
        %swap3A_932 = arith.constant 64 : index
        %swap3A_933 = tpu.vector_load %arg18[%swap3A_931, %swap3A_932] {strides = array<i32>} : memref<80x96xf32, #tpu.memory_space<vmem>>, vector<16xf32>,
        tpu.vector_store %arg18[%swap3A_931, %swap3A_932], %mul3A_930 {strides = array<i32>} : memref<80x96xf32, #tpu.memory_space<vmem>>, vector<16xf32>,
        %get3A_934 = arith.index_cast %mul3A_769 : i32 to index
        %get3A_935 = arith.constant 80 : index
        %get3A_936 = tpu.vector_load %arg18[%get3A_934, %get3A_935] {strides = array<i32>} : memref<80x96xf32, #tpu.memory_space<vmem>>, vector<16xf32>,
        %mul3A_937 = arith.mulf %get3A_936, %gather3A_784 : vector<16xf32>
        %swap3A_938 = arith.index_cast %mul3A_769 : i32 to index
        %swap3A_939 = arith.constant 80 : index
        %swap3A_940 = tpu.vector_load %arg18[%swap3A_938, %swap3A_939] {strides = array<i32>} : memref<80x96xf32, #tpu.memory_space<vmem>>, vector<16xf32>,
        tpu.vector_store %arg18[%swap3A_938, %swap3A_939], %mul3A_937 {strides = array<i32>} : memref<80x96xf32, #tpu.memory_space<vmem>>, vector<16xf32>,
        %get3A_941 = arith.index_cast %add3A_773 : i32 to index
        %get3A_942 = arith.constant 80 : index
        %get3A_943 = tpu.vector_load %arg18[%get3A_941, %get3A_942] {strides = array<i32>} : memref<80x96xf32, #tpu.memory_space<vmem>>, vector<16xf32>,
        %mul3A_944 = arith.mulf %get3A_943, %gather3A_787 : vector<16xf32>
        %swap3A_945 = arith.index_cast %add3A_773 : i32 to index
        %swap3A_946 = arith.constant 80 : index
        %swap3A_947 = tpu.vector_load %arg18[%swap3A_945, %swap3A_946] {strides = array<i32>} : memref<80x96xf32, #tpu.memory_space<vmem>>, vector<16xf32>,
        tpu.vector_store %arg18[%swap3A_945, %swap3A_946], %mul3A_944 {strides = array<i32>} : memref<80x96xf32, #tpu.memory_space<vmem>>, vector<16xf32>,
        %get3A_948 = arith.index_cast %add3A_777 : i32 to index
        %get3A_949 = arith.constant 80 : index
        %get3A_950 = tpu.vector_load %arg18[%get3A_948, %get3A_949] {strides = array<i32>} : memref<80x96xf32, #tpu.memory_space<vmem>>, vector<16xf32>,
        %mul3A_951 = arith.mulf %get3A_950, %gather3A_790 : vector<16xf32>
        %swap3A_952 = arith.index_cast %add3A_777 : i32 to index
        %swap3A_953 = arith.constant 80 : index
        %swap3A_954 = tpu.vector_load %arg18[%swap3A_952, %swap3A_953] {strides = array<i32>} : memref<80x96xf32, #tpu.memory_space<vmem>>, vector<16xf32>,
        tpu.vector_store %arg18[%swap3A_952, %swap3A_953], %mul3A_951 {strides = array<i32>} : memref<80x96xf32, #tpu.memory_space<vmem>>, vector<16xf32>,
        %get3A_955 = arith.index_cast %add3A_781 : i32 to index
        %get3A_956 = arith.constant 80 : index
        %get3A_957 = tpu.vector_load %arg18[%get3A_955, %get3A_956] {strides = array<i32>} : memref<80x96xf32, #tpu.memory_space<vmem>>, vector<16xf32>,
        %mul3A_958 = arith.mulf %get3A_957, %gather3A_793 : vector<16xf32>
        %swap3A_959 = arith.index_cast %add3A_781 : i32 to index
        %swap3A_960 = arith.constant 80 : index
        %swap3A_961 = tpu.vector_load %arg18[%swap3A_959, %swap3A_960] {strides = array<i32>} : memref<80x96xf32, #tpu.memory_space<vmem>>, vector<16xf32>,
        tpu.vector_store %arg18[%swap3A_959, %swap3A_960], %mul3A_958 {strides = array<i32>} : memref<80x96xf32, #tpu.memory_space<vmem>>, vector<16xf32>,
        %mul3A_962 = arith.mulf %gather3A_784, %convert_element_type3A_4 : vector<16xf32>
        %add3A_963 = arith.addf %mul3A_962, %convert_element_type3A_9 : vector<16xf32>
        %swap3A_964 = arith.index_cast %mul3A_769 : i32 to index
        %swap3A_965 = arith.constant 0 : index
        %swap3A_966 = tpu.vector_load %arg21[%swap3A_964, %swap3A_965] {strides = array<i32>} : memref<80x16xf32, #tpu.memory_space<vmem>>, vector<16xf32>,
        tpu.vector_store %arg21[%swap3A_964, %swap3A_965], %add3A_963 {strides = array<i32>} : memref<80x16xf32, #tpu.memory_space<vmem>>, vector<16xf32>,
        %mul3A_967 = arith.mulf %gather3A_787, %convert_element_type3A_4 : vector<16xf32>
        %add3A_968 = arith.addf %mul3A_967, %convert_element_type3A_9 : vector<16xf32>
        %swap3A_969 = arith.index_cast %add3A_773 : i32 to index
        %swap3A_970 = arith.constant 0 : index
        %swap3A_971 = tpu.vector_load %arg21[%swap3A_969, %swap3A_970] {strides = array<i32>} : memref<80x16xf32, #tpu.memory_space<vmem>>, vector<16xf32>,
        tpu.vector_store %arg21[%swap3A_969, %swap3A_970], %add3A_968 {strides = array<i32>} : memref<80x16xf32, #tpu.memory_space<vmem>>, vector<16xf32>,
        %mul3A_972 = arith.mulf %gather3A_790, %convert_element_type3A_4 : vector<16xf32>
        %add3A_973 = arith.addf %mul3A_972, %convert_element_type3A_9 : vector<16xf32>
        %swap3A_974 = arith.index_cast %add3A_777 : i32 to index
        %swap3A_975 = arith.constant 0 : index
        %swap3A_976 = tpu.vector_load %arg21[%swap3A_974, %swap3A_975] {strides = array<i32>} : memref<80x16xf32, #tpu.memory_space<vmem>>, vector<16xf32>,
        tpu.vector_store %arg21[%swap3A_974, %swap3A_975], %add3A_973 {strides = array<i32>} : memref<80x16xf32, #tpu.memory_space<vmem>>, vector<16xf32>,
        %mul3A_977 = arith.mulf %gather3A_793, %convert_element_type3A_4 : vector<16xf32>
        %add3A_978 = arith.addf %mul3A_977, %convert_element_type3A_9 : vector<16xf32>
        %swap3A_979 = arith.index_cast %add3A_781 : i32 to index
        %swap3A_980 = arith.constant 0 : index
        %swap3A_981 = tpu.vector_load %arg21[%swap3A_979, %swap3A_980] {strides = array<i32>} : memref<80x16xf32, #tpu.memory_space<vmem>>, vector<16xf32>,
        tpu.vector_store %arg21[%swap3A_979, %swap3A_980], %add3A_978 {strides = array<i32>} : memref<80x16xf32, #tpu.memory_space<vmem>>, vector<16xf32>,
        %scan3A_982 = arith.constant 0 : i32
        scf.yield %scan3A_982 : i32
      }
      %scan3A_459 = arith.constant 20 : i32
      %dma_start3A_460 = arith.constant 0 : i32
      %dma_start3A_461 = arith.constant 0 : i32
      %dma_start3A_462 = tpu.memref_slice %arg27[%dma_start3A_460, %dma_start3A_461] : memref<10240x96xf32, #tpu.memory_space<vmem_shared>> -> memref<10240x96xf32, #tpu.memory_space<vmem_shared>>
      tpu.enqueue_indirect_dma source(%arg18 : memref<80x96xf32, #tpu.memory_space<vmem>>) target(%dma_start3A_462 : memref<10240x96xf32, #tpu.memory_space<vmem_shared>>) offsets(%arg15 : memref<80xi32, #tpu.memory_space<vmem>>) semaphore(%arg35 : memref<!tpu.dma_semaphore, #tpu.memory_space<semaphore_mem>>) {add = true}
      %dma_start3A_463 = arith.constant 0 : i32
      %dma_start3A_464 = arith.constant 0 : i32
      %dma_start3A_465 = tpu.memref_slice %arg28[%dma_start3A_463, %dma_start3A_464] : memref<10240x16xf32, #tpu.memory_space<vmem_shared>> -> memref<10240x16xf32, #tpu.memory_space<vmem_shared>>
      tpu.enqueue_indirect_dma source(%arg21 : memref<80x16xf32, #tpu.memory_space<vmem>>) target(%dma_start3A_465 : memref<10240x16xf32, #tpu.memory_space<vmem_shared>>) offsets(%arg15 : memref<80xi32, #tpu.memory_space<vmem>>) semaphore(%arg36 : memref<!tpu.dma_semaphore, #tpu.memory_space<semaphore_mem>>) {add = true}
      %mul3A_466 = arith.constant 80 : i32
      %mul3A_467 = arith.muli %add3A_332, %mul3A_466 : i32
      %dma_wait3A_468 = tpu.memref_slice %arg11[%mul3A_467] : memref<10000xi32, #tpu.memory_space<vmem>> -> memref<80xi32, #tpu.memory_space<vmem>>
      %dma_wait3A_469 = arith.constant 0 : i32
      %dma_wait3A_470 = arith.constant 0 : i32
      %dma_wait3A_471 = tpu.memref_slice %arg6[%dma_wait3A_469, %dma_wait3A_470] : memref<10000x96xf32, #tpu.memory_space<hbm>> -> memref<10000x96xf32, #tpu.memory_space<hbm>>
      tpu.wait_indirect_dma semaphore(%arg30 : memref<!tpu.dma_semaphore, #tpu.memory_space<semaphore_mem>>) src(%dma_wait3A_471 : memref<10000x96xf32, #tpu.memory_space<hbm>>) dst(%arg19 : memref<80x96xf32, #tpu.memory_space<vmem>>)
      %mul3A_472 = arith.constant 80 : i32
      %mul3A_473 = arith.muli %add3A_332, %mul3A_472 : i32
      %add3A_474 = arith.addi %mul3A_53, %mul3A_473 : i32
      %dma_wait3A_475 = tpu.memref_slice %arg3[%add3A_474] : memref<320000xi32, #tpu.memory_space<hbm>> -> memref<80xi32, #tpu.memory_space<hbm>>
      %dma_wait3A_476 = tpu.memref_slice %arg3[%add3A_474] : memref<320000xi32, #tpu.memory_space<hbm>> -> memref<80xi32, #tpu.memory_space<hbm>>
      tpu.wait_dma2 semaphore(%arg33 : memref<!tpu.dma_semaphore, #tpu.memory_space<semaphore_mem>>) src(%dma_wait3A_476 : memref<80xi32, #tpu.memory_space<hbm>>) dst(%arg13 : memref<80xi32, #tpu.memory_space<vmem>>)
      %mul3A_477 = arith.constant 80 : i32
      %mul3A_478 = arith.muli %add3A_332, %mul3A_477 : i32
      %add3A_479 = arith.constant 0 : i32
      %add3A_480 = arith.addi %mul3A_478, %add3A_479 : i32
      %get3A_481 = arith.index_cast %add3A_480 : i32 to index
      %get3A_482 = tpu.vector_load %arg11[%get3A_481] {strides = array<i32>} : memref<10000xi32, #tpu.memory_space<vmem>>, vector<16xi32>,
      %get3A_483 = arith.constant 0 : index
      %get3A_484 = tpu.vector_load %arg13[%get3A_483] {strides = array<i32>} : memref<80xi32, #tpu.memory_space<vmem>>, vector<16xi32>,
      %gather3A_485 = tpu.vector_load_idx %arg9[%get3A_482] : memref<10000xf32, #tpu.memory_space<vmem>>[vector<16xi32>], vector<16xf32>,
      %gather3A_486 = tpu.vector_load_idx %arg10[%get3A_484] : memref<10000xf32, #tpu.memory_space<vmem>>[vector<16xi32>], vector<16xf32>,
      %add3A_487 = arith.addf %gather3A_485, %gather3A_486 : vector<16xf32>
      %ge3A_488 = arith.constant 0.000000e+00 : f32
      %ge3A_489 = vector.broadcast %ge3A_488 : f32 to vector<16xf32>
      %ge3A_490 = arith.cmpf oge, %add3A_487, %ge3A_489 : vector<16xf32>
      %mul3A_491 = arith.constant 2.000000e-01 : f32
      %mul3A_492 = vector.broadcast %mul3A_491 : f32 to vector<16xf32>
      %mul3A_493 = arith.mulf %add3A_487, %mul3A_492 : vector<16xf32>
      %select_n3A_494 = arith.select %ge3A_490, %add3A_487, %mul3A_493 : vector<16xi1>, vector<16xf32>
      %exp3A_495 = math.exp %select_n3A_494 : vector<16xf32>
      %swap3A_496 = arith.constant 0 : index
      %swap3A_497 = tpu.vector_load %arg25[%swap3A_496] {strides = array<i32>} : memref<80xf32, #tpu.memory_space<vmem>>, vector<16xf32>,
      tpu.vector_store %arg25[%swap3A_496], %exp3A_495 {strides = array<i32>} : memref<80xf32, #tpu.memory_space<vmem>>, vector<16xf32>,
      %swap3A_498 = arith.constant 0 : index
      %swap3A_499 = tpu.vector_load %arg16[%swap3A_498] {strides = array<i32>} : memref<80xi32, #tpu.memory_space<vmem>>, vector<16xi32>,
      tpu.vector_store %arg16[%swap3A_498], %get3A_484 {strides = array<i32>} : memref<80xi32, #tpu.memory_space<vmem>>, vector<16xi32>,
      %add3A_500 = arith.constant 16 : i32
      %add3A_501 = arith.addi %mul3A_478, %add3A_500 : i32
      %get3A_502 = arith.index_cast %add3A_501 : i32 to index
      %get3A_503 = tpu.vector_load %arg11[%get3A_502] {strides = array<i32>} : memref<10000xi32, #tpu.memory_space<vmem>>, vector<16xi32>,
      %get3A_504 = arith.constant 16 : index
      %get3A_505 = tpu.vector_load %arg13[%get3A_504] {strides = array<i32>} : memref<80xi32, #tpu.memory_space<vmem>>, vector<16xi32>,
      %gather3A_506 = tpu.vector_load_idx %arg9[%get3A_503] : memref<10000xf32, #tpu.memory_space<vmem>>[vector<16xi32>], vector<16xf32>,
      %gather3A_507 = tpu.vector_load_idx %arg10[%get3A_505] : memref<10000xf32, #tpu.memory_space<vmem>>[vector<16xi32>], vector<16xf32>,
      %add3A_508 = arith.addf %gather3A_506, %gather3A_507 : vector<16xf32>
      %ge3A_509 = arith.constant 0.000000e+00 : f32
      %ge3A_510 = vector.broadcast %ge3A_509 : f32 to vector<16xf32>
      %ge3A_511 = arith.cmpf oge, %add3A_508, %ge3A_510 : vector<16xf32>
      %mul3A_512 = arith.constant 2.000000e-01 : f32
      %mul3A_513 = vector.broadcast %mul3A_512 : f32 to vector<16xf32>
      %mul3A_514 = arith.mulf %add3A_508, %mul3A_513 : vector<16xf32>
      %select_n3A_515 = arith.select %ge3A_511, %add3A_508, %mul3A_514 : vector<16xi1>, vector<16xf32>
      %exp3A_516 = math.exp %select_n3A_515 : vector<16xf32>
      %swap3A_517 = arith.constant 16 : index
      %swap3A_518 = tpu.vector_load %arg25[%swap3A_517] {strides = array<i32>} : memref<80xf32, #tpu.memory_space<vmem>>, vector<16xf32>,
      tpu.vector_store %arg25[%swap3A_517], %exp3A_516 {strides = array<i32>} : memref<80xf32, #tpu.memory_space<vmem>>, vector<16xf32>,
      %swap3A_519 = arith.constant 16 : index
      %swap3A_520 = tpu.vector_load %arg16[%swap3A_519] {strides = array<i32>} : memref<80xi32, #tpu.memory_space<vmem>>, vector<16xi32>,
      tpu.vector_store %arg16[%swap3A_519], %get3A_505 {strides = array<i32>} : memref<80xi32, #tpu.memory_space<vmem>>, vector<16xi32>,
      %add3A_521 = arith.constant 32 : i32
      %add3A_522 = arith.addi %mul3A_478, %add3A_521 : i32
      %get3A_523 = arith.index_cast %add3A_522 : i32 to index
      %get3A_524 = tpu.vector_load %arg11[%get3A_523] {strides = array<i32>} : memref<10000xi32, #tpu.memory_space<vmem>>, vector<16xi32>,
      %get3A_525 = arith.constant 32 : index
      %get3A_526 = tpu.vector_load %arg13[%get3A_525] {strides = array<i32>} : memref<80xi32, #tpu.memory_space<vmem>>, vector<16xi32>,
      %gather3A_527 = tpu.vector_load_idx %arg9[%get3A_524] : memref<10000xf32, #tpu.memory_space<vmem>>[vector<16xi32>], vector<16xf32>,
      %gather3A_528 = tpu.vector_load_idx %arg10[%get3A_526] : memref<10000xf32, #tpu.memory_space<vmem>>[vector<16xi32>], vector<16xf32>,
      %add3A_529 = arith.addf %gather3A_527, %gather3A_528 : vector<16xf32>
      %ge3A_530 = arith.constant 0.000000e+00 : f32
      %ge3A_531 = vector.broadcast %ge3A_530 : f32 to vector<16xf32>
      %ge3A_532 = arith.cmpf oge, %add3A_529, %ge3A_531 : vector<16xf32>
      %mul3A_533 = arith.constant 2.000000e-01 : f32
      %mul3A_534 = vector.broadcast %mul3A_533 : f32 to vector<16xf32>
      %mul3A_535 = arith.mulf %add3A_529, %mul3A_534 : vector<16xf32>
      %select_n3A_536 = arith.select %ge3A_532, %add3A_529, %mul3A_535 : vector<16xi1>, vector<16xf32>
      %exp3A_537 = math.exp %select_n3A_536 : vector<16xf32>
      %swap3A_538 = arith.constant 32 : index
      %swap3A_539 = tpu.vector_load %arg25[%swap3A_538] {strides = array<i32>} : memref<80xf32, #tpu.memory_space<vmem>>, vector<16xf32>,
      tpu.vector_store %arg25[%swap3A_538], %exp3A_537 {strides = array<i32>} : memref<80xf32, #tpu.memory_space<vmem>>, vector<16xf32>,
      %swap3A_540 = arith.constant 32 : index
      %swap3A_541 = tpu.vector_load %arg16[%swap3A_540] {strides = array<i32>} : memref<80xi32, #tpu.memory_space<vmem>>, vector<16xi32>,
      tpu.vector_store %arg16[%swap3A_540], %get3A_526 {strides = array<i32>} : memref<80xi32, #tpu.memory_space<vmem>>, vector<16xi32>,
      %add3A_542 = arith.constant 48 : i32
      %add3A_543 = arith.addi %mul3A_478, %add3A_542 : i32
      %get3A_544 = arith.index_cast %add3A_543 : i32 to index
      %get3A_545 = tpu.vector_load %arg11[%get3A_544] {strides = array<i32>} : memref<10000xi32, #tpu.memory_space<vmem>>, vector<16xi32>,
      %get3A_546 = arith.constant 48 : index
      %get3A_547 = tpu.vector_load %arg13[%get3A_546] {strides = array<i32>} : memref<80xi32, #tpu.memory_space<vmem>>, vector<16xi32>,
      %gather3A_548 = tpu.vector_load_idx %arg9[%get3A_545] : memref<10000xf32, #tpu.memory_space<vmem>>[vector<16xi32>], vector<16xf32>,
      %gather3A_549 = tpu.vector_load_idx %arg10[%get3A_547] : memref<10000xf32, #tpu.memory_space<vmem>>[vector<16xi32>], vector<16xf32>,
      %add3A_550 = arith.addf %gather3A_548, %gather3A_549 : vector<16xf32>
      %ge3A_551 = arith.constant 0.000000e+00 : f32
      %ge3A_552 = vector.broadcast %ge3A_551 : f32 to vector<16xf32>
      %ge3A_553 = arith.cmpf oge, %add3A_550, %ge3A_552 : vector<16xf32>
      %mul3A_554 = arith.constant 2.000000e-01 : f32
      %mul3A_555 = vector.broadcast %mul3A_554 : f32 to vector<16xf32>
      %mul3A_556 = arith.mulf %add3A_550, %mul3A_555 : vector<16xf32>
      %select_n3A_557 = arith.select %ge3A_553, %add3A_550, %mul3A_556 : vector<16xi1>, vector<16xf32>
      %exp3A_558 = math.exp %select_n3A_557 : vector<16xf32>
      %swap3A_559 = arith.constant 48 : index
      %swap3A_560 = tpu.vector_load %arg25[%swap3A_559] {strides = array<i32>} : memref<80xf32, #tpu.memory_space<vmem>>, vector<16xf32>,
      tpu.vector_store %arg25[%swap3A_559], %exp3A_558 {strides = array<i32>} : memref<80xf32, #tpu.memory_space<vmem>>, vector<16xf32>,
      %swap3A_561 = arith.constant 48 : index
      %swap3A_562 = tpu.vector_load %arg16[%swap3A_561] {strides = array<i32>} : memref<80xi32, #tpu.memory_space<vmem>>, vector<16xi32>,
      tpu.vector_store %arg16[%swap3A_561], %get3A_547 {strides = array<i32>} : memref<80xi32, #tpu.memory_space<vmem>>, vector<16xi32>,
      %add3A_563 = arith.constant 64 : i32
      %add3A_564 = arith.addi %mul3A_478, %add3A_563 : i32
      %get3A_565 = arith.index_cast %add3A_564 : i32 to index
      %get3A_566 = tpu.vector_load %arg11[%get3A_565] {strides = array<i32>} : memref<10000xi32, #tpu.memory_space<vmem>>, vector<16xi32>,
      %get3A_567 = arith.constant 64 : index
      %get3A_568 = tpu.vector_load %arg13[%get3A_567] {strides = array<i32>} : memref<80xi32, #tpu.memory_space<vmem>>, vector<16xi32>,
      %gather3A_569 = tpu.vector_load_idx %arg9[%get3A_566] : memref<10000xf32, #tpu.memory_space<vmem>>[vector<16xi32>], vector<16xf32>,
      %gather3A_570 = tpu.vector_load_idx %arg10[%get3A_568] : memref<10000xf32, #tpu.memory_space<vmem>>[vector<16xi32>], vector<16xf32>,
      %add3A_571 = arith.addf %gather3A_569, %gather3A_570 : vector<16xf32>
      %ge3A_572 = arith.constant 0.000000e+00 : f32
      %ge3A_573 = vector.broadcast %ge3A_572 : f32 to vector<16xf32>
      %ge3A_574 = arith.cmpf oge, %add3A_571, %ge3A_573 : vector<16xf32>
      %mul3A_575 = arith.constant 2.000000e-01 : f32
      %mul3A_576 = vector.broadcast %mul3A_575 : f32 to vector<16xf32>
      %mul3A_577 = arith.mulf %add3A_571, %mul3A_576 : vector<16xf32>
      %select_n3A_578 = arith.select %ge3A_574, %add3A_571, %mul3A_577 : vector<16xi1>, vector<16xf32>
      %exp3A_579 = math.exp %select_n3A_578 : vector<16xf32>
      %swap3A_580 = arith.constant 64 : index
      %swap3A_581 = tpu.vector_load %arg25[%swap3A_580] {strides = array<i32>} : memref<80xf32, #tpu.memory_space<vmem>>, vector<16xf32>,
      tpu.vector_store %arg25[%swap3A_580], %exp3A_579 {strides = array<i32>} : memref<80xf32, #tpu.memory_space<vmem>>, vector<16xf32>,
      %swap3A_582 = arith.constant 64 : index
      %swap3A_583 = tpu.vector_load %arg16[%swap3A_582] {strides = array<i32>} : memref<80xi32, #tpu.memory_space<vmem>>, vector<16xi32>,
      tpu.vector_store %arg16[%swap3A_582], %get3A_568 {strides = array<i32>} : memref<80xi32, #tpu.memory_space<vmem>>, vector<16xi32>,
      %scan3A_584 = arith.constant 0 : i32
      %scan3A_585 = arith.constant 0 : i32
      %scan3A_586 = arith.constant 20 : i32
      %scan3A_587 = arith.addi %scan3A_585, %scan3A_586 : i32
      %scan3A_588 = arith.constant 1 : i32
      %scan3A_589 = scf.for %scan3A_766 = %scan3A_585 to %scan3A_587 step %scan3A_588 iter_args(%scan3A_767 = %scan3A_584) -> (i32)  : i32 {
        %mul3A_768 = arith.constant 4 : i32
        %mul3A_769 = arith.muli %mul3A_768, %scan3A_766 : i32
        %mul3A_770 = arith.constant 4 : i32
        %mul3A_771 = arith.muli %mul3A_770, %scan3A_766 : i32
        %add3A_772 = arith.constant 1 : i32
        %add3A_773 = arith.addi %mul3A_771, %add3A_772 : i32
        %mul3A_774 = arith.constant 4 : i32
        %mul3A_775 = arith.muli %mul3A_774, %scan3A_766 : i32
        %add3A_776 = arith.constant 2 : i32
        %add3A_777 = arith.addi %mul3A_775, %add3A_776 : i32
        %mul3A_778 = arith.constant 4 : i32
        %mul3A_779 = arith.muli %mul3A_778, %scan3A_766 : i32
        %add3A_780 = arith.constant 3 : i32
        %add3A_781 = arith.addi %mul3A_779, %add3A_780 : i32
        %add3A_782 = vector.broadcast %mul3A_769 : i32 to vector<16xi32>
        %add3A_783 = arith.addi %broadcast_in_dim3A_11, %add3A_782 : vector<16xi32>
        %gather3A_784 = tpu.vector_load_idx %arg25[%add3A_783] : memref<80xf32, #tpu.memory_space<vmem>>[vector<16xi32>], vector<16xf32>,
        %add3A_785 = vector.broadcast %add3A_773 : i32 to vector<16xi32>
        %add3A_786 = arith.addi %broadcast_in_dim3A_11, %add3A_785 : vector<16xi32>
        %gather3A_787 = tpu.vector_load_idx %arg25[%add3A_786] : memref<80xf32, #tpu.memory_space<vmem>>[vector<16xi32>], vector<16xf32>,
        %add3A_788 = vector.broadcast %add3A_777 : i32 to vector<16xi32>
        %add3A_789 = arith.addi %broadcast_in_dim3A_11, %add3A_788 : vector<16xi32>
        %gather3A_790 = tpu.vector_load_idx %arg25[%add3A_789] : memref<80xf32, #tpu.memory_space<vmem>>[vector<16xi32>], vector<16xf32>,
        %add3A_791 = vector.broadcast %add3A_781 : i32 to vector<16xi32>
        %add3A_792 = arith.addi %broadcast_in_dim3A_11, %add3A_791 : vector<16xi32>
        %gather3A_793 = tpu.vector_load_idx %arg25[%add3A_792] : memref<80xf32, #tpu.memory_space<vmem>>[vector<16xi32>], vector<16xf32>,
        %get3A_794 = arith.index_cast %mul3A_769 : i32 to index
        %get3A_795 = arith.constant 0 : index
        %get3A_796 = tpu.vector_load %arg19[%get3A_794, %get3A_795] {strides = array<i32>} : memref<80x96xf32, #tpu.memory_space<vmem>>, vector<16xf32>,
        %mul3A_797 = arith.mulf %get3A_796, %gather3A_784 : vector<16xf32>
        %swap3A_798 = arith.index_cast %mul3A_769 : i32 to index
        %swap3A_799 = arith.constant 0 : index
        %swap3A_800 = tpu.vector_load %arg19[%swap3A_798, %swap3A_799] {strides = array<i32>} : memref<80x96xf32, #tpu.memory_space<vmem>>, vector<16xf32>,
        tpu.vector_store %arg19[%swap3A_798, %swap3A_799], %mul3A_797 {strides = array<i32>} : memref<80x96xf32, #tpu.memory_space<vmem>>, vector<16xf32>,
        %get3A_801 = arith.index_cast %add3A_773 : i32 to index
        %get3A_802 = arith.constant 0 : index
        %get3A_803 = tpu.vector_load %arg19[%get3A_801, %get3A_802] {strides = array<i32>} : memref<80x96xf32, #tpu.memory_space<vmem>>, vector<16xf32>,
        %mul3A_804 = arith.mulf %get3A_803, %gather3A_787 : vector<16xf32>
        %swap3A_805 = arith.index_cast %add3A_773 : i32 to index
        %swap3A_806 = arith.constant 0 : index
        %swap3A_807 = tpu.vector_load %arg19[%swap3A_805, %swap3A_806] {strides = array<i32>} : memref<80x96xf32, #tpu.memory_space<vmem>>, vector<16xf32>,
        tpu.vector_store %arg19[%swap3A_805, %swap3A_806], %mul3A_804 {strides = array<i32>} : memref<80x96xf32, #tpu.memory_space<vmem>>, vector<16xf32>,
        %get3A_808 = arith.index_cast %add3A_777 : i32 to index
        %get3A_809 = arith.constant 0 : index
        %get3A_810 = tpu.vector_load %arg19[%get3A_808, %get3A_809] {strides = array<i32>} : memref<80x96xf32, #tpu.memory_space<vmem>>, vector<16xf32>,
        %mul3A_811 = arith.mulf %get3A_810, %gather3A_790 : vector<16xf32>
        %swap3A_812 = arith.index_cast %add3A_777 : i32 to index
        %swap3A_813 = arith.constant 0 : index
        %swap3A_814 = tpu.vector_load %arg19[%swap3A_812, %swap3A_813] {strides = array<i32>} : memref<80x96xf32, #tpu.memory_space<vmem>>, vector<16xf32>,
        tpu.vector_store %arg19[%swap3A_812, %swap3A_813], %mul3A_811 {strides = array<i32>} : memref<80x96xf32, #tpu.memory_space<vmem>>, vector<16xf32>,
        %get3A_815 = arith.index_cast %add3A_781 : i32 to index
        %get3A_816 = arith.constant 0 : index
        %get3A_817 = tpu.vector_load %arg19[%get3A_815, %get3A_816] {strides = array<i32>} : memref<80x96xf32, #tpu.memory_space<vmem>>, vector<16xf32>,
        %mul3A_818 = arith.mulf %get3A_817, %gather3A_793 : vector<16xf32>
        %swap3A_819 = arith.index_cast %add3A_781 : i32 to index
        %swap3A_820 = arith.constant 0 : index
        %swap3A_821 = tpu.vector_load %arg19[%swap3A_819, %swap3A_820] {strides = array<i32>} : memref<80x96xf32, #tpu.memory_space<vmem>>, vector<16xf32>,
        tpu.vector_store %arg19[%swap3A_819, %swap3A_820], %mul3A_818 {strides = array<i32>} : memref<80x96xf32, #tpu.memory_space<vmem>>, vector<16xf32>,
        %get3A_822 = arith.index_cast %mul3A_769 : i32 to index
        %get3A_823 = arith.constant 16 : index
        %get3A_824 = tpu.vector_load %arg19[%get3A_822, %get3A_823] {strides = array<i32>} : memref<80x96xf32, #tpu.memory_space<vmem>>, vector<16xf32>,
        %mul3A_825 = arith.mulf %get3A_824, %gather3A_784 : vector<16xf32>
        %swap3A_826 = arith.index_cast %mul3A_769 : i32 to index
        %swap3A_827 = arith.constant 16 : index
        %swap3A_828 = tpu.vector_load %arg19[%swap3A_826, %swap3A_827] {strides = array<i32>} : memref<80x96xf32, #tpu.memory_space<vmem>>, vector<16xf32>,
        tpu.vector_store %arg19[%swap3A_826, %swap3A_827], %mul3A_825 {strides = array<i32>} : memref<80x96xf32, #tpu.memory_space<vmem>>, vector<16xf32>,
        %get3A_829 = arith.index_cast %add3A_773 : i32 to index
        %get3A_830 = arith.constant 16 : index
        %get3A_831 = tpu.vector_load %arg19[%get3A_829, %get3A_830] {strides = array<i32>} : memref<80x96xf32, #tpu.memory_space<vmem>>, vector<16xf32>,
        %mul3A_832 = arith.mulf %get3A_831, %gather3A_787 : vector<16xf32>
        %swap3A_833 = arith.index_cast %add3A_773 : i32 to index
        %swap3A_834 = arith.constant 16 : index
        %swap3A_835 = tpu.vector_load %arg19[%swap3A_833, %swap3A_834] {strides = array<i32>} : memref<80x96xf32, #tpu.memory_space<vmem>>, vector<16xf32>,
        tpu.vector_store %arg19[%swap3A_833, %swap3A_834], %mul3A_832 {strides = array<i32>} : memref<80x96xf32, #tpu.memory_space<vmem>>, vector<16xf32>,
        %get3A_836 = arith.index_cast %add3A_777 : i32 to index
        %get3A_837 = arith.constant 16 : index
        %get3A_838 = tpu.vector_load %arg19[%get3A_836, %get3A_837] {strides = array<i32>} : memref<80x96xf32, #tpu.memory_space<vmem>>, vector<16xf32>,
        %mul3A_839 = arith.mulf %get3A_838, %gather3A_790 : vector<16xf32>
        %swap3A_840 = arith.index_cast %add3A_777 : i32 to index
        %swap3A_841 = arith.constant 16 : index
        %swap3A_842 = tpu.vector_load %arg19[%swap3A_840, %swap3A_841] {strides = array<i32>} : memref<80x96xf32, #tpu.memory_space<vmem>>, vector<16xf32>,
        tpu.vector_store %arg19[%swap3A_840, %swap3A_841], %mul3A_839 {strides = array<i32>} : memref<80x96xf32, #tpu.memory_space<vmem>>, vector<16xf32>,
        %get3A_843 = arith.index_cast %add3A_781 : i32 to index
        %get3A_844 = arith.constant 16 : index
        %get3A_845 = tpu.vector_load %arg19[%get3A_843, %get3A_844] {strides = array<i32>} : memref<80x96xf32, #tpu.memory_space<vmem>>, vector<16xf32>,
        %mul3A_846 = arith.mulf %get3A_845, %gather3A_793 : vector<16xf32>
        %swap3A_847 = arith.index_cast %add3A_781 : i32 to index
        %swap3A_848 = arith.constant 16 : index
        %swap3A_849 = tpu.vector_load %arg19[%swap3A_847, %swap3A_848] {strides = array<i32>} : memref<80x96xf32, #tpu.memory_space<vmem>>, vector<16xf32>,
        tpu.vector_store %arg19[%swap3A_847, %swap3A_848], %mul3A_846 {strides = array<i32>} : memref<80x96xf32, #tpu.memory_space<vmem>>, vector<16xf32>,
        %get3A_850 = arith.index_cast %mul3A_769 : i32 to index
        %get3A_851 = arith.constant 32 : index
        %get3A_852 = tpu.vector_load %arg19[%get3A_850, %get3A_851] {strides = array<i32>} : memref<80x96xf32, #tpu.memory_space<vmem>>, vector<16xf32>,
        %mul3A_853 = arith.mulf %get3A_852, %gather3A_784 : vector<16xf32>
        %swap3A_854 = arith.index_cast %mul3A_769 : i32 to index
        %swap3A_855 = arith.constant 32 : index
        %swap3A_856 = tpu.vector_load %arg19[%swap3A_854, %swap3A_855] {strides = array<i32>} : memref<80x96xf32, #tpu.memory_space<vmem>>, vector<16xf32>,
        tpu.vector_store %arg19[%swap3A_854, %swap3A_855], %mul3A_853 {strides = array<i32>} : memref<80x96xf32, #tpu.memory_space<vmem>>, vector<16xf32>,
        %get3A_857 = arith.index_cast %add3A_773 : i32 to index
        %get3A_858 = arith.constant 32 : index
        %get3A_859 = tpu.vector_load %arg19[%get3A_857, %get3A_858] {strides = array<i32>} : memref<80x96xf32, #tpu.memory_space<vmem>>, vector<16xf32>,
        %mul3A_860 = arith.mulf %get3A_859, %gather3A_787 : vector<16xf32>
        %swap3A_861 = arith.index_cast %add3A_773 : i32 to index
        %swap3A_862 = arith.constant 32 : index
        %swap3A_863 = tpu.vector_load %arg19[%swap3A_861, %swap3A_862] {strides = array<i32>} : memref<80x96xf32, #tpu.memory_space<vmem>>, vector<16xf32>,
        tpu.vector_store %arg19[%swap3A_861, %swap3A_862], %mul3A_860 {strides = array<i32>} : memref<80x96xf32, #tpu.memory_space<vmem>>, vector<16xf32>,
        %get3A_864 = arith.index_cast %add3A_777 : i32 to index
        %get3A_865 = arith.constant 32 : index
        %get3A_866 = tpu.vector_load %arg19[%get3A_864, %get3A_865] {strides = array<i32>} : memref<80x96xf32, #tpu.memory_space<vmem>>, vector<16xf32>,
        %mul3A_867 = arith.mulf %get3A_866, %gather3A_790 : vector<16xf32>
        %swap3A_868 = arith.index_cast %add3A_777 : i32 to index
        %swap3A_869 = arith.constant 32 : index
        %swap3A_870 = tpu.vector_load %arg19[%swap3A_868, %swap3A_869] {strides = array<i32>} : memref<80x96xf32, #tpu.memory_space<vmem>>, vector<16xf32>,
        tpu.vector_store %arg19[%swap3A_868, %swap3A_869], %mul3A_867 {strides = array<i32>} : memref<80x96xf32, #tpu.memory_space<vmem>>, vector<16xf32>,
        %get3A_871 = arith.index_cast %add3A_781 : i32 to index
        %get3A_872 = arith.constant 32 : index
        %get3A_873 = tpu.vector_load %arg19[%get3A_871, %get3A_872] {strides = array<i32>} : memref<80x96xf32, #tpu.memory_space<vmem>>, vector<16xf32>,
        %mul3A_874 = arith.mulf %get3A_873, %gather3A_793 : vector<16xf32>
        %swap3A_875 = arith.index_cast %add3A_781 : i32 to index
        %swap3A_876 = arith.constant 32 : index
        %swap3A_877 = tpu.vector_load %arg19[%swap3A_875, %swap3A_876] {strides = array<i32>} : memref<80x96xf32, #tpu.memory_space<vmem>>, vector<16xf32>,
        tpu.vector_store %arg19[%swap3A_875, %swap3A_876], %mul3A_874 {strides = array<i32>} : memref<80x96xf32, #tpu.memory_space<vmem>>, vector<16xf32>,
        %get3A_878 = arith.index_cast %mul3A_769 : i32 to index
        %get3A_879 = arith.constant 48 : index
        %get3A_880 = tpu.vector_load %arg19[%get3A_878, %get3A_879] {strides = array<i32>} : memref<80x96xf32, #tpu.memory_space<vmem>>, vector<16xf32>,
        %mul3A_881 = arith.mulf %get3A_880, %gather3A_784 : vector<16xf32>
        %swap3A_882 = arith.index_cast %mul3A_769 : i32 to index
        %swap3A_883 = arith.constant 48 : index
        %swap3A_884 = tpu.vector_load %arg19[%swap3A_882, %swap3A_883] {strides = array<i32>} : memref<80x96xf32, #tpu.memory_space<vmem>>, vector<16xf32>,
        tpu.vector_store %arg19[%swap3A_882, %swap3A_883], %mul3A_881 {strides = array<i32>} : memref<80x96xf32, #tpu.memory_space<vmem>>, vector<16xf32>,
        %get3A_885 = arith.index_cast %add3A_773 : i32 to index
        %get3A_886 = arith.constant 48 : index
        %get3A_887 = tpu.vector_load %arg19[%get3A_885, %get3A_886] {strides = array<i32>} : memref<80x96xf32, #tpu.memory_space<vmem>>, vector<16xf32>,
        %mul3A_888 = arith.mulf %get3A_887, %gather3A_787 : vector<16xf32>
        %swap3A_889 = arith.index_cast %add3A_773 : i32 to index
        %swap3A_890 = arith.constant 48 : index
        %swap3A_891 = tpu.vector_load %arg19[%swap3A_889, %swap3A_890] {strides = array<i32>} : memref<80x96xf32, #tpu.memory_space<vmem>>, vector<16xf32>,
        tpu.vector_store %arg19[%swap3A_889, %swap3A_890], %mul3A_888 {strides = array<i32>} : memref<80x96xf32, #tpu.memory_space<vmem>>, vector<16xf32>,
        %get3A_892 = arith.index_cast %add3A_777 : i32 to index
        %get3A_893 = arith.constant 48 : index
        %get3A_894 = tpu.vector_load %arg19[%get3A_892, %get3A_893] {strides = array<i32>} : memref<80x96xf32, #tpu.memory_space<vmem>>, vector<16xf32>,
        %mul3A_895 = arith.mulf %get3A_894, %gather3A_790 : vector<16xf32>
        %swap3A_896 = arith.index_cast %add3A_777 : i32 to index
        %swap3A_897 = arith.constant 48 : index
        %swap3A_898 = tpu.vector_load %arg19[%swap3A_896, %swap3A_897] {strides = array<i32>} : memref<80x96xf32, #tpu.memory_space<vmem>>, vector<16xf32>,
        tpu.vector_store %arg19[%swap3A_896, %swap3A_897], %mul3A_895 {strides = array<i32>} : memref<80x96xf32, #tpu.memory_space<vmem>>, vector<16xf32>,
        %get3A_899 = arith.index_cast %add3A_781 : i32 to index
        %get3A_900 = arith.constant 48 : index
        %get3A_901 = tpu.vector_load %arg19[%get3A_899, %get3A_900] {strides = array<i32>} : memref<80x96xf32, #tpu.memory_space<vmem>>, vector<16xf32>,
        %mul3A_902 = arith.mulf %get3A_901, %gather3A_793 : vector<16xf32>
        %swap3A_903 = arith.index_cast %add3A_781 : i32 to index
        %swap3A_904 = arith.constant 48 : index
        %swap3A_905 = tpu.vector_load %arg19[%swap3A_903, %swap3A_904] {strides = array<i32>} : memref<80x96xf32, #tpu.memory_space<vmem>>, vector<16xf32>,
        tpu.vector_store %arg19[%swap3A_903, %swap3A_904], %mul3A_902 {strides = array<i32>} : memref<80x96xf32, #tpu.memory_space<vmem>>, vector<16xf32>,
        %get3A_906 = arith.index_cast %mul3A_769 : i32 to index
        %get3A_907 = arith.constant 64 : index
        %get3A_908 = tpu.vector_load %arg19[%get3A_906, %get3A_907] {strides = array<i32>} : memref<80x96xf32, #tpu.memory_space<vmem>>, vector<16xf32>,
        %mul3A_909 = arith.mulf %get3A_908, %gather3A_784 : vector<16xf32>
        %swap3A_910 = arith.index_cast %mul3A_769 : i32 to index
        %swap3A_911 = arith.constant 64 : index
        %swap3A_912 = tpu.vector_load %arg19[%swap3A_910, %swap3A_911] {strides = array<i32>} : memref<80x96xf32, #tpu.memory_space<vmem>>, vector<16xf32>,
        tpu.vector_store %arg19[%swap3A_910, %swap3A_911], %mul3A_909 {strides = array<i32>} : memref<80x96xf32, #tpu.memory_space<vmem>>, vector<16xf32>,
        %get3A_913 = arith.index_cast %add3A_773 : i32 to index
        %get3A_914 = arith.constant 64 : index
        %get3A_915 = tpu.vector_load %arg19[%get3A_913, %get3A_914] {strides = array<i32>} : memref<80x96xf32, #tpu.memory_space<vmem>>, vector<16xf32>,
        %mul3A_916 = arith.mulf %get3A_915, %gather3A_787 : vector<16xf32>
        %swap3A_917 = arith.index_cast %add3A_773 : i32 to index
        %swap3A_918 = arith.constant 64 : index
        %swap3A_919 = tpu.vector_load %arg19[%swap3A_917, %swap3A_918] {strides = array<i32>} : memref<80x96xf32, #tpu.memory_space<vmem>>, vector<16xf32>,
        tpu.vector_store %arg19[%swap3A_917, %swap3A_918], %mul3A_916 {strides = array<i32>} : memref<80x96xf32, #tpu.memory_space<vmem>>, vector<16xf32>,
        %get3A_920 = arith.index_cast %add3A_777 : i32 to index
        %get3A_921 = arith.constant 64 : index
        %get3A_922 = tpu.vector_load %arg19[%get3A_920, %get3A_921] {strides = array<i32>} : memref<80x96xf32, #tpu.memory_space<vmem>>, vector<16xf32>,
        %mul3A_923 = arith.mulf %get3A_922, %gather3A_790 : vector<16xf32>
        %swap3A_924 = arith.index_cast %add3A_777 : i32 to index
        %swap3A_925 = arith.constant 64 : index
        %swap3A_926 = tpu.vector_load %arg19[%swap3A_924, %swap3A_925] {strides = array<i32>} : memref<80x96xf32, #tpu.memory_space<vmem>>, vector<16xf32>,
        tpu.vector_store %arg19[%swap3A_924, %swap3A_925], %mul3A_923 {strides = array<i32>} : memref<80x96xf32, #tpu.memory_space<vmem>>, vector<16xf32>,
        %get3A_927 = arith.index_cast %add3A_781 : i32 to index
        %get3A_928 = arith.constant 64 : index
        %get3A_929 = tpu.vector_load %arg19[%get3A_927, %get3A_928] {strides = array<i32>} : memref<80x96xf32, #tpu.memory_space<vmem>>, vector<16xf32>,
        %mul3A_930 = arith.mulf %get3A_929, %gather3A_793 : vector<16xf32>
        %swap3A_931 = arith.index_cast %add3A_781 : i32 to index
        %swap3A_932 = arith.constant 64 : index
        %swap3A_933 = tpu.vector_load %arg19[%swap3A_931, %swap3A_932] {strides = array<i32>} : memref<80x96xf32, #tpu.memory_space<vmem>>, vector<16xf32>,
        tpu.vector_store %arg19[%swap3A_931, %swap3A_932], %mul3A_930 {strides = array<i32>} : memref<80x96xf32, #tpu.memory_space<vmem>>, vector<16xf32>,
        %get3A_934 = arith.index_cast %mul3A_769 : i32 to index
        %get3A_935 = arith.constant 80 : index
        %get3A_936 = tpu.vector_load %arg19[%get3A_934, %get3A_935] {strides = array<i32>} : memref<80x96xf32, #tpu.memory_space<vmem>>, vector<16xf32>,
        %mul3A_937 = arith.mulf %get3A_936, %gather3A_784 : vector<16xf32>
        %swap3A_938 = arith.index_cast %mul3A_769 : i32 to index
        %swap3A_939 = arith.constant 80 : index
        %swap3A_940 = tpu.vector_load %arg19[%swap3A_938, %swap3A_939] {strides = array<i32>} : memref<80x96xf32, #tpu.memory_space<vmem>>, vector<16xf32>,
        tpu.vector_store %arg19[%swap3A_938, %swap3A_939], %mul3A_937 {strides = array<i32>} : memref<80x96xf32, #tpu.memory_space<vmem>>, vector<16xf32>,
        %get3A_941 = arith.index_cast %add3A_773 : i32 to index
        %get3A_942 = arith.constant 80 : index
        %get3A_943 = tpu.vector_load %arg19[%get3A_941, %get3A_942] {strides = array<i32>} : memref<80x96xf32, #tpu.memory_space<vmem>>, vector<16xf32>,
        %mul3A_944 = arith.mulf %get3A_943, %gather3A_787 : vector<16xf32>
        %swap3A_945 = arith.index_cast %add3A_773 : i32 to index
        %swap3A_946 = arith.constant 80 : index
        %swap3A_947 = tpu.vector_load %arg19[%swap3A_945, %swap3A_946] {strides = array<i32>} : memref<80x96xf32, #tpu.memory_space<vmem>>, vector<16xf32>,
        tpu.vector_store %arg19[%swap3A_945, %swap3A_946], %mul3A_944 {strides = array<i32>} : memref<80x96xf32, #tpu.memory_space<vmem>>, vector<16xf32>,
        %get3A_948 = arith.index_cast %add3A_777 : i32 to index
        %get3A_949 = arith.constant 80 : index
        %get3A_950 = tpu.vector_load %arg19[%get3A_948, %get3A_949] {strides = array<i32>} : memref<80x96xf32, #tpu.memory_space<vmem>>, vector<16xf32>,
        %mul3A_951 = arith.mulf %get3A_950, %gather3A_790 : vector<16xf32>
        %swap3A_952 = arith.index_cast %add3A_777 : i32 to index
        %swap3A_953 = arith.constant 80 : index
        %swap3A_954 = tpu.vector_load %arg19[%swap3A_952, %swap3A_953] {strides = array<i32>} : memref<80x96xf32, #tpu.memory_space<vmem>>, vector<16xf32>,
        tpu.vector_store %arg19[%swap3A_952, %swap3A_953], %mul3A_951 {strides = array<i32>} : memref<80x96xf32, #tpu.memory_space<vmem>>, vector<16xf32>,
        %get3A_955 = arith.index_cast %add3A_781 : i32 to index
        %get3A_956 = arith.constant 80 : index
        %get3A_957 = tpu.vector_load %arg19[%get3A_955, %get3A_956] {strides = array<i32>} : memref<80x96xf32, #tpu.memory_space<vmem>>, vector<16xf32>,
        %mul3A_958 = arith.mulf %get3A_957, %gather3A_793 : vector<16xf32>
        %swap3A_959 = arith.index_cast %add3A_781 : i32 to index
        %swap3A_960 = arith.constant 80 : index
        %swap3A_961 = tpu.vector_load %arg19[%swap3A_959, %swap3A_960] {strides = array<i32>} : memref<80x96xf32, #tpu.memory_space<vmem>>, vector<16xf32>,
        tpu.vector_store %arg19[%swap3A_959, %swap3A_960], %mul3A_958 {strides = array<i32>} : memref<80x96xf32, #tpu.memory_space<vmem>>, vector<16xf32>,
        %mul3A_962 = arith.mulf %gather3A_784, %convert_element_type3A_4 : vector<16xf32>
        %add3A_963 = arith.addf %mul3A_962, %convert_element_type3A_9 : vector<16xf32>
        %swap3A_964 = arith.index_cast %mul3A_769 : i32 to index
        %swap3A_965 = arith.constant 0 : index
        %swap3A_966 = tpu.vector_load %arg22[%swap3A_964, %swap3A_965] {strides = array<i32>} : memref<80x16xf32, #tpu.memory_space<vmem>>, vector<16xf32>,
        tpu.vector_store %arg22[%swap3A_964, %swap3A_965], %add3A_963 {strides = array<i32>} : memref<80x16xf32, #tpu.memory_space<vmem>>, vector<16xf32>,
        %mul3A_967 = arith.mulf %gather3A_787, %convert_element_type3A_4 : vector<16xf32>
        %add3A_968 = arith.addf %mul3A_967, %convert_element_type3A_9 : vector<16xf32>
        %swap3A_969 = arith.index_cast %add3A_773 : i32 to index
        %swap3A_970 = arith.constant 0 : index
        %swap3A_971 = tpu.vector_load %arg22[%swap3A_969, %swap3A_970] {strides = array<i32>} : memref<80x16xf32, #tpu.memory_space<vmem>>, vector<16xf32>,
        tpu.vector_store %arg22[%swap3A_969, %swap3A_970], %add3A_968 {strides = array<i32>} : memref<80x16xf32, #tpu.memory_space<vmem>>, vector<16xf32>,
        %mul3A_972 = arith.mulf %gather3A_790, %convert_element_type3A_4 : vector<16xf32>
        %add3A_973 = arith.addf %mul3A_972, %convert_element_type3A_9 : vector<16xf32>
        %swap3A_974 = arith.index_cast %add3A_777 : i32 to index
        %swap3A_975 = arith.constant 0 : index
        %swap3A_976 = tpu.vector_load %arg22[%swap3A_974, %swap3A_975] {strides = array<i32>} : memref<80x16xf32, #tpu.memory_space<vmem>>, vector<16xf32>,
        tpu.vector_store %arg22[%swap3A_974, %swap3A_975], %add3A_973 {strides = array<i32>} : memref<80x16xf32, #tpu.memory_space<vmem>>, vector<16xf32>,
        %mul3A_977 = arith.mulf %gather3A_793, %convert_element_type3A_4 : vector<16xf32>
        %add3A_978 = arith.addf %mul3A_977, %convert_element_type3A_9 : vector<16xf32>
        %swap3A_979 = arith.index_cast %add3A_781 : i32 to index
        %swap3A_980 = arith.constant 0 : index
        %swap3A_981 = tpu.vector_load %arg22[%swap3A_979, %swap3A_980] {strides = array<i32>} : memref<80x16xf32, #tpu.memory_space<vmem>>, vector<16xf32>,
        tpu.vector_store %arg22[%swap3A_979, %swap3A_980], %add3A_978 {strides = array<i32>} : memref<80x16xf32, #tpu.memory_space<vmem>>, vector<16xf32>,
        %scan3A_982 = arith.constant 0 : i32
        scf.yield %scan3A_982 : i32
      }
      %scan3A_590 = arith.constant 20 : i32
      %dma_start3A_591 = arith.constant 0 : i32
      %dma_start3A_592 = arith.constant 0 : i32
      %dma_start3A_593 = tpu.memref_slice %arg27[%dma_start3A_591, %dma_start3A_592] : memref<10240x96xf32, #tpu.memory_space<vmem_shared>> -> memref<10240x96xf32, #tpu.memory_space<vmem_shared>>
      tpu.enqueue_indirect_dma source(%arg19 : memref<80x96xf32, #tpu.memory_space<vmem>>) target(%dma_start3A_593 : memref<10240x96xf32, #tpu.memory_space<vmem_shared>>) offsets(%arg16 : memref<80xi32, #tpu.memory_space<vmem>>) semaphore(%arg37 : memref<!tpu.dma_semaphore, #tpu.memory_space<semaphore_mem>>) {add = true}
      %dma_start3A_594 = arith.constant 0 : i32
      %dma_start3A_595 = arith.constant 0 : i32
      %dma_start3A_596 = tpu.memref_slice %arg28[%dma_start3A_594, %dma_start3A_595] : memref<10240x16xf32, #tpu.memory_space<vmem_shared>> -> memref<10240x16xf32, #tpu.memory_space<vmem_shared>>
      tpu.enqueue_indirect_dma source(%arg22 : memref<80x16xf32, #tpu.memory_space<vmem>>) target(%dma_start3A_596 : memref<10240x16xf32, #tpu.memory_space<vmem_shared>>) offsets(%arg16 : memref<80xi32, #tpu.memory_space<vmem>>) semaphore(%arg38 : memref<!tpu.dma_semaphore, #tpu.memory_space<semaphore_mem>>) {add = true}
      %dma_wait3A_597 = arith.constant 0 : i32
      %dma_wait3A_598 = arith.constant 0 : i32
      %dma_wait3A_599 = tpu.memref_slice %arg27[%dma_wait3A_597, %dma_wait3A_598] : memref<10240x96xf32, #tpu.memory_space<vmem_shared>> -> memref<10240x96xf32, #tpu.memory_space<vmem_shared>>
      tpu.wait_indirect_dma semaphore(%arg35 : memref<!tpu.dma_semaphore, #tpu.memory_space<semaphore_mem>>) src(%arg18 : memref<80x96xf32, #tpu.memory_space<vmem>>) dst(%dma_wait3A_599 : memref<10240x96xf32, #tpu.memory_space<vmem_shared>>)
      %dma_wait3A_600 = arith.constant 0 : i32
      %dma_wait3A_601 = arith.constant 0 : i32
      %dma_wait3A_602 = tpu.memref_slice %arg28[%dma_wait3A_600, %dma_wait3A_601] : memref<10240x16xf32, #tpu.memory_space<vmem_shared>> -> memref<10240x16xf32, #tpu.memory_space<vmem_shared>>
      tpu.wait_indirect_dma semaphore(%arg36 : memref<!tpu.dma_semaphore, #tpu.memory_space<semaphore_mem>>) src(%arg21 : memref<80x16xf32, #tpu.memory_space<vmem>>) dst(%dma_wait3A_602 : memref<10240x16xf32, #tpu.memory_space<vmem_shared>>)
      %add3A_603 = arith.constant 3 : i32
      %add3A_604 = arith.addi %mul3A_330, %add3A_603 : i32
      %lt3A = arith.constant 125 : i32
      %lt3A_605 = arith.cmpi slt, %add3A_604, %lt3A : i32
      %convert_element_type3A_606 = arith.extui %lt3A_605 : i1 to i32
      %cond3A = arith.constant 0 : i32
      %cond3A_607 = arith.cmpi ne, %convert_element_type3A_606, %cond3A : i32
      scf.if %cond3A_607 {
        %add3A_766 = arith.constant 3 : i32
        %add3A_767 = arith.addi %mul3A_330, %add3A_766 : i32
        %mul3A_768 = arith.constant 80 : i32
        %mul3A_769 = arith.muli %add3A_767, %mul3A_768 : i32
        %dma_start3A_770 = tpu.memref_slice %arg11[%mul3A_769] : memref<10000xi32, #tpu.memory_space<vmem>> -> memref<80xi32, #tpu.memory_space<vmem>>
        %dma_start3A_771 = arith.constant 0 : i32
        %dma_start3A_772 = arith.constant 0 : i32
        %dma_start3A_773 = tpu.memref_slice %arg6[%dma_start3A_771, %dma_start3A_772] : memref<10000x96xf32, #tpu.memory_space<hbm>> -> memref<10000x96xf32, #tpu.memory_space<hbm>>
        tpu.enqueue_indirect_dma source(%dma_start3A_773 : memref<10000x96xf32, #tpu.memory_space<hbm>>) target(%arg18 : memref<80x96xf32, #tpu.memory_space<vmem>>) offsets(%dma_start3A_770 : memref<80xi32, #tpu.memory_space<vmem>>) semaphore(%arg29 : memref<!tpu.dma_semaphore, #tpu.memory_space<semaphore_mem>>)
        %mul3A_774 = arith.constant 80 : i32
        %mul3A_775 = arith.muli %add3A_767, %mul3A_774 : i32
        %add3A_776 = arith.addi %mul3A_53, %mul3A_775 : i32
        %dma_start3A_777 = tpu.memref_slice %arg3[%add3A_776] : memref<320000xi32, #tpu.memory_space<hbm>> -> memref<80xi32, #tpu.memory_space<hbm>>
        %dma_start3A_778 = tpu.memref_slice %arg3[%add3A_776] : memref<320000xi32, #tpu.memory_space<hbm>> -> memref<80xi32, #tpu.memory_space<hbm>>
        tpu.enqueue_dma source(%dma_start3A_778 : memref<80xi32, #tpu.memory_space<hbm>>) target(%arg12 : memref<80xi32, #tpu.memory_space<vmem>>) target_semaphore(%arg32 : memref<!tpu.dma_semaphore, #tpu.memory_space<semaphore_mem>>)
      } else {
      }
      %mul3A_608 = arith.constant 80 : i32
      %mul3A_609 = arith.muli %add3A_334, %mul3A_608 : i32
      %dma_wait3A_610 = tpu.memref_slice %arg11[%mul3A_609] : memref<10000xi32, #tpu.memory_space<vmem>> -> memref<80xi32, #tpu.memory_space<vmem>>
      %dma_wait3A_611 = arith.constant 0 : i32
      %dma_wait3A_612 = arith.constant 0 : i32
      %dma_wait3A_613 = tpu.memref_slice %arg6[%dma_wait3A_611, %dma_wait3A_612] : memref<10000x96xf32, #tpu.memory_space<hbm>> -> memref<10000x96xf32, #tpu.memory_space<hbm>>
      tpu.wait_indirect_dma semaphore(%arg31 : memref<!tpu.dma_semaphore, #tpu.memory_space<semaphore_mem>>) src(%dma_wait3A_613 : memref<10000x96xf32, #tpu.memory_space<hbm>>) dst(%arg20 : memref<80x96xf32, #tpu.memory_space<vmem>>)
      %mul3A_614 = arith.constant 80 : i32
      %mul3A_615 = arith.muli %add3A_334, %mul3A_614 : i32
      %add3A_616 = arith.addi %mul3A_53, %mul3A_615 : i32
      %dma_wait3A_617 = tpu.memref_slice %arg3[%add3A_616] : memref<320000xi32, #tpu.memory_space<hbm>> -> memref<80xi32, #tpu.memory_space<hbm>>
      %dma_wait3A_618 = tpu.memref_slice %arg3[%add3A_616] : memref<320000xi32, #tpu.memory_space<hbm>> -> memref<80xi32, #tpu.memory_space<hbm>>
      tpu.wait_dma2 semaphore(%arg34 : memref<!tpu.dma_semaphore, #tpu.memory_space<semaphore_mem>>) src(%dma_wait3A_618 : memref<80xi32, #tpu.memory_space<hbm>>) dst(%arg14 : memref<80xi32, #tpu.memory_space<vmem>>)
      %mul3A_619 = arith.constant 80 : i32
      %mul3A_620 = arith.muli %add3A_334, %mul3A_619 : i32
      %add3A_621 = arith.constant 0 : i32
      %add3A_622 = arith.addi %mul3A_620, %add3A_621 : i32
      %get3A_623 = arith.index_cast %add3A_622 : i32 to index
      %get3A_624 = tpu.vector_load %arg11[%get3A_623] {strides = array<i32>} : memref<10000xi32, #tpu.memory_space<vmem>>, vector<16xi32>,
      %get3A_625 = arith.constant 0 : index
      %get3A_626 = tpu.vector_load %arg14[%get3A_625] {strides = array<i32>} : memref<80xi32, #tpu.memory_space<vmem>>, vector<16xi32>,
      %gather3A_627 = tpu.vector_load_idx %arg9[%get3A_624] : memref<10000xf32, #tpu.memory_space<vmem>>[vector<16xi32>], vector<16xf32>,
      %gather3A_628 = tpu.vector_load_idx %arg10[%get3A_626] : memref<10000xf32, #tpu.memory_space<vmem>>[vector<16xi32>], vector<16xf32>,
      %add3A_629 = arith.addf %gather3A_627, %gather3A_628 : vector<16xf32>
      %ge3A_630 = arith.constant 0.000000e+00 : f32
      %ge3A_631 = vector.broadcast %ge3A_630 : f32 to vector<16xf32>
      %ge3A_632 = arith.cmpf oge, %add3A_629, %ge3A_631 : vector<16xf32>
      %mul3A_633 = arith.constant 2.000000e-01 : f32
      %mul3A_634 = vector.broadcast %mul3A_633 : f32 to vector<16xf32>
      %mul3A_635 = arith.mulf %add3A_629, %mul3A_634 : vector<16xf32>
      %select_n3A_636 = arith.select %ge3A_632, %add3A_629, %mul3A_635 : vector<16xi1>, vector<16xf32>
      %exp3A_637 = math.exp %select_n3A_636 : vector<16xf32>
      %swap3A_638 = arith.constant 0 : index
      %swap3A_639 = tpu.vector_load %arg26[%swap3A_638] {strides = array<i32>} : memref<80xf32, #tpu.memory_space<vmem>>, vector<16xf32>,
      tpu.vector_store %arg26[%swap3A_638], %exp3A_637 {strides = array<i32>} : memref<80xf32, #tpu.memory_space<vmem>>, vector<16xf32>,
      %swap3A_640 = arith.constant 0 : index
      %swap3A_641 = tpu.vector_load %arg17[%swap3A_640] {strides = array<i32>} : memref<80xi32, #tpu.memory_space<vmem>>, vector<16xi32>,
      tpu.vector_store %arg17[%swap3A_640], %get3A_626 {strides = array<i32>} : memref<80xi32, #tpu.memory_space<vmem>>, vector<16xi32>,
      %add3A_642 = arith.constant 16 : i32
      %add3A_643 = arith.addi %mul3A_620, %add3A_642 : i32
      %get3A_644 = arith.index_cast %add3A_643 : i32 to index
      %get3A_645 = tpu.vector_load %arg11[%get3A_644] {strides = array<i32>} : memref<10000xi32, #tpu.memory_space<vmem>>, vector<16xi32>,
      %get3A_646 = arith.constant 16 : index
      %get3A_647 = tpu.vector_load %arg14[%get3A_646] {strides = array<i32>} : memref<80xi32, #tpu.memory_space<vmem>>, vector<16xi32>,
      %gather3A_648 = tpu.vector_load_idx %arg9[%get3A_645] : memref<10000xf32, #tpu.memory_space<vmem>>[vector<16xi32>], vector<16xf32>,
      %gather3A_649 = tpu.vector_load_idx %arg10[%get3A_647] : memref<10000xf32, #tpu.memory_space<vmem>>[vector<16xi32>], vector<16xf32>,
      %add3A_650 = arith.addf %gather3A_648, %gather3A_649 : vector<16xf32>
      %ge3A_651 = arith.constant 0.000000e+00 : f32
      %ge3A_652 = vector.broadcast %ge3A_651 : f32 to vector<16xf32>
      %ge3A_653 = arith.cmpf oge, %add3A_650, %ge3A_652 : vector<16xf32>
      %mul3A_654 = arith.constant 2.000000e-01 : f32
      %mul3A_655 = vector.broadcast %mul3A_654 : f32 to vector<16xf32>
      %mul3A_656 = arith.mulf %add3A_650, %mul3A_655 : vector<16xf32>
      %select_n3A_657 = arith.select %ge3A_653, %add3A_650, %mul3A_656 : vector<16xi1>, vector<16xf32>
      %exp3A_658 = math.exp %select_n3A_657 : vector<16xf32>
      %swap3A_659 = arith.constant 16 : index
      %swap3A_660 = tpu.vector_load %arg26[%swap3A_659] {strides = array<i32>} : memref<80xf32, #tpu.memory_space<vmem>>, vector<16xf32>,
      tpu.vector_store %arg26[%swap3A_659], %exp3A_658 {strides = array<i32>} : memref<80xf32, #tpu.memory_space<vmem>>, vector<16xf32>,
      %swap3A_661 = arith.constant 16 : index
      %swap3A_662 = tpu.vector_load %arg17[%swap3A_661] {strides = array<i32>} : memref<80xi32, #tpu.memory_space<vmem>>, vector<16xi32>,
      tpu.vector_store %arg17[%swap3A_661], %get3A_647 {strides = array<i32>} : memref<80xi32, #tpu.memory_space<vmem>>, vector<16xi32>,
      %add3A_663 = arith.constant 32 : i32
      %add3A_664 = arith.addi %mul3A_620, %add3A_663 : i32
      %get3A_665 = arith.index_cast %add3A_664 : i32 to index
      %get3A_666 = tpu.vector_load %arg11[%get3A_665] {strides = array<i32>} : memref<10000xi32, #tpu.memory_space<vmem>>, vector<16xi32>,
      %get3A_667 = arith.constant 32 : index
      %get3A_668 = tpu.vector_load %arg14[%get3A_667] {strides = array<i32>} : memref<80xi32, #tpu.memory_space<vmem>>, vector<16xi32>,
      %gather3A_669 = tpu.vector_load_idx %arg9[%get3A_666] : memref<10000xf32, #tpu.memory_space<vmem>>[vector<16xi32>], vector<16xf32>,
      %gather3A_670 = tpu.vector_load_idx %arg10[%get3A_668] : memref<10000xf32, #tpu.memory_space<vmem>>[vector<16xi32>], vector<16xf32>,
      %add3A_671 = arith.addf %gather3A_669, %gather3A_670 : vector<16xf32>
      %ge3A_672 = arith.constant 0.000000e+00 : f32
      %ge3A_673 = vector.broadcast %ge3A_672 : f32 to vector<16xf32>
      %ge3A_674 = arith.cmpf oge, %add3A_671, %ge3A_673 : vector<16xf32>
      %mul3A_675 = arith.constant 2.000000e-01 : f32
      %mul3A_676 = vector.broadcast %mul3A_675 : f32 to vector<16xf32>
      %mul3A_677 = arith.mulf %add3A_671, %mul3A_676 : vector<16xf32>
      %select_n3A_678 = arith.select %ge3A_674, %add3A_671, %mul3A_677 : vector<16xi1>, vector<16xf32>
      %exp3A_679 = math.exp %select_n3A_678 : vector<16xf32>
      %swap3A_680 = arith.constant 32 : index
      %swap3A_681 = tpu.vector_load %arg26[%swap3A_680] {strides = array<i32>} : memref<80xf32, #tpu.memory_space<vmem>>, vector<16xf32>,
      tpu.vector_store %arg26[%swap3A_680], %exp3A_679 {strides = array<i32>} : memref<80xf32, #tpu.memory_space<vmem>>, vector<16xf32>,
      %swap3A_682 = arith.constant 32 : index
      %swap3A_683 = tpu.vector_load %arg17[%swap3A_682] {strides = array<i32>} : memref<80xi32, #tpu.memory_space<vmem>>, vector<16xi32>,
      tpu.vector_store %arg17[%swap3A_682], %get3A_668 {strides = array<i32>} : memref<80xi32, #tpu.memory_space<vmem>>, vector<16xi32>,
      %add3A_684 = arith.constant 48 : i32
      %add3A_685 = arith.addi %mul3A_620, %add3A_684 : i32
      %get3A_686 = arith.index_cast %add3A_685 : i32 to index
      %get3A_687 = tpu.vector_load %arg11[%get3A_686] {strides = array<i32>} : memref<10000xi32, #tpu.memory_space<vmem>>, vector<16xi32>,
      %get3A_688 = arith.constant 48 : index
      %get3A_689 = tpu.vector_load %arg14[%get3A_688] {strides = array<i32>} : memref<80xi32, #tpu.memory_space<vmem>>, vector<16xi32>,
      %gather3A_690 = tpu.vector_load_idx %arg9[%get3A_687] : memref<10000xf32, #tpu.memory_space<vmem>>[vector<16xi32>], vector<16xf32>,
      %gather3A_691 = tpu.vector_load_idx %arg10[%get3A_689] : memref<10000xf32, #tpu.memory_space<vmem>>[vector<16xi32>], vector<16xf32>,
      %add3A_692 = arith.addf %gather3A_690, %gather3A_691 : vector<16xf32>
      %ge3A_693 = arith.constant 0.000000e+00 : f32
      %ge3A_694 = vector.broadcast %ge3A_693 : f32 to vector<16xf32>
      %ge3A_695 = arith.cmpf oge, %add3A_692, %ge3A_694 : vector<16xf32>
      %mul3A_696 = arith.constant 2.000000e-01 : f32
      %mul3A_697 = vector.broadcast %mul3A_696 : f32 to vector<16xf32>
      %mul3A_698 = arith.mulf %add3A_692, %mul3A_697 : vector<16xf32>
      %select_n3A_699 = arith.select %ge3A_695, %add3A_692, %mul3A_698 : vector<16xi1>, vector<16xf32>
      %exp3A_700 = math.exp %select_n3A_699 : vector<16xf32>
      %swap3A_701 = arith.constant 48 : index
      %swap3A_702 = tpu.vector_load %arg26[%swap3A_701] {strides = array<i32>} : memref<80xf32, #tpu.memory_space<vmem>>, vector<16xf32>,
      tpu.vector_store %arg26[%swap3A_701], %exp3A_700 {strides = array<i32>} : memref<80xf32, #tpu.memory_space<vmem>>, vector<16xf32>,
      %swap3A_703 = arith.constant 48 : index
      %swap3A_704 = tpu.vector_load %arg17[%swap3A_703] {strides = array<i32>} : memref<80xi32, #tpu.memory_space<vmem>>, vector<16xi32>,
      tpu.vector_store %arg17[%swap3A_703], %get3A_689 {strides = array<i32>} : memref<80xi32, #tpu.memory_space<vmem>>, vector<16xi32>,
      %add3A_705 = arith.constant 64 : i32
      %add3A_706 = arith.addi %mul3A_620, %add3A_705 : i32
      %get3A_707 = arith.index_cast %add3A_706 : i32 to index
      %get3A_708 = tpu.vector_load %arg11[%get3A_707] {strides = array<i32>} : memref<10000xi32, #tpu.memory_space<vmem>>, vector<16xi32>,
      %get3A_709 = arith.constant 64 : index
      %get3A_710 = tpu.vector_load %arg14[%get3A_709] {strides = array<i32>} : memref<80xi32, #tpu.memory_space<vmem>>, vector<16xi32>,
      %gather3A_711 = tpu.vector_load_idx %arg9[%get3A_708] : memref<10000xf32, #tpu.memory_space<vmem>>[vector<16xi32>], vector<16xf32>,
      %gather3A_712 = tpu.vector_load_idx %arg10[%get3A_710] : memref<10000xf32, #tpu.memory_space<vmem>>[vector<16xi32>], vector<16xf32>,
      %add3A_713 = arith.addf %gather3A_711, %gather3A_712 : vector<16xf32>
      %ge3A_714 = arith.constant 0.000000e+00 : f32
      %ge3A_715 = vector.broadcast %ge3A_714 : f32 to vector<16xf32>
      %ge3A_716 = arith.cmpf oge, %add3A_713, %ge3A_715 : vector<16xf32>
      %mul3A_717 = arith.constant 2.000000e-01 : f32
      %mul3A_718 = vector.broadcast %mul3A_717 : f32 to vector<16xf32>
      %mul3A_719 = arith.mulf %add3A_713, %mul3A_718 : vector<16xf32>
      %select_n3A_720 = arith.select %ge3A_716, %add3A_713, %mul3A_719 : vector<16xi1>, vector<16xf32>
      %exp3A_721 = math.exp %select_n3A_720 : vector<16xf32>
      %swap3A_722 = arith.constant 64 : index
      %swap3A_723 = tpu.vector_load %arg26[%swap3A_722] {strides = array<i32>} : memref<80xf32, #tpu.memory_space<vmem>>, vector<16xf32>,
      tpu.vector_store %arg26[%swap3A_722], %exp3A_721 {strides = array<i32>} : memref<80xf32, #tpu.memory_space<vmem>>, vector<16xf32>,
      %swap3A_724 = arith.constant 64 : index
      %swap3A_725 = tpu.vector_load %arg17[%swap3A_724] {strides = array<i32>} : memref<80xi32, #tpu.memory_space<vmem>>, vector<16xi32>,
      tpu.vector_store %arg17[%swap3A_724], %get3A_710 {strides = array<i32>} : memref<80xi32, #tpu.memory_space<vmem>>, vector<16xi32>,
      %scan3A_726 = arith.constant 0 : i32
      %scan3A_727 = arith.constant 0 : i32
      %scan3A_728 = arith.constant 20 : i32
      %scan3A_729 = arith.addi %scan3A_727, %scan3A_728 : i32
      %scan3A_730 = arith.constant 1 : i32
      %scan3A_731 = scf.for %scan3A_766 = %scan3A_727 to %scan3A_729 step %scan3A_730 iter_args(%scan3A_767 = %scan3A_726) -> (i32)  : i32 {
        %mul3A_768 = arith.constant 4 : i32
        %mul3A_769 = arith.muli %mul3A_768, %scan3A_766 : i32
        %mul3A_770 = arith.constant 4 : i32
        %mul3A_771 = arith.muli %mul3A_770, %scan3A_766 : i32
        %add3A_772 = arith.constant 1 : i32
        %add3A_773 = arith.addi %mul3A_771, %add3A_772 : i32
        %mul3A_774 = arith.constant 4 : i32
        %mul3A_775 = arith.muli %mul3A_774, %scan3A_766 : i32
        %add3A_776 = arith.constant 2 : i32
        %add3A_777 = arith.addi %mul3A_775, %add3A_776 : i32
        %mul3A_778 = arith.constant 4 : i32
        %mul3A_779 = arith.muli %mul3A_778, %scan3A_766 : i32
        %add3A_780 = arith.constant 3 : i32
        %add3A_781 = arith.addi %mul3A_779, %add3A_780 : i32
        %add3A_782 = vector.broadcast %mul3A_769 : i32 to vector<16xi32>
        %add3A_783 = arith.addi %broadcast_in_dim3A_11, %add3A_782 : vector<16xi32>
        %gather3A_784 = tpu.vector_load_idx %arg26[%add3A_783] : memref<80xf32, #tpu.memory_space<vmem>>[vector<16xi32>], vector<16xf32>,
        %add3A_785 = vector.broadcast %add3A_773 : i32 to vector<16xi32>
        %add3A_786 = arith.addi %broadcast_in_dim3A_11, %add3A_785 : vector<16xi32>
        %gather3A_787 = tpu.vector_load_idx %arg26[%add3A_786] : memref<80xf32, #tpu.memory_space<vmem>>[vector<16xi32>], vector<16xf32>,
        %add3A_788 = vector.broadcast %add3A_777 : i32 to vector<16xi32>
        %add3A_789 = arith.addi %broadcast_in_dim3A_11, %add3A_788 : vector<16xi32>
        %gather3A_790 = tpu.vector_load_idx %arg26[%add3A_789] : memref<80xf32, #tpu.memory_space<vmem>>[vector<16xi32>], vector<16xf32>,
        %add3A_791 = vector.broadcast %add3A_781 : i32 to vector<16xi32>
        %add3A_792 = arith.addi %broadcast_in_dim3A_11, %add3A_791 : vector<16xi32>
        %gather3A_793 = tpu.vector_load_idx %arg26[%add3A_792] : memref<80xf32, #tpu.memory_space<vmem>>[vector<16xi32>], vector<16xf32>,
        %get3A_794 = arith.index_cast %mul3A_769 : i32 to index
        %get3A_795 = arith.constant 0 : index
        %get3A_796 = tpu.vector_load %arg20[%get3A_794, %get3A_795] {strides = array<i32>} : memref<80x96xf32, #tpu.memory_space<vmem>>, vector<16xf32>,
        %mul3A_797 = arith.mulf %get3A_796, %gather3A_784 : vector<16xf32>
        %swap3A_798 = arith.index_cast %mul3A_769 : i32 to index
        %swap3A_799 = arith.constant 0 : index
        %swap3A_800 = tpu.vector_load %arg20[%swap3A_798, %swap3A_799] {strides = array<i32>} : memref<80x96xf32, #tpu.memory_space<vmem>>, vector<16xf32>,
        tpu.vector_store %arg20[%swap3A_798, %swap3A_799], %mul3A_797 {strides = array<i32>} : memref<80x96xf32, #tpu.memory_space<vmem>>, vector<16xf32>,
        %get3A_801 = arith.index_cast %add3A_773 : i32 to index
        %get3A_802 = arith.constant 0 : index
        %get3A_803 = tpu.vector_load %arg20[%get3A_801, %get3A_802] {strides = array<i32>} : memref<80x96xf32, #tpu.memory_space<vmem>>, vector<16xf32>,
        %mul3A_804 = arith.mulf %get3A_803, %gather3A_787 : vector<16xf32>
        %swap3A_805 = arith.index_cast %add3A_773 : i32 to index
        %swap3A_806 = arith.constant 0 : index
        %swap3A_807 = tpu.vector_load %arg20[%swap3A_805, %swap3A_806] {strides = array<i32>} : memref<80x96xf32, #tpu.memory_space<vmem>>, vector<16xf32>,
        tpu.vector_store %arg20[%swap3A_805, %swap3A_806], %mul3A_804 {strides = array<i32>} : memref<80x96xf32, #tpu.memory_space<vmem>>, vector<16xf32>,
        %get3A_808 = arith.index_cast %add3A_777 : i32 to index
        %get3A_809 = arith.constant 0 : index
        %get3A_810 = tpu.vector_load %arg20[%get3A_808, %get3A_809] {strides = array<i32>} : memref<80x96xf32, #tpu.memory_space<vmem>>, vector<16xf32>,
        %mul3A_811 = arith.mulf %get3A_810, %gather3A_790 : vector<16xf32>
        %swap3A_812 = arith.index_cast %add3A_777 : i32 to index
        %swap3A_813 = arith.constant 0 : index
        %swap3A_814 = tpu.vector_load %arg20[%swap3A_812, %swap3A_813] {strides = array<i32>} : memref<80x96xf32, #tpu.memory_space<vmem>>, vector<16xf32>,
        tpu.vector_store %arg20[%swap3A_812, %swap3A_813], %mul3A_811 {strides = array<i32>} : memref<80x96xf32, #tpu.memory_space<vmem>>, vector<16xf32>,
        %get3A_815 = arith.index_cast %add3A_781 : i32 to index
        %get3A_816 = arith.constant 0 : index
        %get3A_817 = tpu.vector_load %arg20[%get3A_815, %get3A_816] {strides = array<i32>} : memref<80x96xf32, #tpu.memory_space<vmem>>, vector<16xf32>,
        %mul3A_818 = arith.mulf %get3A_817, %gather3A_793 : vector<16xf32>
        %swap3A_819 = arith.index_cast %add3A_781 : i32 to index
        %swap3A_820 = arith.constant 0 : index
        %swap3A_821 = tpu.vector_load %arg20[%swap3A_819, %swap3A_820] {strides = array<i32>} : memref<80x96xf32, #tpu.memory_space<vmem>>, vector<16xf32>,
        tpu.vector_store %arg20[%swap3A_819, %swap3A_820], %mul3A_818 {strides = array<i32>} : memref<80x96xf32, #tpu.memory_space<vmem>>, vector<16xf32>,
        %get3A_822 = arith.index_cast %mul3A_769 : i32 to index
        %get3A_823 = arith.constant 16 : index
        %get3A_824 = tpu.vector_load %arg20[%get3A_822, %get3A_823] {strides = array<i32>} : memref<80x96xf32, #tpu.memory_space<vmem>>, vector<16xf32>,
        %mul3A_825 = arith.mulf %get3A_824, %gather3A_784 : vector<16xf32>
        %swap3A_826 = arith.index_cast %mul3A_769 : i32 to index
        %swap3A_827 = arith.constant 16 : index
        %swap3A_828 = tpu.vector_load %arg20[%swap3A_826, %swap3A_827] {strides = array<i32>} : memref<80x96xf32, #tpu.memory_space<vmem>>, vector<16xf32>,
        tpu.vector_store %arg20[%swap3A_826, %swap3A_827], %mul3A_825 {strides = array<i32>} : memref<80x96xf32, #tpu.memory_space<vmem>>, vector<16xf32>,
        %get3A_829 = arith.index_cast %add3A_773 : i32 to index
        %get3A_830 = arith.constant 16 : index
        %get3A_831 = tpu.vector_load %arg20[%get3A_829, %get3A_830] {strides = array<i32>} : memref<80x96xf32, #tpu.memory_space<vmem>>, vector<16xf32>,
        %mul3A_832 = arith.mulf %get3A_831, %gather3A_787 : vector<16xf32>
        %swap3A_833 = arith.index_cast %add3A_773 : i32 to index
        %swap3A_834 = arith.constant 16 : index
        %swap3A_835 = tpu.vector_load %arg20[%swap3A_833, %swap3A_834] {strides = array<i32>} : memref<80x96xf32, #tpu.memory_space<vmem>>, vector<16xf32>,
        tpu.vector_store %arg20[%swap3A_833, %swap3A_834], %mul3A_832 {strides = array<i32>} : memref<80x96xf32, #tpu.memory_space<vmem>>, vector<16xf32>,
        %get3A_836 = arith.index_cast %add3A_777 : i32 to index
        %get3A_837 = arith.constant 16 : index
        %get3A_838 = tpu.vector_load %arg20[%get3A_836, %get3A_837] {strides = array<i32>} : memref<80x96xf32, #tpu.memory_space<vmem>>, vector<16xf32>,
        %mul3A_839 = arith.mulf %get3A_838, %gather3A_790 : vector<16xf32>
        %swap3A_840 = arith.index_cast %add3A_777 : i32 to index
        %swap3A_841 = arith.constant 16 : index
        %swap3A_842 = tpu.vector_load %arg20[%swap3A_840, %swap3A_841] {strides = array<i32>} : memref<80x96xf32, #tpu.memory_space<vmem>>, vector<16xf32>,
        tpu.vector_store %arg20[%swap3A_840, %swap3A_841], %mul3A_839 {strides = array<i32>} : memref<80x96xf32, #tpu.memory_space<vmem>>, vector<16xf32>,
        %get3A_843 = arith.index_cast %add3A_781 : i32 to index
        %get3A_844 = arith.constant 16 : index
        %get3A_845 = tpu.vector_load %arg20[%get3A_843, %get3A_844] {strides = array<i32>} : memref<80x96xf32, #tpu.memory_space<vmem>>, vector<16xf32>,
        %mul3A_846 = arith.mulf %get3A_845, %gather3A_793 : vector<16xf32>
        %swap3A_847 = arith.index_cast %add3A_781 : i32 to index
        %swap3A_848 = arith.constant 16 : index
        %swap3A_849 = tpu.vector_load %arg20[%swap3A_847, %swap3A_848] {strides = array<i32>} : memref<80x96xf32, #tpu.memory_space<vmem>>, vector<16xf32>,
        tpu.vector_store %arg20[%swap3A_847, %swap3A_848], %mul3A_846 {strides = array<i32>} : memref<80x96xf32, #tpu.memory_space<vmem>>, vector<16xf32>,
        %get3A_850 = arith.index_cast %mul3A_769 : i32 to index
        %get3A_851 = arith.constant 32 : index
        %get3A_852 = tpu.vector_load %arg20[%get3A_850, %get3A_851] {strides = array<i32>} : memref<80x96xf32, #tpu.memory_space<vmem>>, vector<16xf32>,
        %mul3A_853 = arith.mulf %get3A_852, %gather3A_784 : vector<16xf32>
        %swap3A_854 = arith.index_cast %mul3A_769 : i32 to index
        %swap3A_855 = arith.constant 32 : index
        %swap3A_856 = tpu.vector_load %arg20[%swap3A_854, %swap3A_855] {strides = array<i32>} : memref<80x96xf32, #tpu.memory_space<vmem>>, vector<16xf32>,
        tpu.vector_store %arg20[%swap3A_854, %swap3A_855], %mul3A_853 {strides = array<i32>} : memref<80x96xf32, #tpu.memory_space<vmem>>, vector<16xf32>,
        %get3A_857 = arith.index_cast %add3A_773 : i32 to index
        %get3A_858 = arith.constant 32 : index
        %get3A_859 = tpu.vector_load %arg20[%get3A_857, %get3A_858] {strides = array<i32>} : memref<80x96xf32, #tpu.memory_space<vmem>>, vector<16xf32>,
        %mul3A_860 = arith.mulf %get3A_859, %gather3A_787 : vector<16xf32>
        %swap3A_861 = arith.index_cast %add3A_773 : i32 to index
        %swap3A_862 = arith.constant 32 : index
        %swap3A_863 = tpu.vector_load %arg20[%swap3A_861, %swap3A_862] {strides = array<i32>} : memref<80x96xf32, #tpu.memory_space<vmem>>, vector<16xf32>,
        tpu.vector_store %arg20[%swap3A_861, %swap3A_862], %mul3A_860 {strides = array<i32>} : memref<80x96xf32, #tpu.memory_space<vmem>>, vector<16xf32>,
        %get3A_864 = arith.index_cast %add3A_777 : i32 to index
        %get3A_865 = arith.constant 32 : index
        %get3A_866 = tpu.vector_load %arg20[%get3A_864, %get3A_865] {strides = array<i32>} : memref<80x96xf32, #tpu.memory_space<vmem>>, vector<16xf32>,
        %mul3A_867 = arith.mulf %get3A_866, %gather3A_790 : vector<16xf32>
        %swap3A_868 = arith.index_cast %add3A_777 : i32 to index
        %swap3A_869 = arith.constant 32 : index
        %swap3A_870 = tpu.vector_load %arg20[%swap3A_868, %swap3A_869] {strides = array<i32>} : memref<80x96xf32, #tpu.memory_space<vmem>>, vector<16xf32>,
        tpu.vector_store %arg20[%swap3A_868, %swap3A_869], %mul3A_867 {strides = array<i32>} : memref<80x96xf32, #tpu.memory_space<vmem>>, vector<16xf32>,
        %get3A_871 = arith.index_cast %add3A_781 : i32 to index
        %get3A_872 = arith.constant 32 : index
        %get3A_873 = tpu.vector_load %arg20[%get3A_871, %get3A_872] {strides = array<i32>} : memref<80x96xf32, #tpu.memory_space<vmem>>, vector<16xf32>,
        %mul3A_874 = arith.mulf %get3A_873, %gather3A_793 : vector<16xf32>
        %swap3A_875 = arith.index_cast %add3A_781 : i32 to index
        %swap3A_876 = arith.constant 32 : index
        %swap3A_877 = tpu.vector_load %arg20[%swap3A_875, %swap3A_876] {strides = array<i32>} : memref<80x96xf32, #tpu.memory_space<vmem>>, vector<16xf32>,
        tpu.vector_store %arg20[%swap3A_875, %swap3A_876], %mul3A_874 {strides = array<i32>} : memref<80x96xf32, #tpu.memory_space<vmem>>, vector<16xf32>,
        %get3A_878 = arith.index_cast %mul3A_769 : i32 to index
        %get3A_879 = arith.constant 48 : index
        %get3A_880 = tpu.vector_load %arg20[%get3A_878, %get3A_879] {strides = array<i32>} : memref<80x96xf32, #tpu.memory_space<vmem>>, vector<16xf32>,
        %mul3A_881 = arith.mulf %get3A_880, %gather3A_784 : vector<16xf32>
        %swap3A_882 = arith.index_cast %mul3A_769 : i32 to index
        %swap3A_883 = arith.constant 48 : index
        %swap3A_884 = tpu.vector_load %arg20[%swap3A_882, %swap3A_883] {strides = array<i32>} : memref<80x96xf32, #tpu.memory_space<vmem>>, vector<16xf32>,
        tpu.vector_store %arg20[%swap3A_882, %swap3A_883], %mul3A_881 {strides = array<i32>} : memref<80x96xf32, #tpu.memory_space<vmem>>, vector<16xf32>,
        %get3A_885 = arith.index_cast %add3A_773 : i32 to index
        %get3A_886 = arith.constant 48 : index
        %get3A_887 = tpu.vector_load %arg20[%get3A_885, %get3A_886] {strides = array<i32>} : memref<80x96xf32, #tpu.memory_space<vmem>>, vector<16xf32>,
        %mul3A_888 = arith.mulf %get3A_887, %gather3A_787 : vector<16xf32>
        %swap3A_889 = arith.index_cast %add3A_773 : i32 to index
        %swap3A_890 = arith.constant 48 : index
        %swap3A_891 = tpu.vector_load %arg20[%swap3A_889, %swap3A_890] {strides = array<i32>} : memref<80x96xf32, #tpu.memory_space<vmem>>, vector<16xf32>,
        tpu.vector_store %arg20[%swap3A_889, %swap3A_890], %mul3A_888 {strides = array<i32>} : memref<80x96xf32, #tpu.memory_space<vmem>>, vector<16xf32>,
        %get3A_892 = arith.index_cast %add3A_777 : i32 to index
        %get3A_893 = arith.constant 48 : index
        %get3A_894 = tpu.vector_load %arg20[%get3A_892, %get3A_893] {strides = array<i32>} : memref<80x96xf32, #tpu.memory_space<vmem>>, vector<16xf32>,
        %mul3A_895 = arith.mulf %get3A_894, %gather3A_790 : vector<16xf32>
        %swap3A_896 = arith.index_cast %add3A_777 : i32 to index
        %swap3A_897 = arith.constant 48 : index
        %swap3A_898 = tpu.vector_load %arg20[%swap3A_896, %swap3A_897] {strides = array<i32>} : memref<80x96xf32, #tpu.memory_space<vmem>>, vector<16xf32>,
        tpu.vector_store %arg20[%swap3A_896, %swap3A_897], %mul3A_895 {strides = array<i32>} : memref<80x96xf32, #tpu.memory_space<vmem>>, vector<16xf32>,
        %get3A_899 = arith.index_cast %add3A_781 : i32 to index
        %get3A_900 = arith.constant 48 : index
        %get3A_901 = tpu.vector_load %arg20[%get3A_899, %get3A_900] {strides = array<i32>} : memref<80x96xf32, #tpu.memory_space<vmem>>, vector<16xf32>,
        %mul3A_902 = arith.mulf %get3A_901, %gather3A_793 : vector<16xf32>
        %swap3A_903 = arith.index_cast %add3A_781 : i32 to index
        %swap3A_904 = arith.constant 48 : index
        %swap3A_905 = tpu.vector_load %arg20[%swap3A_903, %swap3A_904] {strides = array<i32>} : memref<80x96xf32, #tpu.memory_space<vmem>>, vector<16xf32>,
        tpu.vector_store %arg20[%swap3A_903, %swap3A_904], %mul3A_902 {strides = array<i32>} : memref<80x96xf32, #tpu.memory_space<vmem>>, vector<16xf32>,
        %get3A_906 = arith.index_cast %mul3A_769 : i32 to index
        %get3A_907 = arith.constant 64 : index
        %get3A_908 = tpu.vector_load %arg20[%get3A_906, %get3A_907] {strides = array<i32>} : memref<80x96xf32, #tpu.memory_space<vmem>>, vector<16xf32>,
        %mul3A_909 = arith.mulf %get3A_908, %gather3A_784 : vector<16xf32>
        %swap3A_910 = arith.index_cast %mul3A_769 : i32 to index
        %swap3A_911 = arith.constant 64 : index
        %swap3A_912 = tpu.vector_load %arg20[%swap3A_910, %swap3A_911] {strides = array<i32>} : memref<80x96xf32, #tpu.memory_space<vmem>>, vector<16xf32>,
        tpu.vector_store %arg20[%swap3A_910, %swap3A_911], %mul3A_909 {strides = array<i32>} : memref<80x96xf32, #tpu.memory_space<vmem>>, vector<16xf32>,
        %get3A_913 = arith.index_cast %add3A_773 : i32 to index
        %get3A_914 = arith.constant 64 : index
        %get3A_915 = tpu.vector_load %arg20[%get3A_913, %get3A_914] {strides = array<i32>} : memref<80x96xf32, #tpu.memory_space<vmem>>, vector<16xf32>,
        %mul3A_916 = arith.mulf %get3A_915, %gather3A_787 : vector<16xf32>
        %swap3A_917 = arith.index_cast %add3A_773 : i32 to index
        %swap3A_918 = arith.constant 64 : index
        %swap3A_919 = tpu.vector_load %arg20[%swap3A_917, %swap3A_918] {strides = array<i32>} : memref<80x96xf32, #tpu.memory_space<vmem>>, vector<16xf32>,
        tpu.vector_store %arg20[%swap3A_917, %swap3A_918], %mul3A_916 {strides = array<i32>} : memref<80x96xf32, #tpu.memory_space<vmem>>, vector<16xf32>,
        %get3A_920 = arith.index_cast %add3A_777 : i32 to index
        %get3A_921 = arith.constant 64 : index
        %get3A_922 = tpu.vector_load %arg20[%get3A_920, %get3A_921] {strides = array<i32>} : memref<80x96xf32, #tpu.memory_space<vmem>>, vector<16xf32>,
        %mul3A_923 = arith.mulf %get3A_922, %gather3A_790 : vector<16xf32>
        %swap3A_924 = arith.index_cast %add3A_777 : i32 to index
        %swap3A_925 = arith.constant 64 : index
        %swap3A_926 = tpu.vector_load %arg20[%swap3A_924, %swap3A_925] {strides = array<i32>} : memref<80x96xf32, #tpu.memory_space<vmem>>, vector<16xf32>,
        tpu.vector_store %arg20[%swap3A_924, %swap3A_925], %mul3A_923 {strides = array<i32>} : memref<80x96xf32, #tpu.memory_space<vmem>>, vector<16xf32>,
        %get3A_927 = arith.index_cast %add3A_781 : i32 to index
        %get3A_928 = arith.constant 64 : index
        %get3A_929 = tpu.vector_load %arg20[%get3A_927, %get3A_928] {strides = array<i32>} : memref<80x96xf32, #tpu.memory_space<vmem>>, vector<16xf32>,
        %mul3A_930 = arith.mulf %get3A_929, %gather3A_793 : vector<16xf32>
        %swap3A_931 = arith.index_cast %add3A_781 : i32 to index
        %swap3A_932 = arith.constant 64 : index
        %swap3A_933 = tpu.vector_load %arg20[%swap3A_931, %swap3A_932] {strides = array<i32>} : memref<80x96xf32, #tpu.memory_space<vmem>>, vector<16xf32>,
        tpu.vector_store %arg20[%swap3A_931, %swap3A_932], %mul3A_930 {strides = array<i32>} : memref<80x96xf32, #tpu.memory_space<vmem>>, vector<16xf32>,
        %get3A_934 = arith.index_cast %mul3A_769 : i32 to index
        %get3A_935 = arith.constant 80 : index
        %get3A_936 = tpu.vector_load %arg20[%get3A_934, %get3A_935] {strides = array<i32>} : memref<80x96xf32, #tpu.memory_space<vmem>>, vector<16xf32>,
        %mul3A_937 = arith.mulf %get3A_936, %gather3A_784 : vector<16xf32>
        %swap3A_938 = arith.index_cast %mul3A_769 : i32 to index
        %swap3A_939 = arith.constant 80 : index
        %swap3A_940 = tpu.vector_load %arg20[%swap3A_938, %swap3A_939] {strides = array<i32>} : memref<80x96xf32, #tpu.memory_space<vmem>>, vector<16xf32>,
        tpu.vector_store %arg20[%swap3A_938, %swap3A_939], %mul3A_937 {strides = array<i32>} : memref<80x96xf32, #tpu.memory_space<vmem>>, vector<16xf32>,
        %get3A_941 = arith.index_cast %add3A_773 : i32 to index
        %get3A_942 = arith.constant 80 : index
        %get3A_943 = tpu.vector_load %arg20[%get3A_941, %get3A_942] {strides = array<i32>} : memref<80x96xf32, #tpu.memory_space<vmem>>, vector<16xf32>,
        %mul3A_944 = arith.mulf %get3A_943, %gather3A_787 : vector<16xf32>
        %swap3A_945 = arith.index_cast %add3A_773 : i32 to index
        %swap3A_946 = arith.constant 80 : index
        %swap3A_947 = tpu.vector_load %arg20[%swap3A_945, %swap3A_946] {strides = array<i32>} : memref<80x96xf32, #tpu.memory_space<vmem>>, vector<16xf32>,
        tpu.vector_store %arg20[%swap3A_945, %swap3A_946], %mul3A_944 {strides = array<i32>} : memref<80x96xf32, #tpu.memory_space<vmem>>, vector<16xf32>,
        %get3A_948 = arith.index_cast %add3A_777 : i32 to index
        %get3A_949 = arith.constant 80 : index
        %get3A_950 = tpu.vector_load %arg20[%get3A_948, %get3A_949] {strides = array<i32>} : memref<80x96xf32, #tpu.memory_space<vmem>>, vector<16xf32>,
        %mul3A_951 = arith.mulf %get3A_950, %gather3A_790 : vector<16xf32>
        %swap3A_952 = arith.index_cast %add3A_777 : i32 to index
        %swap3A_953 = arith.constant 80 : index
        %swap3A_954 = tpu.vector_load %arg20[%swap3A_952, %swap3A_953] {strides = array<i32>} : memref<80x96xf32, #tpu.memory_space<vmem>>, vector<16xf32>,
        tpu.vector_store %arg20[%swap3A_952, %swap3A_953], %mul3A_951 {strides = array<i32>} : memref<80x96xf32, #tpu.memory_space<vmem>>, vector<16xf32>,
        %get3A_955 = arith.index_cast %add3A_781 : i32 to index
        %get3A_956 = arith.constant 80 : index
        %get3A_957 = tpu.vector_load %arg20[%get3A_955, %get3A_956] {strides = array<i32>} : memref<80x96xf32, #tpu.memory_space<vmem>>, vector<16xf32>,
        %mul3A_958 = arith.mulf %get3A_957, %gather3A_793 : vector<16xf32>
        %swap3A_959 = arith.index_cast %add3A_781 : i32 to index
        %swap3A_960 = arith.constant 80 : index
        %swap3A_961 = tpu.vector_load %arg20[%swap3A_959, %swap3A_960] {strides = array<i32>} : memref<80x96xf32, #tpu.memory_space<vmem>>, vector<16xf32>,
        tpu.vector_store %arg20[%swap3A_959, %swap3A_960], %mul3A_958 {strides = array<i32>} : memref<80x96xf32, #tpu.memory_space<vmem>>, vector<16xf32>,
        %mul3A_962 = arith.mulf %gather3A_784, %convert_element_type3A_4 : vector<16xf32>
        %add3A_963 = arith.addf %mul3A_962, %convert_element_type3A_9 : vector<16xf32>
        %swap3A_964 = arith.index_cast %mul3A_769 : i32 to index
        %swap3A_965 = arith.constant 0 : index
        %swap3A_966 = tpu.vector_load %arg23[%swap3A_964, %swap3A_965] {strides = array<i32>} : memref<80x16xf32, #tpu.memory_space<vmem>>, vector<16xf32>,
        tpu.vector_store %arg23[%swap3A_964, %swap3A_965], %add3A_963 {strides = array<i32>} : memref<80x16xf32, #tpu.memory_space<vmem>>, vector<16xf32>,
        %mul3A_967 = arith.mulf %gather3A_787, %convert_element_type3A_4 : vector<16xf32>
        %add3A_968 = arith.addf %mul3A_967, %convert_element_type3A_9 : vector<16xf32>
        %swap3A_969 = arith.index_cast %add3A_773 : i32 to index
        %swap3A_970 = arith.constant 0 : index
        %swap3A_971 = tpu.vector_load %arg23[%swap3A_969, %swap3A_970] {strides = array<i32>} : memref<80x16xf32, #tpu.memory_space<vmem>>, vector<16xf32>,
        tpu.vector_store %arg23[%swap3A_969, %swap3A_970], %add3A_968 {strides = array<i32>} : memref<80x16xf32, #tpu.memory_space<vmem>>, vector<16xf32>,
        %mul3A_972 = arith.mulf %gather3A_790, %convert_element_type3A_4 : vector<16xf32>
        %add3A_973 = arith.addf %mul3A_972, %convert_element_type3A_9 : vector<16xf32>
        %swap3A_974 = arith.index_cast %add3A_777 : i32 to index
        %swap3A_975 = arith.constant 0 : index
        %swap3A_976 = tpu.vector_load %arg23[%swap3A_974, %swap3A_975] {strides = array<i32>} : memref<80x16xf32, #tpu.memory_space<vmem>>, vector<16xf32>,
        tpu.vector_store %arg23[%swap3A_974, %swap3A_975], %add3A_973 {strides = array<i32>} : memref<80x16xf32, #tpu.memory_space<vmem>>, vector<16xf32>,
        %mul3A_977 = arith.mulf %gather3A_793, %convert_element_type3A_4 : vector<16xf32>
        %add3A_978 = arith.addf %mul3A_977, %convert_element_type3A_9 : vector<16xf32>
        %swap3A_979 = arith.index_cast %add3A_781 : i32 to index
        %swap3A_980 = arith.constant 0 : index
        %swap3A_981 = tpu.vector_load %arg23[%swap3A_979, %swap3A_980] {strides = array<i32>} : memref<80x16xf32, #tpu.memory_space<vmem>>, vector<16xf32>,
        tpu.vector_store %arg23[%swap3A_979, %swap3A_980], %add3A_978 {strides = array<i32>} : memref<80x16xf32, #tpu.memory_space<vmem>>, vector<16xf32>,
        %scan3A_982 = arith.constant 0 : i32
        scf.yield %scan3A_982 : i32
      }
      %scan3A_732 = arith.constant 20 : i32
      %dma_start3A_733 = arith.constant 0 : i32
      %dma_start3A_734 = arith.constant 0 : i32
      %dma_start3A_735 = tpu.memref_slice %arg27[%dma_start3A_733, %dma_start3A_734] : memref<10240x96xf32, #tpu.memory_space<vmem_shared>> -> memref<10240x96xf32, #tpu.memory_space<vmem_shared>>
      tpu.enqueue_indirect_dma source(%arg20 : memref<80x96xf32, #tpu.memory_space<vmem>>) target(%dma_start3A_735 : memref<10240x96xf32, #tpu.memory_space<vmem_shared>>) offsets(%arg17 : memref<80xi32, #tpu.memory_space<vmem>>) semaphore(%arg39 : memref<!tpu.dma_semaphore, #tpu.memory_space<semaphore_mem>>) {add = true}
      %dma_start3A_736 = arith.constant 0 : i32
      %dma_start3A_737 = arith.constant 0 : i32
      %dma_start3A_738 = tpu.memref_slice %arg28[%dma_start3A_736, %dma_start3A_737] : memref<10240x16xf32, #tpu.memory_space<vmem_shared>> -> memref<10240x16xf32, #tpu.memory_space<vmem_shared>>
      tpu.enqueue_indirect_dma source(%arg23 : memref<80x16xf32, #tpu.memory_space<vmem>>) target(%dma_start3A_738 : memref<10240x16xf32, #tpu.memory_space<vmem_shared>>) offsets(%arg17 : memref<80xi32, #tpu.memory_space<vmem>>) semaphore(%arg40 : memref<!tpu.dma_semaphore, #tpu.memory_space<semaphore_mem>>) {add = true}
      %dma_wait3A_739 = arith.constant 0 : i32
      %dma_wait3A_740 = arith.constant 0 : i32
      %dma_wait3A_741 = tpu.memref_slice %arg27[%dma_wait3A_739, %dma_wait3A_740] : memref<10240x96xf32, #tpu.memory_space<vmem_shared>> -> memref<10240x96xf32, #tpu.memory_space<vmem_shared>>
      tpu.wait_indirect_dma semaphore(%arg37 : memref<!tpu.dma_semaphore, #tpu.memory_space<semaphore_mem>>) src(%arg19 : memref<80x96xf32, #tpu.memory_space<vmem>>) dst(%dma_wait3A_741 : memref<10240x96xf32, #tpu.memory_space<vmem_shared>>)
      %dma_wait3A_742 = arith.constant 0 : i32
      %dma_wait3A_743 = arith.constant 0 : i32
      %dma_wait3A_744 = tpu.memref_slice %arg28[%dma_wait3A_742, %dma_wait3A_743] : memref<10240x16xf32, #tpu.memory_space<vmem_shared>> -> memref<10240x16xf32, #tpu.memory_space<vmem_shared>>
      tpu.wait_indirect_dma semaphore(%arg38 : memref<!tpu.dma_semaphore, #tpu.memory_space<semaphore_mem>>) src(%arg22 : memref<80x16xf32, #tpu.memory_space<vmem>>) dst(%dma_wait3A_744 : memref<10240x16xf32, #tpu.memory_space<vmem_shared>>)
      %add3A_745 = arith.constant 3 : i32
      %add3A_746 = arith.addi %add3A_332, %add3A_745 : i32
      %lt3A_747 = arith.constant 125 : i32
      %lt3A_748 = arith.cmpi slt, %add3A_746, %lt3A_747 : i32
      %convert_element_type3A_749 = arith.extui %lt3A_748 : i1 to i32
      %cond3A_750 = arith.constant 0 : i32
      %cond3A_751 = arith.cmpi ne, %convert_element_type3A_749, %cond3A_750 : i32
      scf.if %cond3A_751 {
        %add3A_766 = arith.constant 3 : i32
        %add3A_767 = arith.addi %add3A_332, %add3A_766 : i32
        %mul3A_768 = arith.constant 80 : i32
        %mul3A_769 = arith.muli %add3A_767, %mul3A_768 : i32
        %dma_start3A_770 = tpu.memref_slice %arg11[%mul3A_769] : memref<10000xi32, #tpu.memory_space<vmem>> -> memref<80xi32, #tpu.memory_space<vmem>>
        %dma_start3A_771 = arith.constant 0 : i32
        %dma_start3A_772 = arith.constant 0 : i32
        %dma_start3A_773 = tpu.memref_slice %arg6[%dma_start3A_771, %dma_start3A_772] : memref<10000x96xf32, #tpu.memory_space<hbm>> -> memref<10000x96xf32, #tpu.memory_space<hbm>>
        tpu.enqueue_indirect_dma source(%dma_start3A_773 : memref<10000x96xf32, #tpu.memory_space<hbm>>) target(%arg19 : memref<80x96xf32, #tpu.memory_space<vmem>>) offsets(%dma_start3A_770 : memref<80xi32, #tpu.memory_space<vmem>>) semaphore(%arg30 : memref<!tpu.dma_semaphore, #tpu.memory_space<semaphore_mem>>)
        %mul3A_774 = arith.constant 80 : i32
        %mul3A_775 = arith.muli %add3A_767, %mul3A_774 : i32
        %add3A_776 = arith.addi %mul3A_53, %mul3A_775 : i32
        %dma_start3A_777 = tpu.memref_slice %arg3[%add3A_776] : memref<320000xi32, #tpu.memory_space<hbm>> -> memref<80xi32, #tpu.memory_space<hbm>>
        %dma_start3A_778 = tpu.memref_slice %arg3[%add3A_776] : memref<320000xi32, #tpu.memory_space<hbm>> -> memref<80xi32, #tpu.memory_space<hbm>>
        tpu.enqueue_dma source(%dma_start3A_778 : memref<80xi32, #tpu.memory_space<hbm>>) target(%arg13 : memref<80xi32, #tpu.memory_space<vmem>>) target_semaphore(%arg33 : memref<!tpu.dma_semaphore, #tpu.memory_space<semaphore_mem>>)
      } else {
      }
      %dma_wait3A_752 = arith.constant 0 : i32
      %dma_wait3A_753 = arith.constant 0 : i32
      %dma_wait3A_754 = tpu.memref_slice %arg27[%dma_wait3A_752, %dma_wait3A_753] : memref<10240x96xf32, #tpu.memory_space<vmem_shared>> -> memref<10240x96xf32, #tpu.memory_space<vmem_shared>>
      tpu.wait_indirect_dma semaphore(%arg39 : memref<!tpu.dma_semaphore, #tpu.memory_space<semaphore_mem>>) src(%arg20 : memref<80x96xf32, #tpu.memory_space<vmem>>) dst(%dma_wait3A_754 : memref<10240x96xf32, #tpu.memory_space<vmem_shared>>)
      %dma_wait3A_755 = arith.constant 0 : i32
      %dma_wait3A_756 = arith.constant 0 : i32
      %dma_wait3A_757 = tpu.memref_slice %arg28[%dma_wait3A_755, %dma_wait3A_756] : memref<10240x16xf32, #tpu.memory_space<vmem_shared>> -> memref<10240x16xf32, #tpu.memory_space<vmem_shared>>
      tpu.wait_indirect_dma semaphore(%arg40 : memref<!tpu.dma_semaphore, #tpu.memory_space<semaphore_mem>>) src(%arg23 : memref<80x16xf32, #tpu.memory_space<vmem>>) dst(%dma_wait3A_757 : memref<10240x16xf32, #tpu.memory_space<vmem_shared>>)
      %add3A_758 = arith.constant 3 : i32
      %add3A_759 = arith.addi %add3A_334, %add3A_758 : i32
      %lt3A_760 = arith.constant 125 : i32
      %lt3A_761 = arith.cmpi slt, %add3A_759, %lt3A_760 : i32
      %convert_element_type3A_762 = arith.extui %lt3A_761 : i1 to i32
      %cond3A_763 = arith.constant 0 : i32
      %cond3A_764 = arith.cmpi ne, %convert_element_type3A_762, %cond3A_763 : i32
      scf.if %cond3A_764 {
        %add3A_766 = arith.constant 3 : i32
        %add3A_767 = arith.addi %add3A_334, %add3A_766 : i32
        %mul3A_768 = arith.constant 80 : i32
        %mul3A_769 = arith.muli %add3A_767, %mul3A_768 : i32
        %dma_start3A_770 = tpu.memref_slice %arg11[%mul3A_769] : memref<10000xi32, #tpu.memory_space<vmem>> -> memref<80xi32, #tpu.memory_space<vmem>>
        %dma_start3A_771 = arith.constant 0 : i32
        %dma_start3A_772 = arith.constant 0 : i32
        %dma_start3A_773 = tpu.memref_slice %arg6[%dma_start3A_771, %dma_start3A_772] : memref<10000x96xf32, #tpu.memory_space<hbm>> -> memref<10000x96xf32, #tpu.memory_space<hbm>>
        tpu.enqueue_indirect_dma source(%dma_start3A_773 : memref<10000x96xf32, #tpu.memory_space<hbm>>) target(%arg20 : memref<80x96xf32, #tpu.memory_space<vmem>>) offsets(%dma_start3A_770 : memref<80xi32, #tpu.memory_space<vmem>>) semaphore(%arg31 : memref<!tpu.dma_semaphore, #tpu.memory_space<semaphore_mem>>)
        %mul3A_774 = arith.constant 80 : i32
        %mul3A_775 = arith.muli %add3A_767, %mul3A_774 : i32
        %add3A_776 = arith.addi %mul3A_53, %mul3A_775 : i32
        %dma_start3A_777 = tpu.memref_slice %arg3[%add3A_776] : memref<320000xi32, #tpu.memory_space<hbm>> -> memref<80xi32, #tpu.memory_space<hbm>>
        %dma_start3A_778 = tpu.memref_slice %arg3[%add3A_776] : memref<320000xi32, #tpu.memory_space<hbm>> -> memref<80xi32, #tpu.memory_space<hbm>>
        tpu.enqueue_dma source(%dma_start3A_778 : memref<80xi32, #tpu.memory_space<hbm>>) target(%arg14 : memref<80xi32, #tpu.memory_space<vmem>>) target_semaphore(%arg34 : memref<!tpu.dma_semaphore, #tpu.memory_space<semaphore_mem>>)
      } else {
      }
      %scan3A_765 = arith.constant 0 : i32
      scf.yield %scan3A_765 : i32
    }
    %scan3A_86 = arith.constant 41 : i32
    %dma_wait3A = arith.constant 9840 : i32
    %dma_wait3A_87 = tpu.memref_slice %arg11[%dma_wait3A] : memref<10000xi32, #tpu.memory_space<vmem>> -> memref<80xi32, #tpu.memory_space<vmem>>
    %dma_wait3A_88 = arith.constant 0 : i32
    %dma_wait3A_89 = arith.constant 0 : i32
    %dma_wait3A_90 = tpu.memref_slice %arg6[%dma_wait3A_88, %dma_wait3A_89] : memref<10000x96xf32, #tpu.memory_space<hbm>> -> memref<10000x96xf32, #tpu.memory_space<hbm>>
    tpu.wait_indirect_dma semaphore(%arg29 : memref<!tpu.dma_semaphore, #tpu.memory_space<semaphore_mem>>) src(%dma_wait3A_90 : memref<10000x96xf32, #tpu.memory_space<hbm>>) dst(%arg18 : memref<80x96xf32, #tpu.memory_space<vmem>>)
    %add3A_91 = arith.constant 9840 : i32
    %add3A_92 = arith.addi %mul3A_53, %add3A_91 : i32
    %dma_wait3A_93 = tpu.memref_slice %arg3[%add3A_92] : memref<320000xi32, #tpu.memory_space<hbm>> -> memref<80xi32, #tpu.memory_space<hbm>>
    %dma_wait3A_94 = tpu.memref_slice %arg3[%add3A_92] : memref<320000xi32, #tpu.memory_space<hbm>> -> memref<80xi32, #tpu.memory_space<hbm>>
    tpu.wait_dma2 semaphore(%arg32 : memref<!tpu.dma_semaphore, #tpu.memory_space<semaphore_mem>>) src(%dma_wait3A_94 : memref<80xi32, #tpu.memory_space<hbm>>) dst(%arg12 : memref<80xi32, #tpu.memory_space<vmem>>)
    %get3A = arith.constant 9840 : index
    %get3A_95 = tpu.vector_load %arg11[%get3A] {strides = array<i32>} : memref<10000xi32, #tpu.memory_space<vmem>>, vector<16xi32>,
    %get3A_96 = arith.constant 0 : index
    %get3A_97 = tpu.vector_load %arg12[%get3A_96] {strides = array<i32>} : memref<80xi32, #tpu.memory_space<vmem>>, vector<16xi32>,
    %gather3A = tpu.vector_load_idx %arg9[%get3A_95] : memref<10000xf32, #tpu.memory_space<vmem>>[vector<16xi32>], vector<16xf32>,
    %gather3A_98 = tpu.vector_load_idx %arg10[%get3A_97] : memref<10000xf32, #tpu.memory_space<vmem>>[vector<16xi32>], vector<16xf32>,
    %add3A_99 = arith.addf %gather3A, %gather3A_98 : vector<16xf32>
    %ge3A = arith.constant 0.000000e+00 : f32
    %ge3A_100 = vector.broadcast %ge3A : f32 to vector<16xf32>
    %ge3A_101 = arith.cmpf oge, %add3A_99, %ge3A_100 : vector<16xf32>
    %mul3A_102 = arith.constant 2.000000e-01 : f32
    %mul3A_103 = vector.broadcast %mul3A_102 : f32 to vector<16xf32>
    %mul3A_104 = arith.mulf %add3A_99, %mul3A_103 : vector<16xf32>
    %select_n3A = arith.select %ge3A_101, %add3A_99, %mul3A_104 : vector<16xi1>, vector<16xf32>
    %exp3A = math.exp %select_n3A : vector<16xf32>
    %swap3A = arith.constant 0 : index
    %swap3A_105 = tpu.vector_load %arg24[%swap3A] {strides = array<i32>} : memref<80xf32, #tpu.memory_space<vmem>>, vector<16xf32>,
    tpu.vector_store %arg24[%swap3A], %exp3A {strides = array<i32>} : memref<80xf32, #tpu.memory_space<vmem>>, vector<16xf32>,
    %swap3A_106 = arith.constant 0 : index
    %swap3A_107 = tpu.vector_load %arg15[%swap3A_106] {strides = array<i32>} : memref<80xi32, #tpu.memory_space<vmem>>, vector<16xi32>,
    tpu.vector_store %arg15[%swap3A_106], %get3A_97 {strides = array<i32>} : memref<80xi32, #tpu.memory_space<vmem>>, vector<16xi32>,
    %get3A_108 = arith.constant 9856 : index
    %get3A_109 = tpu.vector_load %arg11[%get3A_108] {strides = array<i32>} : memref<10000xi32, #tpu.memory_space<vmem>>, vector<16xi32>,
    %get3A_110 = arith.constant 16 : index
    %get3A_111 = tpu.vector_load %arg12[%get3A_110] {strides = array<i32>} : memref<80xi32, #tpu.memory_space<vmem>>, vector<16xi32>,
    %gather3A_112 = tpu.vector_load_idx %arg9[%get3A_109] : memref<10000xf32, #tpu.memory_space<vmem>>[vector<16xi32>], vector<16xf32>,
    %gather3A_113 = tpu.vector_load_idx %arg10[%get3A_111] : memref<10000xf32, #tpu.memory_space<vmem>>[vector<16xi32>], vector<16xf32>,
    %add3A_114 = arith.addf %gather3A_112, %gather3A_113 : vector<16xf32>
    %ge3A_115 = arith.constant 0.000000e+00 : f32
    %ge3A_116 = vector.broadcast %ge3A_115 : f32 to vector<16xf32>
    %ge3A_117 = arith.cmpf oge, %add3A_114, %ge3A_116 : vector<16xf32>
    %mul3A_118 = arith.constant 2.000000e-01 : f32
    %mul3A_119 = vector.broadcast %mul3A_118 : f32 to vector<16xf32>
    %mul3A_120 = arith.mulf %add3A_114, %mul3A_119 : vector<16xf32>
    %select_n3A_121 = arith.select %ge3A_117, %add3A_114, %mul3A_120 : vector<16xi1>, vector<16xf32>
    %exp3A_122 = math.exp %select_n3A_121 : vector<16xf32>
    %swap3A_123 = arith.constant 16 : index
    %swap3A_124 = tpu.vector_load %arg24[%swap3A_123] {strides = array<i32>} : memref<80xf32, #tpu.memory_space<vmem>>, vector<16xf32>,
    tpu.vector_store %arg24[%swap3A_123], %exp3A_122 {strides = array<i32>} : memref<80xf32, #tpu.memory_space<vmem>>, vector<16xf32>,
    %swap3A_125 = arith.constant 16 : index
    %swap3A_126 = tpu.vector_load %arg15[%swap3A_125] {strides = array<i32>} : memref<80xi32, #tpu.memory_space<vmem>>, vector<16xi32>,
    tpu.vector_store %arg15[%swap3A_125], %get3A_111 {strides = array<i32>} : memref<80xi32, #tpu.memory_space<vmem>>, vector<16xi32>,
    %get3A_127 = arith.constant 9872 : index
    %get3A_128 = tpu.vector_load %arg11[%get3A_127] {strides = array<i32>} : memref<10000xi32, #tpu.memory_space<vmem>>, vector<16xi32>,
    %get3A_129 = arith.constant 32 : index
    %get3A_130 = tpu.vector_load %arg12[%get3A_129] {strides = array<i32>} : memref<80xi32, #tpu.memory_space<vmem>>, vector<16xi32>,
    %gather3A_131 = tpu.vector_load_idx %arg9[%get3A_128] : memref<10000xf32, #tpu.memory_space<vmem>>[vector<16xi32>], vector<16xf32>,
    %gather3A_132 = tpu.vector_load_idx %arg10[%get3A_130] : memref<10000xf32, #tpu.memory_space<vmem>>[vector<16xi32>], vector<16xf32>,
    %add3A_133 = arith.addf %gather3A_131, %gather3A_132 : vector<16xf32>
    %ge3A_134 = arith.constant 0.000000e+00 : f32
    %ge3A_135 = vector.broadcast %ge3A_134 : f32 to vector<16xf32>
    %ge3A_136 = arith.cmpf oge, %add3A_133, %ge3A_135 : vector<16xf32>
    %mul3A_137 = arith.constant 2.000000e-01 : f32
    %mul3A_138 = vector.broadcast %mul3A_137 : f32 to vector<16xf32>
    %mul3A_139 = arith.mulf %add3A_133, %mul3A_138 : vector<16xf32>
    %select_n3A_140 = arith.select %ge3A_136, %add3A_133, %mul3A_139 : vector<16xi1>, vector<16xf32>
    %exp3A_141 = math.exp %select_n3A_140 : vector<16xf32>
    %swap3A_142 = arith.constant 32 : index
    %swap3A_143 = tpu.vector_load %arg24[%swap3A_142] {strides = array<i32>} : memref<80xf32, #tpu.memory_space<vmem>>, vector<16xf32>,
    tpu.vector_store %arg24[%swap3A_142], %exp3A_141 {strides = array<i32>} : memref<80xf32, #tpu.memory_space<vmem>>, vector<16xf32>,
    %swap3A_144 = arith.constant 32 : index
    %swap3A_145 = tpu.vector_load %arg15[%swap3A_144] {strides = array<i32>} : memref<80xi32, #tpu.memory_space<vmem>>, vector<16xi32>,
    tpu.vector_store %arg15[%swap3A_144], %get3A_130 {strides = array<i32>} : memref<80xi32, #tpu.memory_space<vmem>>, vector<16xi32>,
    %get3A_146 = arith.constant 9888 : index
    %get3A_147 = tpu.vector_load %arg11[%get3A_146] {strides = array<i32>} : memref<10000xi32, #tpu.memory_space<vmem>>, vector<16xi32>,
    %get3A_148 = arith.constant 48 : index
    %get3A_149 = tpu.vector_load %arg12[%get3A_148] {strides = array<i32>} : memref<80xi32, #tpu.memory_space<vmem>>, vector<16xi32>,
    %gather3A_150 = tpu.vector_load_idx %arg9[%get3A_147] : memref<10000xf32, #tpu.memory_space<vmem>>[vector<16xi32>], vector<16xf32>,
    %gather3A_151 = tpu.vector_load_idx %arg10[%get3A_149] : memref<10000xf32, #tpu.memory_space<vmem>>[vector<16xi32>], vector<16xf32>,
    %add3A_152 = arith.addf %gather3A_150, %gather3A_151 : vector<16xf32>
    %ge3A_153 = arith.constant 0.000000e+00 : f32
    %ge3A_154 = vector.broadcast %ge3A_153 : f32 to vector<16xf32>
    %ge3A_155 = arith.cmpf oge, %add3A_152, %ge3A_154 : vector<16xf32>
    %mul3A_156 = arith.constant 2.000000e-01 : f32
    %mul3A_157 = vector.broadcast %mul3A_156 : f32 to vector<16xf32>
    %mul3A_158 = arith.mulf %add3A_152, %mul3A_157 : vector<16xf32>
    %select_n3A_159 = arith.select %ge3A_155, %add3A_152, %mul3A_158 : vector<16xi1>, vector<16xf32>
    %exp3A_160 = math.exp %select_n3A_159 : vector<16xf32>
    %swap3A_161 = arith.constant 48 : index
    %swap3A_162 = tpu.vector_load %arg24[%swap3A_161] {strides = array<i32>} : memref<80xf32, #tpu.memory_space<vmem>>, vector<16xf32>,
    tpu.vector_store %arg24[%swap3A_161], %exp3A_160 {strides = array<i32>} : memref<80xf32, #tpu.memory_space<vmem>>, vector<16xf32>,
    %swap3A_163 = arith.constant 48 : index
    %swap3A_164 = tpu.vector_load %arg15[%swap3A_163] {strides = array<i32>} : memref<80xi32, #tpu.memory_space<vmem>>, vector<16xi32>,
    tpu.vector_store %arg15[%swap3A_163], %get3A_149 {strides = array<i32>} : memref<80xi32, #tpu.memory_space<vmem>>, vector<16xi32>,
    %get3A_165 = arith.constant 9904 : index
    %get3A_166 = tpu.vector_load %arg11[%get3A_165] {strides = array<i32>} : memref<10000xi32, #tpu.memory_space<vmem>>, vector<16xi32>,
    %get3A_167 = arith.constant 64 : index
    %get3A_168 = tpu.vector_load %arg12[%get3A_167] {strides = array<i32>} : memref<80xi32, #tpu.memory_space<vmem>>, vector<16xi32>,
    %gather3A_169 = tpu.vector_load_idx %arg9[%get3A_166] : memref<10000xf32, #tpu.memory_space<vmem>>[vector<16xi32>], vector<16xf32>,
    %gather3A_170 = tpu.vector_load_idx %arg10[%get3A_168] : memref<10000xf32, #tpu.memory_space<vmem>>[vector<16xi32>], vector<16xf32>,
    %add3A_171 = arith.addf %gather3A_169, %gather3A_170 : vector<16xf32>
    %ge3A_172 = arith.constant 0.000000e+00 : f32
    %ge3A_173 = vector.broadcast %ge3A_172 : f32 to vector<16xf32>
    %ge3A_174 = arith.cmpf oge, %add3A_171, %ge3A_173 : vector<16xf32>
    %mul3A_175 = arith.constant 2.000000e-01 : f32
    %mul3A_176 = vector.broadcast %mul3A_175 : f32 to vector<16xf32>
    %mul3A_177 = arith.mulf %add3A_171, %mul3A_176 : vector<16xf32>
    %select_n3A_178 = arith.select %ge3A_174, %add3A_171, %mul3A_177 : vector<16xi1>, vector<16xf32>
    %exp3A_179 = math.exp %select_n3A_178 : vector<16xf32>
    %swap3A_180 = arith.constant 64 : index
    %swap3A_181 = tpu.vector_load %arg24[%swap3A_180] {strides = array<i32>} : memref<80xf32, #tpu.memory_space<vmem>>, vector<16xf32>,
    tpu.vector_store %arg24[%swap3A_180], %exp3A_179 {strides = array<i32>} : memref<80xf32, #tpu.memory_space<vmem>>, vector<16xf32>,
    %swap3A_182 = arith.constant 64 : index
    %swap3A_183 = tpu.vector_load %arg15[%swap3A_182] {strides = array<i32>} : memref<80xi32, #tpu.memory_space<vmem>>, vector<16xi32>,
    tpu.vector_store %arg15[%swap3A_182], %get3A_168 {strides = array<i32>} : memref<80xi32, #tpu.memory_space<vmem>>, vector<16xi32>,
    %scan3A_184 = arith.constant 0 : i32
    %scan3A_185 = arith.constant 0 : i32
    %scan3A_186 = arith.constant 20 : i32
    %scan3A_187 = arith.addi %scan3A_185, %scan3A_186 : i32
    %scan3A_188 = arith.constant 1 : i32
    %scan3A_189 = scf.for %scan3A_327 = %scan3A_185 to %scan3A_187 step %scan3A_188 iter_args(%scan3A_328 = %scan3A_184) -> (i32)  : i32 {
      %mul3A_329 = arith.constant 4 : i32
      %mul3A_330 = arith.muli %mul3A_329, %scan3A_327 : i32
      %mul3A_331 = arith.constant 4 : i32
      %mul3A_332 = arith.muli %mul3A_331, %scan3A_327 : i32
      %add3A_333 = arith.constant 1 : i32
      %add3A_334 = arith.addi %mul3A_332, %add3A_333 : i32
      %mul3A_335 = arith.constant 4 : i32
      %mul3A_336 = arith.muli %mul3A_335, %scan3A_327 : i32
      %add3A_337 = arith.constant 2 : i32
      %add3A_338 = arith.addi %mul3A_336, %add3A_337 : i32
      %mul3A_339 = arith.constant 4 : i32
      %mul3A_340 = arith.muli %mul3A_339, %scan3A_327 : i32
      %add3A_341 = arith.constant 3 : i32
      %add3A_342 = arith.addi %mul3A_340, %add3A_341 : i32
      %add3A_343 = vector.broadcast %mul3A_330 : i32 to vector<16xi32>
      %add3A_344 = arith.addi %broadcast_in_dim3A_11, %add3A_343 : vector<16xi32>
      %gather3A_345 = tpu.vector_load_idx %arg24[%add3A_344] : memref<80xf32, #tpu.memory_space<vmem>>[vector<16xi32>], vector<16xf32>,
      %add3A_346 = vector.broadcast %add3A_334 : i32 to vector<16xi32>
      %add3A_347 = arith.addi %broadcast_in_dim3A_11, %add3A_346 : vector<16xi32>
      %gather3A_348 = tpu.vector_load_idx %arg24[%add3A_347] : memref<80xf32, #tpu.memory_space<vmem>>[vector<16xi32>], vector<16xf32>,
      %add3A_349 = vector.broadcast %add3A_338 : i32 to vector<16xi32>
      %add3A_350 = arith.addi %broadcast_in_dim3A_11, %add3A_349 : vector<16xi32>
      %gather3A_351 = tpu.vector_load_idx %arg24[%add3A_350] : memref<80xf32, #tpu.memory_space<vmem>>[vector<16xi32>], vector<16xf32>,
      %add3A_352 = vector.broadcast %add3A_342 : i32 to vector<16xi32>
      %add3A_353 = arith.addi %broadcast_in_dim3A_11, %add3A_352 : vector<16xi32>
      %gather3A_354 = tpu.vector_load_idx %arg24[%add3A_353] : memref<80xf32, #tpu.memory_space<vmem>>[vector<16xi32>], vector<16xf32>,
      %get3A_355 = arith.index_cast %mul3A_330 : i32 to index
      %get3A_356 = arith.constant 0 : index
      %get3A_357 = tpu.vector_load %arg18[%get3A_355, %get3A_356] {strides = array<i32>} : memref<80x96xf32, #tpu.memory_space<vmem>>, vector<16xf32>,
      %mul3A_358 = arith.mulf %get3A_357, %gather3A_345 : vector<16xf32>
      %swap3A_359 = arith.index_cast %mul3A_330 : i32 to index
      %swap3A_360 = arith.constant 0 : index
      %swap3A_361 = tpu.vector_load %arg18[%swap3A_359, %swap3A_360] {strides = array<i32>} : memref<80x96xf32, #tpu.memory_space<vmem>>, vector<16xf32>,
      tpu.vector_store %arg18[%swap3A_359, %swap3A_360], %mul3A_358 {strides = array<i32>} : memref<80x96xf32, #tpu.memory_space<vmem>>, vector<16xf32>,
      %get3A_362 = arith.index_cast %add3A_334 : i32 to index
      %get3A_363 = arith.constant 0 : index
      %get3A_364 = tpu.vector_load %arg18[%get3A_362, %get3A_363] {strides = array<i32>} : memref<80x96xf32, #tpu.memory_space<vmem>>, vector<16xf32>,
      %mul3A_365 = arith.mulf %get3A_364, %gather3A_348 : vector<16xf32>
      %swap3A_366 = arith.index_cast %add3A_334 : i32 to index
      %swap3A_367 = arith.constant 0 : index
      %swap3A_368 = tpu.vector_load %arg18[%swap3A_366, %swap3A_367] {strides = array<i32>} : memref<80x96xf32, #tpu.memory_space<vmem>>, vector<16xf32>,
      tpu.vector_store %arg18[%swap3A_366, %swap3A_367], %mul3A_365 {strides = array<i32>} : memref<80x96xf32, #tpu.memory_space<vmem>>, vector<16xf32>,
      %get3A_369 = arith.index_cast %add3A_338 : i32 to index
      %get3A_370 = arith.constant 0 : index
      %get3A_371 = tpu.vector_load %arg18[%get3A_369, %get3A_370] {strides = array<i32>} : memref<80x96xf32, #tpu.memory_space<vmem>>, vector<16xf32>,
      %mul3A_372 = arith.mulf %get3A_371, %gather3A_351 : vector<16xf32>
      %swap3A_373 = arith.index_cast %add3A_338 : i32 to index
      %swap3A_374 = arith.constant 0 : index
      %swap3A_375 = tpu.vector_load %arg18[%swap3A_373, %swap3A_374] {strides = array<i32>} : memref<80x96xf32, #tpu.memory_space<vmem>>, vector<16xf32>,
      tpu.vector_store %arg18[%swap3A_373, %swap3A_374], %mul3A_372 {strides = array<i32>} : memref<80x96xf32, #tpu.memory_space<vmem>>, vector<16xf32>,
      %get3A_376 = arith.index_cast %add3A_342 : i32 to index
      %get3A_377 = arith.constant 0 : index
      %get3A_378 = tpu.vector_load %arg18[%get3A_376, %get3A_377] {strides = array<i32>} : memref<80x96xf32, #tpu.memory_space<vmem>>, vector<16xf32>,
      %mul3A_379 = arith.mulf %get3A_378, %gather3A_354 : vector<16xf32>
      %swap3A_380 = arith.index_cast %add3A_342 : i32 to index
      %swap3A_381 = arith.constant 0 : index
      %swap3A_382 = tpu.vector_load %arg18[%swap3A_380, %swap3A_381] {strides = array<i32>} : memref<80x96xf32, #tpu.memory_space<vmem>>, vector<16xf32>,
      tpu.vector_store %arg18[%swap3A_380, %swap3A_381], %mul3A_379 {strides = array<i32>} : memref<80x96xf32, #tpu.memory_space<vmem>>, vector<16xf32>,
      %get3A_383 = arith.index_cast %mul3A_330 : i32 to index
      %get3A_384 = arith.constant 16 : index
      %get3A_385 = tpu.vector_load %arg18[%get3A_383, %get3A_384] {strides = array<i32>} : memref<80x96xf32, #tpu.memory_space<vmem>>, vector<16xf32>,
      %mul3A_386 = arith.mulf %get3A_385, %gather3A_345 : vector<16xf32>
      %swap3A_387 = arith.index_cast %mul3A_330 : i32 to index
      %swap3A_388 = arith.constant 16 : index
      %swap3A_389 = tpu.vector_load %arg18[%swap3A_387, %swap3A_388] {strides = array<i32>} : memref<80x96xf32, #tpu.memory_space<vmem>>, vector<16xf32>,
      tpu.vector_store %arg18[%swap3A_387, %swap3A_388], %mul3A_386 {strides = array<i32>} : memref<80x96xf32, #tpu.memory_space<vmem>>, vector<16xf32>,
      %get3A_390 = arith.index_cast %add3A_334 : i32 to index
      %get3A_391 = arith.constant 16 : index
      %get3A_392 = tpu.vector_load %arg18[%get3A_390, %get3A_391] {strides = array<i32>} : memref<80x96xf32, #tpu.memory_space<vmem>>, vector<16xf32>,
      %mul3A_393 = arith.mulf %get3A_392, %gather3A_348 : vector<16xf32>
      %swap3A_394 = arith.index_cast %add3A_334 : i32 to index
      %swap3A_395 = arith.constant 16 : index
      %swap3A_396 = tpu.vector_load %arg18[%swap3A_394, %swap3A_395] {strides = array<i32>} : memref<80x96xf32, #tpu.memory_space<vmem>>, vector<16xf32>,
      tpu.vector_store %arg18[%swap3A_394, %swap3A_395], %mul3A_393 {strides = array<i32>} : memref<80x96xf32, #tpu.memory_space<vmem>>, vector<16xf32>,
      %get3A_397 = arith.index_cast %add3A_338 : i32 to index
      %get3A_398 = arith.constant 16 : index
      %get3A_399 = tpu.vector_load %arg18[%get3A_397, %get3A_398] {strides = array<i32>} : memref<80x96xf32, #tpu.memory_space<vmem>>, vector<16xf32>,
      %mul3A_400 = arith.mulf %get3A_399, %gather3A_351 : vector<16xf32>
      %swap3A_401 = arith.index_cast %add3A_338 : i32 to index
      %swap3A_402 = arith.constant 16 : index
      %swap3A_403 = tpu.vector_load %arg18[%swap3A_401, %swap3A_402] {strides = array<i32>} : memref<80x96xf32, #tpu.memory_space<vmem>>, vector<16xf32>,
      tpu.vector_store %arg18[%swap3A_401, %swap3A_402], %mul3A_400 {strides = array<i32>} : memref<80x96xf32, #tpu.memory_space<vmem>>, vector<16xf32>,
      %get3A_404 = arith.index_cast %add3A_342 : i32 to index
      %get3A_405 = arith.constant 16 : index
      %get3A_406 = tpu.vector_load %arg18[%get3A_404, %get3A_405] {strides = array<i32>} : memref<80x96xf32, #tpu.memory_space<vmem>>, vector<16xf32>,
      %mul3A_407 = arith.mulf %get3A_406, %gather3A_354 : vector<16xf32>
      %swap3A_408 = arith.index_cast %add3A_342 : i32 to index
      %swap3A_409 = arith.constant 16 : index
      %swap3A_410 = tpu.vector_load %arg18[%swap3A_408, %swap3A_409] {strides = array<i32>} : memref<80x96xf32, #tpu.memory_space<vmem>>, vector<16xf32>,
      tpu.vector_store %arg18[%swap3A_408, %swap3A_409], %mul3A_407 {strides = array<i32>} : memref<80x96xf32, #tpu.memory_space<vmem>>, vector<16xf32>,
      %get3A_411 = arith.index_cast %mul3A_330 : i32 to index
      %get3A_412 = arith.constant 32 : index
      %get3A_413 = tpu.vector_load %arg18[%get3A_411, %get3A_412] {strides = array<i32>} : memref<80x96xf32, #tpu.memory_space<vmem>>, vector<16xf32>,
      %mul3A_414 = arith.mulf %get3A_413, %gather3A_345 : vector<16xf32>
      %swap3A_415 = arith.index_cast %mul3A_330 : i32 to index
      %swap3A_416 = arith.constant 32 : index
      %swap3A_417 = tpu.vector_load %arg18[%swap3A_415, %swap3A_416] {strides = array<i32>} : memref<80x96xf32, #tpu.memory_space<vmem>>, vector<16xf32>,
      tpu.vector_store %arg18[%swap3A_415, %swap3A_416], %mul3A_414 {strides = array<i32>} : memref<80x96xf32, #tpu.memory_space<vmem>>, vector<16xf32>,
      %get3A_418 = arith.index_cast %add3A_334 : i32 to index
      %get3A_419 = arith.constant 32 : index
      %get3A_420 = tpu.vector_load %arg18[%get3A_418, %get3A_419] {strides = array<i32>} : memref<80x96xf32, #tpu.memory_space<vmem>>, vector<16xf32>,
      %mul3A_421 = arith.mulf %get3A_420, %gather3A_348 : vector<16xf32>
      %swap3A_422 = arith.index_cast %add3A_334 : i32 to index
      %swap3A_423 = arith.constant 32 : index
      %swap3A_424 = tpu.vector_load %arg18[%swap3A_422, %swap3A_423] {strides = array<i32>} : memref<80x96xf32, #tpu.memory_space<vmem>>, vector<16xf32>,
      tpu.vector_store %arg18[%swap3A_422, %swap3A_423], %mul3A_421 {strides = array<i32>} : memref<80x96xf32, #tpu.memory_space<vmem>>, vector<16xf32>,
      %get3A_425 = arith.index_cast %add3A_338 : i32 to index
      %get3A_426 = arith.constant 32 : index
      %get3A_427 = tpu.vector_load %arg18[%get3A_425, %get3A_426] {strides = array<i32>} : memref<80x96xf32, #tpu.memory_space<vmem>>, vector<16xf32>,
      %mul3A_428 = arith.mulf %get3A_427, %gather3A_351 : vector<16xf32>
      %swap3A_429 = arith.index_cast %add3A_338 : i32 to index
      %swap3A_430 = arith.constant 32 : index
      %swap3A_431 = tpu.vector_load %arg18[%swap3A_429, %swap3A_430] {strides = array<i32>} : memref<80x96xf32, #tpu.memory_space<vmem>>, vector<16xf32>,
      tpu.vector_store %arg18[%swap3A_429, %swap3A_430], %mul3A_428 {strides = array<i32>} : memref<80x96xf32, #tpu.memory_space<vmem>>, vector<16xf32>,
      %get3A_432 = arith.index_cast %add3A_342 : i32 to index
      %get3A_433 = arith.constant 32 : index
      %get3A_434 = tpu.vector_load %arg18[%get3A_432, %get3A_433] {strides = array<i32>} : memref<80x96xf32, #tpu.memory_space<vmem>>, vector<16xf32>,
      %mul3A_435 = arith.mulf %get3A_434, %gather3A_354 : vector<16xf32>
      %swap3A_436 = arith.index_cast %add3A_342 : i32 to index
      %swap3A_437 = arith.constant 32 : index
      %swap3A_438 = tpu.vector_load %arg18[%swap3A_436, %swap3A_437] {strides = array<i32>} : memref<80x96xf32, #tpu.memory_space<vmem>>, vector<16xf32>,
      tpu.vector_store %arg18[%swap3A_436, %swap3A_437], %mul3A_435 {strides = array<i32>} : memref<80x96xf32, #tpu.memory_space<vmem>>, vector<16xf32>,
      %get3A_439 = arith.index_cast %mul3A_330 : i32 to index
      %get3A_440 = arith.constant 48 : index
      %get3A_441 = tpu.vector_load %arg18[%get3A_439, %get3A_440] {strides = array<i32>} : memref<80x96xf32, #tpu.memory_space<vmem>>, vector<16xf32>,
      %mul3A_442 = arith.mulf %get3A_441, %gather3A_345 : vector<16xf32>
      %swap3A_443 = arith.index_cast %mul3A_330 : i32 to index
      %swap3A_444 = arith.constant 48 : index
      %swap3A_445 = tpu.vector_load %arg18[%swap3A_443, %swap3A_444] {strides = array<i32>} : memref<80x96xf32, #tpu.memory_space<vmem>>, vector<16xf32>,
      tpu.vector_store %arg18[%swap3A_443, %swap3A_444], %mul3A_442 {strides = array<i32>} : memref<80x96xf32, #tpu.memory_space<vmem>>, vector<16xf32>,
      %get3A_446 = arith.index_cast %add3A_334 : i32 to index
      %get3A_447 = arith.constant 48 : index
      %get3A_448 = tpu.vector_load %arg18[%get3A_446, %get3A_447] {strides = array<i32>} : memref<80x96xf32, #tpu.memory_space<vmem>>, vector<16xf32>,
      %mul3A_449 = arith.mulf %get3A_448, %gather3A_348 : vector<16xf32>
      %swap3A_450 = arith.index_cast %add3A_334 : i32 to index
      %swap3A_451 = arith.constant 48 : index
      %swap3A_452 = tpu.vector_load %arg18[%swap3A_450, %swap3A_451] {strides = array<i32>} : memref<80x96xf32, #tpu.memory_space<vmem>>, vector<16xf32>,
      tpu.vector_store %arg18[%swap3A_450, %swap3A_451], %mul3A_449 {strides = array<i32>} : memref<80x96xf32, #tpu.memory_space<vmem>>, vector<16xf32>,
      %get3A_453 = arith.index_cast %add3A_338 : i32 to index
      %get3A_454 = arith.constant 48 : index
      %get3A_455 = tpu.vector_load %arg18[%get3A_453, %get3A_454] {strides = array<i32>} : memref<80x96xf32, #tpu.memory_space<vmem>>, vector<16xf32>,
      %mul3A_456 = arith.mulf %get3A_455, %gather3A_351 : vector<16xf32>
      %swap3A_457 = arith.index_cast %add3A_338 : i32 to index
      %swap3A_458 = arith.constant 48 : index
      %swap3A_459 = tpu.vector_load %arg18[%swap3A_457, %swap3A_458] {strides = array<i32>} : memref<80x96xf32, #tpu.memory_space<vmem>>, vector<16xf32>,
      tpu.vector_store %arg18[%swap3A_457, %swap3A_458], %mul3A_456 {strides = array<i32>} : memref<80x96xf32, #tpu.memory_space<vmem>>, vector<16xf32>,
      %get3A_460 = arith.index_cast %add3A_342 : i32 to index
      %get3A_461 = arith.constant 48 : index
      %get3A_462 = tpu.vector_load %arg18[%get3A_460, %get3A_461] {strides = array<i32>} : memref<80x96xf32, #tpu.memory_space<vmem>>, vector<16xf32>,
      %mul3A_463 = arith.mulf %get3A_462, %gather3A_354 : vector<16xf32>
      %swap3A_464 = arith.index_cast %add3A_342 : i32 to index
      %swap3A_465 = arith.constant 48 : index
      %swap3A_466 = tpu.vector_load %arg18[%swap3A_464, %swap3A_465] {strides = array<i32>} : memref<80x96xf32, #tpu.memory_space<vmem>>, vector<16xf32>,
      tpu.vector_store %arg18[%swap3A_464, %swap3A_465], %mul3A_463 {strides = array<i32>} : memref<80x96xf32, #tpu.memory_space<vmem>>, vector<16xf32>,
      %get3A_467 = arith.index_cast %mul3A_330 : i32 to index
      %get3A_468 = arith.constant 64 : index
      %get3A_469 = tpu.vector_load %arg18[%get3A_467, %get3A_468] {strides = array<i32>} : memref<80x96xf32, #tpu.memory_space<vmem>>, vector<16xf32>,
      %mul3A_470 = arith.mulf %get3A_469, %gather3A_345 : vector<16xf32>
      %swap3A_471 = arith.index_cast %mul3A_330 : i32 to index
      %swap3A_472 = arith.constant 64 : index
      %swap3A_473 = tpu.vector_load %arg18[%swap3A_471, %swap3A_472] {strides = array<i32>} : memref<80x96xf32, #tpu.memory_space<vmem>>, vector<16xf32>,
      tpu.vector_store %arg18[%swap3A_471, %swap3A_472], %mul3A_470 {strides = array<i32>} : memref<80x96xf32, #tpu.memory_space<vmem>>, vector<16xf32>,
      %get3A_474 = arith.index_cast %add3A_334 : i32 to index
      %get3A_475 = arith.constant 64 : index
      %get3A_476 = tpu.vector_load %arg18[%get3A_474, %get3A_475] {strides = array<i32>} : memref<80x96xf32, #tpu.memory_space<vmem>>, vector<16xf32>,
      %mul3A_477 = arith.mulf %get3A_476, %gather3A_348 : vector<16xf32>
      %swap3A_478 = arith.index_cast %add3A_334 : i32 to index
      %swap3A_479 = arith.constant 64 : index
      %swap3A_480 = tpu.vector_load %arg18[%swap3A_478, %swap3A_479] {strides = array<i32>} : memref<80x96xf32, #tpu.memory_space<vmem>>, vector<16xf32>,
      tpu.vector_store %arg18[%swap3A_478, %swap3A_479], %mul3A_477 {strides = array<i32>} : memref<80x96xf32, #tpu.memory_space<vmem>>, vector<16xf32>,
      %get3A_481 = arith.index_cast %add3A_338 : i32 to index
      %get3A_482 = arith.constant 64 : index
      %get3A_483 = tpu.vector_load %arg18[%get3A_481, %get3A_482] {strides = array<i32>} : memref<80x96xf32, #tpu.memory_space<vmem>>, vector<16xf32>,
      %mul3A_484 = arith.mulf %get3A_483, %gather3A_351 : vector<16xf32>
      %swap3A_485 = arith.index_cast %add3A_338 : i32 to index
      %swap3A_486 = arith.constant 64 : index
      %swap3A_487 = tpu.vector_load %arg18[%swap3A_485, %swap3A_486] {strides = array<i32>} : memref<80x96xf32, #tpu.memory_space<vmem>>, vector<16xf32>,
      tpu.vector_store %arg18[%swap3A_485, %swap3A_486], %mul3A_484 {strides = array<i32>} : memref<80x96xf32, #tpu.memory_space<vmem>>, vector<16xf32>,
      %get3A_488 = arith.index_cast %add3A_342 : i32 to index
      %get3A_489 = arith.constant 64 : index
      %get3A_490 = tpu.vector_load %arg18[%get3A_488, %get3A_489] {strides = array<i32>} : memref<80x96xf32, #tpu.memory_space<vmem>>, vector<16xf32>,
      %mul3A_491 = arith.mulf %get3A_490, %gather3A_354 : vector<16xf32>
      %swap3A_492 = arith.index_cast %add3A_342 : i32 to index
      %swap3A_493 = arith.constant 64 : index
      %swap3A_494 = tpu.vector_load %arg18[%swap3A_492, %swap3A_493] {strides = array<i32>} : memref<80x96xf32, #tpu.memory_space<vmem>>, vector<16xf32>,
      tpu.vector_store %arg18[%swap3A_492, %swap3A_493], %mul3A_491 {strides = array<i32>} : memref<80x96xf32, #tpu.memory_space<vmem>>, vector<16xf32>,
      %get3A_495 = arith.index_cast %mul3A_330 : i32 to index
      %get3A_496 = arith.constant 80 : index
      %get3A_497 = tpu.vector_load %arg18[%get3A_495, %get3A_496] {strides = array<i32>} : memref<80x96xf32, #tpu.memory_space<vmem>>, vector<16xf32>,
      %mul3A_498 = arith.mulf %get3A_497, %gather3A_345 : vector<16xf32>
      %swap3A_499 = arith.index_cast %mul3A_330 : i32 to index
      %swap3A_500 = arith.constant 80 : index
      %swap3A_501 = tpu.vector_load %arg18[%swap3A_499, %swap3A_500] {strides = array<i32>} : memref<80x96xf32, #tpu.memory_space<vmem>>, vector<16xf32>,
      tpu.vector_store %arg18[%swap3A_499, %swap3A_500], %mul3A_498 {strides = array<i32>} : memref<80x96xf32, #tpu.memory_space<vmem>>, vector<16xf32>,
      %get3A_502 = arith.index_cast %add3A_334 : i32 to index
      %get3A_503 = arith.constant 80 : index
      %get3A_504 = tpu.vector_load %arg18[%get3A_502, %get3A_503] {strides = array<i32>} : memref<80x96xf32, #tpu.memory_space<vmem>>, vector<16xf32>,
      %mul3A_505 = arith.mulf %get3A_504, %gather3A_348 : vector<16xf32>
      %swap3A_506 = arith.index_cast %add3A_334 : i32 to index
      %swap3A_507 = arith.constant 80 : index
      %swap3A_508 = tpu.vector_load %arg18[%swap3A_506, %swap3A_507] {strides = array<i32>} : memref<80x96xf32, #tpu.memory_space<vmem>>, vector<16xf32>,
      tpu.vector_store %arg18[%swap3A_506, %swap3A_507], %mul3A_505 {strides = array<i32>} : memref<80x96xf32, #tpu.memory_space<vmem>>, vector<16xf32>,
      %get3A_509 = arith.index_cast %add3A_338 : i32 to index
      %get3A_510 = arith.constant 80 : index
      %get3A_511 = tpu.vector_load %arg18[%get3A_509, %get3A_510] {strides = array<i32>} : memref<80x96xf32, #tpu.memory_space<vmem>>, vector<16xf32>,
      %mul3A_512 = arith.mulf %get3A_511, %gather3A_351 : vector<16xf32>
      %swap3A_513 = arith.index_cast %add3A_338 : i32 to index
      %swap3A_514 = arith.constant 80 : index
      %swap3A_515 = tpu.vector_load %arg18[%swap3A_513, %swap3A_514] {strides = array<i32>} : memref<80x96xf32, #tpu.memory_space<vmem>>, vector<16xf32>,
      tpu.vector_store %arg18[%swap3A_513, %swap3A_514], %mul3A_512 {strides = array<i32>} : memref<80x96xf32, #tpu.memory_space<vmem>>, vector<16xf32>,
      %get3A_516 = arith.index_cast %add3A_342 : i32 to index
      %get3A_517 = arith.constant 80 : index
      %get3A_518 = tpu.vector_load %arg18[%get3A_516, %get3A_517] {strides = array<i32>} : memref<80x96xf32, #tpu.memory_space<vmem>>, vector<16xf32>,
      %mul3A_519 = arith.mulf %get3A_518, %gather3A_354 : vector<16xf32>
      %swap3A_520 = arith.index_cast %add3A_342 : i32 to index
      %swap3A_521 = arith.constant 80 : index
      %swap3A_522 = tpu.vector_load %arg18[%swap3A_520, %swap3A_521] {strides = array<i32>} : memref<80x96xf32, #tpu.memory_space<vmem>>, vector<16xf32>,
      tpu.vector_store %arg18[%swap3A_520, %swap3A_521], %mul3A_519 {strides = array<i32>} : memref<80x96xf32, #tpu.memory_space<vmem>>, vector<16xf32>,
      %mul3A_523 = arith.mulf %gather3A_345, %convert_element_type3A_4 : vector<16xf32>
      %add3A_524 = arith.addf %mul3A_523, %convert_element_type3A_9 : vector<16xf32>
      %swap3A_525 = arith.index_cast %mul3A_330 : i32 to index
      %swap3A_526 = arith.constant 0 : index
      %swap3A_527 = tpu.vector_load %arg21[%swap3A_525, %swap3A_526] {strides = array<i32>} : memref<80x16xf32, #tpu.memory_space<vmem>>, vector<16xf32>,
      tpu.vector_store %arg21[%swap3A_525, %swap3A_526], %add3A_524 {strides = array<i32>} : memref<80x16xf32, #tpu.memory_space<vmem>>, vector<16xf32>,
      %mul3A_528 = arith.mulf %gather3A_348, %convert_element_type3A_4 : vector<16xf32>
      %add3A_529 = arith.addf %mul3A_528, %convert_element_type3A_9 : vector<16xf32>
      %swap3A_530 = arith.index_cast %add3A_334 : i32 to index
      %swap3A_531 = arith.constant 0 : index
      %swap3A_532 = tpu.vector_load %arg21[%swap3A_530, %swap3A_531] {strides = array<i32>} : memref<80x16xf32, #tpu.memory_space<vmem>>, vector<16xf32>,
      tpu.vector_store %arg21[%swap3A_530, %swap3A_531], %add3A_529 {strides = array<i32>} : memref<80x16xf32, #tpu.memory_space<vmem>>, vector<16xf32>,
      %mul3A_533 = arith.mulf %gather3A_351, %convert_element_type3A_4 : vector<16xf32>
      %add3A_534 = arith.addf %mul3A_533, %convert_element_type3A_9 : vector<16xf32>
      %swap3A_535 = arith.index_cast %add3A_338 : i32 to index
      %swap3A_536 = arith.constant 0 : index
      %swap3A_537 = tpu.vector_load %arg21[%swap3A_535, %swap3A_536] {strides = array<i32>} : memref<80x16xf32, #tpu.memory_space<vmem>>, vector<16xf32>,
      tpu.vector_store %arg21[%swap3A_535, %swap3A_536], %add3A_534 {strides = array<i32>} : memref<80x16xf32, #tpu.memory_space<vmem>>, vector<16xf32>,
      %mul3A_538 = arith.mulf %gather3A_354, %convert_element_type3A_4 : vector<16xf32>
      %add3A_539 = arith.addf %mul3A_538, %convert_element_type3A_9 : vector<16xf32>
      %swap3A_540 = arith.index_cast %add3A_342 : i32 to index
      %swap3A_541 = arith.constant 0 : index
      %swap3A_542 = tpu.vector_load %arg21[%swap3A_540, %swap3A_541] {strides = array<i32>} : memref<80x16xf32, #tpu.memory_space<vmem>>, vector<16xf32>,
      tpu.vector_store %arg21[%swap3A_540, %swap3A_541], %add3A_539 {strides = array<i32>} : memref<80x16xf32, #tpu.memory_space<vmem>>, vector<16xf32>,
      %scan3A_543 = arith.constant 0 : i32
      scf.yield %scan3A_543 : i32
    }
    %scan3A_190 = arith.constant 20 : i32
    %dma_start3A_191 = arith.constant 0 : i32
    %dma_start3A_192 = arith.constant 0 : i32
    %dma_start3A_193 = tpu.memref_slice %arg27[%dma_start3A_191, %dma_start3A_192] : memref<10240x96xf32, #tpu.memory_space<vmem_shared>> -> memref<10240x96xf32, #tpu.memory_space<vmem_shared>>
    tpu.enqueue_indirect_dma source(%arg18 : memref<80x96xf32, #tpu.memory_space<vmem>>) target(%dma_start3A_193 : memref<10240x96xf32, #tpu.memory_space<vmem_shared>>) offsets(%arg15 : memref<80xi32, #tpu.memory_space<vmem>>) semaphore(%arg35 : memref<!tpu.dma_semaphore, #tpu.memory_space<semaphore_mem>>) {add = true}
    %dma_start3A_194 = arith.constant 0 : i32
    %dma_start3A_195 = arith.constant 0 : i32
    %dma_start3A_196 = tpu.memref_slice %arg28[%dma_start3A_194, %dma_start3A_195] : memref<10240x16xf32, #tpu.memory_space<vmem_shared>> -> memref<10240x16xf32, #tpu.memory_space<vmem_shared>>
    tpu.enqueue_indirect_dma source(%arg21 : memref<80x16xf32, #tpu.memory_space<vmem>>) target(%dma_start3A_196 : memref<10240x16xf32, #tpu.memory_space<vmem_shared>>) offsets(%arg15 : memref<80xi32, #tpu.memory_space<vmem>>) semaphore(%arg36 : memref<!tpu.dma_semaphore, #tpu.memory_space<semaphore_mem>>) {add = true}
    %dma_wait3A_197 = arith.constant 0 : i32
    %dma_wait3A_198 = arith.constant 0 : i32
    %dma_wait3A_199 = tpu.memref_slice %arg27[%dma_wait3A_197, %dma_wait3A_198] : memref<10240x96xf32, #tpu.memory_space<vmem_shared>> -> memref<10240x96xf32, #tpu.memory_space<vmem_shared>>
    tpu.wait_indirect_dma semaphore(%arg35 : memref<!tpu.dma_semaphore, #tpu.memory_space<semaphore_mem>>) src(%arg18 : memref<80x96xf32, #tpu.memory_space<vmem>>) dst(%dma_wait3A_199 : memref<10240x96xf32, #tpu.memory_space<vmem_shared>>)
    %dma_wait3A_200 = arith.constant 0 : i32
    %dma_wait3A_201 = arith.constant 0 : i32
    %dma_wait3A_202 = tpu.memref_slice %arg28[%dma_wait3A_200, %dma_wait3A_201] : memref<10240x16xf32, #tpu.memory_space<vmem_shared>> -> memref<10240x16xf32, #tpu.memory_space<vmem_shared>>
    tpu.wait_indirect_dma semaphore(%arg36 : memref<!tpu.dma_semaphore, #tpu.memory_space<semaphore_mem>>) src(%arg21 : memref<80x16xf32, #tpu.memory_space<vmem>>) dst(%dma_wait3A_202 : memref<10240x16xf32, #tpu.memory_space<vmem_shared>>)
    %dma_wait3A_203 = arith.constant 9920 : i32
    %dma_wait3A_204 = tpu.memref_slice %arg11[%dma_wait3A_203] : memref<10000xi32, #tpu.memory_space<vmem>> -> memref<80xi32, #tpu.memory_space<vmem>>
    %dma_wait3A_205 = arith.constant 0 : i32
    %dma_wait3A_206 = arith.constant 0 : i32
    %dma_wait3A_207 = tpu.memref_slice %arg6[%dma_wait3A_205, %dma_wait3A_206] : memref<10000x96xf32, #tpu.memory_space<hbm>> -> memref<10000x96xf32, #tpu.memory_space<hbm>>
    tpu.wait_indirect_dma semaphore(%arg30 : memref<!tpu.dma_semaphore, #tpu.memory_space<semaphore_mem>>) src(%dma_wait3A_207 : memref<10000x96xf32, #tpu.memory_space<hbm>>) dst(%arg19 : memref<80x96xf32, #tpu.memory_space<vmem>>)
    %add3A_208 = arith.constant 9920 : i32
    %add3A_209 = arith.addi %mul3A_53, %add3A_208 : i32
    %dma_wait3A_210 = tpu.memref_slice %arg3[%add3A_209] : memref<320000xi32, #tpu.memory_space<hbm>> -> memref<80xi32, #tpu.memory_space<hbm>>
    %dma_wait3A_211 = tpu.memref_slice %arg3[%add3A_209] : memref<320000xi32, #tpu.memory_space<hbm>> -> memref<80xi32, #tpu.memory_space<hbm>>
    tpu.wait_dma2 semaphore(%arg33 : memref<!tpu.dma_semaphore, #tpu.memory_space<semaphore_mem>>) src(%dma_wait3A_211 : memref<80xi32, #tpu.memory_space<hbm>>) dst(%arg13 : memref<80xi32, #tpu.memory_space<vmem>>)
    %get3A_212 = arith.constant 9920 : index
    %get3A_213 = tpu.vector_load %arg11[%get3A_212] {strides = array<i32>} : memref<10000xi32, #tpu.memory_space<vmem>>, vector<16xi32>,
    %get3A_214 = arith.constant 0 : index
    %get3A_215 = tpu.vector_load %arg13[%get3A_214] {strides = array<i32>} : memref<80xi32, #tpu.memory_space<vmem>>, vector<16xi32>,
    %gather3A_216 = tpu.vector_load_idx %arg9[%get3A_213] : memref<10000xf32, #tpu.memory_space<vmem>>[vector<16xi32>], vector<16xf32>,
    %gather3A_217 = tpu.vector_load_idx %arg10[%get3A_215] : memref<10000xf32, #tpu.memory_space<vmem>>[vector<16xi32>], vector<16xf32>,
    %add3A_218 = arith.addf %gather3A_216, %gather3A_217 : vector<16xf32>
    %ge3A_219 = arith.constant 0.000000e+00 : f32
    %ge3A_220 = vector.broadcast %ge3A_219 : f32 to vector<16xf32>
    %ge3A_221 = arith.cmpf oge, %add3A_218, %ge3A_220 : vector<16xf32>
    %mul3A_222 = arith.constant 2.000000e-01 : f32
    %mul3A_223 = vector.broadcast %mul3A_222 : f32 to vector<16xf32>
    %mul3A_224 = arith.mulf %add3A_218, %mul3A_223 : vector<16xf32>
    %select_n3A_225 = arith.select %ge3A_221, %add3A_218, %mul3A_224 : vector<16xi1>, vector<16xf32>
    %exp3A_226 = math.exp %select_n3A_225 : vector<16xf32>
    %swap3A_227 = arith.constant 0 : index
    %swap3A_228 = tpu.vector_load %arg25[%swap3A_227] {strides = array<i32>} : memref<80xf32, #tpu.memory_space<vmem>>, vector<16xf32>,
    tpu.vector_store %arg25[%swap3A_227], %exp3A_226 {strides = array<i32>} : memref<80xf32, #tpu.memory_space<vmem>>, vector<16xf32>,
    %swap3A_229 = arith.constant 0 : index
    %swap3A_230 = tpu.vector_load %arg16[%swap3A_229] {strides = array<i32>} : memref<80xi32, #tpu.memory_space<vmem>>, vector<16xi32>,
    tpu.vector_store %arg16[%swap3A_229], %get3A_215 {strides = array<i32>} : memref<80xi32, #tpu.memory_space<vmem>>, vector<16xi32>,
    %get3A_231 = arith.constant 9936 : index
    %get3A_232 = tpu.vector_load %arg11[%get3A_231] {strides = array<i32>} : memref<10000xi32, #tpu.memory_space<vmem>>, vector<16xi32>,
    %get3A_233 = arith.constant 16 : index
    %get3A_234 = tpu.vector_load %arg13[%get3A_233] {strides = array<i32>} : memref<80xi32, #tpu.memory_space<vmem>>, vector<16xi32>,
    %gather3A_235 = tpu.vector_load_idx %arg9[%get3A_232] : memref<10000xf32, #tpu.memory_space<vmem>>[vector<16xi32>], vector<16xf32>,
    %gather3A_236 = tpu.vector_load_idx %arg10[%get3A_234] : memref<10000xf32, #tpu.memory_space<vmem>>[vector<16xi32>], vector<16xf32>,
    %add3A_237 = arith.addf %gather3A_235, %gather3A_236 : vector<16xf32>
    %ge3A_238 = arith.constant 0.000000e+00 : f32
    %ge3A_239 = vector.broadcast %ge3A_238 : f32 to vector<16xf32>
    %ge3A_240 = arith.cmpf oge, %add3A_237, %ge3A_239 : vector<16xf32>
    %mul3A_241 = arith.constant 2.000000e-01 : f32
    %mul3A_242 = vector.broadcast %mul3A_241 : f32 to vector<16xf32>
    %mul3A_243 = arith.mulf %add3A_237, %mul3A_242 : vector<16xf32>
    %select_n3A_244 = arith.select %ge3A_240, %add3A_237, %mul3A_243 : vector<16xi1>, vector<16xf32>
    %exp3A_245 = math.exp %select_n3A_244 : vector<16xf32>
    %swap3A_246 = arith.constant 16 : index
    %swap3A_247 = tpu.vector_load %arg25[%swap3A_246] {strides = array<i32>} : memref<80xf32, #tpu.memory_space<vmem>>, vector<16xf32>,
    tpu.vector_store %arg25[%swap3A_246], %exp3A_245 {strides = array<i32>} : memref<80xf32, #tpu.memory_space<vmem>>, vector<16xf32>,
    %swap3A_248 = arith.constant 16 : index
    %swap3A_249 = tpu.vector_load %arg16[%swap3A_248] {strides = array<i32>} : memref<80xi32, #tpu.memory_space<vmem>>, vector<16xi32>,
    tpu.vector_store %arg16[%swap3A_248], %get3A_234 {strides = array<i32>} : memref<80xi32, #tpu.memory_space<vmem>>, vector<16xi32>,
    %get3A_250 = arith.constant 9952 : index
    %get3A_251 = tpu.vector_load %arg11[%get3A_250] {strides = array<i32>} : memref<10000xi32, #tpu.memory_space<vmem>>, vector<16xi32>,
    %get3A_252 = arith.constant 32 : index
    %get3A_253 = tpu.vector_load %arg13[%get3A_252] {strides = array<i32>} : memref<80xi32, #tpu.memory_space<vmem>>, vector<16xi32>,
    %gather3A_254 = tpu.vector_load_idx %arg9[%get3A_251] : memref<10000xf32, #tpu.memory_space<vmem>>[vector<16xi32>], vector<16xf32>,
    %gather3A_255 = tpu.vector_load_idx %arg10[%get3A_253] : memref<10000xf32, #tpu.memory_space<vmem>>[vector<16xi32>], vector<16xf32>,
    %add3A_256 = arith.addf %gather3A_254, %gather3A_255 : vector<16xf32>
    %ge3A_257 = arith.constant 0.000000e+00 : f32
    %ge3A_258 = vector.broadcast %ge3A_257 : f32 to vector<16xf32>
    %ge3A_259 = arith.cmpf oge, %add3A_256, %ge3A_258 : vector<16xf32>
    %mul3A_260 = arith.constant 2.000000e-01 : f32
    %mul3A_261 = vector.broadcast %mul3A_260 : f32 to vector<16xf32>
    %mul3A_262 = arith.mulf %add3A_256, %mul3A_261 : vector<16xf32>
    %select_n3A_263 = arith.select %ge3A_259, %add3A_256, %mul3A_262 : vector<16xi1>, vector<16xf32>
    %exp3A_264 = math.exp %select_n3A_263 : vector<16xf32>
    %swap3A_265 = arith.constant 32 : index
    %swap3A_266 = tpu.vector_load %arg25[%swap3A_265] {strides = array<i32>} : memref<80xf32, #tpu.memory_space<vmem>>, vector<16xf32>,
    tpu.vector_store %arg25[%swap3A_265], %exp3A_264 {strides = array<i32>} : memref<80xf32, #tpu.memory_space<vmem>>, vector<16xf32>,
    %swap3A_267 = arith.constant 32 : index
    %swap3A_268 = tpu.vector_load %arg16[%swap3A_267] {strides = array<i32>} : memref<80xi32, #tpu.memory_space<vmem>>, vector<16xi32>,
    tpu.vector_store %arg16[%swap3A_267], %get3A_253 {strides = array<i32>} : memref<80xi32, #tpu.memory_space<vmem>>, vector<16xi32>,
    %get3A_269 = arith.constant 9968 : index
    %get3A_270 = tpu.vector_load %arg11[%get3A_269] {strides = array<i32>} : memref<10000xi32, #tpu.memory_space<vmem>>, vector<16xi32>,
    %get3A_271 = arith.constant 48 : index
    %get3A_272 = tpu.vector_load %arg13[%get3A_271] {strides = array<i32>} : memref<80xi32, #tpu.memory_space<vmem>>, vector<16xi32>,
    %gather3A_273 = tpu.vector_load_idx %arg9[%get3A_270] : memref<10000xf32, #tpu.memory_space<vmem>>[vector<16xi32>], vector<16xf32>,
    %gather3A_274 = tpu.vector_load_idx %arg10[%get3A_272] : memref<10000xf32, #tpu.memory_space<vmem>>[vector<16xi32>], vector<16xf32>,
    %add3A_275 = arith.addf %gather3A_273, %gather3A_274 : vector<16xf32>
    %ge3A_276 = arith.constant 0.000000e+00 : f32
    %ge3A_277 = vector.broadcast %ge3A_276 : f32 to vector<16xf32>
    %ge3A_278 = arith.cmpf oge, %add3A_275, %ge3A_277 : vector<16xf32>
    %mul3A_279 = arith.constant 2.000000e-01 : f32
    %mul3A_280 = vector.broadcast %mul3A_279 : f32 to vector<16xf32>
    %mul3A_281 = arith.mulf %add3A_275, %mul3A_280 : vector<16xf32>
    %select_n3A_282 = arith.select %ge3A_278, %add3A_275, %mul3A_281 : vector<16xi1>, vector<16xf32>
    %exp3A_283 = math.exp %select_n3A_282 : vector<16xf32>
    %swap3A_284 = arith.constant 48 : index
    %swap3A_285 = tpu.vector_load %arg25[%swap3A_284] {strides = array<i32>} : memref<80xf32, #tpu.memory_space<vmem>>, vector<16xf32>,
    tpu.vector_store %arg25[%swap3A_284], %exp3A_283 {strides = array<i32>} : memref<80xf32, #tpu.memory_space<vmem>>, vector<16xf32>,
    %swap3A_286 = arith.constant 48 : index
    %swap3A_287 = tpu.vector_load %arg16[%swap3A_286] {strides = array<i32>} : memref<80xi32, #tpu.memory_space<vmem>>, vector<16xi32>,
    tpu.vector_store %arg16[%swap3A_286], %get3A_272 {strides = array<i32>} : memref<80xi32, #tpu.memory_space<vmem>>, vector<16xi32>,
    %get3A_288 = arith.constant 9984 : index
    %get3A_289 = tpu.vector_load %arg11[%get3A_288] {strides = array<i32>} : memref<10000xi32, #tpu.memory_space<vmem>>, vector<16xi32>,
    %get3A_290 = arith.constant 64 : index
    %get3A_291 = tpu.vector_load %arg13[%get3A_290] {strides = array<i32>} : memref<80xi32, #tpu.memory_space<vmem>>, vector<16xi32>,
    %gather3A_292 = tpu.vector_load_idx %arg9[%get3A_289] : memref<10000xf32, #tpu.memory_space<vmem>>[vector<16xi32>], vector<16xf32>,
    %gather3A_293 = tpu.vector_load_idx %arg10[%get3A_291] : memref<10000xf32, #tpu.memory_space<vmem>>[vector<16xi32>], vector<16xf32>,
    %add3A_294 = arith.addf %gather3A_292, %gather3A_293 : vector<16xf32>
    %ge3A_295 = arith.constant 0.000000e+00 : f32
    %ge3A_296 = vector.broadcast %ge3A_295 : f32 to vector<16xf32>
    %ge3A_297 = arith.cmpf oge, %add3A_294, %ge3A_296 : vector<16xf32>
    %mul3A_298 = arith.constant 2.000000e-01 : f32
    %mul3A_299 = vector.broadcast %mul3A_298 : f32 to vector<16xf32>
    %mul3A_300 = arith.mulf %add3A_294, %mul3A_299 : vector<16xf32>
    %select_n3A_301 = arith.select %ge3A_297, %add3A_294, %mul3A_300 : vector<16xi1>, vector<16xf32>
    %exp3A_302 = math.exp %select_n3A_301 : vector<16xf32>
    %swap3A_303 = arith.constant 64 : index
    %swap3A_304 = tpu.vector_load %arg25[%swap3A_303] {strides = array<i32>} : memref<80xf32, #tpu.memory_space<vmem>>, vector<16xf32>,
    tpu.vector_store %arg25[%swap3A_303], %exp3A_302 {strides = array<i32>} : memref<80xf32, #tpu.memory_space<vmem>>, vector<16xf32>,
    %swap3A_305 = arith.constant 64 : index
    %swap3A_306 = tpu.vector_load %arg16[%swap3A_305] {strides = array<i32>} : memref<80xi32, #tpu.memory_space<vmem>>, vector<16xi32>,
    tpu.vector_store %arg16[%swap3A_305], %get3A_291 {strides = array<i32>} : memref<80xi32, #tpu.memory_space<vmem>>, vector<16xi32>,
    %scan3A_307 = arith.constant 0 : i32
    %scan3A_308 = arith.constant 0 : i32
    %scan3A_309 = arith.constant 20 : i32
    %scan3A_310 = arith.addi %scan3A_308, %scan3A_309 : i32
    %scan3A_311 = arith.constant 1 : i32
    %scan3A_312 = scf.for %scan3A_327 = %scan3A_308 to %scan3A_310 step %scan3A_311 iter_args(%scan3A_328 = %scan3A_307) -> (i32)  : i32 {
      %mul3A_329 = arith.constant 4 : i32
      %mul3A_330 = arith.muli %mul3A_329, %scan3A_327 : i32
      %mul3A_331 = arith.constant 4 : i32
      %mul3A_332 = arith.muli %mul3A_331, %scan3A_327 : i32
      %add3A_333 = arith.constant 1 : i32
      %add3A_334 = arith.addi %mul3A_332, %add3A_333 : i32
      %mul3A_335 = arith.constant 4 : i32
      %mul3A_336 = arith.muli %mul3A_335, %scan3A_327 : i32
      %add3A_337 = arith.constant 2 : i32
      %add3A_338 = arith.addi %mul3A_336, %add3A_337 : i32
      %mul3A_339 = arith.constant 4 : i32
      %mul3A_340 = arith.muli %mul3A_339, %scan3A_327 : i32
      %add3A_341 = arith.constant 3 : i32
      %add3A_342 = arith.addi %mul3A_340, %add3A_341 : i32
      %add3A_343 = vector.broadcast %mul3A_330 : i32 to vector<16xi32>
      %add3A_344 = arith.addi %broadcast_in_dim3A_11, %add3A_343 : vector<16xi32>
      %gather3A_345 = tpu.vector_load_idx %arg25[%add3A_344] : memref<80xf32, #tpu.memory_space<vmem>>[vector<16xi32>], vector<16xf32>,
      %add3A_346 = vector.broadcast %add3A_334 : i32 to vector<16xi32>
      %add3A_347 = arith.addi %broadcast_in_dim3A_11, %add3A_346 : vector<16xi32>
      %gather3A_348 = tpu.vector_load_idx %arg25[%add3A_347] : memref<80xf32, #tpu.memory_space<vmem>>[vector<16xi32>], vector<16xf32>,
      %add3A_349 = vector.broadcast %add3A_338 : i32 to vector<16xi32>
      %add3A_350 = arith.addi %broadcast_in_dim3A_11, %add3A_349 : vector<16xi32>
      %gather3A_351 = tpu.vector_load_idx %arg25[%add3A_350] : memref<80xf32, #tpu.memory_space<vmem>>[vector<16xi32>], vector<16xf32>,
      %add3A_352 = vector.broadcast %add3A_342 : i32 to vector<16xi32>
      %add3A_353 = arith.addi %broadcast_in_dim3A_11, %add3A_352 : vector<16xi32>
      %gather3A_354 = tpu.vector_load_idx %arg25[%add3A_353] : memref<80xf32, #tpu.memory_space<vmem>>[vector<16xi32>], vector<16xf32>,
      %get3A_355 = arith.index_cast %mul3A_330 : i32 to index
      %get3A_356 = arith.constant 0 : index
      %get3A_357 = tpu.vector_load %arg19[%get3A_355, %get3A_356] {strides = array<i32>} : memref<80x96xf32, #tpu.memory_space<vmem>>, vector<16xf32>,
      %mul3A_358 = arith.mulf %get3A_357, %gather3A_345 : vector<16xf32>
      %swap3A_359 = arith.index_cast %mul3A_330 : i32 to index
      %swap3A_360 = arith.constant 0 : index
      %swap3A_361 = tpu.vector_load %arg19[%swap3A_359, %swap3A_360] {strides = array<i32>} : memref<80x96xf32, #tpu.memory_space<vmem>>, vector<16xf32>,
      tpu.vector_store %arg19[%swap3A_359, %swap3A_360], %mul3A_358 {strides = array<i32>} : memref<80x96xf32, #tpu.memory_space<vmem>>, vector<16xf32>,
      %get3A_362 = arith.index_cast %add3A_334 : i32 to index
      %get3A_363 = arith.constant 0 : index
      %get3A_364 = tpu.vector_load %arg19[%get3A_362, %get3A_363] {strides = array<i32>} : memref<80x96xf32, #tpu.memory_space<vmem>>, vector<16xf32>,
      %mul3A_365 = arith.mulf %get3A_364, %gather3A_348 : vector<16xf32>
      %swap3A_366 = arith.index_cast %add3A_334 : i32 to index
      %swap3A_367 = arith.constant 0 : index
      %swap3A_368 = tpu.vector_load %arg19[%swap3A_366, %swap3A_367] {strides = array<i32>} : memref<80x96xf32, #tpu.memory_space<vmem>>, vector<16xf32>,
      tpu.vector_store %arg19[%swap3A_366, %swap3A_367], %mul3A_365 {strides = array<i32>} : memref<80x96xf32, #tpu.memory_space<vmem>>, vector<16xf32>,
      %get3A_369 = arith.index_cast %add3A_338 : i32 to index
      %get3A_370 = arith.constant 0 : index
      %get3A_371 = tpu.vector_load %arg19[%get3A_369, %get3A_370] {strides = array<i32>} : memref<80x96xf32, #tpu.memory_space<vmem>>, vector<16xf32>,
      %mul3A_372 = arith.mulf %get3A_371, %gather3A_351 : vector<16xf32>
      %swap3A_373 = arith.index_cast %add3A_338 : i32 to index
      %swap3A_374 = arith.constant 0 : index
      %swap3A_375 = tpu.vector_load %arg19[%swap3A_373, %swap3A_374] {strides = array<i32>} : memref<80x96xf32, #tpu.memory_space<vmem>>, vector<16xf32>,
      tpu.vector_store %arg19[%swap3A_373, %swap3A_374], %mul3A_372 {strides = array<i32>} : memref<80x96xf32, #tpu.memory_space<vmem>>, vector<16xf32>,
      %get3A_376 = arith.index_cast %add3A_342 : i32 to index
      %get3A_377 = arith.constant 0 : index
      %get3A_378 = tpu.vector_load %arg19[%get3A_376, %get3A_377] {strides = array<i32>} : memref<80x96xf32, #tpu.memory_space<vmem>>, vector<16xf32>,
      %mul3A_379 = arith.mulf %get3A_378, %gather3A_354 : vector<16xf32>
      %swap3A_380 = arith.index_cast %add3A_342 : i32 to index
      %swap3A_381 = arith.constant 0 : index
      %swap3A_382 = tpu.vector_load %arg19[%swap3A_380, %swap3A_381] {strides = array<i32>} : memref<80x96xf32, #tpu.memory_space<vmem>>, vector<16xf32>,
      tpu.vector_store %arg19[%swap3A_380, %swap3A_381], %mul3A_379 {strides = array<i32>} : memref<80x96xf32, #tpu.memory_space<vmem>>, vector<16xf32>,
      %get3A_383 = arith.index_cast %mul3A_330 : i32 to index
      %get3A_384 = arith.constant 16 : index
      %get3A_385 = tpu.vector_load %arg19[%get3A_383, %get3A_384] {strides = array<i32>} : memref<80x96xf32, #tpu.memory_space<vmem>>, vector<16xf32>,
      %mul3A_386 = arith.mulf %get3A_385, %gather3A_345 : vector<16xf32>
      %swap3A_387 = arith.index_cast %mul3A_330 : i32 to index
      %swap3A_388 = arith.constant 16 : index
      %swap3A_389 = tpu.vector_load %arg19[%swap3A_387, %swap3A_388] {strides = array<i32>} : memref<80x96xf32, #tpu.memory_space<vmem>>, vector<16xf32>,
      tpu.vector_store %arg19[%swap3A_387, %swap3A_388], %mul3A_386 {strides = array<i32>} : memref<80x96xf32, #tpu.memory_space<vmem>>, vector<16xf32>,
      %get3A_390 = arith.index_cast %add3A_334 : i32 to index
      %get3A_391 = arith.constant 16 : index
      %get3A_392 = tpu.vector_load %arg19[%get3A_390, %get3A_391] {strides = array<i32>} : memref<80x96xf32, #tpu.memory_space<vmem>>, vector<16xf32>,
      %mul3A_393 = arith.mulf %get3A_392, %gather3A_348 : vector<16xf32>
      %swap3A_394 = arith.index_cast %add3A_334 : i32 to index
      %swap3A_395 = arith.constant 16 : index
      %swap3A_396 = tpu.vector_load %arg19[%swap3A_394, %swap3A_395] {strides = array<i32>} : memref<80x96xf32, #tpu.memory_space<vmem>>, vector<16xf32>,
      tpu.vector_store %arg19[%swap3A_394, %swap3A_395], %mul3A_393 {strides = array<i32>} : memref<80x96xf32, #tpu.memory_space<vmem>>, vector<16xf32>,
      %get3A_397 = arith.index_cast %add3A_338 : i32 to index
      %get3A_398 = arith.constant 16 : index
      %get3A_399 = tpu.vector_load %arg19[%get3A_397, %get3A_398] {strides = array<i32>} : memref<80x96xf32, #tpu.memory_space<vmem>>, vector<16xf32>,
      %mul3A_400 = arith.mulf %get3A_399, %gather3A_351 : vector<16xf32>
      %swap3A_401 = arith.index_cast %add3A_338 : i32 to index
      %swap3A_402 = arith.constant 16 : index
      %swap3A_403 = tpu.vector_load %arg19[%swap3A_401, %swap3A_402] {strides = array<i32>} : memref<80x96xf32, #tpu.memory_space<vmem>>, vector<16xf32>,
      tpu.vector_store %arg19[%swap3A_401, %swap3A_402], %mul3A_400 {strides = array<i32>} : memref<80x96xf32, #tpu.memory_space<vmem>>, vector<16xf32>,
      %get3A_404 = arith.index_cast %add3A_342 : i32 to index
      %get3A_405 = arith.constant 16 : index
      %get3A_406 = tpu.vector_load %arg19[%get3A_404, %get3A_405] {strides = array<i32>} : memref<80x96xf32, #tpu.memory_space<vmem>>, vector<16xf32>,
      %mul3A_407 = arith.mulf %get3A_406, %gather3A_354 : vector<16xf32>
      %swap3A_408 = arith.index_cast %add3A_342 : i32 to index
      %swap3A_409 = arith.constant 16 : index
      %swap3A_410 = tpu.vector_load %arg19[%swap3A_408, %swap3A_409] {strides = array<i32>} : memref<80x96xf32, #tpu.memory_space<vmem>>, vector<16xf32>,
      tpu.vector_store %arg19[%swap3A_408, %swap3A_409], %mul3A_407 {strides = array<i32>} : memref<80x96xf32, #tpu.memory_space<vmem>>, vector<16xf32>,
      %get3A_411 = arith.index_cast %mul3A_330 : i32 to index
      %get3A_412 = arith.constant 32 : index
      %get3A_413 = tpu.vector_load %arg19[%get3A_411, %get3A_412] {strides = array<i32>} : memref<80x96xf32, #tpu.memory_space<vmem>>, vector<16xf32>,
      %mul3A_414 = arith.mulf %get3A_413, %gather3A_345 : vector<16xf32>
      %swap3A_415 = arith.index_cast %mul3A_330 : i32 to index
      %swap3A_416 = arith.constant 32 : index
      %swap3A_417 = tpu.vector_load %arg19[%swap3A_415, %swap3A_416] {strides = array<i32>} : memref<80x96xf32, #tpu.memory_space<vmem>>, vector<16xf32>,
      tpu.vector_store %arg19[%swap3A_415, %swap3A_416], %mul3A_414 {strides = array<i32>} : memref<80x96xf32, #tpu.memory_space<vmem>>, vector<16xf32>,
      %get3A_418 = arith.index_cast %add3A_334 : i32 to index
      %get3A_419 = arith.constant 32 : index
      %get3A_420 = tpu.vector_load %arg19[%get3A_418, %get3A_419] {strides = array<i32>} : memref<80x96xf32, #tpu.memory_space<vmem>>, vector<16xf32>,
      %mul3A_421 = arith.mulf %get3A_420, %gather3A_348 : vector<16xf32>
      %swap3A_422 = arith.index_cast %add3A_334 : i32 to index
      %swap3A_423 = arith.constant 32 : index
      %swap3A_424 = tpu.vector_load %arg19[%swap3A_422, %swap3A_423] {strides = array<i32>} : memref<80x96xf32, #tpu.memory_space<vmem>>, vector<16xf32>,
      tpu.vector_store %arg19[%swap3A_422, %swap3A_423], %mul3A_421 {strides = array<i32>} : memref<80x96xf32, #tpu.memory_space<vmem>>, vector<16xf32>,
      %get3A_425 = arith.index_cast %add3A_338 : i32 to index
      %get3A_426 = arith.constant 32 : index
      %get3A_427 = tpu.vector_load %arg19[%get3A_425, %get3A_426] {strides = array<i32>} : memref<80x96xf32, #tpu.memory_space<vmem>>, vector<16xf32>,
      %mul3A_428 = arith.mulf %get3A_427, %gather3A_351 : vector<16xf32>
      %swap3A_429 = arith.index_cast %add3A_338 : i32 to index
      %swap3A_430 = arith.constant 32 : index
      %swap3A_431 = tpu.vector_load %arg19[%swap3A_429, %swap3A_430] {strides = array<i32>} : memref<80x96xf32, #tpu.memory_space<vmem>>, vector<16xf32>,
      tpu.vector_store %arg19[%swap3A_429, %swap3A_430], %mul3A_428 {strides = array<i32>} : memref<80x96xf32, #tpu.memory_space<vmem>>, vector<16xf32>,
      %get3A_432 = arith.index_cast %add3A_342 : i32 to index
      %get3A_433 = arith.constant 32 : index
      %get3A_434 = tpu.vector_load %arg19[%get3A_432, %get3A_433] {strides = array<i32>} : memref<80x96xf32, #tpu.memory_space<vmem>>, vector<16xf32>,
      %mul3A_435 = arith.mulf %get3A_434, %gather3A_354 : vector<16xf32>
      %swap3A_436 = arith.index_cast %add3A_342 : i32 to index
      %swap3A_437 = arith.constant 32 : index
      %swap3A_438 = tpu.vector_load %arg19[%swap3A_436, %swap3A_437] {strides = array<i32>} : memref<80x96xf32, #tpu.memory_space<vmem>>, vector<16xf32>,
      tpu.vector_store %arg19[%swap3A_436, %swap3A_437], %mul3A_435 {strides = array<i32>} : memref<80x96xf32, #tpu.memory_space<vmem>>, vector<16xf32>,
      %get3A_439 = arith.index_cast %mul3A_330 : i32 to index
      %get3A_440 = arith.constant 48 : index
      %get3A_441 = tpu.vector_load %arg19[%get3A_439, %get3A_440] {strides = array<i32>} : memref<80x96xf32, #tpu.memory_space<vmem>>, vector<16xf32>,
      %mul3A_442 = arith.mulf %get3A_441, %gather3A_345 : vector<16xf32>
      %swap3A_443 = arith.index_cast %mul3A_330 : i32 to index
      %swap3A_444 = arith.constant 48 : index
      %swap3A_445 = tpu.vector_load %arg19[%swap3A_443, %swap3A_444] {strides = array<i32>} : memref<80x96xf32, #tpu.memory_space<vmem>>, vector<16xf32>,
      tpu.vector_store %arg19[%swap3A_443, %swap3A_444], %mul3A_442 {strides = array<i32>} : memref<80x96xf32, #tpu.memory_space<vmem>>, vector<16xf32>,
      %get3A_446 = arith.index_cast %add3A_334 : i32 to index
      %get3A_447 = arith.constant 48 : index
      %get3A_448 = tpu.vector_load %arg19[%get3A_446, %get3A_447] {strides = array<i32>} : memref<80x96xf32, #tpu.memory_space<vmem>>, vector<16xf32>,
      %mul3A_449 = arith.mulf %get3A_448, %gather3A_348 : vector<16xf32>
      %swap3A_450 = arith.index_cast %add3A_334 : i32 to index
      %swap3A_451 = arith.constant 48 : index
      %swap3A_452 = tpu.vector_load %arg19[%swap3A_450, %swap3A_451] {strides = array<i32>} : memref<80x96xf32, #tpu.memory_space<vmem>>, vector<16xf32>,
      tpu.vector_store %arg19[%swap3A_450, %swap3A_451], %mul3A_449 {strides = array<i32>} : memref<80x96xf32, #tpu.memory_space<vmem>>, vector<16xf32>,
      %get3A_453 = arith.index_cast %add3A_338 : i32 to index
      %get3A_454 = arith.constant 48 : index
      %get3A_455 = tpu.vector_load %arg19[%get3A_453, %get3A_454] {strides = array<i32>} : memref<80x96xf32, #tpu.memory_space<vmem>>, vector<16xf32>,
      %mul3A_456 = arith.mulf %get3A_455, %gather3A_351 : vector<16xf32>
      %swap3A_457 = arith.index_cast %add3A_338 : i32 to index
      %swap3A_458 = arith.constant 48 : index
      %swap3A_459 = tpu.vector_load %arg19[%swap3A_457, %swap3A_458] {strides = array<i32>} : memref<80x96xf32, #tpu.memory_space<vmem>>, vector<16xf32>,
      tpu.vector_store %arg19[%swap3A_457, %swap3A_458], %mul3A_456 {strides = array<i32>} : memref<80x96xf32, #tpu.memory_space<vmem>>, vector<16xf32>,
      %get3A_460 = arith.index_cast %add3A_342 : i32 to index
      %get3A_461 = arith.constant 48 : index
      %get3A_462 = tpu.vector_load %arg19[%get3A_460, %get3A_461] {strides = array<i32>} : memref<80x96xf32, #tpu.memory_space<vmem>>, vector<16xf32>,
      %mul3A_463 = arith.mulf %get3A_462, %gather3A_354 : vector<16xf32>
      %swap3A_464 = arith.index_cast %add3A_342 : i32 to index
      %swap3A_465 = arith.constant 48 : index
      %swap3A_466 = tpu.vector_load %arg19[%swap3A_464, %swap3A_465] {strides = array<i32>} : memref<80x96xf32, #tpu.memory_space<vmem>>, vector<16xf32>,
      tpu.vector_store %arg19[%swap3A_464, %swap3A_465], %mul3A_463 {strides = array<i32>} : memref<80x96xf32, #tpu.memory_space<vmem>>, vector<16xf32>,
      %get3A_467 = arith.index_cast %mul3A_330 : i32 to index
      %get3A_468 = arith.constant 64 : index
      %get3A_469 = tpu.vector_load %arg19[%get3A_467, %get3A_468] {strides = array<i32>} : memref<80x96xf32, #tpu.memory_space<vmem>>, vector<16xf32>,
      %mul3A_470 = arith.mulf %get3A_469, %gather3A_345 : vector<16xf32>
      %swap3A_471 = arith.index_cast %mul3A_330 : i32 to index
      %swap3A_472 = arith.constant 64 : index
      %swap3A_473 = tpu.vector_load %arg19[%swap3A_471, %swap3A_472] {strides = array<i32>} : memref<80x96xf32, #tpu.memory_space<vmem>>, vector<16xf32>,
      tpu.vector_store %arg19[%swap3A_471, %swap3A_472], %mul3A_470 {strides = array<i32>} : memref<80x96xf32, #tpu.memory_space<vmem>>, vector<16xf32>,
      %get3A_474 = arith.index_cast %add3A_334 : i32 to index
      %get3A_475 = arith.constant 64 : index
      %get3A_476 = tpu.vector_load %arg19[%get3A_474, %get3A_475] {strides = array<i32>} : memref<80x96xf32, #tpu.memory_space<vmem>>, vector<16xf32>,
      %mul3A_477 = arith.mulf %get3A_476, %gather3A_348 : vector<16xf32>
      %swap3A_478 = arith.index_cast %add3A_334 : i32 to index
      %swap3A_479 = arith.constant 64 : index
      %swap3A_480 = tpu.vector_load %arg19[%swap3A_478, %swap3A_479] {strides = array<i32>} : memref<80x96xf32, #tpu.memory_space<vmem>>, vector<16xf32>,
      tpu.vector_store %arg19[%swap3A_478, %swap3A_479], %mul3A_477 {strides = array<i32>} : memref<80x96xf32, #tpu.memory_space<vmem>>, vector<16xf32>,
      %get3A_481 = arith.index_cast %add3A_338 : i32 to index
      %get3A_482 = arith.constant 64 : index
      %get3A_483 = tpu.vector_load %arg19[%get3A_481, %get3A_482] {strides = array<i32>} : memref<80x96xf32, #tpu.memory_space<vmem>>, vector<16xf32>,
      %mul3A_484 = arith.mulf %get3A_483, %gather3A_351 : vector<16xf32>
      %swap3A_485 = arith.index_cast %add3A_338 : i32 to index
      %swap3A_486 = arith.constant 64 : index
      %swap3A_487 = tpu.vector_load %arg19[%swap3A_485, %swap3A_486] {strides = array<i32>} : memref<80x96xf32, #tpu.memory_space<vmem>>, vector<16xf32>,
      tpu.vector_store %arg19[%swap3A_485, %swap3A_486], %mul3A_484 {strides = array<i32>} : memref<80x96xf32, #tpu.memory_space<vmem>>, vector<16xf32>,
      %get3A_488 = arith.index_cast %add3A_342 : i32 to index
      %get3A_489 = arith.constant 64 : index
      %get3A_490 = tpu.vector_load %arg19[%get3A_488, %get3A_489] {strides = array<i32>} : memref<80x96xf32, #tpu.memory_space<vmem>>, vector<16xf32>,
      %mul3A_491 = arith.mulf %get3A_490, %gather3A_354 : vector<16xf32>
      %swap3A_492 = arith.index_cast %add3A_342 : i32 to index
      %swap3A_493 = arith.constant 64 : index
      %swap3A_494 = tpu.vector_load %arg19[%swap3A_492, %swap3A_493] {strides = array<i32>} : memref<80x96xf32, #tpu.memory_space<vmem>>, vector<16xf32>,
      tpu.vector_store %arg19[%swap3A_492, %swap3A_493], %mul3A_491 {strides = array<i32>} : memref<80x96xf32, #tpu.memory_space<vmem>>, vector<16xf32>,
      %get3A_495 = arith.index_cast %mul3A_330 : i32 to index
      %get3A_496 = arith.constant 80 : index
      %get3A_497 = tpu.vector_load %arg19[%get3A_495, %get3A_496] {strides = array<i32>} : memref<80x96xf32, #tpu.memory_space<vmem>>, vector<16xf32>,
      %mul3A_498 = arith.mulf %get3A_497, %gather3A_345 : vector<16xf32>
      %swap3A_499 = arith.index_cast %mul3A_330 : i32 to index
      %swap3A_500 = arith.constant 80 : index
      %swap3A_501 = tpu.vector_load %arg19[%swap3A_499, %swap3A_500] {strides = array<i32>} : memref<80x96xf32, #tpu.memory_space<vmem>>, vector<16xf32>,
      tpu.vector_store %arg19[%swap3A_499, %swap3A_500], %mul3A_498 {strides = array<i32>} : memref<80x96xf32, #tpu.memory_space<vmem>>, vector<16xf32>,
      %get3A_502 = arith.index_cast %add3A_334 : i32 to index
      %get3A_503 = arith.constant 80 : index
      %get3A_504 = tpu.vector_load %arg19[%get3A_502, %get3A_503] {strides = array<i32>} : memref<80x96xf32, #tpu.memory_space<vmem>>, vector<16xf32>,
      %mul3A_505 = arith.mulf %get3A_504, %gather3A_348 : vector<16xf32>
      %swap3A_506 = arith.index_cast %add3A_334 : i32 to index
      %swap3A_507 = arith.constant 80 : index
      %swap3A_508 = tpu.vector_load %arg19[%swap3A_506, %swap3A_507] {strides = array<i32>} : memref<80x96xf32, #tpu.memory_space<vmem>>, vector<16xf32>,
      tpu.vector_store %arg19[%swap3A_506, %swap3A_507], %mul3A_505 {strides = array<i32>} : memref<80x96xf32, #tpu.memory_space<vmem>>, vector<16xf32>,
      %get3A_509 = arith.index_cast %add3A_338 : i32 to index
      %get3A_510 = arith.constant 80 : index
      %get3A_511 = tpu.vector_load %arg19[%get3A_509, %get3A_510] {strides = array<i32>} : memref<80x96xf32, #tpu.memory_space<vmem>>, vector<16xf32>,
      %mul3A_512 = arith.mulf %get3A_511, %gather3A_351 : vector<16xf32>
      %swap3A_513 = arith.index_cast %add3A_338 : i32 to index
      %swap3A_514 = arith.constant 80 : index
      %swap3A_515 = tpu.vector_load %arg19[%swap3A_513, %swap3A_514] {strides = array<i32>} : memref<80x96xf32, #tpu.memory_space<vmem>>, vector<16xf32>,
      tpu.vector_store %arg19[%swap3A_513, %swap3A_514], %mul3A_512 {strides = array<i32>} : memref<80x96xf32, #tpu.memory_space<vmem>>, vector<16xf32>,
      %get3A_516 = arith.index_cast %add3A_342 : i32 to index
      %get3A_517 = arith.constant 80 : index
      %get3A_518 = tpu.vector_load %arg19[%get3A_516, %get3A_517] {strides = array<i32>} : memref<80x96xf32, #tpu.memory_space<vmem>>, vector<16xf32>,
      %mul3A_519 = arith.mulf %get3A_518, %gather3A_354 : vector<16xf32>
      %swap3A_520 = arith.index_cast %add3A_342 : i32 to index
      %swap3A_521 = arith.constant 80 : index
      %swap3A_522 = tpu.vector_load %arg19[%swap3A_520, %swap3A_521] {strides = array<i32>} : memref<80x96xf32, #tpu.memory_space<vmem>>, vector<16xf32>,
      tpu.vector_store %arg19[%swap3A_520, %swap3A_521], %mul3A_519 {strides = array<i32>} : memref<80x96xf32, #tpu.memory_space<vmem>>, vector<16xf32>,
      %mul3A_523 = arith.mulf %gather3A_345, %convert_element_type3A_4 : vector<16xf32>
      %add3A_524 = arith.addf %mul3A_523, %convert_element_type3A_9 : vector<16xf32>
      %swap3A_525 = arith.index_cast %mul3A_330 : i32 to index
      %swap3A_526 = arith.constant 0 : index
      %swap3A_527 = tpu.vector_load %arg22[%swap3A_525, %swap3A_526] {strides = array<i32>} : memref<80x16xf32, #tpu.memory_space<vmem>>, vector<16xf32>,
      tpu.vector_store %arg22[%swap3A_525, %swap3A_526], %add3A_524 {strides = array<i32>} : memref<80x16xf32, #tpu.memory_space<vmem>>, vector<16xf32>,
      %mul3A_528 = arith.mulf %gather3A_348, %convert_element_type3A_4 : vector<16xf32>
      %add3A_529 = arith.addf %mul3A_528, %convert_element_type3A_9 : vector<16xf32>
      %swap3A_530 = arith.index_cast %add3A_334 : i32 to index
      %swap3A_531 = arith.constant 0 : index
      %swap3A_532 = tpu.vector_load %arg22[%swap3A_530, %swap3A_531] {strides = array<i32>} : memref<80x16xf32, #tpu.memory_space<vmem>>, vector<16xf32>,
      tpu.vector_store %arg22[%swap3A_530, %swap3A_531], %add3A_529 {strides = array<i32>} : memref<80x16xf32, #tpu.memory_space<vmem>>, vector<16xf32>,
      %mul3A_533 = arith.mulf %gather3A_351, %convert_element_type3A_4 : vector<16xf32>
      %add3A_534 = arith.addf %mul3A_533, %convert_element_type3A_9 : vector<16xf32>
      %swap3A_535 = arith.index_cast %add3A_338 : i32 to index
      %swap3A_536 = arith.constant 0 : index
      %swap3A_537 = tpu.vector_load %arg22[%swap3A_535, %swap3A_536] {strides = array<i32>} : memref<80x16xf32, #tpu.memory_space<vmem>>, vector<16xf32>,
      tpu.vector_store %arg22[%swap3A_535, %swap3A_536], %add3A_534 {strides = array<i32>} : memref<80x16xf32, #tpu.memory_space<vmem>>, vector<16xf32>,
      %mul3A_538 = arith.mulf %gather3A_354, %convert_element_type3A_4 : vector<16xf32>
      %add3A_539 = arith.addf %mul3A_538, %convert_element_type3A_9 : vector<16xf32>
      %swap3A_540 = arith.index_cast %add3A_342 : i32 to index
      %swap3A_541 = arith.constant 0 : index
      %swap3A_542 = tpu.vector_load %arg22[%swap3A_540, %swap3A_541] {strides = array<i32>} : memref<80x16xf32, #tpu.memory_space<vmem>>, vector<16xf32>,
      tpu.vector_store %arg22[%swap3A_540, %swap3A_541], %add3A_539 {strides = array<i32>} : memref<80x16xf32, #tpu.memory_space<vmem>>, vector<16xf32>,
      %scan3A_543 = arith.constant 0 : i32
      scf.yield %scan3A_543 : i32
    }
    %scan3A_313 = arith.constant 20 : i32
    %dma_start3A_314 = arith.constant 0 : i32
    %dma_start3A_315 = arith.constant 0 : i32
    %dma_start3A_316 = tpu.memref_slice %arg27[%dma_start3A_314, %dma_start3A_315] : memref<10240x96xf32, #tpu.memory_space<vmem_shared>> -> memref<10240x96xf32, #tpu.memory_space<vmem_shared>>
    tpu.enqueue_indirect_dma source(%arg19 : memref<80x96xf32, #tpu.memory_space<vmem>>) target(%dma_start3A_316 : memref<10240x96xf32, #tpu.memory_space<vmem_shared>>) offsets(%arg16 : memref<80xi32, #tpu.memory_space<vmem>>) semaphore(%arg37 : memref<!tpu.dma_semaphore, #tpu.memory_space<semaphore_mem>>) {add = true}
    %dma_start3A_317 = arith.constant 0 : i32
    %dma_start3A_318 = arith.constant 0 : i32
    %dma_start3A_319 = tpu.memref_slice %arg28[%dma_start3A_317, %dma_start3A_318] : memref<10240x16xf32, #tpu.memory_space<vmem_shared>> -> memref<10240x16xf32, #tpu.memory_space<vmem_shared>>
    tpu.enqueue_indirect_dma source(%arg22 : memref<80x16xf32, #tpu.memory_space<vmem>>) target(%dma_start3A_319 : memref<10240x16xf32, #tpu.memory_space<vmem_shared>>) offsets(%arg16 : memref<80xi32, #tpu.memory_space<vmem>>) semaphore(%arg38 : memref<!tpu.dma_semaphore, #tpu.memory_space<semaphore_mem>>) {add = true}
    %dma_wait3A_320 = arith.constant 0 : i32
    %dma_wait3A_321 = arith.constant 0 : i32
    %dma_wait3A_322 = tpu.memref_slice %arg27[%dma_wait3A_320, %dma_wait3A_321] : memref<10240x96xf32, #tpu.memory_space<vmem_shared>> -> memref<10240x96xf32, #tpu.memory_space<vmem_shared>>
    tpu.wait_indirect_dma semaphore(%arg37 : memref<!tpu.dma_semaphore, #tpu.memory_space<semaphore_mem>>) src(%arg19 : memref<80x96xf32, #tpu.memory_space<vmem>>) dst(%dma_wait3A_322 : memref<10240x96xf32, #tpu.memory_space<vmem_shared>>)
    %dma_wait3A_323 = arith.constant 0 : i32
    %dma_wait3A_324 = arith.constant 0 : i32
    %dma_wait3A_325 = tpu.memref_slice %arg28[%dma_wait3A_323, %dma_wait3A_324] : memref<10240x16xf32, #tpu.memory_space<vmem_shared>> -> memref<10240x16xf32, #tpu.memory_space<vmem_shared>>
    tpu.wait_indirect_dma semaphore(%arg38 : memref<!tpu.dma_semaphore, #tpu.memory_space<semaphore_mem>>) src(%arg22 : memref<80x16xf32, #tpu.memory_space<vmem>>) dst(%dma_wait3A_325 : memref<10240x16xf32, #tpu.memory_space<vmem_shared>>)
    %barrier3A_326 = arith.constant 0 : index
    tpu.barrier barrier_id(%barrier3A_326)
    "tpu.region"() ({
      %run_scoped3A = tpu.sem_alloc : memref<!tpu.dma_semaphore, #tpu.memory_space<semaphore_mem>>
      %dma_start3A_327 = arith.constant 0 : i32
      %dma_start3A_328 = tpu.memref_slice %arg7[%arg0, %mul3A_19, %dma_start3A_327] : memref<2x10240x96xf32, #tpu.memory_space<hbm>> -> memref<1x640x96xf32, #tpu.memory_space<hbm>>
      %dma_start3A_329 = tpu.memref_squeeze %dma_start3A_328 : memref<1x640x96xf32, #tpu.memory_space<hbm>> -> memref<640x96xf32, #tpu.memory_space<hbm>>
      %dma_start3A_330 = arith.constant 0 : i32
      %dma_start3A_331 = tpu.memref_slice %arg27[%mul3A_19, %dma_start3A_330] : memref<10240x96xf32, #tpu.memory_space<vmem_shared>> -> memref<640x96xf32, #tpu.memory_space<vmem_shared>>
      tpu.enqueue_dma source(%dma_start3A_331 : memref<640x96xf32, #tpu.memory_space<vmem_shared>>) target(%dma_start3A_329 : memref<640x96xf32, #tpu.memory_space<hbm>>) target_semaphore(%run_scoped3A : memref<!tpu.dma_semaphore, #tpu.memory_space<semaphore_mem>>)
      %dma_wait3A_332 = arith.constant 0 : i32
      %dma_wait3A_333 = tpu.memref_slice %arg7[%arg0, %mul3A_19, %dma_wait3A_332] : memref<2x10240x96xf32, #tpu.memory_space<hbm>> -> memref<1x640x96xf32, #tpu.memory_space<hbm>>
      %dma_wait3A_334 = tpu.memref_squeeze %dma_wait3A_333 : memref<1x640x96xf32, #tpu.memory_space<hbm>> -> memref<640x96xf32, #tpu.memory_space<hbm>>
      %dma_wait3A_335 = arith.constant 0 : i32
      %dma_wait3A_336 = tpu.memref_slice %arg27[%mul3A_19, %dma_wait3A_335] : memref<10240x96xf32, #tpu.memory_space<vmem_shared>> -> memref<640x96xf32, #tpu.memory_space<vmem_shared>>
      tpu.wait_dma2 semaphore(%run_scoped3A : memref<!tpu.dma_semaphore, #tpu.memory_space<semaphore_mem>>) src(%dma_wait3A_336 : memref<640x96xf32, #tpu.memory_space<vmem_shared>>) dst(%dma_wait3A_334 : memref<640x96xf32, #tpu.memory_space<hbm>>)
      tpu.yield
    }) : () -> ()
    "tpu.region"() ({
      %run_scoped3A = tpu.sem_alloc : memref<!tpu.dma_semaphore, #tpu.memory_space<semaphore_mem>>
      %dma_start3A_327 = arith.constant 0 : i32
      %dma_start3A_328 = tpu.memref_slice %arg8[%arg0, %mul3A_19, %dma_start3A_327] : memref<2x10240x16xf32, #tpu.memory_space<hbm>> -> memref<1x640x16xf32, #tpu.memory_space<hbm>>
      %dma_start3A_329 = tpu.memref_squeeze %dma_start3A_328 : memref<1x640x16xf32, #tpu.memory_space<hbm>> -> memref<640x16xf32, #tpu.memory_space<hbm>>
      %dma_start3A_330 = arith.constant 0 : i32
      %dma_start3A_331 = tpu.memref_slice %arg28[%mul3A_19, %dma_start3A_330] : memref<10240x16xf32, #tpu.memory_space<vmem_shared>> -> memref<640x16xf32, #tpu.memory_space<vmem_shared>>
      tpu.enqueue_dma source(%dma_start3A_331 : memref<640x16xf32, #tpu.memory_space<vmem_shared>>) target(%dma_start3A_329 : memref<640x16xf32, #tpu.memory_space<hbm>>) target_semaphore(%run_scoped3A : memref<!tpu.dma_semaphore, #tpu.memory_space<semaphore_mem>>)
      %dma_wait3A_332 = arith.constant 0 : i32
      %dma_wait3A_333 = tpu.memref_slice %arg8[%arg0, %mul3A_19, %dma_wait3A_332] : memref<2x10240x16xf32, #tpu.memory_space<hbm>> -> memref<1x640x16xf32, #tpu.memory_space<hbm>>
      %dma_wait3A_334 = tpu.memref_squeeze %dma_wait3A_333 : memref<1x640x16xf32, #tpu.memory_space<hbm>> -> memref<640x16xf32, #tpu.memory_space<hbm>>
      %dma_wait3A_335 = arith.constant 0 : i32
      %dma_wait3A_336 = tpu.memref_slice %arg28[%mul3A_19, %dma_wait3A_335] : memref<10240x16xf32, #tpu.memory_space<vmem_shared>> -> memref<640x16xf32, #tpu.memory_space<vmem_shared>>
      tpu.wait_dma2 semaphore(%run_scoped3A : memref<!tpu.dma_semaphore, #tpu.memory_space<semaphore_mem>>) src(%dma_wait3A_336 : memref<640x16xf32, #tpu.memory_space<vmem_shared>>) dst(%dma_wait3A_334 : memref<640x16xf32, #tpu.memory_space<hbm>>)
      tpu.yield
    }) : () -> ()
    return
  }
}

module attributes {stable_mosaic.version = 14 : i64} {
  func.func @_dense_body(%arg0: i32, %arg1: memref<2000x128xf32, #tpu.memory_space<vmem>>, %arg2: memref<128x96xf32, #tpu.memory_space<vmem>>, %arg3: memref<96x1xf32, #tpu.memory_space<vmem>>, %arg4: memref<96x1xf32, #tpu.memory_space<vmem>>, %arg5: memref<2000x96xf32, #tpu.memory_space<vmem>>, %arg6: memref<2000x2xf32, #tpu.memory_space<vmem>>) attributes {dimension_semantics = [#tpu.dimension_semantics<arbitrary>], iteration_bounds = array<i64: 5>, scalar_prefetch = 0 : i64, scratch_operands = 0 : i64, tpu.core_type = #tpu.core_type<tc>, window_params = [{transform_indices = @transform_0, window_bounds = array<i64: 2000, 128>}, {pipeline_mode = #tpu.pipeline_mode<synchronous>, transform_indices = @transform_1, window_bounds = array<i64: 128, 96>}, {pipeline_mode = #tpu.pipeline_mode<synchronous>, transform_indices = @transform_2, window_bounds = array<i64: 96, 1>}, {pipeline_mode = #tpu.pipeline_mode<synchronous>, transform_indices = @transform_3, window_bounds = array<i64: 96, 1>}, {transform_indices = @transform_4, window_bounds = array<i64: 2000, 96>}, {transform_indices = @transform_5, window_bounds = array<i64: 2000, 2>}]} {
    %get3A = arith.constant 0 : index
    %get3A_0 = arith.constant 0 : index
    %get3A_1 = vector.load %arg1[%get3A, %get3A_0] : memref<2000x128xf32, #tpu.memory_space<vmem>>, vector<2000x128xf32>
    %get3A_2 = arith.constant 0 : index
    %get3A_3 = arith.constant 0 : index
    %get3A_4 = vector.load %arg2[%get3A_2, %get3A_3] : memref<128x96xf32, #tpu.memory_space<vmem>>, vector<128x96xf32>
    %dot_general3A = arith.constant dense<0.000000e+00> : vector<2000x96xf32>
    %dot_general3A_5 = tpu.matmul %get3A_1, %get3A_4, %dot_general3A {dimension_numbers = #tpu.dot_dimension_numbers<[1], [0], [0], [1], [0, 0, 1, 1], [], []>, precision = #tpu.contract_precision<fp32>, transpose_lhs_hint = false} : vector<2000x128xf32>, vector<128x96xf32>, vector<2000x96xf32> -> vector<2000x96xf32>
    %swap3A = arith.constant 0 : index
    %swap3A_6 = arith.constant 0 : index
    %swap3A_7 = vector.load %arg5[%swap3A, %swap3A_6] : memref<2000x96xf32, #tpu.memory_space<vmem>>, vector<2000x96xf32>
    tpu.vector_store %arg5[%swap3A, %swap3A_6], %dot_general3A_5 {strides = array<i32>} : memref<2000x96xf32, #tpu.memory_space<vmem>>, vector<2000x96xf32>,
    %get3A_8 = arith.constant 0 : index
    %get3A_9 = arith.constant 0 : index
    %get3A_10 = vector.load %arg3[%get3A_8, %get3A_9] : memref<96x1xf32, #tpu.memory_space<vmem>>, vector<96x1xf32>
    %get3A_11 = arith.constant 0 : index
    %get3A_12 = arith.constant 0 : index
    %get3A_13 = vector.load %arg4[%get3A_11, %get3A_12] : memref<96x1xf32, #tpu.memory_space<vmem>>, vector<96x1xf32>
    %concatenate3A = tpu.concatenate %get3A_10, %get3A_13 in 1 : vector<96x1xf32>, vector<96x1xf32> -> vector<96x2xf32>
    %dot_general3A_14 = arith.constant dense<0.000000e+00> : vector<2000x2xf32>
    %dot_general3A_15 = tpu.matmul %dot_general3A_5, %concatenate3A, %dot_general3A_14 {dimension_numbers = #tpu.dot_dimension_numbers<[1], [0], [0], [1], [0, 0, 1, 1], [], []>, precision = #tpu.contract_precision<fp32>, transpose_lhs_hint = false} : vector<2000x96xf32>, vector<96x2xf32>, vector<2000x2xf32> -> vector<2000x2xf32>
    %swap3A_16 = arith.constant 0 : index
    %swap3A_17 = arith.constant 0 : index
    %swap3A_18 = vector.load %arg6[%swap3A_16, %swap3A_17] : memref<2000x2xf32, #tpu.memory_space<vmem>>, vector<2000x2xf32>
    tpu.vector_store %arg6[%swap3A_16, %swap3A_17], %dot_general3A_15 {strides = array<i32>} : memref<2000x2xf32, #tpu.memory_space<vmem>>, vector<2000x2xf32>,
    return
  }
  func.func @transform_0(%arg0: i32) -> (i32, i32) {
    %c0_i32 = arith.constant 0 : i32
    %c0_i32_0 = arith.constant 0 : i32
    return %arg0, %c0_i32 : i32, i32
  }
  func.func @transform_1(%arg0: i32) -> (i32, i32) {
    %c0_i32 = arith.constant 0 : i32
    %c0_i32_0 = arith.constant 0 : i32
    %c0_i32_1 = arith.constant 0 : i32
    return %c0_i32, %c0_i32_0 : i32, i32
  }
  func.func @transform_2(%arg0: i32) -> (i32, i32) {
    %c0_i32 = arith.constant 0 : i32
    %c0_i32_0 = arith.constant 0 : i32
    %c0_i32_1 = arith.constant 0 : i32
    return %c0_i32, %c0_i32_0 : i32, i32
  }
  func.func @transform_3(%arg0: i32) -> (i32, i32) {
    %c0_i32 = arith.constant 0 : i32
    %c0_i32_0 = arith.constant 0 : i32
    %c0_i32_1 = arith.constant 0 : i32
    return %c0_i32, %c0_i32_0 : i32, i32
  }
  func.func @transform_4(%arg0: i32) -> (i32, i32) {
    %c0_i32 = arith.constant 0 : i32
    %c0_i32_0 = arith.constant 0 : i32
    return %arg0, %c0_i32 : i32, i32
  }
  func.func @transform_5(%arg0: i32) -> (i32, i32) {
    %c0_i32 = arith.constant 0 : i32
    %c0_i32_0 = arith.constant 0 : i32
    return %arg0, %c0_i32 : i32, i32
  }
}

module attributes {stable_mosaic.version = 14 : i64} {
  func.func @_norm_body(%arg0: i32, %arg1: memref<2x2000x96xf32, #tpu.memory_space<vmem>>, %arg2: memref<2x2000x16xf32, #tpu.memory_space<vmem>>, %arg3: memref<1x96xf32, #tpu.memory_space<vmem>>, %arg4: memref<2000x96xf32, #tpu.memory_space<vmem>>) attributes {dimension_semantics = [#tpu.dimension_semantics<arbitrary>], iteration_bounds = array<i64: 5>, scalar_prefetch = 0 : i64, scratch_operands = 0 : i64, tpu.core_type = #tpu.core_type<tc>, window_params = [{transform_indices = @transform_0, window_bounds = array<i64: 2, 2000, 96>}, {transform_indices = @transform_1, window_bounds = array<i64: 2, 2000, 16>}, {pipeline_mode = #tpu.pipeline_mode<synchronous>, transform_indices = @transform_2, window_bounds = array<i64: 1, 96>}, {transform_indices = @transform_3, window_bounds = array<i64: 2000, 96>}]} {
    %get3A = arith.constant 0 : index
    %get3A_0 = arith.constant 0 : index
    %get3A_1 = arith.constant 0 : index
    %get3A_2 = vector.load %arg1[%get3A, %get3A_0, %get3A_1] : memref<2x2000x96xf32, #tpu.memory_space<vmem>>, vector<1x2000x96xf32>
    %get3A_3 = vector.shape_cast %get3A_2 : vector<1x2000x96xf32> to vector<2000x96xf32>
    %get3A_4 = arith.constant 1 : index
    %get3A_5 = arith.constant 0 : index
    %get3A_6 = arith.constant 0 : index
    %get3A_7 = vector.load %arg1[%get3A_4, %get3A_5, %get3A_6] : memref<2x2000x96xf32, #tpu.memory_space<vmem>>, vector<1x2000x96xf32>
    %get3A_8 = vector.shape_cast %get3A_7 : vector<1x2000x96xf32> to vector<2000x96xf32>
    %add3A = arith.addf %get3A_3, %get3A_8 : vector<2000x96xf32>
    %get3A_9 = arith.constant 0 : index
    %get3A_10 = arith.constant 0 : index
    %get3A_11 = arith.constant 0 : index
    %get3A_12 = vector.load %arg2[%get3A_9, %get3A_10, %get3A_11] : memref<2x2000x16xf32, #tpu.memory_space<vmem>>, vector<1x2000x16xf32>
    %get3A_13 = vector.shape_cast %get3A_12 : vector<1x2000x16xf32> to vector<2000x16xf32>
    %get3A_14 = arith.constant 1 : index
    %get3A_15 = arith.constant 0 : index
    %get3A_16 = arith.constant 0 : index
    %get3A_17 = vector.load %arg2[%get3A_14, %get3A_15, %get3A_16] : memref<2x2000x16xf32, #tpu.memory_space<vmem>>, vector<1x2000x16xf32>
    %get3A_18 = vector.shape_cast %get3A_17 : vector<1x2000x16xf32> to vector<2000x16xf32>
    %add3A_19 = arith.addf %get3A_13, %get3A_18 : vector<2000x16xf32>
    %slice3A = vector.extract_strided_slice %add3A_19 {offsets = [0, 0], sizes = [2000, 1], strides = [1, 1]} : vector<2000x16xf32> to vector<2000x1xf32>
    %slice3A_20 = vector.extract_strided_slice %add3A_19 {offsets = [0, 1], sizes = [2000, 1], strides = [1, 1]} : vector<2000x16xf32> to vector<2000x1xf32>
    %add3A_21 = arith.constant 1.000000e-16 : f32
    %add3A_22 = vector.broadcast %add3A_21 : f32 to vector<2000x1xf32>
    %add3A_23 = arith.addf %slice3A, %add3A_22 : vector<2000x1xf32>
    %div3A = vector.broadcast %add3A_23 : vector<2000x1xf32> to vector<2000x96xf32>
    %div3A_24 = arith.divf %add3A, %div3A : vector<2000x96xf32>
    %max3A = arith.constant 1.000000e+00 : f32
    %max3A_25 = vector.broadcast %max3A : f32 to vector<2000x1xf32>
    %max3A_26 = arith.maximumf %slice3A_20, %max3A_25 : vector<2000x1xf32>
    %div3A_27 = vector.broadcast %max3A_26 : vector<2000x1xf32> to vector<2000x96xf32>
    %div3A_28 = arith.divf %div3A_24, %div3A_27 : vector<2000x96xf32>
    %get3A_29 = arith.constant 0 : index
    %get3A_30 = arith.constant 0 : index
    %get3A_31 = vector.load %arg3[%get3A_29, %get3A_30] : memref<1x96xf32, #tpu.memory_space<vmem>>, vector<1x96xf32>
    %add3A_32 = vector.broadcast %get3A_31 : vector<1x96xf32> to vector<2000x96xf32>
    %add3A_33 = arith.addf %div3A_28, %add3A_32 : vector<2000x96xf32>
    %swap3A = arith.constant 0 : index
    %swap3A_34 = arith.constant 0 : index
    %swap3A_35 = vector.load %arg4[%swap3A, %swap3A_34] : memref<2000x96xf32, #tpu.memory_space<vmem>>, vector<2000x96xf32>
    tpu.vector_store %arg4[%swap3A, %swap3A_34], %add3A_33 {strides = array<i32>} : memref<2000x96xf32, #tpu.memory_space<vmem>>, vector<2000x96xf32>,
    return
  }
  func.func @transform_0(%arg0: i32) -> (i32, i32, i32) {
    %c0_i32 = arith.constant 0 : i32
    %c0_i32_0 = arith.constant 0 : i32
    %c0_i32_1 = arith.constant 0 : i32
    return %c0_i32, %arg0, %c0_i32_0 : i32, i32, i32
  }
  func.func @transform_1(%arg0: i32) -> (i32, i32, i32) {
    %c0_i32 = arith.constant 0 : i32
    %c0_i32_0 = arith.constant 0 : i32
    %c0_i32_1 = arith.constant 0 : i32
    return %c0_i32, %arg0, %c0_i32_0 : i32, i32, i32
  }
  func.func @transform_2(%arg0: i32) -> (i32, i32) {
    %c0_i32 = arith.constant 0 : i32
    %c0_i32_0 = arith.constant 0 : i32
    %c0_i32_1 = arith.constant 0 : i32
    return %c0_i32, %c0_i32_0 : i32, i32
  }
  func.func @transform_3(%arg0: i32) -> (i32, i32) {
    %c0_i32 = arith.constant 0 : i32
    %c0_i32_0 = arith.constant 0 : i32
    return %arg0, %c0_i32 : i32, i32
  }
}

</mosaic_0001>

<sc_bundles>
// kernel: kernel.5.cloned.1.call-start
scs
__scs_entry_jumppad:
0x0: {  	(pc) =	sbr.rel $0x88, $3  }
0x1: {  	(tag) =	ssettag $0x0;
	lr =	simm.s32 $0x1  }
0x2: {  	[smem:$0x3F9B] =	sst lr;
	_ =	strace $0xD0000000  }
0x3: {  	_ = 	snop  }
0x4: {  	_ = 	snop  }
0x5: {  	_ = 	snop  }
0x6: {  	_ = 	snop  }
0x7: {  	_ = 	snop  }
__scs_overlays_trampoline_lowered:
0x8: {  	[smem:$0x3FAA] =	sst s0  }
0x9: {  	[smem:$0x3FAB] =	sst s1  }
0xa: {  	[smem:$0x3FAC] =	sst s2  }
0xb: {  	[smem:$0x3FAD] =	sst s3  }
0xc: {  	[smem:$0x3FAE] =	sst s4  }
0xd: {  	[smem:$0x3FAF] =	sst s5  }
0xe: {  	[smem:$0x3FB0] =	sst s6  }
0xf: {  	[smem:$0x3FB1] =	sst s7  }
0x10: {  	[smem:$0x3FB2] =	sst s8  }
0x11: {  	[smem:$0x3FB3] =	sst s9;
	s0 =	simm.s32 @!p0 $0x0  }
0x12: {  	s1 =	sld [smem:$0x3F99];
	s0 =	simm.s32 @p0 $0x1  }
0x13: {  	[smem:$0x3FB4] =	sst s0;
	s0 =	simm.s32 @!p1 $0x0  }
0x14: {  	s2 =	sld [smem:$0x3F98];
	s0 =	simm.s32 @p1 $0x1  }
0x15: {  	[smem:$0x3FB5] =	sst s0;
	s0 =	simm.s32 @!p2 $0x0  }
0x16: {  	s3 =	sld [smem:$0x3FDB];
	s0 =	simm.s32 @p2 $0x1  }
0x17: {  	s4 =	simm.s32 $0x1BF5;
	[smem:$0x3FB7] =	sst s0  }
0x18: {  	s0 =	sld [smem:$0x3F9A];
	_ =	swait.ge [sflag:s4], $0x0  }
0x19: {  	s7 =	sld [smem:$0x3F9B]  }
0x1a: {  	s8 =	sadd.s32 $0xFFFFE003, lr  }
0x1b: {  	s9 =	sadd.s32 $0xFFFFFEF7, lr;
	s5 =	simm.s32 $0xFFFFFFFF;
	p2 =	slt.u32 s8, $0xFFFFF086  }
0x1c: {  	p1 =	slt.u32 s9, $0xF7A;
	s5 =	simm.s32 @!p2 $0x0  }
0x1d: {  	s5 =	simm.s32 @p1 $0x1;
	p0 =	seq.s32 s7, s2  }
0x1e: {  	s7 =	smul.u32 @!p0 $0xF7A, s2;
	p2 =	seq.s32 @!p0 s5, $0x0  }
0x1f: {  	s9 =	smul.u32 $0xF7A, s1;
	s8 =	simm.s32 @!p0 $0x1BF5;
	p2 =	por !p2, p0  }
0x20: {  	[sflag:s8] =	ssyncset.s32 @!p0 $0xFFFFF086;
	s6 =	sadd.s32 @!p0 s3, s7;
	s7 =	simm.s32 @!p0 $0x108  }
0x21: {  	s3 =	sadd.s32 s3, s9;
	s6 =	sadd.s32 @!p0 $0x88, s6;
	s7 =	simm.s32 @p2 $0x1082  }
0x22: {  	[simem:s7], [sflag:s8] =	dma.local @!p0 [hbm:s6], $0xF7A  }
0x23: {  	s9 =	sor.u32 $0xD0000000, s2;
	s6 =	simm.s32 $0x108;
	_ =	swait.ge @!p0 [sflag:s8], $0x0  }
0x24: {  	s3 =	sadd.s32 $0x88, s3;
	s6 =	simm.s32 @!p1 $0x1082;
	[sflag:s4] =	ssyncset.s32 $0xFFFFF086  }
0x25: {  	[simem:s6], [sflag:s4] =	dma.local [hbm:s3], $0xF7A  }
0x26: {  	[smem:$0x3F9B] =	sst s1;
	(tag) =	ssettag s2;
	_ =	strace s9  }
0x27: {  	s1 =	sld [smem:$0x3FAB]  }
0x28: {  	s2 =	sld [smem:$0x3FAC]  }
0x29: {  	s4 =	sld [smem:$0x3FAE]  }
0x2a: {  	p0 =	seq.s32 s5, $0x0;
	s5 =	sld [smem:$0x3FAF]  }
0x2b: {  	s6 =	sld [smem:$0x3FB0]  }
0x2c: {  	s7 =	sld [smem:$0x3FB1]  }
0x2d: {  	s3 =	simm.s32 $0x108;
	s8 =	sld [smem:$0x3FB2]  }
0x2e: {  	s3 =	simm.s32 @!p0 $0x1082;
	s9 =	sld [smem:$0x3FB3]  }
0x2f: {  	lr =	sadd.s32 s0, s3;
	s0 =	sld [smem:$0x3FAA]  }
0x30: {  	s3 =	sld [smem:$0x3FAD]  }
0x31: {  	[smem:$0x3FB6] =	sst s10  }
0x32: {  	s10 =	sld [smem:$0x3FB4];
	_ =	sdelay $0x3  }
0x33: {  	p0 =	seq.s32 s10, $0x1;
	s10 =	sld [smem:$0x3FB6];
	_ =	sdelay $0x3  }
0x34: {  	[smem:$0x3FB6] =	sst s10  }
0x35: {  	s10 =	sld [smem:$0x3FB5];
	_ =	sdelay $0x3  }
0x36: {  	p1 =	seq.s32 s10, $0x1;
	s10 =	sld [smem:$0x3FB6];
	_ =	sdelay $0x3  }
0x37: {  	[smem:$0x3FB6] =	sst s10  }
0x38: {  	s10 =	sld [smem:$0x3FB7]  }
0x39: {  	_ = 	snop;
	(pc) =	sbr.ind lr, $3  }
0x3a: {  	_ = 	snop  }
0x3b: {  	_ = 	snop  }
0x3c: {  	p2 =	seq.s32 s10, $0x1;
	s10 =	sld [smem:$0x3FB6]  }
0x3d: {  	_ =	shalt  }
0x3e: {  	_ =	shalt  }
0x3f: {  	_ =	shalt  }
0x40: {  	_ =	shalt  }
0x41: {  	_ =	shalt  }
0x42: {  	_ =	shalt  }
0x43: {  	_ =	shalt  }
0x44: {  	_ =	shalt  }
0x45: {  	_ =	shalt  }
0x46: {  	_ =	shalt  }
0x47: {  	_ =	shalt  }
0x48: {  	_ =	shalt  }
0x49: {  	_ =	shalt  }
0x4a: {  	_ =	shalt  }
0x4b: {  	_ =	shalt  }
0x4c: {  	_ =	shalt  }
0x4d: {  	_ =	shalt  }
0x4e: {  	_ =	shalt  }
0x4f: {  	_ =	shalt  }
0x50: {  	_ =	shalt  }
0x51: {  	_ =	shalt  }
0x52: {  	_ =	shalt  }
0x53: {  	_ =	shalt  }
0x54: {  	_ =	shalt  }
0x55: {  	_ =	shalt  }
0x56: {  	_ =	shalt  }
0x57: {  	_ =	shalt  }
0x58: {  	_ =	shalt  }
0x59: {  	_ =	shalt  }
0x5a: {  	_ =	shalt  }
0x5b: {  	_ =	shalt  }
0x5c: {  	_ =	shalt  }
0x5d: {  	_ =	shalt  }
0x5e: {  	_ =	shalt  }
0x5f: {  	_ =	shalt  }
0x60: {  	_ =	shalt  }
0x61: {  	_ =	shalt  }
0x62: {  	_ =	shalt  }
0x63: {  	_ =	shalt  }
0x64: {  	_ =	shalt  }
0x65: {  	_ =	shalt  }
0x66: {  	_ =	shalt  }
0x67: {  	_ =	shalt  }
0x68: {  	_ =	shalt  }
0x69: {  	_ =	shalt  }
0x6a: {  	_ =	shalt  }
0x6b: {  	_ =	shalt  }
0x6c: {  	_ =	shalt  }
0x6d: {  	_ =	shalt  }
0x6e: {  	_ =	shalt  }
0x6f: {  	_ =	shalt  }
0x70: {  	_ =	shalt  }
0x71: {  	_ =	shalt  }
0x72: {  	_ =	shalt  }
0x73: {  	_ =	shalt  }
0x74: {  	_ =	shalt  }
0x75: {  	_ =	shalt  }
0x76: {  	_ =	shalt  }
0x77: {  	_ =	shalt  }
0x78: {  	_ =	shalt  }
0x79: {  	_ =	shalt  }
0x7a: {  	_ =	shalt  }
0x7b: {  	_ =	shalt  }
0x7c: {  	_ =	shalt  }
0x7d: {  	_ =	shalt  }
0x7e: {  	_ =	shalt  }
0x7f: {  	_ =	shalt  }
0x80: {  	_ =	shalt  }
0x81: {  	_ =	shalt  }
0x82: {  	_ =	shalt  }
0x83: {  	_ =	shalt  }
0x84: {  	_ =	shalt  }
0x85: {  	_ =	shalt  }
0x86: {  	_ =	shalt  }
0x87: {  	_ =	shalt  }
.Lfunc_end0:
.L_simem_size_0:
called_computation_lowered:
.L_overlay_start_0:
0x88: {  	s2 =	sld [smem:$0x3FD9]  }
0x89: {  	s3 =	sld [smem:$0x3FFE];
	_ =	sdelay $0x1  }
0x8a: {  	s1 =	srdreg.scid  }
0x8b: {  	s0 =	sand.u32 $0x1, s1  }
0x8c: {  	s17 =	sshll.u32 s0, $0xA;
	s2 =	sadd.s32 s3, s2  }
0x8d: {  	s2 =	sadd.s32 s2, s17  }
0x8e: {  	[smem:$0x3FC2] =	sst s2  }
0x8f: {  	_ = 	snop  }
0x90: {  	s2 =	sld [smem:$0x3FD0];
	(tm) =	ssettm $0x1  }
0x91: {  	s18 =	sld [smem:$0x3FFB];
	_ =	sdelay $0x3  }
0x92: {  	_ =	strace s18  }
0x93: {  	s3 =	sld [smem:$0x3FFC];
	_ =	sdelay $0x3  }
0x94: {  	_ =	strace s3  }
0x95: {  	s3 =	sld [smem:$0x3FFD];
	_ =	sdelay $0x3  }
0x96: {  	_ =	strace s3  }
0x97: {  	_ =	strace $0x8FFFFFFF  }
0x98: {  	s19 =	sld [smem:$0x3FDB];
	_ =	sdelay $0x1  }
0x99: {  	s4 =	simm.s32 $_scs_section_size  }
0x9a: {  	s5 =	simm.s32 $_size__tile_overlayer_lowered;
	s6 =	simm.s32 $_tile_overlayer_lowered  }
0x9b: {  	s22 =	simm.s32 $0x1BFF;
	s21 =	sshll.u32 s6, $0x1;
	s3 =	sadd.s32 s4, s19  }
0x9c: {  	s7 =	simm.s32 $0x0;
	s20 =	sshll.u32 s5, $0x1;
	s5 =	sadd.s32 s21, s3  }
0x9d: {  	[timem:s7], [sflag:s22] =	dma.local [hbm:s5], s20  }
0x9e: {  	_ =	swait.ge [sflag:s22], s20  }
0x9f: {  	s4 =	ssub.s32 $0x0, s20;
	[sflag:s22] =	ssyncset.done $0x0  }
0xa0: {  	[sflag:s22] =	ssyncadd.s32 s4;
	_ =	sdelay $0x1  }
0xa1: {  	s23 =	simm.s32 $0x1B8B  }
0xa2: {  	_ =	swait.ge [sflag:s23], $0x1  }
0xa3: {  	[sflag:s23] =	ssyncset.done $0x0  }
0xa4: {  	s25 =	simm.s32 $0x1B8E;
	s24 =	sld [smem:$0x3FFE];
	[sflag:s23] =	ssyncadd.s32 $0xFFFFFFFF  }
0xa5: {  	s26 =	simm.s32 $execute0_lowered;
	[smem:$0x3FD2] =	sst s25  }
0xa6: {  	s5 =	sshll.u32 s26, $0x1;
	_ =	strace $0x80000046;
	[dreg:$0x1] =	wrdreg $0xFFFFFFFF  }
0xa7: {  	s28 =	simm.s32 $_size_execute0_lowered;
	s3 =	sadd.s32 s3, s5;
	[dreg:$0x0] =	wrdreg $0x0  }
0xa8: {  	s5 =	sshll.u32 s28, $0x1;
	[dreg:$0x2] =	wrdreg s3  }
0xa9: {  	[dreg:$0x3] =	wrdreg s5  }
0xaa: {  	[dreg:$0x4] =	wrdreg $0xC0  }
0xab: {  	_ =	task [dreg:s7], $0x5FFFF  }
0xac: {  	[dreg:$0x1] =	wrdreg $0xFFFFFFFF  }
0xad: {  	[dreg:$0x0] =	wrdreg $0x60  }
0xae: {  	[dreg:$0x2] =	wrdreg s24  }
0xaf: {  	[dreg:$0x3] =	wrdreg s2  }
0xb0: {  	[dreg:$0x4] =	wrdreg $0xE1000  }
0xb1: {  	[dreg:$0x5] =	wrdreg $0x1D1000  }
0xb2: {  	[dreg:$0x6] =	wrdreg $0x9  }
0xb3: {  	_ =	task.clear_ibuf [dreg:s7], $0x7FFFF;
	_ =	strace $0x90000046  }
0xb4: {  	s29 =	simm.s32 $0x9;
	_ =	strace $0x80000048  }
0xb5: {  	_ =	swait.ge [sflag:s29], $0x1  }
0xb6: {  	[sflag:s29] =	ssyncadd.s32 $0xFFFFFFFF  }
0xb7: {  	_ =	strace $0x90000048  }
0xb8: {  	_ =	sfence  }
0xb9: {  	s30 =	sld [smem:$0x0];
	_ =	sdelay $0x2  }
0xba: {  	s31 =	sshll.u32 s1, $0xD;
	s1 =	sshrl.u32 s1, $0x2  }
0xbb: {  	s3 =	sand.u32 $0x4000, s31;
	s1 =	sadd.s32 s1, s30  }
0xbc: {  	s0 =	sor.u32 s3, s0;
	s1 =	sshll.u32 s1, $0x11  }
0xbd: {  	s0 =	sor.u32 s1, s0  }
0xbe: {  	s0 =	sadd.s32 $0x8F2B, s0  }
0xbf: {  	[sflag:s0] =	ssyncadd.remote.s32 $0x1  }
0xc0: {  	_ =	sfence.sel $0xFFFF  }
0xc1: {  	[dreg:$0x0] =	wrdreg $0xFFFFFFFF;
	(pc) =	sbr.abs _section_cstart, $3  }
0xc2: {  	[dreg:$0x1] =	wrdreg $0xFFFFFFFF  }
0xc3: {  	_ =	task.clear_ibuf [dreg:s7], $0x2FFFF;
	_ =	strace $0x9FFFFFFF  }
0xc4: {  	(tm) =	ssettm $0x7FFFFFFF  }
0xc5: {  	_ =	shalt  }
tec
execute0_lowered:
.L_overlay_start_1:
0x0: {  	(tag) =	ssettag $0x1  }
0x1: {  	s0 =	rddreg [dreg:$0x0]  }
0x2: {  	s17 =	rddreg [dreg:$0x1]  }
0x3: {  	s1 =	srdreg.scid;
	s16 =	stileid.u32  }
0x4: {  	s3 =	rddreg [dreg:$0x2];
	s2 =	smul.u32 $0xF000, s16  }
0x5: {  	s4 =	rddreg [dreg:$0x3];
	s5 =	simm.s32 $0x0;
	s7 =	smul.u32 $0x2800, s16  }
0x6: {  	s29 =	simm.s32 $0x7670;
	s1 =	sand.u32 $0x1, s1;
	s9 =	smul.u32 $0x280, s16  }
0x7: {  	s31 =	simm.s32 $0x7;
	s28 =	simm.s32 $0xE0B0;
	s6 =	smul.u32 $0xF0000, s1  }
0x8: {  	[smem:$0x7FF] =	sst s5;
	s13 =	sshll.u32 s16, $0x1;
	s8 =	smul.u32 $0x28000, s1  }
0x9: {  	_ =	strace $0x80000047;
	s10 =	ssub.s32 $0x2, s1;
	s1 =	sor.u32 s1, s13  }
0xa: {  	s13 =	smul.u32 $0x3C000, s16;
	s11 =	sshrl.u32 s10, $0x1;
	s12 =	sor.u32 $0x50, s9  }
0xb: {  	s15 =	sadd.s32 $0xA0, s9;
	s18 =	sadd.s32 s2, s3;
	s30 =	sadd.s32 s7, s4  }
0xc: {  	s22 =	sshll.u32 s9, $0x4;
	s1 =	smul.u32 $0x2710, s1;
	s6 =	sadd.s32 s2, s6  }
0xd: {  	s8 =	sadd.s32 s7, s8;
	s14 =	smul.u32 $0x180, s12;
	s10 =	ssub.s32 s10, s11  }
0xe: {  	s25 =	smul.u32 $0x180, s15;
	s19 =	sadd.s32 $0x16800, s13;
	s20 =	sshll.u32 s15, $0x4  }
0xf: {  	s23 =	sadd.s32 $0x1E000, s13;
	s24 =	sadd.s32 $0x25800, s13;
	[dreg:$0x5] =	wrdreg s18  }
0x10: {  	[dreg:$0x6] =	wrdreg s30;
	s6 =	sshrl.u32 s6, $0x3;
	s8 =	sshrl.u32 s8, $0x3  }
0x11: {  	s7 =	sshrl.u32 s19, $0x2;
	s9 =	sshrl.u32 s24, $0x2;
	s19 =	sadd.s32 $0xA400, s0  }
0x12: {  	[dreg:$0x11] =	wrdreg s1;
	s1 =	sshrl.u32 s1, $0x3;
	s24 =	smax.u32 s10, $0x1  }
0x13: {  	s6 =	sadd.s32 s6, s0;
	s8 =	sadd.s32 s8, s0;
	s26 =	sshrl.u32 s14, $0x2  }
0x14: {  	s14 =	sshll.u32 s12, $0x4;
	s16 =	sshrl.u32 s25, $0x2;
	[dreg:$0x16] =	wrdreg s19  }
0x15: {  	s21 =	sadd.s32 s7, s3;
	s7 =	sshrl.u32 s23, $0x2;
	[dreg:$0x1c] =	wrdreg s24  }
0x16: {  	s9 =	sadd.s32 s9, s3;
	s12 =	sadd.s32 $0x2D000, s13;
	[dreg:$0xb] =	wrdreg s21  }
0x17: {  	s24 =	simm.s32 $0x5;
	s2 =	sadd.s32 s26, s3;
	[dreg:$0xf] =	wrdreg s9  }
0x18: {  	s19 =	simm.s32 $0xA;
	s7 =	sadd.s32 s7, s3;
	[dreg:$0x7] =	wrdreg s2  }
0x19: {  	s21 =	sadd.s32 s17, s1;
	s23 =	sadd.s32 $0x64000, s8;
	[dreg:$0xd] =	wrdreg s7  }
0x1a: {  	s8 =	simm.s32 $0x7710;
	s17 =	simm.s32 $0xD;
	[dreg:$0x1b] =	wrdreg s23  }
0x1b: {  	s2 =	sadd.s32 s14, s4;
	s14 =	sadd.s32 $0x34800, s13;
	[dreg:$0x19] =	wrdreg s21  }
0x1c: {  	s7 =	sshrl.u32 s12, $0x2;
	[dreg:$0x8] =	wrdreg s2;
	s2 =	sadd.s32 s16, s3  }
0x1d: {  	s13 =	simm.s32 $0x50;
	s7 =	sadd.s32 s7, s3;
	[dreg:$0x9] =	wrdreg s2  }
0x1e: {  	s9 =	sshrl.u32 s14, $0x2;
	s2 =	sadd.s32 s20, s4;
	[dreg:$0x12] =	wrdreg s7  }
0x1f: {  	s12 =	simm.s32 $0x1;
	s15 =	sadd.s32 s9, s3;
	[dreg:$0xa] =	wrdreg s2  }
0x20: {  	s23 =	simm.s32 $0x2;
	s20 =	sadd.s32 $0x9E00, s0;
	[dreg:$0x13] =	wrdreg s15  }
0x21: {  	s2 =	sadd.s32 s4, s22;
	[dreg:$0x17] =	wrdreg s20;
	s22 =	sadd.s32 $0x28000, s6  }
0x22: {  	s14 =	simm.s32 $0xC;
	s25 =	sadd.s32 $0xF00, s2;
	[dreg:$0x1a] =	wrdreg s22  }
0x23: {  	s7 =	simm.s32 $0xB;
	s26 =	sadd.s32 $0x1400, s2;
	[dreg:$0xc] =	wrdreg s25  }
0x24: {  	s9 =	simm.s32 $0x0;
	s11 =	sadd.s32 $0x1900, s2;
	[dreg:$0xe] =	wrdreg s26  }
0x25: {  	s15 =	simm.s32 $0x9510;
	s16 =	sadd.s32 $0x1E00, s2;
	[dreg:$0x10] =	wrdreg s11  }
0x26: {  	s20 =	simm.s32 $0x4;
	s2 =	sadd.s32 $0x2300, s2;
	[dreg:$0x14] =	wrdreg s16  }
0x27: {  	s22 =	simm.s32 $0x7620;
	[dreg:$0x15] =	wrdreg s2;
	s25 =	sadd.s32 $0xAA00, s0  }
0x28: {  	s0 =	sadd.s32 s0, s1;
	s26 =	sadd.s32 $0xA, s21;
	s11 =	simm.s32 $0x2710  }
0x29: {  	s2 =	simm.s32 $0x8;
	s1 =	simm.s32 $0x9;
	[dreg:$0x18] =	wrdreg s0  }
0x2a: {  	v0 =	vimm.f32 $0.0e+00;
	vm0 =	vcmask $0x300;
	vm1 =	vcmask $0x704;
	[dreg:$0x1d] =	wrdreg s26;
	s0 =	sadd.s32 $0x14, s21;
	s21 =	simm.s32 $0xE010  }
0x2b: {  	v1 =	vsel vm0, $0x3F800000, v0;
	v2 =	vsel vm1, $0x3F800000, v0;
	s26 =	simm.s32 $0xE060;
	[dreg:$0x1e] =	wrdreg s0;
	s0 =	simm.s32 $0x6  }
.LBB2_1:
0x2c: {  	[dreg:$0x1f] =	wrdreg s9;
	s9 =	simm.s32 $0x7740  }
0x2d: {  	[tilespmem:s9+$0xFFFFFFE0] =	vst v0  }
0x2e: {  	[tilespmem:s9+$0xFFFFFFF0] =	vst v0  }
0x2f: {  	[tilespmem:s9+$0x0] =	vst v0  }
0x30: {  	[tilespmem:s9+$0x10] =	vst v0  }
0x31: {  	[tilespmem:s9+$0x20] =	vst v0  }
0x32: {  	s16 =	simm.s32 $0x0;
	s10 =	simm.s32 $0x40;
	[tilespmem:s9+$0xFFFFFFD0] =	vst v0  }
.LBB2_2:
0x33: {  	p0 =	sne.s32 s10, $0x13C0;
	[tilespmem:s16+$0xD110] =	vst v0;
	s9 =	sadd.s32 $0x60, s9  }
0x34: {  	[tilespmem:s9+$0xFFFFFFE0] =	vst v0  }
.Ltmp0:
0x35: {  	[tilespmem:s9+$0xFFFFFFF0] =	vst v0;
	(pc) =	sbr.rel @p0 .LBB2_2-.Ltmp0, $4  }
0x36: {  	[tilespmem:s9+$0x0] =	vst v0  }
0x37: {  	[tilespmem:s9+$0x10] =	vst v0  }
0x38: {  	[tilespmem:s9+$0x20] =	vst v0  }
0x39: {  	s16 =	sshra.s32 s10, $0x2;
	s10 =	sadd.s32 $0x40, s10;
	[tilespmem:s9+$0xFFFFFFD0] =	vst v0  }
0x3a: {  	[tilespmem:s16+$0xD110] =	vst v0  }
0x3b: {  	[spmem:s18] =	stream.linear.scatter [tilespmem:s8], [sflag:$0xD], $0x1E00, $0x38;
	[tilespmem:$0x1F900] =	vst v63  }
0x3c: {  	_ =	swait.ge [sflag:s17], $0x1E00  }
0x3d: {  	[sflag:s17] =	ssyncset.done $0x0  }
0x3e: {  	s9 =	simm.s32 $0xD110;
	[sflag:s17] =	ssyncadd.s32 $0xFFFFE200  }
0x3f: {  	[spmem:s30] =	stream.linear.scatter [tilespmem:s9], [sflag:$0xD], $0x500, $0x38;
	[tilespmem:$0x1F900] =	vst v63  }
0x40: {  	_ =	swait.ge [sflag:s17], $0x500  }
0x41: {  	[sflag:s17] =	ssyncset.done $0x0  }
0x42: {  	s6 =	rddreg [dreg:$0x7];
	[sflag:s17] =	ssyncadd.s32 $0xFFFFFB00  }
0x43: {  	[spmem:s6] =	stream.linear.scatter [tilespmem:s8], [sflag:$0xD], $0x1E00, $0x38;
	[tilespmem:$0x1F900] =	vst v63  }
0x44: {  	_ =	swait.ge [sflag:s17], $0x1E00  }
0x45: {  	[sflag:s17] =	ssyncset.done $0x0  }
0x46: {  	s30 =	rddreg [dreg:$0x8];
	[sflag:s17] =	ssyncadd.s32 $0xFFFFE200  }
0x47: {  	[spmem:s30] =	stream.linear.scatter [tilespmem:s9], [sflag:$0xD], $0x500, $0x38;
	[tilespmem:$0x1F900] =	vst v63  }
0x48: {  	_ =	swait.ge [sflag:s17], $0x500  }
0x49: {  	[sflag:s17] =	ssyncset.done $0x0  }
0x4a: {  	s10 =	rddreg [dreg:$0x9];
	[sflag:s17] =	ssyncadd.s32 $0xFFFFFB00  }
0x4b: {  	[spmem:s10] =	stream.linear.scatter [tilespmem:s8], [sflag:$0xD], $0x1E00, $0x38;
	[tilespmem:$0x1F900] =	vst v63  }
0x4c: {  	_ =	swait.ge [sflag:s17], $0x1E00  }
0x4d: {  	[sflag:s17] =	ssyncset.done $0x0  }
0x4e: {  	s16 =	rddreg [dreg:$0xa];
	[sflag:s17] =	ssyncadd.s32 $0xFFFFE200  }
0x4f: {  	[spmem:s16] =	stream.linear.scatter [tilespmem:s9], [sflag:$0xD], $0x500, $0x38;
	[tilespmem:$0x1F900] =	vst v63  }
0x50: {  	_ =	swait.ge [sflag:s17], $0x500  }
0x51: {  	[sflag:s17] =	ssyncset.done $0x0  }
0x52: {  	s18 =	rddreg [dreg:$0xb];
	[sflag:s17] =	ssyncadd.s32 $0xFFFFFB00  }
0x53: {  	[spmem:s18] =	stream.linear.scatter [tilespmem:s8], [sflag:$0xD], $0x1E00, $0x38;
	[tilespmem:$0x1F900] =	vst v63  }
0x54: {  	_ =	swait.ge [sflag:s17], $0x1E00  }
0x55: {  	[sflag:s17] =	ssyncset.done $0x0  }
0x56: {  	s30 =	rddreg [dreg:$0xc];
	[sflag:s17] =	ssyncadd.s32 $0xFFFFE200  }
0x57: {  	[spmem:s30] =	stream.linear.scatter [tilespmem:s9], [sflag:$0xD], $0x500, $0x38;
	[tilespmem:$0x1F900] =	vst v63  }
0x58: {  	_ =	swait.ge [sflag:s17], $0x500  }
0x59: {  	[sflag:s17] =	ssyncset.done $0x0  }
0x5a: {  	s10 =	rddreg [dreg:$0xd];
	[sflag:s17] =	ssyncadd.s32 $0xFFFFFB00  }
0x5b: {  	[spmem:s10] =	stream.linear.scatter [tilespmem:s8], [sflag:$0xD], $0x1E00, $0x38;
	[tilespmem:$0x1F900] =	vst v63  }
0x5c: {  	_ =	swait.ge [sflag:s17], $0x1E00  }
0x5d: {  	[sflag:s17] =	ssyncset.done $0x0  }
0x5e: {  	s16 =	rddreg [dreg:$0xe];
	[sflag:s17] =	ssyncadd.s32 $0xFFFFE200  }
0x5f: {  	[spmem:s16] =	stream.linear.scatter [tilespmem:s9], [sflag:$0xD], $0x500, $0x38;
	[tilespmem:$0x1F900] =	vst v63  }
0x60: {  	_ =	swait.ge [sflag:s17], $0x500  }
0x61: {  	[sflag:s17] =	ssyncset.done $0x0  }
0x62: {  	s18 =	rddreg [dreg:$0xf];
	[sflag:s17] =	ssyncadd.s32 $0xFFFFFB00  }
0x63: {  	[spmem:s18] =	stream.linear.scatter [tilespmem:s8], [sflag:$0xD], $0x1E00, $0x38;
	[tilespmem:$0x1F900] =	vst v63  }
0x64: {  	_ =	swait.ge [sflag:s17], $0x1E00  }
0x65: {  	[sflag:s17] =	ssyncset.done $0x0  }
0x66: {  	s30 =	rddreg [dreg:$0x10];
	[sflag:s17] =	ssyncadd.s32 $0xFFFFE200  }
0x67: {  	[spmem:s30] =	stream.linear.scatter [tilespmem:s9], [sflag:$0xD], $0x500, $0x38;
	[tilespmem:$0x1F900] =	vst v63  }
0x68: {  	_ =	swait.ge [sflag:s17], $0x500  }
0x69: {  	[sflag:s17] =	ssyncset.done $0x0  }
0x6a: {  	s10 =	rddreg [dreg:$0x12];
	[sflag:s17] =	ssyncadd.s32 $0xFFFFFB00  }
0x6b: {  	[spmem:s10] =	stream.linear.scatter [tilespmem:s8], [sflag:$0xD], $0x1E00, $0x38;
	[tilespmem:$0x1F900] =	vst v63  }
0x6c: {  	_ =	swait.ge [sflag:s17], $0x1E00  }
0x6d: {  	[sflag:s17] =	ssyncset.done $0x0  }
0x6e: {  	s16 =	rddreg [dreg:$0x14];
	[sflag:s17] =	ssyncadd.s32 $0xFFFFE200  }
0x6f: {  	[spmem:s16] =	stream.linear.scatter [tilespmem:s9], [sflag:$0xD], $0x500, $0x38;
	[tilespmem:$0x1F900] =	vst v63  }
0x70: {  	_ =	swait.ge [sflag:s17], $0x500  }
0x71: {  	[sflag:s17] =	ssyncset.done $0x0  }
0x72: {  	s18 =	rddreg [dreg:$0x13];
	[sflag:s17] =	ssyncadd.s32 $0xFFFFFB00  }
0x73: {  	[spmem:s18] =	stream.linear.scatter [tilespmem:s8], [sflag:$0xD], $0x1E00, $0x38;
	[tilespmem:$0x1F900] =	vst v63  }
0x74: {  	_ =	swait.ge [sflag:s17], $0x1E00  }
0x75: {  	[sflag:s17] =	ssyncset.done $0x0  }
0x76: {  	s30 =	rddreg [dreg:$0x15];
	[sflag:s17] =	ssyncadd.s32 $0xFFFFE200  }
0x77: {  	[spmem:s30] =	stream.linear.scatter [tilespmem:s9], [sflag:$0xD], $0x500, $0x38;
	[tilespmem:$0x1F900] =	vst v63  }
0x78: {  	_ =	swait.ge [sflag:s17], $0x500  }
0x79: {  	[sflag:s17] =	ssyncset.done $0x0  }
0x7a: {  	s16 =	simm.s32 $0x0;
	s9 =	rddreg [dreg:$0x16];
	[sflag:s17] =	ssyncadd.s32 $0xFFFFFB00  }
0x7b: {  	[tilespmem:s16], [sflag:$0xD] =	stream.linear.gather [hbm4b:s9+s16], $0x2710, $0x38;
	[tilespmem:$0x1F900] =	vst v63  }
0x7c: {  	_ =	swait.ge [sflag:s17], $0x2710  }
0x7d: {  	[sflag:s17] =	ssyncset.done $0x0  }
0x7e: {  	s10 =	rddreg [dreg:$0x17];
	[sflag:s17] =	ssyncadd.s32 $0xFFFFD8F0  }
0x7f: {  	[tilespmem:s11], [sflag:$0xD] =	stream.linear.gather [hbm4b:s10+s16], $0x2710, $0x38;
	[tilespmem:$0x1F900] =	vst v63  }
0x80: {  	_ =	swait.ge [sflag:s17], $0x2710  }
0x81: {  	[sflag:s17] =	ssyncset.done $0x0  }
0x82: {  	s30 =	simm.s32 $0x4E20;
	s18 =	rddreg [dreg:$0x18];
	[sflag:s17] =	ssyncadd.s32 $0xFFFFD8F0  }
0x83: {  	[tilespmem:s30], [sflag:$0xD] =	stream.linear.gather [hbm4b:s18+s16], $0x2710, $0x38;
	[tilespmem:$0x1F900] =	vst v63  }
0x84: {  	_ =	swait.ge [sflag:s17], $0x2710  }
0x85: {  	[sflag:s17] =	ssyncset.done $0x0  }
0x86: {  	[sflag:s17] =	ssyncadd.s32 $0xFFFFD8F0  }
0x87: {  	[bflag:$0x0] =	sbarrier.arrive $0xFFFF  }
0x88: {  	[tilespmem:s8], [sflag:$0x1] =	stream.indirect.gather [hbm4b:s25+s13], $0x60, s30, s13, $0xb8;
	[tilespmem:$0x1F900] =	vst v63  }
0x89: {  	s10 =	simm.s32 $0x7530;
	s9 =	rddreg [dreg:$0x19]  }
0x8a: {  	[tilespmem:s10], [sflag:$0x4] =	stream.linear.gather [hbm4b:s9+s16], $0x50, $0x38;
	[tilespmem:$0x1F900] =	vst v63  }
0x8b: {  	s17 =	simm.s32 $0x4E70  }
0x8c: {  	[tilespmem:s15], [sflag:$0x2] =	stream.indirect.gather [hbm4b:s25+s13], $0x60, s17, s13, $0xb8;
	[tilespmem:$0x1F900] =	vst v63  }
0x8d: {  	s18 =	rddreg [dreg:$0x1d];
	s30 =	simm.s32 $0x7580  }
0x8e: {  	[tilespmem:s30], [sflag:$0x5] =	stream.linear.gather [hbm4b:s18+s16], $0x50, $0x38;
	[tilespmem:$0x1F900] =	vst v63  }
0x8f: {  	s10 =	simm.s32 $0x4EC0;
	s17 =	simm.s32 $0xB310  }
0x90: {  	[tilespmem:s17], [sflag:$0x3] =	stream.indirect.gather [hbm4b:s25+s13], $0x60, s10, s13, $0xb8;
	[tilespmem:$0x1F900] =	vst v63  }
0x91: {  	s18 =	rddreg [dreg:$0x1e];
	s30 =	simm.s32 $0x75D0  }
0x92: {  	[tilespmem:s30], [sflag:$0x6] =	stream.linear.gather [hbm4b:s18+s16], $0x50, $0x38;
	[tilespmem:$0x1F900] =	vst v63  }
.LBB2_4:
0x93: {  	_ =	swait.ge [sflag:s12], $0x1E00  }
0x94: {  	[sflag:s12] =	ssyncset.done $0x0  }
0x95: {  	[sflag:s12] =	ssyncadd.s32 $0xFFFFE200  }
0x96: {  	_ =	swait.ge [sflag:s20], $0x50  }
0x97: {  	s30 =	smul.u32 $0xF0, s16;
	[sflag:s20] =	ssyncset.done $0x0  }
0x98: {  	[sflag:s20] =	ssyncadd.s32 $0xFFFFFFB0  }
0x99: {  	v3 =	vld [tilespmem:s30+$0x4E20]  }
0x9a: {  	v4 =	vld [tilespmem:$0x7530];
	_ =	sdelay $0x6  }
0x9b: {  	v3 =	vld.idx.msk [tilespmem:v3+s5+$0x0], $0xffff  }
0x9c: {  	v5 =	vld.idx.msk [tilespmem:v4+s11+$0x0], $0xffff;
	_ =	sdelay $0x4  }
0x9d: {  	v3 =	vadd.f32 v5, v3;
	_ =	sdelay $0x1  }
0x9e: {  	v5 =	vmul.f32 $2.000000030e-01, v3  }
0x9f: {  	vm0 =	vge.f32 v3, $0.0e+00  }
0xa0: {  	v3 =	vsel vm0, v3, v5  }
0xa1: {  	v3 =	vmul.f32 $1.442695020e+00, v3;
	_ =	sdelay $0x1  }
0xa2: {  	(erf) = vpow2.f32 v3;
	_ =	sdelay $0x8  }
0xa3: {  	[tilespmem:$0x7620] =	vst v4;
	v3 =	vpop (erf)  }
0xa4: {  	v56 =	vld [tilespmem:$0x7540];
	[tilespmem:$0xE010] =	vst v3  }
0xa5: {  	v3 =	vld [tilespmem:s30+$0x4E30];
	_ =	sdelay $0x6  }
0xa6: {  	v57 =	vld.idx.msk [tilespmem:v56+s11+$0x0], $0xffff  }
0xa7: {  	v3 =	vld.idx.msk [tilespmem:v3+s5+$0x0], $0xffff;
	_ =	sdelay $0x4  }
0xa8: {  	v3 =	vadd.f32 v57, v3;
	_ =	sdelay $0x1  }
0xa9: {  	v5 =	vmul.f32 $2.000000030e-01, v3  }
0xaa: {  	vm12 =	vge.f32 v3, $0.0e+00  }
0xab: {  	v3 =	vsel vm12, v3, v5  }
0xac: {  	v3 =	vmul.f32 $1.442695020e+00, v3;
	_ =	sdelay $0x1  }
0xad: {  	(erf) = vpow2.f32 v3;
	_ =	sdelay $0x8  }
0xae: {  	[tilespmem:$0x7630] =	vst v56;
	v3 =	vpop (erf)  }
0xaf: {  	v58 =	vld [tilespmem:$0x7550];
	[tilespmem:$0xE020] =	vst v3  }
0xb0: {  	v3 =	vld [tilespmem:s30+$0x4E40];
	_ =	sdelay $0x6  }
0xb1: {  	v59 =	vld.idx.msk [tilespmem:v58+s11+$0x0], $0xffff  }
0xb2: {  	v3 =	vld.idx.msk [tilespmem:v3+s5+$0x0], $0xffff;
	_ =	sdelay $0x4  }
0xb3: {  	v3 =	vadd.f32 v59, v3;
	_ =	sdelay $0x1  }
0xb4: {  	v5 =	vmul.f32 $2.000000030e-01, v3  }
0xb5: {  	vm13 =	vge.f32 v3, $0.0e+00  }
0xb6: {  	v3 =	vsel vm13, v3, v5  }
0xb7: {  	v3 =	vmul.f32 $1.442695020e+00, v3;
	_ =	sdelay $0x1  }
0xb8: {  	(erf) = vpow2.f32 v3;
	_ =	sdelay $0x8  }
0xb9: {  	[tilespmem:$0x7640] =	vst v58;
	v3 =	vpop (erf)  }
0xba: {  	v60 =	vld [tilespmem:$0x7560];
	[tilespmem:$0xE030] =	vst v3  }
0xbb: {  	v3 =	vld [tilespmem:s30+$0x4E50];
	_ =	sdelay $0x6  }
0xbc: {  	v61 =	vld.idx.msk [tilespmem:v60+s11+$0x0], $0xffff  }
0xbd: {  	v3 =	vld.idx.msk [tilespmem:v3+s5+$0x0], $0xffff;
	_ =	sdelay $0x4  }
0xbe: {  	v3 =	vadd.f32 v61, v3;
	_ =	sdelay $0x1  }
0xbf: {  	v5 =	vmul.f32 $2.000000030e-01, v3  }
0xc0: {  	vm14 =	vge.f32 v3, $0.0e+00  }
0xc1: {  	v3 =	vsel vm14, v3, v5  }
0xc2: {  	v3 =	vmul.f32 $1.442695020e+00, v3;
	_ =	sdelay $0x1  }
0xc3: {  	(erf) = vpow2.f32 v3;
	_ =	sdelay $0x8  }
0xc4: {  	[tilespmem:$0x7650] =	vst v60;
	v3 =	vpop (erf)  }
0xc5: {  	v62 =	vld [tilespmem:$0x7570];
	[tilespmem:$0xE040] =	vst v3  }
0xc6: {  	v3 =	vld [tilespmem:s30+$0x4E60];
	_ =	sdelay $0x6  }
0xc7: {  	v63 =	vld.idx.msk [tilespmem:v62+s11+$0x0], $0xffff  }
0xc8: {  	v3 =	vld.idx.msk [tilespmem:v3+s5+$0x0], $0xffff;
	_ =	sdelay $0x4  }
0xc9: {  	v3 =	vadd.f32 v63, v3;
	_ =	sdelay $0x1  }
0xca: {  	v5 =	vmul.f32 $2.000000030e-01, v3  }
0xcb: {  	vm15 =	vge.f32 v3, $0.0e+00  }
0xcc: {  	v3 =	vsel vm15, v3, v5  }
0xcd: {  	v3 =	vmul.f32 $1.442695020e+00, v3;
	_ =	sdelay $0x1  }
0xce: {  	(erf) = vpow2.f32 v3;
	_ =	sdelay $0x8  }
0xcf: {  	[tilespmem:$0x7660] =	vst v62;
	v3 =	vpop (erf)  }
0xd0: {  	s9 =	simm.s32 $0x3;
	s10 =	simm.s32 $0xD130;
	s18 =	simm.s32 $0x77D0;
	[tilespmem:$0xE050] =	vst v3  }
.LBB2_5:
0xd1: {  	v6 =	vmov s9  }
0xd2: {  	s17 =	sadd.s32 $0xFFFFFFFD, s9;
	v7 =	vld [tilespmem:s18+$0xFFFFFF40]  }
0xd3: {  	s6 =	sadd.s32 $0xFFFFFFFE, s9;
	v8 =	vld [tilespmem:s18+$0xFFFFFFA0];
	v3 =	vmov s17  }
0xd4: {  	v10 =	vld [tilespmem:s18+$0x60];
	s17 =	sadd.s32 $0xFFFFFFFF, s9;
	v4 =	vmov s6;
	v3 =	vand.u32 $0xFFFFFFFC, v3  }
0xd5: {  	v41 =	vld [tilespmem:s18+$0x70];
	v4 =	vand.u32 $0xFFFFFFFD, v4;
	v5 =	vmov s17;
	v3 =	vbroadcast v3, $0x0  }
0xd6: {  	v4 =	vbroadcast v4, $0x0;
	v5 =	vand.u32 $0xFFFFFFFE, v5;
	v6 =	vld.idx.msk [tilespmem:v6+s21+$0x0], $0xffff  }
0xd7: {  	v46 =	vld [tilespmem:s18+$0x80];
	v5 =	vbroadcast v5, $0x0  }
0xd8: {  	v51 =	vld [tilespmem:s18+$0x90]  }
0xd9: {  	v56 =	vld [tilespmem:s18+$0xA0]  }
0xda: {  	v61 =	vld [tilespmem:s18+$0xB0]  }
0xdb: {  	v3 =	vld.idx.msk [tilespmem:v3+s21+$0x0], $0xffff;
	v37 =	vmul.f32 v10, v6  }
0xdc: {  	v4 =	vld.idx.msk [tilespmem:v4+s21+$0x0], $0xffff;
	v42 =	vmul.f32 v41, v6  }
0xdd: {  	v5 =	vld.idx.msk [tilespmem:v5+s21+$0x0], $0xffff;
	v47 =	vmul.f32 v46, v6;
	[tilespmem:s18+$0x60] =	vst v37  }
0xde: {  	v9 =	vld [tilespmem:s18+$0x0];
	v52 =	vmul.f32 v51, v6;
	[tilespmem:s18+$0x70] =	vst v42  }
0xdf: {  	v38 =	vld [tilespmem:s18+$0xFFFFFF50];
	v57 =	vmul.f32 v56, v6;
	[tilespmem:s18+$0x80] =	vst v47  }
0xe0: {  	v39 =	vld [tilespmem:s18+$0xFFFFFFB0];
	v62 =	vmul.f32 v61, v6;
	[tilespmem:s18+$0x90] =	vst v52  }
0xe1: {  	v40 =	vld [tilespmem:s18+$0x10];
	[tilespmem:s18+$0xA0] =	vst v57;
	v7 =	vmul.f32 v7, v3  }
0xe2: {  	v43 =	vld [tilespmem:s18+$0xFFFFFF60];
	[tilespmem:s18+$0xB0] =	vst v62;
	v8 =	vmul.f32 v8, v4  }
0xe3: {  	v44 =	vld [tilespmem:s18+$0xFFFFFFC0];
	v36 =	vmul.f32 v9, v5;
	[tilespmem:s18+$0xFFFFFF40] =	vst v7  }
0xe4: {  	v45 =	vld [tilespmem:s18+$0x20];
	v9 =	vmul.f32 v38, v3;
	[tilespmem:s18+$0xFFFFFFA0] =	vst v8  }
0xe5: {  	v48 =	vld [tilespmem:s18+$0xFFFFFF70];
	v7 =	vmul.f32 v39, v4;
	[tilespmem:s18+$0x0] =	vst v36  }
0xe6: {  	v49 =	vld [tilespmem:s18+$0xFFFFFFD0];
	v8 =	vmul.f32 v40, v5;
	[tilespmem:s18+$0xFFFFFF50] =	vst v9  }
0xe7: {  	v50 =	vld [tilespmem:s18+$0x30];
	v9 =	vmul.f32 v43, v3;
	[tilespmem:s18+$0xFFFFFFB0] =	vst v7  }
0xe8: {  	v53 =	vld [tilespmem:s18+$0xFFFFFF80];
	[tilespmem:s18+$0x10] =	vst v8;
	v8 =	vmul.f32 v44, v4  }
0xe9: {  	v54 =	vld [tilespmem:s18+$0xFFFFFFE0];
	v7 =	vmul.f32 v45, v5;
	[tilespmem:s18+$0xFFFFFF60] =	vst v9  }
0xea: {  	v55 =	vld [tilespmem:s18+$0x40];
	v9 =	vmul.f32 v48, v3;
	[tilespmem:s18+$0xFFFFFFC0] =	vst v8  }
0xeb: {  	v58 =	vld [tilespmem:s18+$0xFFFFFF90];
	[tilespmem:s18+$0x20] =	vst v7;
	v7 =	vmul.f32 v49, v4  }
0xec: {  	v59 =	vld [tilespmem:s18+$0xFFFFFFF0];
	v8 =	vmul.f32 v50, v5;
	[tilespmem:s18+$0xFFFFFF70] =	vst v9  }
0xed: {  	v60 =	vld [tilespmem:s18+$0x50];
	v9 =	vmul.f32 v53, v3;
	[tilespmem:s18+$0xFFFFFFD0] =	vst v7  }
0xee: {  	[tilespmem:s18+$0x30] =	vst v8;
	v8 =	vmul.f32 v54, v4  }
0xef: {  	v7 =	vmul.f32 v55, v5;
	[tilespmem:s18+$0xFFFFFF80] =	vst v9  }
0xf0: {  	v9 =	vmul.f32 v58, v3;
	[tilespmem:s18+$0xFFFFFFE0] =	vst v8  }
0xf1: {  	v3 =	vmul.f32 v1, v3;
	[tilespmem:s18+$0x40] =	vst v7;
	v7 =	vmul.f32 v59, v4  }
0xf2: {  	v6 =	vmul.f32 v1, v6;
	v8 =	vmul.f32 v60, v5;
	[tilespmem:s18+$0xFFFFFF90] =	vst v9  }
0xf3: {  	p0 =	sne.s32 s9, $0x4F;
	v4 =	vmul.f32 v1, v4;
	v3 =	vadd.f32 v2, v3;
	[tilespmem:s18+$0xFFFFFFF0] =	vst v7  }
.Ltmp1:
0xf4: {  	v63 =	vadd.f32 v2, v6;
	v5 =	vmul.f32 v1, v5;
	[tilespmem:s18+$0x50] =	vst v8;
	(pc) =	sbr.rel @p0 .LBB2_5-.Ltmp1, $4  }
0xf5: {  	v4 =	vadd.f32 v2, v4;
	[tilespmem:s10+$0xFFFFFFE0] =	vst v3  }
0xf6: {  	v3 =	vadd.f32 v2, v5;
	[tilespmem:s10+$0x10] =	vst v63  }
0xf7: {  	[tilespmem:s10+$0xFFFFFFF0] =	vst v4  }
0xf8: {  	s9 =	sadd.s32 $0x4, s9;
	s18 =	sadd.s32 $0x180, s18;
	[tilespmem:s10+$0x0] =	vst v3;
	s10 =	sadd.s32 $0x40, s10  }
0xf9: {  	[spmem:s3] =	stream.indirect.scatter.add.f32 [tilespmem:s8], [sflag:$0x7], $0x60, s22, s13, $0xb8;
	[tilespmem:$0x1F900] =	vst v63  }
0xfa: {  	s6 =	simm.s32 $0xD110  }
0xfb: {  	[spmem:s4] =	stream.indirect.scatter.add.f32 [tilespmem:s6], [sflag:$0x8], $0x10, s22, s13, $0xb8;
	[tilespmem:$0x1F900] =	vst v63  }
0xfc: {  	_ =	swait.ge [sflag:s23], $0x1E00  }
0xfd: {  	[sflag:s23] =	ssyncset.done $0x0  }
0xfe: {  	[sflag:s23] =	ssyncadd.s32 $0xFFFFE200  }
0xff: {  	_ =	swait.ge [sflag:s24], $0x50  }
0x100: {  	[sflag:s24] =	ssyncset.done $0x0  }
0x101: {  	[sflag:s24] =	ssyncadd.s32 $0xFFFFFFB0  }
0x102: {  	v3 =	vld [tilespmem:s30+$0x4E70]  }
0x103: {  	v4 =	vld [tilespmem:$0x7580];
	_ =	sdelay $0x6  }
0x104: {  	v3 =	vld.idx.msk [tilespmem:v3+s5+$0x0], $0xffff  }
0x105: {  	v5 =	vld.idx.msk [tilespmem:v4+s11+$0x0], $0xffff;
	_ =	sdelay $0x4  }
0x106: {  	v3 =	vadd.f32 v5, v3;
	_ =	sdelay $0x1  }
0x107: {  	v5 =	vmul.f32 $2.000000030e-01, v3  }
0x108: {  	vm0 =	vge.f32 v3, $0.0e+00  }
0x109: {  	v3 =	vsel vm0, v3, v5  }
0x10a: {  	v3 =	vmul.f32 $1.442695020e+00, v3;
	_ =	sdelay $0x1  }
0x10b: {  	(erf) = vpow2.f32 v3;
	_ =	sdelay $0x8  }
0x10c: {  	[tilespmem:$0x7670] =	vst v4;
	v3 =	vpop (erf)  }
0x10d: {  	v56 =	vld [tilespmem:$0x7590];
	[tilespmem:$0xE060] =	vst v3  }
0x10e: {  	v3 =	vld [tilespmem:s30+$0x4E80];
	_ =	sdelay $0x6  }
0x10f: {  	v57 =	vld.idx.msk [tilespmem:v56+s11+$0x0], $0xffff  }
0x110: {  	v3 =	vld.idx.msk [tilespmem:v3+s5+$0x0], $0xffff;
	_ =	sdelay $0x4  }
0x111: {  	v3 =	vadd.f32 v57, v3;
	_ =	sdelay $0x1  }
0x112: {  	v5 =	vmul.f32 $2.000000030e-01, v3  }
0x113: {  	vm12 =	vge.f32 v3, $0.0e+00  }
0x114: {  	v3 =	vsel vm12, v3, v5  }
0x115: {  	v3 =	vmul.f32 $1.442695020e+00, v3;
	_ =	sdelay $0x1  }
0x116: {  	(erf) = vpow2.f32 v3;
	_ =	sdelay $0x8  }
0x117: {  	[tilespmem:$0x7680] =	vst v56;
	v3 =	vpop (erf)  }
0x118: {  	v58 =	vld [tilespmem:$0x75A0];
	[tilespmem:$0xE070] =	vst v3  }
0x119: {  	v3 =	vld [tilespmem:s30+$0x4E90];
	_ =	sdelay $0x6  }
0x11a: {  	v59 =	vld.idx.msk [tilespmem:v58+s11+$0x0], $0xffff  }
0x11b: {  	v3 =	vld.idx.msk [tilespmem:v3+s5+$0x0], $0xffff;
	_ =	sdelay $0x4  }
0x11c: {  	v3 =	vadd.f32 v59, v3;
	_ =	sdelay $0x1  }
0x11d: {  	v5 =	vmul.f32 $2.000000030e-01, v3  }
0x11e: {  	vm13 =	vge.f32 v3, $0.0e+00  }
0x11f: {  	v3 =	vsel vm13, v3, v5  }
0x120: {  	v3 =	vmul.f32 $1.442695020e+00, v3;
	_ =	sdelay $0x1  }
0x121: {  	(erf) = vpow2.f32 v3;
	_ =	sdelay $0x8  }
0x122: {  	[tilespmem:$0x7690] =	vst v58;
	v3 =	vpop (erf)  }
0x123: {  	v60 =	vld [tilespmem:$0x75B0];
	[tilespmem:$0xE080] =	vst v3  }
0x124: {  	v3 =	vld [tilespmem:s30+$0x4EA0];
	_ =	sdelay $0x6  }
0x125: {  	v61 =	vld.idx.msk [tilespmem:v60+s11+$0x0], $0xffff  }
0x126: {  	v3 =	vld.idx.msk [tilespmem:v3+s5+$0x0], $0xffff;
	_ =	sdelay $0x4  }
0x127: {  	v3 =	vadd.f32 v61, v3;
	_ =	sdelay $0x1  }
0x128: {  	v5 =	vmul.f32 $2.000000030e-01, v3  }
0x129: {  	vm14 =	vge.f32 v3, $0.0e+00  }
0x12a: {  	v3 =	vsel vm14, v3, v5  }
0x12b: {  	v3 =	vmul.f32 $1.442695020e+00, v3;
	_ =	sdelay $0x1  }
0x12c: {  	(erf) = vpow2.f32 v3;
	_ =	sdelay $0x8  }
0x12d: {  	[tilespmem:$0x76A0] =	vst v60;
	v3 =	vpop (erf)  }
0x12e: {  	v62 =	vld [tilespmem:$0x75C0];
	[tilespmem:$0xE090] =	vst v3  }
0x12f: {  	v3 =	vld [tilespmem:s30+$0x4EB0];
	_ =	sdelay $0x6  }
0x130: {  	v63 =	vld.idx.msk [tilespmem:v62+s11+$0x0], $0xffff  }
0x131: {  	v3 =	vld.idx.msk [tilespmem:v3+s5+$0x0], $0xffff;
	_ =	sdelay $0x4  }
0x132: {  	v3 =	vadd.f32 v63, v3;
	_ =	sdelay $0x1  }
0x133: {  	v5 =	vmul.f32 $2.000000030e-01, v3  }
0x134: {  	vm15 =	vge.f32 v3, $0.0e+00  }
0x135: {  	v3 =	vsel vm15, v3, v5  }
0x136: {  	v3 =	vmul.f32 $1.442695020e+00, v3;
	_ =	sdelay $0x1  }
0x137: {  	(erf) = vpow2.f32 v3;
	_ =	sdelay $0x8  }
0x138: {  	[tilespmem:$0x76B0] =	vst v62;
	v3 =	vpop (erf)  }
0x139: {  	s9 =	simm.s32 $0x3;
	s10 =	simm.s32 $0xD630;
	s18 =	simm.s32 $0x95D0;
	[tilespmem:$0xE0A0] =	vst v3  }
.LBB2_7:
0x13a: {  	v6 =	vmov s9  }
0x13b: {  	s6 =	sadd.s32 $0xFFFFFFFD, s9;
	v7 =	vld [tilespmem:s18+$0xFFFFFF40]  }
0x13c: {  	s17 =	sadd.s32 $0xFFFFFFFE, s9;
	v8 =	vld [tilespmem:s18+$0xFFFFFFA0];
	v3 =	vmov s6  }
0x13d: {  	v10 =	vld [tilespmem:s18+$0x60];
	s6 =	sadd.s32 $0xFFFFFFFF, s9;
	v4 =	vmov s17;
	v3 =	vand.u32 $0xFFFFFFFC, v3  }
0x13e: {  	v41 =	vld [tilespmem:s18+$0x70];
	v4 =	vand.u32 $0xFFFFFFFD, v4;
	v5 =	vmov s6;
	v3 =	vbroadcast v3, $0x0  }
0x13f: {  	v4 =	vbroadcast v4, $0x0;
	v5 =	vand.u32 $0xFFFFFFFE, v5;
	v6 =	vld.idx.msk [tilespmem:v6+s26+$0x0], $0xffff  }
0x140: {  	v46 =	vld [tilespmem:s18+$0x80];
	v5 =	vbroadcast v5, $0x0  }
0x141: {  	v51 =	vld [tilespmem:s18+$0x90]  }
0x142: {  	v56 =	vld [tilespmem:s18+$0xA0]  }
0x143: {  	v61 =	vld [tilespmem:s18+$0xB0]  }
0x144: {  	v3 =	vld.idx.msk [tilespmem:v3+s26+$0x0], $0xffff;
	v37 =	vmul.f32 v10, v6  }
0x145: {  	v4 =	vld.idx.msk [tilespmem:v4+s26+$0x0], $0xffff;
	v42 =	vmul.f32 v41, v6  }
0x146: {  	v5 =	vld.idx.msk [tilespmem:v5+s26+$0x0], $0xffff;
	v47 =	vmul.f32 v46, v6;
	[tilespmem:s18+$0x60] =	vst v37  }
0x147: {  	v9 =	vld [tilespmem:s18+$0x0];
	v52 =	vmul.f32 v51, v6;
	[tilespmem:s18+$0x70] =	vst v42  }
0x148: {  	v38 =	vld [tilespmem:s18+$0xFFFFFF50];
	v57 =	vmul.f32 v56, v6;
	[tilespmem:s18+$0x80] =	vst v47  }
0x149: {  	v39 =	vld [tilespmem:s18+$0xFFFFFFB0];
	v62 =	vmul.f32 v61, v6;
	[tilespmem:s18+$0x90] =	vst v52  }
0x14a: {  	v40 =	vld [tilespmem:s18+$0x10];
	[tilespmem:s18+$0xA0] =	vst v57;
	v7 =	vmul.f32 v7, v3  }
0x14b: {  	v43 =	vld [tilespmem:s18+$0xFFFFFF60];
	[tilespmem:s18+$0xB0] =	vst v62;
	v8 =	vmul.f32 v8, v4  }
0x14c: {  	v44 =	vld [tilespmem:s18+$0xFFFFFFC0];
	v36 =	vmul.f32 v9, v5;
	[tilespmem:s18+$0xFFFFFF40] =	vst v7  }
0x14d: {  	v45 =	vld [tilespmem:s18+$0x20];
	v9 =	vmul.f32 v38, v3;
	[tilespmem:s18+$0xFFFFFFA0] =	vst v8  }
0x14e: {  	v48 =	vld [tilespmem:s18+$0xFFFFFF70];
	v7 =	vmul.f32 v39, v4;
	[tilespmem:s18+$0x0] =	vst v36  }
0x14f: {  	v49 =	vld [tilespmem:s18+$0xFFFFFFD0];
	v8 =	vmul.f32 v40, v5;
	[tilespmem:s18+$0xFFFFFF50] =	vst v9  }
0x150: {  	v50 =	vld [tilespmem:s18+$0x30];
	v9 =	vmul.f32 v43, v3;
	[tilespmem:s18+$0xFFFFFFB0] =	vst v7  }
0x151: {  	v53 =	vld [tilespmem:s18+$0xFFFFFF80];
	[tilespmem:s18+$0x10] =	vst v8;
	v8 =	vmul.f32 v44, v4  }
0x152: {  	v54 =	vld [tilespmem:s18+$0xFFFFFFE0];
	v7 =	vmul.f32 v45, v5;
	[tilespmem:s18+$0xFFFFFF60] =	vst v9  }
0x153: {  	v55 =	vld [tilespmem:s18+$0x40];
	v9 =	vmul.f32 v48, v3;
	[tilespmem:s18+$0xFFFFFFC0] =	vst v8  }
0x154: {  	v58 =	vld [tilespmem:s18+$0xFFFFFF90];
	[tilespmem:s18+$0x20] =	vst v7;
	v7 =	vmul.f32 v49, v4  }
0x155: {  	v59 =	vld [tilespmem:s18+$0xFFFFFFF0];
	v8 =	vmul.f32 v50, v5;
	[tilespmem:s18+$0xFFFFFF70] =	vst v9  }
0x156: {  	v60 =	vld [tilespmem:s18+$0x50];
	v9 =	vmul.f32 v53, v3;
	[tilespmem:s18+$0xFFFFFFD0] =	vst v7  }
0x157: {  	[tilespmem:s18+$0x30] =	vst v8;
	v8 =	vmul.f32 v54, v4  }
0x158: {  	v7 =	vmul.f32 v55, v5;
	[tilespmem:s18+$0xFFFFFF80] =	vst v9  }
0x159: {  	v9 =	vmul.f32 v58, v3;
	[tilespmem:s18+$0xFFFFFFE0] =	vst v8  }
0x15a: {  	v3 =	vmul.f32 v1, v3;
	[tilespmem:s18+$0x40] =	vst v7;
	v7 =	vmul.f32 v59, v4  }
0x15b: {  	v6 =	vmul.f32 v1, v6;
	v8 =	vmul.f32 v60, v5;
	[tilespmem:s18+$0xFFFFFF90] =	vst v9  }
0x15c: {  	p0 =	sne.s32 s9, $0x4F;
	v4 =	vmul.f32 v1, v4;
	v3 =	vadd.f32 v2, v3;
	[tilespmem:s18+$0xFFFFFFF0] =	vst v7  }
.Ltmp2:
0x15d: {  	v63 =	vadd.f32 v2, v6;
	v5 =	vmul.f32 v1, v5;
	[tilespmem:s18+$0x50] =	vst v8;
	(pc) =	sbr.rel @p0 .LBB2_7-.Ltmp2, $4  }
0x15e: {  	v4 =	vadd.f32 v2, v4;
	[tilespmem:s10+$0xFFFFFFE0] =	vst v3  }
0x15f: {  	v3 =	vadd.f32 v2, v5;
	[tilespmem:s10+$0x10] =	vst v63  }
0x160: {  	[tilespmem:s10+$0xFFFFFFF0] =	vst v4  }
0x161: {  	s9 =	sadd.s32 $0x4, s9;
	s18 =	sadd.s32 $0x180, s18;
	[tilespmem:s10+$0x0] =	vst v3;
	s10 =	sadd.s32 $0x40, s10  }
0x162: {  	[spmem:s3] =	stream.indirect.scatter.add.f32 [tilespmem:s15], [sflag:$0x9], $0x60, s29, s13, $0xb8;
	[tilespmem:$0x1F900] =	vst v63  }
0x163: {  	s6 =	simm.s32 $0xD610  }
0x164: {  	[spmem:s4] =	stream.indirect.scatter.add.f32 [tilespmem:s6], [sflag:$0xA], $0x10, s29, s13, $0xb8;
	[tilespmem:$0x1F900] =	vst v63  }
0x165: {  	_ =	swait.ge [sflag:s31], $0x1E00  }
0x166: {  	[sflag:s31] =	ssyncset.done $0x0  }
0x167: {  	[sflag:s31] =	ssyncadd.s32 $0xFFFFE200  }
0x168: {  	_ =	swait.ge [sflag:s2], $0x500  }
0x169: {  	[sflag:s2] =	ssyncset.done $0x0;
	s15 =	rddreg [dreg:$0x11]  }
0x16a: {  	s9 =	sadd.s32 $0x4F10, s30;
	[sflag:s2] =	ssyncadd.s32 $0xFFFFFB00;
	s6 =	sadd.s32 s15, s30  }
0x16b: {  	[tilespmem:s8], [sflag:$0x1] =	stream.indirect.gather [hbm4b:s25+s13], $0x60, s9, s13, $0xb8;
	[tilespmem:$0x1F900] =	vst v63  }
0x16c: {  	s6 =	sshrl.u32 s6, $0x3;
	s17 =	rddreg [dreg:$0x1]  }
0x16d: {  	s10 =	sadd.s32 s17, s6  }
0x16e: {  	s18 =	simm.s32 $0x7530;
	s9 =	simm.s32 $0x3;
	s6 =	sadd.s32 $0x1E, s10  }
0x16f: {  	[tilespmem:s18], [sflag:$0x4] =	stream.linear.gather [hbm4b:s6+s5], $0x50, $0x38;
	[tilespmem:$0x1F900] =	vst v63  }
0x170: {  	_ =	swait.ge [sflag:s9], $0x1E00  }
0x171: {  	[sflag:s9] =	ssyncset.done $0x0  }
0x172: {  	[sflag:s9] =	ssyncadd.s32 $0xFFFFE200  }
0x173: {  	_ =	swait.ge [sflag:s0], $0x50  }
0x174: {  	[sflag:s0] =	ssyncset.done $0x0  }
0x175: {  	[sflag:s0] =	ssyncadd.s32 $0xFFFFFFB0  }
0x176: {  	v3 =	vld [tilespmem:s30+$0x4EC0]  }
0x177: {  	v4 =	vld [tilespmem:$0x75D0];
	_ =	sdelay $0x6  }
0x178: {  	v3 =	vld.idx.msk [tilespmem:v3+s5+$0x0], $0xffff  }
0x179: {  	v5 =	vld.idx.msk [tilespmem:v4+s11+$0x0], $0xffff;
	_ =	sdelay $0x4  }
0x17a: {  	v3 =	vadd.f32 v5, v3;
	_ =	sdelay $0x1  }
0x17b: {  	v5 =	vmul.f32 $2.000000030e-01, v3  }
0x17c: {  	vm0 =	vge.f32 v3, $0.0e+00  }
0x17d: {  	v3 =	vsel vm0, v3, v5  }
0x17e: {  	v3 =	vmul.f32 $1.442695020e+00, v3;
	_ =	sdelay $0x1  }
0x17f: {  	(erf) = vpow2.f32 v3;
	_ =	sdelay $0x8  }
0x180: {  	[tilespmem:$0x76C0] =	vst v4;
	v3 =	vpop (erf)  }
0x181: {  	v56 =	vld [tilespmem:$0x75E0];
	[tilespmem:$0xE0B0] =	vst v3  }
0x182: {  	v3 =	vld [tilespmem:s30+$0x4ED0];
	_ =	sdelay $0x6  }
0x183: {  	v57 =	vld.idx.msk [tilespmem:v56+s11+$0x0], $0xffff  }
0x184: {  	v3 =	vld.idx.msk [tilespmem:v3+s5+$0x0], $0xffff;
	_ =	sdelay $0x4  }
0x185: {  	v3 =	vadd.f32 v57, v3;
	_ =	sdelay $0x1  }
0x186: {  	v5 =	vmul.f32 $2.000000030e-01, v3  }
0x187: {  	vm12 =	vge.f32 v3, $0.0e+00  }
0x188: {  	v3 =	vsel vm12, v3, v5  }
0x189: {  	v3 =	vmul.f32 $1.442695020e+00, v3;
	_ =	sdelay $0x1  }
0x18a: {  	(erf) = vpow2.f32 v3;
	_ =	sdelay $0x8  }
0x18b: {  	[tilespmem:$0x76D0] =	vst v56;
	v3 =	vpop (erf)  }
0x18c: {  	v58 =	vld [tilespmem:$0x75F0];
	[tilespmem:$0xE0C0] =	vst v3  }
0x18d: {  	v3 =	vld [tilespmem:s30+$0x4EE0];
	_ =	sdelay $0x6  }
0x18e: {  	v59 =	vld.idx.msk [tilespmem:v58+s11+$0x0], $0xffff  }
0x18f: {  	v3 =	vld.idx.msk [tilespmem:v3+s5+$0x0], $0xffff;
	_ =	sdelay $0x4  }
0x190: {  	v3 =	vadd.f32 v59, v3;
	_ =	sdelay $0x1  }
0x191: {  	v5 =	vmul.f32 $2.000000030e-01, v3  }
0x192: {  	vm13 =	vge.f32 v3, $0.0e+00  }
0x193: {  	v3 =	vsel vm13, v3, v5  }
0x194: {  	v3 =	vmul.f32 $1.442695020e+00, v3;
	_ =	sdelay $0x1  }
0x195: {  	(erf) = vpow2.f32 v3;
	_ =	sdelay $0x8  }
0x196: {  	[tilespmem:$0x76E0] =	vst v58;
	v3 =	vpop (erf)  }
0x197: {  	v60 =	vld [tilespmem:$0x7600];
	[tilespmem:$0xE0D0] =	vst v3  }
0x198: {  	v3 =	vld [tilespmem:s30+$0x4EF0];
	_ =	sdelay $0x6  }
0x199: {  	v61 =	vld.idx.msk [tilespmem:v60+s11+$0x0], $0xffff  }
0x19a: {  	v3 =	vld.idx.msk [tilespmem:v3+s5+$0x0], $0xffff;
	_ =	sdelay $0x4  }
0x19b: {  	v3 =	vadd.f32 v61, v3;
	_ =	sdelay $0x1  }
0x19c: {  	v5 =	vmul.f32 $2.000000030e-01, v3  }
0x19d: {  	vm14 =	vge.f32 v3, $0.0e+00  }
0x19e: {  	v3 =	vsel vm14, v3, v5  }
0x19f: {  	v3 =	vmul.f32 $1.442695020e+00, v3;
	_ =	sdelay $0x1  }
0x1a0: {  	(erf) = vpow2.f32 v3;
	_ =	sdelay $0x8  }
0x1a1: {  	[tilespmem:$0x76F0] =	vst v60;
	v3 =	vpop (erf)  }
0x1a2: {  	v62 =	vld [tilespmem:$0x7610];
	[tilespmem:$0xE0E0] =	vst v3  }
0x1a3: {  	v3 =	vld [tilespmem:s30+$0x4F00];
	_ =	sdelay $0x6  }
0x1a4: {  	v63 =	vld.idx.msk [tilespmem:v62+s11+$0x0], $0xffff  }
0x1a5: {  	v3 =	vld.idx.msk [tilespmem:v3+s5+$0x0], $0xffff;
	_ =	sdelay $0x4  }
0x1a6: {  	v3 =	vadd.f32 v63, v3;
	_ =	sdelay $0x1  }
0x1a7: {  	v5 =	vmul.f32 $2.000000030e-01, v3  }
0x1a8: {  	vm15 =	vge.f32 v3, $0.0e+00  }
0x1a9: {  	v3 =	vsel vm15, v3, v5  }
0x1aa: {  	v3 =	vmul.f32 $1.442695020e+00, v3;
	_ =	sdelay $0x1  }
0x1ab: {  	(erf) = vpow2.f32 v3;
	_ =	sdelay $0x8  }
0x1ac: {  	[tilespmem:$0x7700] =	vst v62;
	v3 =	vpop (erf)  }
0x1ad: {  	s17 =	simm.s32 $0xB3D0;
	s18 =	simm.s32 $0xDB30;
	[tilespmem:$0xE0F0] =	vst v3  }
.LBB2_9:
0x1ae: {  	v6 =	vmov s9  }
0x1af: {  	s6 =	sadd.s32 $0xFFFFFFFD, s9;
	v7 =	vld [tilespmem:s17+$0xFFFFFF40]  }
0x1b0: {  	s15 =	sadd.s32 $0xFFFFFFFE, s9;
	v8 =	vld [tilespmem:s17+$0xFFFFFFA0];
	v3 =	vmov s6  }
0x1b1: {  	v10 =	vld [tilespmem:s17+$0x60];
	s6 =	sadd.s32 $0xFFFFFFFF, s9;
	v4 =	vmov s15;
	v3 =	vand.u32 $0xFFFFFFFC, v3  }
0x1b2: {  	v41 =	vld [tilespmem:s17+$0x70];
	v4 =	vand.u32 $0xFFFFFFFD, v4;
	v5 =	vmov s6;
	v3 =	vbroadcast v3, $0x0  }
0x1b3: {  	v4 =	vbroadcast v4, $0x0;
	v5 =	vand.u32 $0xFFFFFFFE, v5;
	v6 =	vld.idx.msk [tilespmem:v6+s28+$0x0], $0xffff  }
0x1b4: {  	v46 =	vld [tilespmem:s17+$0x80];
	v5 =	vbroadcast v5, $0x0  }
0x1b5: {  	v51 =	vld [tilespmem:s17+$0x90]  }
0x1b6: {  	v56 =	vld [tilespmem:s17+$0xA0]  }
0x1b7: {  	v61 =	vld [tilespmem:s17+$0xB0]  }
0x1b8: {  	v3 =	vld.idx.msk [tilespmem:v3+s28+$0x0], $0xffff;
	v37 =	vmul.f32 v10, v6  }
0x1b9: {  	v4 =	vld.idx.msk [tilespmem:v4+s28+$0x0], $0xffff;
	v42 =	vmul.f32 v41, v6  }
0x1ba: {  	v5 =	vld.idx.msk [tilespmem:v5+s28+$0x0], $0xffff;
	v47 =	vmul.f32 v46, v6;
	[tilespmem:s17+$0x60] =	vst v37  }
0x1bb: {  	v9 =	vld [tilespmem:s17+$0x0];
	v52 =	vmul.f32 v51, v6;
	[tilespmem:s17+$0x70] =	vst v42  }
0x1bc: {  	v38 =	vld [tilespmem:s17+$0xFFFFFF50];
	v57 =	vmul.f32 v56, v6;
	[tilespmem:s17+$0x80] =	vst v47  }
0x1bd: {  	v39 =	vld [tilespmem:s17+$0xFFFFFFB0];
	v62 =	vmul.f32 v61, v6;
	[tilespmem:s17+$0x90] =	vst v52  }
0x1be: {  	v40 =	vld [tilespmem:s17+$0x10];
	[tilespmem:s17+$0xA0] =	vst v57;
	v7 =	vmul.f32 v7, v3  }
0x1bf: {  	v43 =	vld [tilespmem:s17+$0xFFFFFF60];
	[tilespmem:s17+$0xB0] =	vst v62;
	v8 =	vmul.f32 v8, v4  }
0x1c0: {  	v44 =	vld [tilespmem:s17+$0xFFFFFFC0];
	v36 =	vmul.f32 v9, v5;
	[tilespmem:s17+$0xFFFFFF40] =	vst v7  }
0x1c1: {  	v45 =	vld [tilespmem:s17+$0x20];
	v9 =	vmul.f32 v38, v3;
	[tilespmem:s17+$0xFFFFFFA0] =	vst v8  }
0x1c2: {  	v48 =	vld [tilespmem:s17+$0xFFFFFF70];
	v7 =	vmul.f32 v39, v4;
	[tilespmem:s17+$0x0] =	vst v36  }
0x1c3: {  	v49 =	vld [tilespmem:s17+$0xFFFFFFD0];
	v8 =	vmul.f32 v40, v5;
	[tilespmem:s17+$0xFFFFFF50] =	vst v9  }
0x1c4: {  	v50 =	vld [tilespmem:s17+$0x30];
	v9 =	vmul.f32 v43, v3;
	[tilespmem:s17+$0xFFFFFFB0] =	vst v7  }
0x1c5: {  	v53 =	vld [tilespmem:s17+$0xFFFFFF80];
	[tilespmem:s17+$0x10] =	vst v8;
	v8 =	vmul.f32 v44, v4  }
0x1c6: {  	v54 =	vld [tilespmem:s17+$0xFFFFFFE0];
	v7 =	vmul.f32 v45, v5;
	[tilespmem:s17+$0xFFFFFF60] =	vst v9  }
0x1c7: {  	v55 =	vld [tilespmem:s17+$0x40];
	v9 =	vmul.f32 v48, v3;
	[tilespmem:s17+$0xFFFFFFC0] =	vst v8  }
0x1c8: {  	v58 =	vld [tilespmem:s17+$0xFFFFFF90];
	[tilespmem:s17+$0x20] =	vst v7;
	v7 =	vmul.f32 v49, v4  }
0x1c9: {  	v59 =	vld [tilespmem:s17+$0xFFFFFFF0];
	v8 =	vmul.f32 v50, v5;
	[tilespmem:s17+$0xFFFFFF70] =	vst v9  }
0x1ca: {  	v60 =	vld [tilespmem:s17+$0x50];
	v9 =	vmul.f32 v53, v3;
	[tilespmem:s17+$0xFFFFFFD0] =	vst v7  }
0x1cb: {  	[tilespmem:s17+$0x30] =	vst v8;
	v8 =	vmul.f32 v54, v4  }
0x1cc: {  	v7 =	vmul.f32 v55, v5;
	[tilespmem:s17+$0xFFFFFF80] =	vst v9  }
0x1cd: {  	v9 =	vmul.f32 v58, v3;
	[tilespmem:s17+$0xFFFFFFE0] =	vst v8  }
0x1ce: {  	v3 =	vmul.f32 v1, v3;
	[tilespmem:s17+$0x40] =	vst v7;
	v7 =	vmul.f32 v59, v4  }
0x1cf: {  	v6 =	vmul.f32 v1, v6;
	v8 =	vmul.f32 v60, v5;
	[tilespmem:s17+$0xFFFFFF90] =	vst v9  }
0x1d0: {  	p0 =	sne.s32 s9, $0x4F;
	v4 =	vmul.f32 v1, v4;
	v3 =	vadd.f32 v2, v3;
	[tilespmem:s17+$0xFFFFFFF0] =	vst v7  }
.Ltmp3:
0x1d1: {  	v63 =	vadd.f32 v2, v6;
	v5 =	vmul.f32 v1, v5;
	[tilespmem:s17+$0x50] =	vst v8;
	(pc) =	sbr.rel @p0 .LBB2_9-.Ltmp3, $4  }
0x1d2: {  	v4 =	vadd.f32 v2, v4;
	[tilespmem:s18+$0xFFFFFFE0] =	vst v3  }
0x1d3: {  	v3 =	vadd.f32 v2, v5;
	[tilespmem:s18+$0x10] =	vst v63  }
0x1d4: {  	[tilespmem:s18+$0xFFFFFFF0] =	vst v4  }
0x1d5: {  	s9 =	sadd.s32 $0x4, s9;
	s17 =	sadd.s32 $0x180, s17;
	[tilespmem:s18+$0x0] =	vst v3;
	s18 =	sadd.s32 $0x40, s18  }
0x1d6: {  	s17 =	simm.s32 $0xB310;
	s6 =	simm.s32 $0x76C0  }
0x1d7: {  	[spmem:s3] =	stream.indirect.scatter.add.f32 [tilespmem:s17], [sflag:$0xB], $0x60, s6, s13, $0xb8;
	[tilespmem:$0x1F900] =	vst v63  }
0x1d8: {  	s9 =	simm.s32 $0xDB10  }
0x1d9: {  	[spmem:s4] =	stream.indirect.scatter.add.f32 [tilespmem:s9], [sflag:$0xC], $0x10, s6, s13, $0xb8;
	[tilespmem:$0x1F900] =	vst v63  }
0x1da: {  	_ =	swait.ge [sflag:s1], $0x1E00  }
0x1db: {  	[sflag:s1] =	ssyncset.done $0x0  }
0x1dc: {  	[sflag:s1] =	ssyncadd.s32 $0xFFFFE200  }
0x1dd: {  	_ =	swait.ge [sflag:s19], $0x500  }
0x1de: {  	[sflag:s19] =	ssyncset.done $0x0  }
0x1df: {  	s18 =	sadd.s32 $0x4F60, s30;
	s15 =	simm.s32 $0x9510;
	[sflag:s19] =	ssyncadd.s32 $0xFFFFFB00  }
0x1e0: {  	[tilespmem:s15], [sflag:$0x2] =	stream.indirect.gather [hbm4b:s25+s13], $0x60, s18, s13, $0xb8;
	[tilespmem:$0x1F900] =	vst v63  }
0x1e1: {  	s9 =	sadd.s32 $0x28, s10;
	s18 =	simm.s32 $0x7580  }
0x1e2: {  	[tilespmem:s18], [sflag:$0x5] =	stream.linear.gather [hbm4b:s9+s5], $0x50, $0x38;
	[tilespmem:$0x1F900] =	vst v63  }
0x1e3: {  	p0 =	seq.s32 s16, $0x28;
	_ =	swait.ge [sflag:s7], $0x1E00  }
.Ltmp4:
0x1e4: {  	[sflag:s7] =	ssyncset.done $0x0;
	(pc) =	sbr.rel @p0 .LBB2_12-.Ltmp4, $4  }
0x1e5: {  	[sflag:s7] =	ssyncadd.s32 $0xFFFFE200  }
0x1e6: {  	_ =	swait.ge [sflag:s14], $0x500  }
0x1e7: {  	[sflag:s14] =	ssyncset.done $0x0  }
0x1e8: {  	[sflag:s14] =	ssyncadd.s32 $0xFFFFFB00  }
.Ltmp5:
0x1e9: {  	(pc) =	sbr.rel .LBB2_4-.Ltmp5, $4  }
0x1ea: {  	s6 =	sadd.s32 $0x4FB0, s30  }
0x1eb: {  	[tilespmem:s17], [sflag:$0x3] =	stream.indirect.gather [hbm4b:s25+s13], $0x60, s6, s13, $0xb8;
	[tilespmem:$0x1F900] =	vst v63  }
0x1ec: {  	s30 =	sadd.s32 $0x32, s10;
	s9 =	simm.s32 $0x75D0;
	s16 =	sadd.s32 $0x1, s16  }
0x1ed: {  	[tilespmem:s9], [sflag:$0x6] =	stream.linear.gather [hbm4b:s30+s5], $0x50, $0x38;
	[tilespmem:$0x1F900] =	vst v63  }
.LBB2_12:
0x1ee: {  	_ =	swait.ge [sflag:s12], $0x1E00  }
0x1ef: {  	[sflag:s12] =	ssyncset.done $0x0  }
0x1f0: {  	[sflag:s12] =	ssyncadd.s32 $0xFFFFE200  }
0x1f1: {  	_ =	swait.ge [sflag:s20], $0x50  }
0x1f2: {  	[sflag:s20] =	ssyncset.done $0x0  }
0x1f3: {  	[sflag:s20] =	ssyncadd.s32 $0xFFFFFFB0  }
0x1f4: {  	v3 =	vld [tilespmem:$0x7490]  }
0x1f5: {  	v4 =	vld [tilespmem:$0x7530];
	_ =	sdelay $0x6  }
0x1f6: {  	v3 =	vld.idx.msk [tilespmem:v3+s5+$0x0], $0xffff  }
0x1f7: {  	v5 =	vld.idx.msk [tilespmem:v4+s11+$0x0], $0xffff;
	_ =	sdelay $0x4  }
0x1f8: {  	v3 =	vadd.f32 v5, v3;
	_ =	sdelay $0x1  }
0x1f9: {  	v5 =	vmul.f32 $2.000000030e-01, v3  }
0x1fa: {  	vm0 =	vge.f32 v3, $0.0e+00  }
0x1fb: {  	v3 =	vsel vm0, v3, v5  }
0x1fc: {  	v3 =	vmul.f32 $1.442695020e+00, v3;
	_ =	sdelay $0x1  }
0x1fd: {  	(erf) = vpow2.f32 v3;
	_ =	sdelay $0x2  }
0x1fe: {  	v3 =	vld [tilespmem:$0x74A0]  }
0x1ff: {  	v57 =	vld [tilespmem:$0x7540];
	_ =	sdelay $0x4  }
0x200: {  	[tilespmem:$0x7620] =	vst v4;
	v6 =	vpop (erf)  }
0x201: {  	[tilespmem:$0xE010] =	vst v6  }
0x202: {  	v3 =	vld.idx.msk [tilespmem:v3+s5+$0x0], $0xffff  }
0x203: {  	v4 =	vld.idx.msk [tilespmem:v57+s11+$0x0], $0xffff;
	_ =	sdelay $0x4  }
0x204: {  	v3 =	vadd.f32 v4, v3;
	_ =	sdelay $0x1  }
0x205: {  	v4 =	vmul.f32 $2.000000030e-01, v3  }
0x206: {  	vm12 =	vge.f32 v3, $0.0e+00  }
0x207: {  	v3 =	vsel vm12, v3, v4  }
0x208: {  	v3 =	vmul.f32 $1.442695020e+00, v3;
	_ =	sdelay $0x1  }
0x209: {  	(erf) = vpow2.f32 v3;
	_ =	sdelay $0x2  }
0x20a: {  	v3 =	vld [tilespmem:$0x74B0]  }
0x20b: {  	v58 =	vld [tilespmem:$0x7550];
	_ =	sdelay $0x4  }
0x20c: {  	[tilespmem:$0x7630] =	vst v57;
	v59 =	vpop (erf)  }
0x20d: {  	[tilespmem:$0xE020] =	vst v59  }
0x20e: {  	v3 =	vld.idx.msk [tilespmem:v3+s5+$0x0], $0xffff  }
0x20f: {  	v5 =	vld.idx.msk [tilespmem:v58+s11+$0x0], $0xffff;
	_ =	sdelay $0x4  }
0x210: {  	v3 =	vadd.f32 v5, v3;
	_ =	sdelay $0x1  }
0x211: {  	v5 =	vmul.f32 $2.000000030e-01, v3  }
0x212: {  	vm13 =	vge.f32 v3, $0.0e+00  }
0x213: {  	v3 =	vsel vm13, v3, v5  }
0x214: {  	v3 =	vmul.f32 $1.442695020e+00, v3;
	_ =	sdelay $0x1  }
0x215: {  	(erf) = vpow2.f32 v3;
	_ =	sdelay $0x2  }
0x216: {  	v3 =	vld [tilespmem:$0x74C0]  }
0x217: {  	v60 =	vld [tilespmem:$0x7560];
	_ =	sdelay $0x4  }
0x218: {  	[tilespmem:$0x7640] =	vst v58;
	v61 =	vpop (erf)  }
0x219: {  	[tilespmem:$0xE030] =	vst v61  }
0x21a: {  	v3 =	vld.idx.msk [tilespmem:v3+s5+$0x0], $0xffff  }
0x21b: {  	v4 =	vld.idx.msk [tilespmem:v60+s11+$0x0], $0xffff;
	_ =	sdelay $0x4  }
0x21c: {  	v3 =	vadd.f32 v4, v3;
	_ =	sdelay $0x1  }
0x21d: {  	v4 =	vmul.f32 $2.000000030e-01, v3  }
0x21e: {  	vm14 =	vge.f32 v3, $0.0e+00  }
0x21f: {  	v3 =	vsel vm14, v3, v4  }
0x220: {  	v3 =	vmul.f32 $1.442695020e+00, v3;
	_ =	sdelay $0x1  }
0x221: {  	(erf) = vpow2.f32 v3;
	_ =	sdelay $0x2  }
0x222: {  	v3 =	vld [tilespmem:$0x74D0]  }
0x223: {  	v62 =	vld [tilespmem:$0x7570];
	_ =	sdelay $0x4  }
0x224: {  	[tilespmem:$0x7650] =	vst v60;
	v63 =	vpop (erf)  }
0x225: {  	[tilespmem:$0xE040] =	vst v63  }
0x226: {  	v3 =	vld.idx.msk [tilespmem:v3+s5+$0x0], $0xffff  }
0x227: {  	v5 =	vld.idx.msk [tilespmem:v62+s11+$0x0], $0xffff;
	_ =	sdelay $0x4  }
0x228: {  	v3 =	vadd.f32 v5, v3;
	_ =	sdelay $0x1  }
0x229: {  	v5 =	vmul.f32 $2.000000030e-01, v3  }
0x22a: {  	vm15 =	vge.f32 v3, $0.0e+00  }
0x22b: {  	v3 =	vsel vm15, v3, v5  }
0x22c: {  	v3 =	vmul.f32 $1.442695020e+00, v3;
	_ =	sdelay $0x1  }
0x22d: {  	(erf) = vpow2.f32 v3;
	_ =	sdelay $0x8  }
0x22e: {  	[tilespmem:$0x7660] =	vst v62;
	v3 =	vpop (erf)  }
0x22f: {  	s9 =	simm.s32 $0x3;
	s10 =	simm.s32 $0xD130;
	s16 =	simm.s32 $0x77D0;
	[tilespmem:$0xE050] =	vst v3  }
.LBB2_13:
0x230: {  	v6 =	vmov s9  }
0x231: {  	s6 =	sadd.s32 $0xFFFFFFFD, s9;
	v7 =	vld [tilespmem:s16+$0xFFFFFF40]  }
0x232: {  	s15 =	sadd.s32 $0xFFFFFFFE, s9;
	v8 =	vld [tilespmem:s16+$0xFFFFFFA0];
	v3 =	vmov s6  }
0x233: {  	s30 =	sadd.s32 $0xFFFFFFFF, s9;
	v10 =	vld [tilespmem:s16+$0x60];
	v4 =	vmov s15;
	v3 =	vand.u32 $0xFFFFFFFC, v3  }
0x234: {  	v41 =	vld [tilespmem:s16+$0x70];
	v5 =	vmov s30;
	v4 =	vand.u32 $0xFFFFFFFD, v4;
	v3 =	vbroadcast v3, $0x0  }
0x235: {  	v5 =	vand.u32 $0xFFFFFFFE, v5;
	v4 =	vbroadcast v4, $0x0;
	v6 =	vld.idx.msk [tilespmem:v6+s21+$0x0], $0xffff  }
0x236: {  	v46 =	vld [tilespmem:s16+$0x80];
	v5 =	vbroadcast v5, $0x0  }
0x237: {  	v51 =	vld [tilespmem:s16+$0x90]  }
0x238: {  	v56 =	vld [tilespmem:s16+$0xA0]  }
0x239: {  	v61 =	vld [tilespmem:s16+$0xB0]  }
0x23a: {  	v3 =	vld.idx.msk [tilespmem:v3+s21+$0x0], $0xffff;
	v37 =	vmul.f32 v10, v6  }
0x23b: {  	v4 =	vld.idx.msk [tilespmem:v4+s21+$0x0], $0xffff;
	v42 =	vmul.f32 v41, v6  }
0x23c: {  	v5 =	vld.idx.msk [tilespmem:v5+s21+$0x0], $0xffff;
	v47 =	vmul.f32 v46, v6;
	[tilespmem:s16+$0x60] =	vst v37  }
0x23d: {  	v9 =	vld [tilespmem:s16+$0x0];
	v52 =	vmul.f32 v51, v6;
	[tilespmem:s16+$0x70] =	vst v42  }
0x23e: {  	v38 =	vld [tilespmem:s16+$0xFFFFFF50];
	v57 =	vmul.f32 v56, v6;
	[tilespmem:s16+$0x80] =	vst v47  }
0x23f: {  	v39 =	vld [tilespmem:s16+$0xFFFFFFB0];
	v62 =	vmul.f32 v61, v6;
	[tilespmem:s16+$0x90] =	vst v52  }
0x240: {  	v40 =	vld [tilespmem:s16+$0x10];
	[tilespmem:s16+$0xA0] =	vst v57;
	v7 =	vmul.f32 v7, v3  }
0x241: {  	v43 =	vld [tilespmem:s16+$0xFFFFFF60];
	[tilespmem:s16+$0xB0] =	vst v62;
	v8 =	vmul.f32 v8, v4  }
0x242: {  	v44 =	vld [tilespmem:s16+$0xFFFFFFC0];
	v36 =	vmul.f32 v9, v5;
	[tilespmem:s16+$0xFFFFFF40] =	vst v7  }
0x243: {  	v45 =	vld [tilespmem:s16+$0x20];
	v9 =	vmul.f32 v38, v3;
	[tilespmem:s16+$0xFFFFFFA0] =	vst v8  }
0x244: {  	v48 =	vld [tilespmem:s16+$0xFFFFFF70];
	[tilespmem:s16+$0x0] =	vst v36;
	v7 =	vmul.f32 v39, v4  }
0x245: {  	v49 =	vld [tilespmem:s16+$0xFFFFFFD0];
	[tilespmem:s16+$0xFFFFFF50] =	vst v9;
	v8 =	vmul.f32 v40, v5  }
0x246: {  	v50 =	vld [tilespmem:s16+$0x30];
	v9 =	vmul.f32 v43, v3;
	[tilespmem:s16+$0xFFFFFFB0] =	vst v7  }
0x247: {  	v53 =	vld [tilespmem:s16+$0xFFFFFF80];
	[tilespmem:s16+$0x10] =	vst v8;
	v8 =	vmul.f32 v44, v4  }
0x248: {  	v54 =	vld [tilespmem:s16+$0xFFFFFFE0];
	[tilespmem:s16+$0xFFFFFF60] =	vst v9;
	v7 =	vmul.f32 v45, v5  }
0x249: {  	v55 =	vld [tilespmem:s16+$0x40];
	v9 =	vmul.f32 v48, v3;
	[tilespmem:s16+$0xFFFFFFC0] =	vst v8  }
0x24a: {  	v58 =	vld [tilespmem:s16+$0xFFFFFF90];
	[tilespmem:s16+$0x20] =	vst v7;
	v7 =	vmul.f32 v49, v4  }
0x24b: {  	v59 =	vld [tilespmem:s16+$0xFFFFFFF0];
	[tilespmem:s16+$0xFFFFFF70] =	vst v9;
	v8 =	vmul.f32 v50, v5  }
0x24c: {  	v60 =	vld [tilespmem:s16+$0x50];
	v9 =	vmul.f32 v53, v3;
	[tilespmem:s16+$0xFFFFFFD0] =	vst v7  }
0x24d: {  	[tilespmem:s16+$0x30] =	vst v8;
	v8 =	vmul.f32 v54, v4  }
0x24e: {  	[tilespmem:s16+$0xFFFFFF80] =	vst v9;
	v7 =	vmul.f32 v55, v5  }
0x24f: {  	v9 =	vmul.f32 v58, v3;
	[tilespmem:s16+$0xFFFFFFE0] =	vst v8  }
0x250: {  	v3 =	vmul.f32 v1, v3;
	[tilespmem:s16+$0x40] =	vst v7;
	v7 =	vmul.f32 v59, v4  }
0x251: {  	v6 =	vmul.f32 v1, v6;
	[tilespmem:s16+$0xFFFFFF90] =	vst v9;
	v8 =	vmul.f32 v60, v5  }
0x252: {  	p0 =	sne.s32 s9, $0x4F;
	v4 =	vmul.f32 v1, v4;
	v3 =	vadd.f32 v2, v3;
	[tilespmem:s16+$0xFFFFFFF0] =	vst v7  }
.Ltmp6:
0x253: {  	v63 =	vadd.f32 v2, v6;
	v5 =	vmul.f32 v1, v5;
	[tilespmem:s16+$0x50] =	vst v8;
	(pc) =	sbr.rel @p0 .LBB2_13-.Ltmp6, $4  }
0x254: {  	v4 =	vadd.f32 v2, v4;
	[tilespmem:s10+$0xFFFFFFE0] =	vst v3  }
0x255: {  	v3 =	vadd.f32 v2, v5;
	[tilespmem:s10+$0x10] =	vst v63  }
0x256: {  	[tilespmem:s10+$0xFFFFFFF0] =	vst v4  }
0x257: {  	s9 =	sadd.s32 $0x4, s9;
	s16 =	sadd.s32 $0x180, s16;
	[tilespmem:s10+$0x0] =	vst v3;
	s10 =	sadd.s32 $0x40, s10  }
0x258: {  	[spmem:s3] =	stream.indirect.scatter.add.f32 [tilespmem:s8], [sflag:$0x7], $0x60, s22, s13, $0xb8;
	[tilespmem:$0x1F900] =	vst v63  }
0x259: {  	s6 =	simm.s32 $0xD110  }
0x25a: {  	[spmem:s4] =	stream.indirect.scatter.add.f32 [tilespmem:s6], [sflag:$0x8], $0x10, s22, s13, $0xb8;
	[tilespmem:$0x1F900] =	vst v63  }
0x25b: {  	_ =	swait.ge [sflag:s31], $0x1E00  }
0x25c: {  	[sflag:s31] =	ssyncset.done $0x0  }
0x25d: {  	[sflag:s31] =	ssyncadd.s32 $0xFFFFE200  }
0x25e: {  	_ =	swait.ge [sflag:s2], $0x500  }
0x25f: {  	[sflag:s2] =	ssyncset.done $0x0  }
0x260: {  	[sflag:s2] =	ssyncadd.s32 $0xFFFFFB00  }
0x261: {  	_ =	swait.ge [sflag:s23], $0x1E00  }
0x262: {  	[sflag:s23] =	ssyncset.done $0x0  }
0x263: {  	[sflag:s23] =	ssyncadd.s32 $0xFFFFE200  }
0x264: {  	_ =	swait.ge [sflag:s24], $0x50  }
0x265: {  	[sflag:s24] =	ssyncset.done $0x0  }
0x266: {  	[sflag:s24] =	ssyncadd.s32 $0xFFFFFFB0  }
0x267: {  	v3 =	vld [tilespmem:$0x74E0]  }
0x268: {  	v4 =	vld [tilespmem:$0x7580];
	_ =	sdelay $0x6  }
0x269: {  	v3 =	vld.idx.msk [tilespmem:v3+s5+$0x0], $0xffff  }
0x26a: {  	v5 =	vld.idx.msk [tilespmem:v4+s11+$0x0], $0xffff;
	_ =	sdelay $0x4  }
0x26b: {  	v3 =	vadd.f32 v5, v3;
	_ =	sdelay $0x1  }
0x26c: {  	v5 =	vmul.f32 $2.000000030e-01, v3  }
0x26d: {  	vm0 =	vge.f32 v3, $0.0e+00  }
0x26e: {  	v3 =	vsel vm0, v3, v5  }
0x26f: {  	v3 =	vmul.f32 $1.442695020e+00, v3;
	_ =	sdelay $0x1  }
0x270: {  	(erf) = vpow2.f32 v3;
	_ =	sdelay $0x2  }
0x271: {  	v3 =	vld [tilespmem:$0x74F0]  }
0x272: {  	v57 =	vld [tilespmem:$0x7590];
	_ =	sdelay $0x4  }
0x273: {  	[tilespmem:$0x7670] =	vst v4;
	v6 =	vpop (erf)  }
0x274: {  	[tilespmem:$0xE060] =	vst v6  }
0x275: {  	v3 =	vld.idx.msk [tilespmem:v3+s5+$0x0], $0xffff  }
0x276: {  	v4 =	vld.idx.msk [tilespmem:v57+s11+$0x0], $0xffff;
	_ =	sdelay $0x4  }
0x277: {  	v3 =	vadd.f32 v4, v3;
	_ =	sdelay $0x1  }
0x278: {  	v4 =	vmul.f32 $2.000000030e-01, v3  }
0x279: {  	vm12 =	vge.f32 v3, $0.0e+00  }
0x27a: {  	v3 =	vsel vm12, v3, v4  }
0x27b: {  	v3 =	vmul.f32 $1.442695020e+00, v3;
	_ =	sdelay $0x1  }
0x27c: {  	(erf) = vpow2.f32 v3;
	_ =	sdelay $0x2  }
0x27d: {  	v3 =	vld [tilespmem:$0x7500]  }
0x27e: {  	v58 =	vld [tilespmem:$0x75A0];
	_ =	sdelay $0x4  }
0x27f: {  	[tilespmem:$0x7680] =	vst v57;
	v59 =	vpop (erf)  }
0x280: {  	[tilespmem:$0xE070] =	vst v59  }
0x281: {  	v3 =	vld.idx.msk [tilespmem:v3+s5+$0x0], $0xffff  }
0x282: {  	v5 =	vld.idx.msk [tilespmem:v58+s11+$0x0], $0xffff;
	_ =	sdelay $0x4  }
0x283: {  	v3 =	vadd.f32 v5, v3;
	_ =	sdelay $0x1  }
0x284: {  	v5 =	vmul.f32 $2.000000030e-01, v3  }
0x285: {  	vm13 =	vge.f32 v3, $0.0e+00  }
0x286: {  	v3 =	vsel vm13, v3, v5  }
0x287: {  	v3 =	vmul.f32 $1.442695020e+00, v3;
	_ =	sdelay $0x1  }
0x288: {  	(erf) = vpow2.f32 v3;
	_ =	sdelay $0x2  }
0x289: {  	v3 =	vld [tilespmem:$0x7510]  }
0x28a: {  	v60 =	vld [tilespmem:$0x75B0];
	_ =	sdelay $0x4  }
0x28b: {  	[tilespmem:$0x7690] =	vst v58;
	v61 =	vpop (erf)  }
0x28c: {  	[tilespmem:$0xE080] =	vst v61  }
0x28d: {  	v3 =	vld.idx.msk [tilespmem:v3+s5+$0x0], $0xffff  }
0x28e: {  	v4 =	vld.idx.msk [tilespmem:v60+s11+$0x0], $0xffff;
	_ =	sdelay $0x4  }
0x28f: {  	v3 =	vadd.f32 v4, v3;
	_ =	sdelay $0x1  }
0x290: {  	v4 =	vmul.f32 $2.000000030e-01, v3  }
0x291: {  	vm14 =	vge.f32 v3, $0.0e+00  }
0x292: {  	v3 =	vsel vm14, v3, v4  }
0x293: {  	v3 =	vmul.f32 $1.442695020e+00, v3;
	_ =	sdelay $0x1  }
0x294: {  	(erf) = vpow2.f32 v3;
	_ =	sdelay $0x2  }
0x295: {  	v3 =	vld [tilespmem:$0x7520]  }
0x296: {  	v62 =	vld [tilespmem:$0x75C0];
	_ =	sdelay $0x4  }
0x297: {  	[tilespmem:$0x76A0] =	vst v60;
	v63 =	vpop (erf)  }
0x298: {  	[tilespmem:$0xE090] =	vst v63  }
0x299: {  	v3 =	vld.idx.msk [tilespmem:v3+s5+$0x0], $0xffff  }
0x29a: {  	v5 =	vld.idx.msk [tilespmem:v62+s11+$0x0], $0xffff;
	_ =	sdelay $0x4  }
0x29b: {  	v3 =	vadd.f32 v5, v3;
	_ =	sdelay $0x1  }
0x29c: {  	v5 =	vmul.f32 $2.000000030e-01, v3  }
0x29d: {  	vm15 =	vge.f32 v3, $0.0e+00  }
0x29e: {  	v3 =	vsel vm15, v3, v5  }
0x29f: {  	v3 =	vmul.f32 $1.442695020e+00, v3;
	_ =	sdelay $0x1  }
0x2a0: {  	(erf) = vpow2.f32 v3;
	_ =	sdelay $0x8  }
0x2a1: {  	s9 =	simm.s32 $0x3;
	s10 =	simm.s32 $0xD630;
	s18 =	rddreg [dreg:$0x5];
	[tilespmem:$0x76B0] =	vst v62;
	v3 =	vpop (erf)  }
0x2a2: {  	s16 =	simm.s32 $0x95D0;
	s17 =	simm.s32 $0xD;
	s30 =	rddreg [dreg:$0x6];
	[tilespmem:$0xE0A0] =	vst v3  }
.LBB2_15:
0x2a3: {  	v6 =	vmov s9  }
0x2a4: {  	s6 =	sadd.s32 $0xFFFFFFFD, s9;
	v7 =	vld [tilespmem:s16+$0xFFFFFF40]  }
0x2a5: {  	s15 =	sadd.s32 $0xFFFFFFFE, s9;
	v8 =	vld [tilespmem:s16+$0xFFFFFFA0];
	v3 =	vmov s6  }
0x2a6: {  	v10 =	vld [tilespmem:s16+$0x60];
	s6 =	sadd.s32 $0xFFFFFFFF, s9;
	v4 =	vmov s15;
	v3 =	vand.u32 $0xFFFFFFFC, v3  }
0x2a7: {  	v41 =	vld [tilespmem:s16+$0x70];
	v4 =	vand.u32 $0xFFFFFFFD, v4;
	v5 =	vmov s6;
	v3 =	vbroadcast v3, $0x0  }
0x2a8: {  	v4 =	vbroadcast v4, $0x0;
	v5 =	vand.u32 $0xFFFFFFFE, v5;
	v6 =	vld.idx.msk [tilespmem:v6+s26+$0x0], $0xffff  }
0x2a9: {  	v46 =	vld [tilespmem:s16+$0x80];
	v5 =	vbroadcast v5, $0x0  }
0x2aa: {  	v51 =	vld [tilespmem:s16+$0x90]  }
0x2ab: {  	v56 =	vld [tilespmem:s16+$0xA0]  }
0x2ac: {  	v61 =	vld [tilespmem:s16+$0xB0]  }
0x2ad: {  	v3 =	vld.idx.msk [tilespmem:v3+s26+$0x0], $0xffff;
	v37 =	vmul.f32 v10, v6  }
0x2ae: {  	v4 =	vld.idx.msk [tilespmem:v4+s26+$0x0], $0xffff;
	v42 =	vmul.f32 v41, v6  }
0x2af: {  	v5 =	vld.idx.msk [tilespmem:v5+s26+$0x0], $0xffff;
	v47 =	vmul.f32 v46, v6;
	[tilespmem:s16+$0x60] =	vst v37  }
0x2b0: {  	v9 =	vld [tilespmem:s16+$0x0];
	v52 =	vmul.f32 v51, v6;
	[tilespmem:s16+$0x70] =	vst v42  }
0x2b1: {  	v38 =	vld [tilespmem:s16+$0xFFFFFF50];
	v57 =	vmul.f32 v56, v6;
	[tilespmem:s16+$0x80] =	vst v47  }
0x2b2: {  	v39 =	vld [tilespmem:s16+$0xFFFFFFB0];
	v62 =	vmul.f32 v61, v6;
	[tilespmem:s16+$0x90] =	vst v52  }
0x2b3: {  	v40 =	vld [tilespmem:s16+$0x10];
	[tilespmem:s16+$0xA0] =	vst v57;
	v7 =	vmul.f32 v7, v3  }
0x2b4: {  	v43 =	vld [tilespmem:s16+$0xFFFFFF60];
	[tilespmem:s16+$0xB0] =	vst v62;
	v8 =	vmul.f32 v8, v4  }
0x2b5: {  	v44 =	vld [tilespmem:s16+$0xFFFFFFC0];
	v36 =	vmul.f32 v9, v5;
	[tilespmem:s16+$0xFFFFFF40] =	vst v7  }
0x2b6: {  	v45 =	vld [tilespmem:s16+$0x20];
	v9 =	vmul.f32 v38, v3;
	[tilespmem:s16+$0xFFFFFFA0] =	vst v8  }
0x2b7: {  	v48 =	vld [tilespmem:s16+$0xFFFFFF70];
	v7 =	vmul.f32 v39, v4;
	[tilespmem:s16+$0x0] =	vst v36  }
0x2b8: {  	v49 =	vld [tilespmem:s16+$0xFFFFFFD0];
	v8 =	vmul.f32 v40, v5;
	[tilespmem:s16+$0xFFFFFF50] =	vst v9  }
0x2b9: {  	v50 =	vld [tilespmem:s16+$0x30];
	v9 =	vmul.f32 v43, v3;
	[tilespmem:s16+$0xFFFFFFB0] =	vst v7  }
0x2ba: {  	v53 =	vld [tilespmem:s16+$0xFFFFFF80];
	[tilespmem:s16+$0x10] =	vst v8;
	v8 =	vmul.f32 v44, v4  }
0x2bb: {  	v54 =	vld [tilespmem:s16+$0xFFFFFFE0];
	v7 =	vmul.f32 v45, v5;
	[tilespmem:s16+$0xFFFFFF60] =	vst v9  }
0x2bc: {  	v55 =	vld [tilespmem:s16+$0x40];
	v9 =	vmul.f32 v48, v3;
	[tilespmem:s16+$0xFFFFFFC0] =	vst v8  }
0x2bd: {  	v58 =	vld [tilespmem:s16+$0xFFFFFF90];
	[tilespmem:s16+$0x20] =	vst v7;
	v7 =	vmul.f32 v49, v4  }
0x2be: {  	v59 =	vld [tilespmem:s16+$0xFFFFFFF0];
	v8 =	vmul.f32 v50, v5;
	[tilespmem:s16+$0xFFFFFF70] =	vst v9  }
0x2bf: {  	v60 =	vld [tilespmem:s16+$0x50];
	v9 =	vmul.f32 v53, v3;
	[tilespmem:s16+$0xFFFFFFD0] =	vst v7  }
0x2c0: {  	[tilespmem:s16+$0x30] =	vst v8;
	v8 =	vmul.f32 v54, v4  }
0x2c1: {  	v7 =	vmul.f32 v55, v5;
	[tilespmem:s16+$0xFFFFFF80] =	vst v9  }
0x2c2: {  	v9 =	vmul.f32 v58, v3;
	[tilespmem:s16+$0xFFFFFFE0] =	vst v8  }
0x2c3: {  	v3 =	vmul.f32 v1, v3;
	[tilespmem:s16+$0x40] =	vst v7;
	v7 =	vmul.f32 v59, v4  }
0x2c4: {  	v6 =	vmul.f32 v1, v6;
	v8 =	vmul.f32 v60, v5;
	[tilespmem:s16+$0xFFFFFF90] =	vst v9  }
0x2c5: {  	p0 =	sne.s32 s9, $0x4F;
	v4 =	vmul.f32 v1, v4;
	v3 =	vadd.f32 v2, v3;
	[tilespmem:s16+$0xFFFFFFF0] =	vst v7  }
.Ltmp7:
0x2c6: {  	v63 =	vadd.f32 v2, v6;
	v5 =	vmul.f32 v1, v5;
	[tilespmem:s16+$0x50] =	vst v8;
	(pc) =	sbr.rel @p0 .LBB2_15-.Ltmp7, $4  }
0x2c7: {  	v4 =	vadd.f32 v2, v4;
	[tilespmem:s10+$0xFFFFFFE0] =	vst v3  }
0x2c8: {  	v3 =	vadd.f32 v2, v5;
	[tilespmem:s10+$0x10] =	vst v63  }
0x2c9: {  	[tilespmem:s10+$0xFFFFFFF0] =	vst v4  }
0x2ca: {  	s9 =	sadd.s32 $0x4, s9;
	s16 =	sadd.s32 $0x180, s16;
	[tilespmem:s10+$0x0] =	vst v3;
	s10 =	sadd.s32 $0x40, s10  }
0x2cb: {  	s15 =	simm.s32 $0x9510  }
0x2cc: {  	[spmem:s3] =	stream.indirect.scatter.add.f32 [tilespmem:s15], [sflag:$0x9], $0x60, s29, s13, $0xb8;
	[tilespmem:$0x1F900] =	vst v63  }
0x2cd: {  	s6 =	simm.s32 $0xD610  }
0x2ce: {  	[spmem:s4] =	stream.indirect.scatter.add.f32 [tilespmem:s6], [sflag:$0xA], $0x10, s29, s13, $0xb8;
	[tilespmem:$0x1F900] =	vst v63  }
0x2cf: {  	_ =	swait.ge [sflag:s1], $0x1E00  }
0x2d0: {  	[sflag:s1] =	ssyncset.done $0x0  }
0x2d1: {  	[sflag:s1] =	ssyncadd.s32 $0xFFFFE200  }
0x2d2: {  	_ =	swait.ge [sflag:s19], $0x500  }
0x2d3: {  	[sflag:s19] =	ssyncset.done $0x0  }
0x2d4: {  	s9 =	stileid.u32;
	[sflag:s19] =	ssyncadd.s32 $0xFFFFFB00  }
0x2d5: {  	s6 =	sshll.u32 s9, $0x6;
	[bflag:$0x0] =	sbarrier.arrive $0xFFFF  }
0x2d6: {  	s9 =	sshrl.u32 s18, $0x3;
	s6 =	sor.u32 $0x1C0D, s6;
	s10 =	rddreg [dreg:$0x1a]  }
0x2d7: {  	[hbm:s10], [sflag:s6] =	dma.local [spmem:s9], $0x1E00  }
0x2d8: {  	_ =	swait.ge [sflag:s17], $0x1E00  }
0x2d9: {  	[sflag:s17] =	ssyncset.done $0x0  }
0x2da: {  	s10 =	sshrl.u32 s30, $0x3;
	s16 =	rddreg [dreg:$0x1b];
	[sflag:s17] =	ssyncadd.s32 $0xFFFFE200  }
0x2db: {  	[hbm:s16], [sflag:s6] =	dma.local [spmem:s10], $0x500  }
0x2dc: {  	_ =	swait.ge [sflag:s17], $0x500  }
0x2dd: {  	s10 =	rddreg [dreg:$0x1f]  }
0x2de: {  	s16 =	rddreg [dreg:$0x1c];
	s9 =	sadd.s32 $0x1, s10  }
0x2df: {  	p0 =	sne.s32 s9, s16  }
.Ltmp8:
0x2e0: {  	_ = 	snop;
	(pc) =	sbr.rel @p0 .LBB2_1-.Ltmp8, $3  }
0x2e1: {  	_ =	sdelay $0x1  }
0x2e2: {  	[sflag:s17] =	ssyncset.done $0x0  }
0x2e3: {  	[sflag:s17] =	ssyncadd.s32 $0xFFFFFB00  }
0x2e4: {  	_ =	sfence.sel $0x180000  }
0x2e5: {  	[bflag:$0x0] =	sbarrier.arrive $0xFFFF  }
0x2e6: {  	_ =	strace $0x90000047  }
0x2e7: {  	s0 =	stileid.u32;
	[bflag:$0x2] =	sbarrier.arrive $0xFFFF  }
0x2e8: {  	p0 =	sne.s32 s0, $0x0;
	s0 =	rddreg [dreg:$0x4]  }
0x2e9: {  	s0 =	sadd.s32 @!p0 $0x100000, s0  }
0x2ea: {  	[sflag:s0] =	ssyncadd.tile.s32 @!p0 $0x1;
	_ =	shalt  }
.Lfunc_end2:
_tile_overlayer_lowered:
.L_overlay_start_2:
0x2eb: {  	(tag) =	ssettag $0x2  }
0x2ec: {  	s0 =	rddreg [dreg:$0x0];
	s2 =	stileid.u32  }
0x2ed: {  	s1 =	rddreg [dreg:$0x1];
	p0 =	sne.s32 s2, $0x0  }
0x2ee: {  	s3 =	rddreg [dreg:$0x2];
	[bflag:$0x3] =	sbarrier.arrive $0xFFFF;
	s2 =	simm.s32 @!p0 $0x1C0D  }
0x2ef: {  	[timem:s3], [sflag:s2] =	dma.local @!p0 [hbm:s0], s1  }
0x2f0: {  	s0 =	simm.s32 @!p0 $0xD  }
0x2f1: {  	_ =	swait.ge @!p0 [sflag:s0], s1  }
0x2f2: {  	s1 =	ssub.s32 @!p0 $0x0, s1;
	[sflag:s0] =	ssyncset.done @!p0 $0x0  }
0x2f3: {  	[sflag:s0] =	ssyncadd.s32 @!p0 s1  }
0x2f4: {  	[bflag:$0x3] =	sbarrier.arrive $0xFFFF  }
0x2f5: {  	_ =	shalt  }

</sc_bundles>
